<compile_context>
chip_gen: v7x
topology: tpu7x:2x2x1
jax: 0.10.2.dev20260603
libtpu: 0.0.44.dev20260713+nightly
codegen_flags: <defaults>
</compile_context>

<pallas_src>
import functools

import jax
import jax.numpy as jnp
from jax import lax
from jax.experimental import pallas as pl
from jax.experimental.pallas import tpu as pltpu
from jax.experimental.pallas import tpu_sc as plsc

NEW_TOKEN_ID = 1000000
LANES = 16
SUB = 128
CHUNK = 512
NSUB = CHUNK // SUB


@functools.lru_cache(maxsize=None)
def _build_lookup(B, V, D):
    mesh = plsc.VectorSubcoreMesh(core_axis_name="c", subcore_axis_name="s")
    NC, NS = mesh.num_cores, mesh.num_subcores
    NW = NC * NS
    assert B % NW == 0
    b_per_w = B // NW
    assert b_per_w % CHUNK == 0
    G = b_per_w // CHUNK
    assert G % 2 == 0 and G >= 2
    GG = G // 2
    assert D == 4 * LANES

    S = 200
    BB = B // S
    assert BB % CHUNK == 0

    @functools.partial(
        pl.kernel,
        out_type=jax.ShapeDtypeStruct((S, BB, D), jnp.float32),
        mesh=mesh,
        compiler_params=pltpu.CompilerParams(use_tc_tiling_on_sc=False,
                                             needs_layout_passes=False),
        scratch_types=[
            pltpu.VMEM((CHUNK,), jnp.int32),
            pltpu.VMEM((CHUNK,), jnp.int32),
            pltpu.VMEM((CHUNK, D), jnp.float32),
            pltpu.VMEM((CHUNK,), jnp.int32),
            pltpu.VMEM((CHUNK,), jnp.int32),
            pltpu.VMEM((CHUNK, D), jnp.float32),
            pltpu.VMEM((D,), jnp.float32),
            pltpu.SemaphoreType.DMA,
            pltpu.SemaphoreType.DMA,
        ],
    )
    def lookup(tbl, ids, nw, out, idxr_a, idxs_a, rows_a, idxr_b, idxs_b,
               rows_b, nw_v, sem_a, sem_b):
        wid = lax.axis_index("s") * NC + lax.axis_index("c")
        wbase = wid * b_per_w
        pltpu.sync_copy(nw, nw_v)

        def fire(g, idxr, idxs, rows, sem):
            base = wbase + g * CHUNK
            pltpu.sync_copy(ids.at[base // BB, pl.ds(base % BB, CHUNK)], idxr)

            def p1(i, acc):
                v = idxr[pl.ds(i * LANES, LANES)]
                m = v == NEW_TOKEN_ID
                idxs[pl.ds(i * LANES, LANES)] = jnp.where(m, 0, v)
                return acc | jnp.any(m)

            acc = lax.fori_loop(0, CHUNK // LANES, p1, jnp.bool_(False))
            for j in range(NSUB):
                pltpu.async_copy(tbl.at[idxs.at[pl.ds(j * SUB, SUB)]],
                                 rows.at[pl.ds(j * SUB, SUB)], sem)
            return acc

        def finish(g, flag, idxr, idxs, rows, sem):
            for j in range(NSUB):
                pltpu.make_async_copy(tbl.at[idxs.at[pl.ds(j * SUB, SUB)]],
                                      rows.at[pl.ds(j * SUB, SUB)], sem).wait()

            @pl.when(flag)
            def _():
                def grp(i, carry):
                    v = idxr[pl.ds(i * LANES, LANES)]
                    m = v == NEW_TOKEN_ID

                    @pl.when(jnp.any(m))
                    def __():
                        ri = i * LANES + lax.iota(jnp.int32, LANES)
                        for c in range(D):
                            ci = jnp.full((LANES,), c, jnp.int32)
                            xv = plsc.load_gather(nw_v, [ci])
                            plsc.store_scatter(rows, [ri, ci], xv, mask=m)

                    return carry

                lax.fori_loop(0, CHUNK // LANES, grp, 0)

            base = wbase + g * CHUNK
            pltpu.sync_copy(rows, out.at[base // BB, pl.ds(base % BB, CHUNK)])

        f_a = fire(0, idxr_a, idxs_a, rows_a, sem_a)

        def body(i, f_a):
            g0 = 2 * i
            f_b = fire(g0 + 1, idxr_b, idxs_b, rows_b, sem_b)
            finish(g0, f_a, idxr_a, idxs_a, rows_a, sem_a)
            f_a2 = fire(g0 + 2, idxr_a, idxs_a, rows_a, sem_a)
            finish(g0 + 1, f_b, idxr_b, idxs_b, rows_b, sem_b)
            return f_a2

        f_a = lax.fori_loop(0, GG - 1, body, f_a)
        f_b = fire(G - 1, idxr_b, idxs_b, rows_b, sem_b)
        finish(G - 2, f_a, idxr_a, idxs_a, rows_a, sem_a)
        finish(G - 1, f_b, idxr_b, idxs_b, rows_b, sem_b)

    return lookup


def kernel(input_ids, base_weight, new_weight):
    batch, seq = input_ids.shape
    V, D = base_weight.shape
    ids = input_ids.T.astype(jnp.int32)
    nw = new_weight.reshape(-1)
    lookup = _build_lookup(batch * seq, V, D)
    out = lookup(base_weight, ids, nw)
    return out.swapaxes(0, 1)

# --- scband reference (transcript-rebuilt; emitter-appended) ---
"""Pipeline reference for scband-separated-embedding-25752623907396 (READ-ONLY COPY).

The authoritative reference and input builder live on the scoring server;
editing this copy changes nothing except your own understanding.
"""

import jax, jax.numpy as jnp
import numpy as np

NEW_TOKEN_ID = 1000000
VOCAB = 1000000
EMBED_DIM = 64
BATCH = 4096
SEQ = 200


def setup_inputs(seed: int = 0) -> dict:
    key = jax.random.key(seed)
    k1, k2, k3 = jax.random.split(key, 3)
    # indices in [0, VOCAB], where VOCAB == NEW_TOKEN_ID is the special compression token
    input_ids = jax.random.randint(k1, (BATCH, SEQ), 0, NEW_TOKEN_ID + 1)
    base_weight = jax.random.normal(k2, (VOCAB, EMBED_DIM), dtype=jnp.float32)
    new_weight = jax.random.normal(k3, (1, EMBED_DIM), dtype=jnp.float32) * 0.02
    return {"input_ids": input_ids, "base_weight": base_weight, "new_weight": new_weight}


def reference(input_ids, base_weight, new_weight):
    # safe_ids = input_ids.clone(); safe_ids[mask] = 0
    new_token_mask = input_ids == NEW_TOKEN_ID
    safe_ids = jnp.where(new_token_mask, 0, input_ids)
    # embeds = base_embedding(safe_ids)  -> gather
    embeds = jnp.take(base_weight, safe_ids, axis=0)
    # embeds[mask] = new_embedding.weight[0]
    embeds = jnp.where(new_token_mask[..., None], new_weight[0], embeds)
    return embeds

if __name__ == "__main__":
    import jax
    _d = setup_inputs()
    print(jax.jit(kernel)(*tuple(_d.values())))

</pallas_src>

<mosaic_0001>
#map = affine_map<(d0, d1) -> (0, 0)>
#map1 = affine_map<(d0, d1) -> (0)>
#map2 = affine_map<(d0, d1) -> (0, 0, 0)>
module attributes {stable_mosaic.version = 14 : i64} {
  func.func @lookup(%arg0: i32, %arg1: i32, %arg2: memref<1000000x64xf32, #tpu.memory_space<hbm>>, %arg3: memref<200x4096xi32, #tpu.memory_space<hbm>>, %arg4: memref<64xf32, #tpu.memory_space<hbm>>, %arg5: memref<200x4096x64xf32, #tpu.memory_space<hbm>>, %arg6: memref<512xi32, #tpu.memory_space<vmem>>, %arg7: memref<512xi32, #tpu.memory_space<vmem>>, %arg8: memref<512x64xf32, #tpu.memory_space<vmem>>, %arg9: memref<512xi32, #tpu.memory_space<vmem>>, %arg10: memref<512xi32, #tpu.memory_space<vmem>>, %arg11: memref<512x64xf32, #tpu.memory_space<vmem>>, %arg12: memref<64xf32, #tpu.memory_space<vmem>>, %arg13: memref<!tpu.dma_semaphore, #tpu.memory_space<semaphore_mem>>, %arg14: memref<!tpu.dma_semaphore, #tpu.memory_space<semaphore_mem>>) attributes {dimension_semantics = [#tpu.dimension_semantics<core_parallel>, #tpu.dimension_semantics<subcore_parallel>], iteration_bounds = array<i64: 2, 16>, scalar_prefetch = 0 : i64, scratch_operands = 9 : i64, tpu.core_type = #tpu.core_type<sc_vector_subcore>, window_params = [{transform_indices = #map}, {transform_indices = #map}, {transform_indices = #map1}, {transform_indices = #map2}]} {
    %mul3A = arith.constant 2 : i32
    %mul3A_0 = arith.muli %arg1, %mul3A : i32
    %add3A = arith.addi %mul3A_0, %arg0 : i32
    %mul3A_1 = arith.constant 25600 : i32
    %mul3A_2 = arith.muli %add3A, %mul3A_1 : i32
    "tpu.region"() ({
      %run_scoped3A = tpu.sem_alloc : memref<!tpu.dma_semaphore, #tpu.memory_space<semaphore_mem>>
      tpu.enqueue_dma source(%arg4 : memref<64xf32, #tpu.memory_space<hbm>>) target(%arg12 : memref<64xf32, #tpu.memory_space<vmem>>) target_semaphore(%run_scoped3A : memref<!tpu.dma_semaphore, #tpu.memory_space<semaphore_mem>>)
      tpu.wait_dma2 semaphore(%run_scoped3A : memref<!tpu.dma_semaphore, #tpu.memory_space<semaphore_mem>>) src(%arg4 : memref<64xf32, #tpu.memory_space<hbm>>) dst(%arg12 : memref<64xf32, #tpu.memory_space<vmem>>)
      tpu.yield
    }) : () -> ()
    %add3A_3 = arith.constant 0 : i32
    %add3A_4 = arith.addi %mul3A_2, %add3A_3 : i32
    %jit3A = arith.constant 4096 : i32
    %div3A = arith.divsi %add3A_4, %jit3A : i32
    %sign3A = arith.constant 0 : i32
    %sign3A_5 = arith.cmpi sgt, %add3A_4, %sign3A : i32
    %sign3A_6 = arith.extui %sign3A_5 : i1 to i32
    %sign3A_7 = arith.constant 0 : i32
    %sign3A_8 = arith.cmpi slt, %add3A_4, %sign3A_7 : i32
    %sign3A_9 = arith.extui %sign3A_8 : i1 to i32
    %sign3A_10 = arith.subi %sign3A_6, %sign3A_9 : i32
    %sign3A_11 = arith.constant 0 : i32
    %sign3A_12 = arith.cmpi sgt, %jit3A, %sign3A_11 : i32
    %sign3A_13 = arith.extui %sign3A_12 : i1 to i32
    %sign3A_14 = arith.constant 0 : i32
    %sign3A_15 = arith.cmpi slt, %jit3A, %sign3A_14 : i32
    %sign3A_16 = arith.extui %sign3A_15 : i1 to i32
    %sign3A_17 = arith.subi %sign3A_13, %sign3A_16 : i32
    %ne3A = arith.cmpi ne, %sign3A_10, %sign3A_17 : i32
    %rem3A = arith.remsi %add3A_4, %jit3A : i32
    %ne3A_18 = arith.constant 0 : i32
    %ne3A_19 = arith.cmpi ne, %rem3A, %ne3A_18 : i32
    %and3A = arith.andi %ne3A, %ne3A_19 : i1
    %sub3A = arith.constant 1 : i32
    %sub3A_20 = arith.subi %div3A, %sub3A : i32
    %select_n3A = arith.select %and3A, %sub3A_20, %div3A : i32
    %jit3A_21 = arith.constant 4096 : i32
    %eq3A = arith.constant 0 : i32
    %eq3A_22 = arith.cmpi eq, %jit3A_21, %eq3A : i32
    %jit3A_23 = arith.constant 1 : i32
    %select_n3A_24 = arith.select %eq3A_22, %jit3A_23, %jit3A_21 : i32
    %rem3A_25 = arith.remsi %add3A_4, %select_n3A_24 : i32
    %ne3A_26 = arith.constant 0 : i32
    %ne3A_27 = arith.cmpi ne, %rem3A_25, %ne3A_26 : i32
    %lt3A = arith.constant 0 : i32
    %lt3A_28 = arith.cmpi slt, %rem3A_25, %lt3A : i32
    %lt3A_29 = arith.constant 0 : i32
    %lt3A_30 = arith.cmpi slt, %select_n3A_24, %lt3A_29 : i32
    %ne3A_31 = arith.xori %lt3A_28, %lt3A_30 : i1
    %and3A_32 = arith.andi %ne3A_31, %ne3A_27 : i1
    %add3A_33 = arith.addi %rem3A_25, %select_n3A_24 : i32
    %select_n3A_34 = arith.select %and3A_32, %add3A_33, %rem3A_25 : i32
    "tpu.region"() ({
      %run_scoped3A = tpu.sem_alloc : memref<!tpu.dma_semaphore, #tpu.memory_space<semaphore_mem>>
      %dma_start3A_310 = tpu.memref_slice %arg3[%select_n3A, %select_n3A_34] : memref<200x4096xi32, #tpu.memory_space<hbm>> -> memref<1x512xi32, #tpu.memory_space<hbm>>
      %dma_start3A_311 = tpu.memref_squeeze %dma_start3A_310 : memref<1x512xi32, #tpu.memory_space<hbm>> -> memref<512xi32, #tpu.memory_space<hbm>>
      %dma_start3A_312 = tpu.memref_slice %arg3[%select_n3A, %select_n3A_34] : memref<200x4096xi32, #tpu.memory_space<hbm>> -> memref<1x512xi32, #tpu.memory_space<hbm>>
      %dma_start3A_313 = tpu.memref_squeeze %dma_start3A_312 : memref<1x512xi32, #tpu.memory_space<hbm>> -> memref<512xi32, #tpu.memory_space<hbm>>
      tpu.enqueue_dma source(%dma_start3A_313 : memref<512xi32, #tpu.memory_space<hbm>>) target(%arg6 : memref<512xi32, #tpu.memory_space<vmem>>) target_semaphore(%run_scoped3A : memref<!tpu.dma_semaphore, #tpu.memory_space<semaphore_mem>>)
      %dma_wait3A_314 = tpu.memref_slice %arg3[%select_n3A, %select_n3A_34] : memref<200x4096xi32, #tpu.memory_space<hbm>> -> memref<1x512xi32, #tpu.memory_space<hbm>>
      %dma_wait3A_315 = tpu.memref_squeeze %dma_wait3A_314 : memref<1x512xi32, #tpu.memory_space<hbm>> -> memref<512xi32, #tpu.memory_space<hbm>>
      %dma_wait3A_316 = tpu.memref_slice %arg3[%select_n3A, %select_n3A_34] : memref<200x4096xi32, #tpu.memory_space<hbm>> -> memref<1x512xi32, #tpu.memory_space<hbm>>
      %dma_wait3A_317 = tpu.memref_squeeze %dma_wait3A_316 : memref<1x512xi32, #tpu.memory_space<hbm>> -> memref<512xi32, #tpu.memory_space<hbm>>
      tpu.wait_dma2 semaphore(%run_scoped3A : memref<!tpu.dma_semaphore, #tpu.memory_space<semaphore_mem>>) src(%dma_wait3A_317 : memref<512xi32, #tpu.memory_space<hbm>>) dst(%arg6 : memref<512xi32, #tpu.memory_space<vmem>>)
      tpu.yield
    }) : () -> ()
    %scan3A = arith.constant false
    %scan3A_35 = arith.constant 0 : i32
    %scan3A_36 = arith.constant 32 : i32
    %scan3A_37 = arith.addi %scan3A_35, %scan3A_36 : i32
    %scan3A_38 = arith.constant 1 : i32
    %scan3A_39 = scf.for %scan3A_310 = %scan3A_35 to %scan3A_37 step %scan3A_38 iter_args(%scan3A_311 = %scan3A) -> (i1)  : i32 {
      %mul3A_312 = arith.constant 16 : i32
      %mul3A_313 = arith.muli %scan3A_310, %mul3A_312 : i32
      %get3A = arith.index_cast %mul3A_313 : i32 to index
      %get3A_314 = tpu.vector_load %arg6[%get3A] {strides = array<i32>} : memref<512xi32, #tpu.memory_space<vmem>>, vector<16xi32>,
      %eq3A_315 = arith.constant 1000000 : i32
      %eq3A_316 = vector.broadcast %eq3A_315 : i32 to vector<16xi32>
      %eq3A_317 = arith.cmpi eq, %get3A_314, %eq3A_316 : vector<16xi32>
      %jit3A_318 = arith.constant 0 : i32
      %broadcast_in_dim3A = vector.broadcast %jit3A_318 : i32 to vector<16xi32>
      %select_n3A_319 = arith.select %eq3A_317, %broadcast_in_dim3A, %get3A_314 : vector<16xi1>, vector<16xi32>
      %mul3A_320 = arith.constant 16 : i32
      %mul3A_321 = arith.muli %scan3A_310, %mul3A_320 : i32
      %swap3A = arith.index_cast %mul3A_321 : i32 to index
      %swap3A_322 = tpu.vector_load %arg7[%swap3A] {strides = array<i32>} : memref<512xi32, #tpu.memory_space<vmem>>, vector<16xi32>,
      tpu.vector_store %arg7[%swap3A], %select_n3A_319 {strides = array<i32>} : memref<512xi32, #tpu.memory_space<vmem>>, vector<16xi32>,
      %reduce_or3A = arith.constant 1.000000e+00 : f32
      %reduce_or3A_323 = arith.constant 0.000000e+00 : f32
      %reduce_or3A_324 = vector.broadcast %reduce_or3A : f32 to vector<16xf32>
      %reduce_or3A_325 = vector.broadcast %reduce_or3A_323 : f32 to vector<16xf32>
      %reduce_or3A_326 = arith.select %eq3A_317, %reduce_or3A_324, %reduce_or3A_325 : vector<16xi1>, vector<16xf32>
      %reduce_or3A_327 = arith.constant true
      %reduce_or3A_328 = vector.broadcast %reduce_or3A_327 : i1 to vector<16xi1>
      %reduce_or3A_329 = tpu.scan <max>, %reduce_or3A_326 masked %reduce_or3A_328 : vector<16xf32>, vector<16xi1> -> vector<16xf32>
      %reduce_or3A_330 = vector.extract %reduce_or3A_329[15] : f32 from vector<16xf32>
      %reduce_or3A_331 = arith.constant 0.000000e+00 : f32
      %reduce_or3A_332 = arith.cmpf ogt, %reduce_or3A_330, %reduce_or3A_331 : f32
      %or3A = arith.ori %scan3A_311, %reduce_or3A_332 : i1
      scf.yield %or3A : i1
    }
    %scan3A_40 = arith.constant 32 : i32
    %dma_start3A = arith.constant 0 : i32
    %dma_start3A_41 = arith.constant 0 : i32
    %dma_start3A_42 = tpu.memref_slice %arg8[%dma_start3A, %dma_start3A_41] : memref<512x64xf32, #tpu.memory_space<vmem>> -> memref<128x64xf32, #tpu.memory_space<vmem>>
    %dma_start3A_43 = arith.constant 0 : i32
    %dma_start3A_44 = tpu.memref_slice %arg7[%dma_start3A_43] : memref<512xi32, #tpu.memory_space<vmem>> -> memref<128xi32, #tpu.memory_space<vmem>>
    %dma_start3A_45 = arith.constant 0 : i32
    %dma_start3A_46 = arith.constant 0 : i32
    %dma_start3A_47 = tpu.memref_slice %arg2[%dma_start3A_45, %dma_start3A_46] : memref<1000000x64xf32, #tpu.memory_space<hbm>> -> memref<1000000x64xf32, #tpu.memory_space<hbm>>
    tpu.enqueue_indirect_dma source(%dma_start3A_47 : memref<1000000x64xf32, #tpu.memory_space<hbm>>) target(%dma_start3A_42 : memref<128x64xf32, #tpu.memory_space<vmem>>) offsets(%dma_start3A_44 : memref<128xi32, #tpu.memory_space<vmem>>) semaphore(%arg13 : memref<!tpu.dma_semaphore, #tpu.memory_space<semaphore_mem>>)
    %dma_start3A_48 = arith.constant 128 : i32
    %dma_start3A_49 = arith.constant 0 : i32
    %dma_start3A_50 = tpu.memref_slice %arg8[%dma_start3A_48, %dma_start3A_49] : memref<512x64xf32, #tpu.memory_space<vmem>> -> memref<128x64xf32, #tpu.memory_space<vmem>>
    %dma_start3A_51 = arith.constant 128 : i32
    %dma_start3A_52 = tpu.memref_slice %arg7[%dma_start3A_51] : memref<512xi32, #tpu.memory_space<vmem>> -> memref<128xi32, #tpu.memory_space<vmem>>
    %dma_start3A_53 = arith.constant 0 : i32
    %dma_start3A_54 = arith.constant 0 : i32
    %dma_start3A_55 = tpu.memref_slice %arg2[%dma_start3A_53, %dma_start3A_54] : memref<1000000x64xf32, #tpu.memory_space<hbm>> -> memref<1000000x64xf32, #tpu.memory_space<hbm>>
    tpu.enqueue_indirect_dma source(%dma_start3A_55 : memref<1000000x64xf32, #tpu.memory_space<hbm>>) target(%dma_start3A_50 : memref<128x64xf32, #tpu.memory_space<vmem>>) offsets(%dma_start3A_52 : memref<128xi32, #tpu.memory_space<vmem>>) semaphore(%arg13 : memref<!tpu.dma_semaphore, #tpu.memory_space<semaphore_mem>>)
    %dma_start3A_56 = arith.constant 256 : i32
    %dma_start3A_57 = arith.constant 0 : i32
    %dma_start3A_58 = tpu.memref_slice %arg8[%dma_start3A_56, %dma_start3A_57] : memref<512x64xf32, #tpu.memory_space<vmem>> -> memref<128x64xf32, #tpu.memory_space<vmem>>
    %dma_start3A_59 = arith.constant 256 : i32
    %dma_start3A_60 = tpu.memref_slice %arg7[%dma_start3A_59] : memref<512xi32, #tpu.memory_space<vmem>> -> memref<128xi32, #tpu.memory_space<vmem>>
    %dma_start3A_61 = arith.constant 0 : i32
    %dma_start3A_62 = arith.constant 0 : i32
    %dma_start3A_63 = tpu.memref_slice %arg2[%dma_start3A_61, %dma_start3A_62] : memref<1000000x64xf32, #tpu.memory_space<hbm>> -> memref<1000000x64xf32, #tpu.memory_space<hbm>>
    tpu.enqueue_indirect_dma source(%dma_start3A_63 : memref<1000000x64xf32, #tpu.memory_space<hbm>>) target(%dma_start3A_58 : memref<128x64xf32, #tpu.memory_space<vmem>>) offsets(%dma_start3A_60 : memref<128xi32, #tpu.memory_space<vmem>>) semaphore(%arg13 : memref<!tpu.dma_semaphore, #tpu.memory_space<semaphore_mem>>)
    %dma_start3A_64 = arith.constant 384 : i32
    %dma_start3A_65 = arith.constant 0 : i32
    %dma_start3A_66 = tpu.memref_slice %arg8[%dma_start3A_64, %dma_start3A_65] : memref<512x64xf32, #tpu.memory_space<vmem>> -> memref<128x64xf32, #tpu.memory_space<vmem>>
    %dma_start3A_67 = arith.constant 384 : i32
    %dma_start3A_68 = tpu.memref_slice %arg7[%dma_start3A_67] : memref<512xi32, #tpu.memory_space<vmem>> -> memref<128xi32, #tpu.memory_space<vmem>>
    %dma_start3A_69 = arith.constant 0 : i32
    %dma_start3A_70 = arith.constant 0 : i32
    %dma_start3A_71 = tpu.memref_slice %arg2[%dma_start3A_69, %dma_start3A_70] : memref<1000000x64xf32, #tpu.memory_space<hbm>> -> memref<1000000x64xf32, #tpu.memory_space<hbm>>
    tpu.enqueue_indirect_dma source(%dma_start3A_71 : memref<1000000x64xf32, #tpu.memory_space<hbm>>) target(%dma_start3A_66 : memref<128x64xf32, #tpu.memory_space<vmem>>) offsets(%dma_start3A_68 : memref<128xi32, #tpu.memory_space<vmem>>) semaphore(%arg13 : memref<!tpu.dma_semaphore, #tpu.memory_space<semaphore_mem>>)
    %scan3A_72 = arith.constant 0 : i32
    %scan3A_73 = arith.constant 24 : i32
    %scan3A_74 = arith.addi %scan3A_72, %scan3A_73 : i32
    %scan3A_75 = arith.constant 1 : i32
    %scan3A_76 = scf.for %scan3A_310 = %scan3A_72 to %scan3A_74 step %scan3A_75 iter_args(%scan3A_311 = %scan3A_39) -> (i1)  : i32 {
      %mul3A_312 = arith.constant 2 : i32
      %mul3A_313 = arith.muli %mul3A_312, %scan3A_310 : i32
      %add3A_314 = arith.constant 1 : i32
      %add3A_315 = arith.addi %mul3A_313, %add3A_314 : i32
      %mul3A_316 = arith.constant 512 : i32
      %mul3A_317 = arith.muli %add3A_315, %mul3A_316 : i32
      %add3A_318 = arith.addi %mul3A_2, %mul3A_317 : i32
      %jit3A_319 = arith.constant 4096 : i32
      %div3A_320 = arith.divsi %add3A_318, %jit3A_319 : i32
      %sign3A_321 = arith.constant 0 : i32
      %sign3A_322 = arith.cmpi sgt, %add3A_318, %sign3A_321 : i32
      %sign3A_323 = arith.extui %sign3A_322 : i1 to i32
      %sign3A_324 = arith.constant 0 : i32
      %sign3A_325 = arith.cmpi slt, %add3A_318, %sign3A_324 : i32
      %sign3A_326 = arith.extui %sign3A_325 : i1 to i32
      %sign3A_327 = arith.subi %sign3A_323, %sign3A_326 : i32
      %sign3A_328 = arith.constant 0 : i32
      %sign3A_329 = arith.cmpi sgt, %jit3A_319, %sign3A_328 : i32
      %sign3A_330 = arith.extui %sign3A_329 : i1 to i32
      %sign3A_331 = arith.constant 0 : i32
      %sign3A_332 = arith.cmpi slt, %jit3A_319, %sign3A_331 : i32
      %sign3A_333 = arith.extui %sign3A_332 : i1 to i32
      %sign3A_334 = arith.subi %sign3A_330, %sign3A_333 : i32
      %ne3A_335 = arith.cmpi ne, %sign3A_327, %sign3A_334 : i32
      %rem3A_336 = arith.remsi %add3A_318, %jit3A_319 : i32
      %ne3A_337 = arith.constant 0 : i32
      %ne3A_338 = arith.cmpi ne, %rem3A_336, %ne3A_337 : i32
      %and3A_339 = arith.andi %ne3A_335, %ne3A_338 : i1
      %sub3A_340 = arith.constant 1 : i32
      %sub3A_341 = arith.subi %div3A_320, %sub3A_340 : i32
      %select_n3A_342 = arith.select %and3A_339, %sub3A_341, %div3A_320 : i32
      %jit3A_343 = arith.constant 4096 : i32
      %eq3A_344 = arith.constant 0 : i32
      %eq3A_345 = arith.cmpi eq, %jit3A_343, %eq3A_344 : i32
      %jit3A_346 = arith.constant 1 : i32
      %select_n3A_347 = arith.select %eq3A_345, %jit3A_346, %jit3A_343 : i32
      %rem3A_348 = arith.remsi %add3A_318, %select_n3A_347 : i32
      %ne3A_349 = arith.constant 0 : i32
      %ne3A_350 = arith.cmpi ne, %rem3A_348, %ne3A_349 : i32
      %lt3A_351 = arith.constant 0 : i32
      %lt3A_352 = arith.cmpi slt, %rem3A_348, %lt3A_351 : i32
      %lt3A_353 = arith.constant 0 : i32
      %lt3A_354 = arith.cmpi slt, %select_n3A_347, %lt3A_353 : i32
      %ne3A_355 = arith.xori %lt3A_352, %lt3A_354 : i1
      %and3A_356 = arith.andi %ne3A_355, %ne3A_350 : i1
      %add3A_357 = arith.addi %rem3A_348, %select_n3A_347 : i32
      %select_n3A_358 = arith.select %and3A_356, %add3A_357, %rem3A_348 : i32
      "tpu.region"() ({
        %run_scoped3A = tpu.sem_alloc : memref<!tpu.dma_semaphore, #tpu.memory_space<semaphore_mem>>
        %dma_start3A_640 = tpu.memref_slice %arg3[%select_n3A_342, %select_n3A_358] : memref<200x4096xi32, #tpu.memory_space<hbm>> -> memref<1x512xi32, #tpu.memory_space<hbm>>
        %dma_start3A_641 = tpu.memref_squeeze %dma_start3A_640 : memref<1x512xi32, #tpu.memory_space<hbm>> -> memref<512xi32, #tpu.memory_space<hbm>>
        %dma_start3A_642 = tpu.memref_slice %arg3[%select_n3A_342, %select_n3A_358] : memref<200x4096xi32, #tpu.memory_space<hbm>> -> memref<1x512xi32, #tpu.memory_space<hbm>>
        %dma_start3A_643 = tpu.memref_squeeze %dma_start3A_642 : memref<1x512xi32, #tpu.memory_space<hbm>> -> memref<512xi32, #tpu.memory_space<hbm>>
        tpu.enqueue_dma source(%dma_start3A_643 : memref<512xi32, #tpu.memory_space<hbm>>) target(%arg9 : memref<512xi32, #tpu.memory_space<vmem>>) target_semaphore(%run_scoped3A : memref<!tpu.dma_semaphore, #tpu.memory_space<semaphore_mem>>)
        %dma_wait3A_644 = tpu.memref_slice %arg3[%select_n3A_342, %select_n3A_358] : memref<200x4096xi32, #tpu.memory_space<hbm>> -> memref<1x512xi32, #tpu.memory_space<hbm>>
        %dma_wait3A_645 = tpu.memref_squeeze %dma_wait3A_644 : memref<1x512xi32, #tpu.memory_space<hbm>> -> memref<512xi32, #tpu.memory_space<hbm>>
        %dma_wait3A_646 = tpu.memref_slice %arg3[%select_n3A_342, %select_n3A_358] : memref<200x4096xi32, #tpu.memory_space<hbm>> -> memref<1x512xi32, #tpu.memory_space<hbm>>
        %dma_wait3A_647 = tpu.memref_squeeze %dma_wait3A_646 : memref<1x512xi32, #tpu.memory_space<hbm>> -> memref<512xi32, #tpu.memory_space<hbm>>
        tpu.wait_dma2 semaphore(%run_scoped3A : memref<!tpu.dma_semaphore, #tpu.memory_space<semaphore_mem>>) src(%dma_wait3A_647 : memref<512xi32, #tpu.memory_space<hbm>>) dst(%arg9 : memref<512xi32, #tpu.memory_space<vmem>>)
        tpu.yield
      }) : () -> ()
      %scan3A_359 = arith.constant false
      %scan3A_360 = arith.constant 0 : i32
      %scan3A_361 = arith.constant 32 : i32
      %scan3A_362 = arith.addi %scan3A_360, %scan3A_361 : i32
      %scan3A_363 = arith.constant 1 : i32
      %scan3A_364 = scf.for %scan3A_640 = %scan3A_360 to %scan3A_362 step %scan3A_363 iter_args(%scan3A_641 = %scan3A_359) -> (i1)  : i32 {
        %mul3A_642 = arith.constant 16 : i32
        %mul3A_643 = arith.muli %scan3A_640, %mul3A_642 : i32
        %get3A = arith.index_cast %mul3A_643 : i32 to index
        %get3A_644 = tpu.vector_load %arg9[%get3A] {strides = array<i32>} : memref<512xi32, #tpu.memory_space<vmem>>, vector<16xi32>,
        %eq3A_645 = arith.constant 1000000 : i32
        %eq3A_646 = vector.broadcast %eq3A_645 : i32 to vector<16xi32>
        %eq3A_647 = arith.cmpi eq, %get3A_644, %eq3A_646 : vector<16xi32>
        %jit3A_648 = arith.constant 0 : i32
        %broadcast_in_dim3A = vector.broadcast %jit3A_648 : i32 to vector<16xi32>
        %select_n3A_649 = arith.select %eq3A_647, %broadcast_in_dim3A, %get3A_644 : vector<16xi1>, vector<16xi32>
        %mul3A_650 = arith.constant 16 : i32
        %mul3A_651 = arith.muli %scan3A_640, %mul3A_650 : i32
        %swap3A = arith.index_cast %mul3A_651 : i32 to index
        %swap3A_652 = tpu.vector_load %arg10[%swap3A] {strides = array<i32>} : memref<512xi32, #tpu.memory_space<vmem>>, vector<16xi32>,
        tpu.vector_store %arg10[%swap3A], %select_n3A_649 {strides = array<i32>} : memref<512xi32, #tpu.memory_space<vmem>>, vector<16xi32>,
        %reduce_or3A = arith.constant 1.000000e+00 : f32
        %reduce_or3A_653 = arith.constant 0.000000e+00 : f32
        %reduce_or3A_654 = vector.broadcast %reduce_or3A : f32 to vector<16xf32>
        %reduce_or3A_655 = vector.broadcast %reduce_or3A_653 : f32 to vector<16xf32>
        %reduce_or3A_656 = arith.select %eq3A_647, %reduce_or3A_654, %reduce_or3A_655 : vector<16xi1>, vector<16xf32>
        %reduce_or3A_657 = arith.constant true
        %reduce_or3A_658 = vector.broadcast %reduce_or3A_657 : i1 to vector<16xi1>
        %reduce_or3A_659 = tpu.scan <max>, %reduce_or3A_656 masked %reduce_or3A_658 : vector<16xf32>, vector<16xi1> -> vector<16xf32>
        %reduce_or3A_660 = vector.extract %reduce_or3A_659[15] : f32 from vector<16xf32>
        %reduce_or3A_661 = arith.constant 0.000000e+00 : f32
        %reduce_or3A_662 = arith.cmpf ogt, %reduce_or3A_660, %reduce_or3A_661 : f32
        %or3A = arith.ori %scan3A_641, %reduce_or3A_662 : i1
        scf.yield %or3A : i1
      }
      %scan3A_365 = arith.constant 32 : i32
      %dma_start3A_366 = arith.constant 0 : i32
      %dma_start3A_367 = arith.constant 0 : i32
      %dma_start3A_368 = tpu.memref_slice %arg11[%dma_start3A_366, %dma_start3A_367] : memref<512x64xf32, #tpu.memory_space<vmem>> -> memref<128x64xf32, #tpu.memory_space<vmem>>
      %dma_start3A_369 = arith.constant 0 : i32
      %dma_start3A_370 = tpu.memref_slice %arg10[%dma_start3A_369] : memref<512xi32, #tpu.memory_space<vmem>> -> memref<128xi32, #tpu.memory_space<vmem>>
      %dma_start3A_371 = arith.constant 0 : i32
      %dma_start3A_372 = arith.constant 0 : i32
      %dma_start3A_373 = tpu.memref_slice %arg2[%dma_start3A_371, %dma_start3A_372] : memref<1000000x64xf32, #tpu.memory_space<hbm>> -> memref<1000000x64xf32, #tpu.memory_space<hbm>>
      tpu.enqueue_indirect_dma source(%dma_start3A_373 : memref<1000000x64xf32, #tpu.memory_space<hbm>>) target(%dma_start3A_368 : memref<128x64xf32, #tpu.memory_space<vmem>>) offsets(%dma_start3A_370 : memref<128xi32, #tpu.memory_space<vmem>>) semaphore(%arg14 : memref<!tpu.dma_semaphore, #tpu.memory_space<semaphore_mem>>)
      %dma_start3A_374 = arith.constant 128 : i32
      %dma_start3A_375 = arith.constant 0 : i32
      %dma_start3A_376 = tpu.memref_slice %arg11[%dma_start3A_374, %dma_start3A_375] : memref<512x64xf32, #tpu.memory_space<vmem>> -> memref<128x64xf32, #tpu.memory_space<vmem>>
      %dma_start3A_377 = arith.constant 128 : i32
      %dma_start3A_378 = tpu.memref_slice %arg10[%dma_start3A_377] : memref<512xi32, #tpu.memory_space<vmem>> -> memref<128xi32, #tpu.memory_space<vmem>>
      %dma_start3A_379 = arith.constant 0 : i32
      %dma_start3A_380 = arith.constant 0 : i32
      %dma_start3A_381 = tpu.memref_slice %arg2[%dma_start3A_379, %dma_start3A_380] : memref<1000000x64xf32, #tpu.memory_space<hbm>> -> memref<1000000x64xf32, #tpu.memory_space<hbm>>
      tpu.enqueue_indirect_dma source(%dma_start3A_381 : memref<1000000x64xf32, #tpu.memory_space<hbm>>) target(%dma_start3A_376 : memref<128x64xf32, #tpu.memory_space<vmem>>) offsets(%dma_start3A_378 : memref<128xi32, #tpu.memory_space<vmem>>) semaphore(%arg14 : memref<!tpu.dma_semaphore, #tpu.memory_space<semaphore_mem>>)
      %dma_start3A_382 = arith.constant 256 : i32
      %dma_start3A_383 = arith.constant 0 : i32
      %dma_start3A_384 = tpu.memref_slice %arg11[%dma_start3A_382, %dma_start3A_383] : memref<512x64xf32, #tpu.memory_space<vmem>> -> memref<128x64xf32, #tpu.memory_space<vmem>>
      %dma_start3A_385 = arith.constant 256 : i32
      %dma_start3A_386 = tpu.memref_slice %arg10[%dma_start3A_385] : memref<512xi32, #tpu.memory_space<vmem>> -> memref<128xi32, #tpu.memory_space<vmem>>
      %dma_start3A_387 = arith.constant 0 : i32
      %dma_start3A_388 = arith.constant 0 : i32
      %dma_start3A_389 = tpu.memref_slice %arg2[%dma_start3A_387, %dma_start3A_388] : memref<1000000x64xf32, #tpu.memory_space<hbm>> -> memref<1000000x64xf32, #tpu.memory_space<hbm>>
      tpu.enqueue_indirect_dma source(%dma_start3A_389 : memref<1000000x64xf32, #tpu.memory_space<hbm>>) target(%dma_start3A_384 : memref<128x64xf32, #tpu.memory_space<vmem>>) offsets(%dma_start3A_386 : memref<128xi32, #tpu.memory_space<vmem>>) semaphore(%arg14 : memref<!tpu.dma_semaphore, #tpu.memory_space<semaphore_mem>>)
      %dma_start3A_390 = arith.constant 384 : i32
      %dma_start3A_391 = arith.constant 0 : i32
      %dma_start3A_392 = tpu.memref_slice %arg11[%dma_start3A_390, %dma_start3A_391] : memref<512x64xf32, #tpu.memory_space<vmem>> -> memref<128x64xf32, #tpu.memory_space<vmem>>
      %dma_start3A_393 = arith.constant 384 : i32
      %dma_start3A_394 = tpu.memref_slice %arg10[%dma_start3A_393] : memref<512xi32, #tpu.memory_space<vmem>> -> memref<128xi32, #tpu.memory_space<vmem>>
      %dma_start3A_395 = arith.constant 0 : i32
      %dma_start3A_396 = arith.constant 0 : i32
      %dma_start3A_397 = tpu.memref_slice %arg2[%dma_start3A_395, %dma_start3A_396] : memref<1000000x64xf32, #tpu.memory_space<hbm>> -> memref<1000000x64xf32, #tpu.memory_space<hbm>>
      tpu.enqueue_indirect_dma source(%dma_start3A_397 : memref<1000000x64xf32, #tpu.memory_space<hbm>>) target(%dma_start3A_392 : memref<128x64xf32, #tpu.memory_space<vmem>>) offsets(%dma_start3A_394 : memref<128xi32, #tpu.memory_space<vmem>>) semaphore(%arg14 : memref<!tpu.dma_semaphore, #tpu.memory_space<semaphore_mem>>)
      %dma_wait3A_398 = arith.constant 0 : i32
      %dma_wait3A_399 = arith.constant 0 : i32
      %dma_wait3A_400 = tpu.memref_slice %arg8[%dma_wait3A_398, %dma_wait3A_399] : memref<512x64xf32, #tpu.memory_space<vmem>> -> memref<128x64xf32, #tpu.memory_space<vmem>>
      %dma_wait3A_401 = arith.constant 0 : i32
      %dma_wait3A_402 = tpu.memref_slice %arg7[%dma_wait3A_401] : memref<512xi32, #tpu.memory_space<vmem>> -> memref<128xi32, #tpu.memory_space<vmem>>
      %dma_wait3A_403 = arith.constant 0 : i32
      %dma_wait3A_404 = arith.constant 0 : i32
      %dma_wait3A_405 = tpu.memref_slice %arg2[%dma_wait3A_403, %dma_wait3A_404] : memref<1000000x64xf32, #tpu.memory_space<hbm>> -> memref<1000000x64xf32, #tpu.memory_space<hbm>>
      tpu.wait_indirect_dma semaphore(%arg13 : memref<!tpu.dma_semaphore, #tpu.memory_space<semaphore_mem>>) src(%dma_wait3A_405 : memref<1000000x64xf32, #tpu.memory_space<hbm>>) dst(%dma_wait3A_400 : memref<128x64xf32, #tpu.memory_space<vmem>>)
      %dma_wait3A_406 = arith.constant 128 : i32
      %dma_wait3A_407 = arith.constant 0 : i32
      %dma_wait3A_408 = tpu.memref_slice %arg8[%dma_wait3A_406, %dma_wait3A_407] : memref<512x64xf32, #tpu.memory_space<vmem>> -> memref<128x64xf32, #tpu.memory_space<vmem>>
      %dma_wait3A_409 = arith.constant 128 : i32
      %dma_wait3A_410 = tpu.memref_slice %arg7[%dma_wait3A_409] : memref<512xi32, #tpu.memory_space<vmem>> -> memref<128xi32, #tpu.memory_space<vmem>>
      %dma_wait3A_411 = arith.constant 0 : i32
      %dma_wait3A_412 = arith.constant 0 : i32
      %dma_wait3A_413 = tpu.memref_slice %arg2[%dma_wait3A_411, %dma_wait3A_412] : memref<1000000x64xf32, #tpu.memory_space<hbm>> -> memref<1000000x64xf32, #tpu.memory_space<hbm>>
      tpu.wait_indirect_dma semaphore(%arg13 : memref<!tpu.dma_semaphore, #tpu.memory_space<semaphore_mem>>) src(%dma_wait3A_413 : memref<1000000x64xf32, #tpu.memory_space<hbm>>) dst(%dma_wait3A_408 : memref<128x64xf32, #tpu.memory_space<vmem>>)
      %dma_wait3A_414 = arith.constant 256 : i32
      %dma_wait3A_415 = arith.constant 0 : i32
      %dma_wait3A_416 = tpu.memref_slice %arg8[%dma_wait3A_414, %dma_wait3A_415] : memref<512x64xf32, #tpu.memory_space<vmem>> -> memref<128x64xf32, #tpu.memory_space<vmem>>
      %dma_wait3A_417 = arith.constant 256 : i32
      %dma_wait3A_418 = tpu.memref_slice %arg7[%dma_wait3A_417] : memref<512xi32, #tpu.memory_space<vmem>> -> memref<128xi32, #tpu.memory_space<vmem>>
      %dma_wait3A_419 = arith.constant 0 : i32
      %dma_wait3A_420 = arith.constant 0 : i32
      %dma_wait3A_421 = tpu.memref_slice %arg2[%dma_wait3A_419, %dma_wait3A_420] : memref<1000000x64xf32, #tpu.memory_space<hbm>> -> memref<1000000x64xf32, #tpu.memory_space<hbm>>
      tpu.wait_indirect_dma semaphore(%arg13 : memref<!tpu.dma_semaphore, #tpu.memory_space<semaphore_mem>>) src(%dma_wait3A_421 : memref<1000000x64xf32, #tpu.memory_space<hbm>>) dst(%dma_wait3A_416 : memref<128x64xf32, #tpu.memory_space<vmem>>)
      %dma_wait3A_422 = arith.constant 384 : i32
      %dma_wait3A_423 = arith.constant 0 : i32
      %dma_wait3A_424 = tpu.memref_slice %arg8[%dma_wait3A_422, %dma_wait3A_423] : memref<512x64xf32, #tpu.memory_space<vmem>> -> memref<128x64xf32, #tpu.memory_space<vmem>>
      %dma_wait3A_425 = arith.constant 384 : i32
      %dma_wait3A_426 = tpu.memref_slice %arg7[%dma_wait3A_425] : memref<512xi32, #tpu.memory_space<vmem>> -> memref<128xi32, #tpu.memory_space<vmem>>
      %dma_wait3A_427 = arith.constant 0 : i32
      %dma_wait3A_428 = arith.constant 0 : i32
      %dma_wait3A_429 = tpu.memref_slice %arg2[%dma_wait3A_427, %dma_wait3A_428] : memref<1000000x64xf32, #tpu.memory_space<hbm>> -> memref<1000000x64xf32, #tpu.memory_space<hbm>>
      tpu.wait_indirect_dma semaphore(%arg13 : memref<!tpu.dma_semaphore, #tpu.memory_space<semaphore_mem>>) src(%dma_wait3A_429 : memref<1000000x64xf32, #tpu.memory_space<hbm>>) dst(%dma_wait3A_424 : memref<128x64xf32, #tpu.memory_space<vmem>>)
      %convert_element_type3A_430 = arith.extui %scan3A_311 : i1 to i32
      %cond3A_431 = arith.constant 0 : i32
      %cond3A_432 = arith.cmpi ne, %convert_element_type3A_430, %cond3A_431 : i32
      scf.if %cond3A_432 {
        %scan3A_640 = arith.constant 0 : i32
        %scan3A_641 = arith.constant 0 : i32
        %scan3A_642 = arith.constant 32 : i32
        %scan3A_643 = arith.addi %scan3A_641, %scan3A_642 : i32
        %scan3A_644 = arith.constant 1 : i32
        scf.for %scan3A_646 = %scan3A_641 to %scan3A_643 step %scan3A_644  : i32 {
          %mul3A_647 = arith.constant 16 : i32
          %mul3A_648 = arith.muli %scan3A_646, %mul3A_647 : i32
          %get3A = arith.index_cast %mul3A_648 : i32 to index
          %get3A_649 = tpu.vector_load %arg6[%get3A] {strides = array<i32>} : memref<512xi32, #tpu.memory_space<vmem>>, vector<16xi32>,
          %eq3A_650 = arith.constant 1000000 : i32
          %eq3A_651 = vector.broadcast %eq3A_650 : i32 to vector<16xi32>
          %eq3A_652 = arith.cmpi eq, %get3A_649, %eq3A_651 : vector<16xi32>
          %reduce_or3A = arith.constant 1.000000e+00 : f32
          %reduce_or3A_653 = arith.constant 0.000000e+00 : f32
          %reduce_or3A_654 = vector.broadcast %reduce_or3A : f32 to vector<16xf32>
          %reduce_or3A_655 = vector.broadcast %reduce_or3A_653 : f32 to vector<16xf32>
          %reduce_or3A_656 = arith.select %eq3A_652, %reduce_or3A_654, %reduce_or3A_655 : vector<16xi1>, vector<16xf32>
          %reduce_or3A_657 = arith.constant true
          %reduce_or3A_658 = vector.broadcast %reduce_or3A_657 : i1 to vector<16xi1>
          %reduce_or3A_659 = tpu.scan <max>, %reduce_or3A_656 masked %reduce_or3A_658 : vector<16xf32>, vector<16xi1> -> vector<16xf32>
          %reduce_or3A_660 = vector.extract %reduce_or3A_659[15] : f32 from vector<16xf32>
          %reduce_or3A_661 = arith.constant 0.000000e+00 : f32
          %reduce_or3A_662 = arith.cmpf ogt, %reduce_or3A_660, %reduce_or3A_661 : f32
          %convert_element_type3A_663 = arith.extui %reduce_or3A_662 : i1 to i32
          %cond3A_664 = arith.constant 0 : i32
          %cond3A_665 = arith.cmpi ne, %convert_element_type3A_663, %cond3A_664 : i32
          scf.if %cond3A_665 {
            %mul3A_666 = arith.constant 16 : i32
            %mul3A_667 = arith.muli %scan3A_646, %mul3A_666 : i32
            %iota3A = tpu.iota {dimensions = array<i32: 0>} : vector<16xi32>
            %add3A_668 = vector.broadcast %mul3A_667 : i32 to vector<16xi32>
            %add3A_669 = arith.addi %add3A_668, %iota3A : vector<16xi32>
            %broadcast_in_dim3A = arith.constant 0 : i32
            %broadcast_in_dim3A_670 = vector.broadcast %broadcast_in_dim3A : i32 to vector<16xi32>
            %gather3A = tpu.vector_load_idx %arg12[%broadcast_in_dim3A_670] : memref<64xf32, #tpu.memory_space<vmem>>[vector<16xi32>], vector<16xf32>,
            tpu.vector_store_idx %arg8[%add3A_669, %broadcast_in_dim3A_670], %gather3A masked %eq3A_652 : memref<512x64xf32, #tpu.memory_space<vmem>>[vector<16xi32>, vector<16xi32>], vector<16xf32>, vector<16xi1>
            %broadcast_in_dim3A_671 = arith.constant 1 : i32
            %broadcast_in_dim3A_672 = vector.broadcast %broadcast_in_dim3A_671 : i32 to vector<16xi32>
            %gather3A_673 = tpu.vector_load_idx %arg12[%broadcast_in_dim3A_672] : memref<64xf32, #tpu.memory_space<vmem>>[vector<16xi32>], vector<16xf32>,
            tpu.vector_store_idx %arg8[%add3A_669, %broadcast_in_dim3A_672], %gather3A_673 masked %eq3A_652 : memref<512x64xf32, #tpu.memory_space<vmem>>[vector<16xi32>, vector<16xi32>], vector<16xf32>, vector<16xi1>
            %broadcast_in_dim3A_674 = arith.constant 2 : i32
            %broadcast_in_dim3A_675 = vector.broadcast %broadcast_in_dim3A_674 : i32 to vector<16xi32>
            %gather3A_676 = tpu.vector_load_idx %arg12[%broadcast_in_dim3A_675] : memref<64xf32, #tpu.memory_space<vmem>>[vector<16xi32>], vector<16xf32>,
            tpu.vector_store_idx %arg8[%add3A_669, %broadcast_in_dim3A_675], %gather3A_676 masked %eq3A_652 : memref<512x64xf32, #tpu.memory_space<vmem>>[vector<16xi32>, vector<16xi32>], vector<16xf32>, vector<16xi1>
            %broadcast_in_dim3A_677 = arith.constant 3 : i32
            %broadcast_in_dim3A_678 = vector.broadcast %broadcast_in_dim3A_677 : i32 to vector<16xi32>
            %gather3A_679 = tpu.vector_load_idx %arg12[%broadcast_in_dim3A_678] : memref<64xf32, #tpu.memory_space<vmem>>[vector<16xi32>], vector<16xf32>,
            tpu.vector_store_idx %arg8[%add3A_669, %broadcast_in_dim3A_678], %gather3A_679 masked %eq3A_652 : memref<512x64xf32, #tpu.memory_space<vmem>>[vector<16xi32>, vector<16xi32>], vector<16xf32>, vector<16xi1>
            %broadcast_in_dim3A_680 = arith.constant 4 : i32
            %broadcast_in_dim3A_681 = vector.broadcast %broadcast_in_dim3A_680 : i32 to vector<16xi32>
            %gather3A_682 = tpu.vector_load_idx %arg12[%broadcast_in_dim3A_681] : memref<64xf32, #tpu.memory_space<vmem>>[vector<16xi32>], vector<16xf32>,
            tpu.vector_store_idx %arg8[%add3A_669, %broadcast_in_dim3A_681], %gather3A_682 masked %eq3A_652 : memref<512x64xf32, #tpu.memory_space<vmem>>[vector<16xi32>, vector<16xi32>], vector<16xf32>, vector<16xi1>
            %broadcast_in_dim3A_683 = arith.constant 5 : i32
            %broadcast_in_dim3A_684 = vector.broadcast %broadcast_in_dim3A_683 : i32 to vector<16xi32>
            %gather3A_685 = tpu.vector_load_idx %arg12[%broadcast_in_dim3A_684] : memref<64xf32, #tpu.memory_space<vmem>>[vector<16xi32>], vector<16xf32>,
            tpu.vector_store_idx %arg8[%add3A_669, %broadcast_in_dim3A_684], %gather3A_685 masked %eq3A_652 : memref<512x64xf32, #tpu.memory_space<vmem>>[vector<16xi32>, vector<16xi32>], vector<16xf32>, vector<16xi1>
            %broadcast_in_dim3A_686 = arith.constant 6 : i32
            %broadcast_in_dim3A_687 = vector.broadcast %broadcast_in_dim3A_686 : i32 to vector<16xi32>
            %gather3A_688 = tpu.vector_load_idx %arg12[%broadcast_in_dim3A_687] : memref<64xf32, #tpu.memory_space<vmem>>[vector<16xi32>], vector<16xf32>,
            tpu.vector_store_idx %arg8[%add3A_669, %broadcast_in_dim3A_687], %gather3A_688 masked %eq3A_652 : memref<512x64xf32, #tpu.memory_space<vmem>>[vector<16xi32>, vector<16xi32>], vector<16xf32>, vector<16xi1>
            %broadcast_in_dim3A_689 = arith.constant 7 : i32
            %broadcast_in_dim3A_690 = vector.broadcast %broadcast_in_dim3A_689 : i32 to vector<16xi32>
            %gather3A_691 = tpu.vector_load_idx %arg12[%broadcast_in_dim3A_690] : memref<64xf32, #tpu.memory_space<vmem>>[vector<16xi32>], vector<16xf32>,
            tpu.vector_store_idx %arg8[%add3A_669, %broadcast_in_dim3A_690], %gather3A_691 masked %eq3A_652 : memref<512x64xf32, #tpu.memory_space<vmem>>[vector<16xi32>, vector<16xi32>], vector<16xf32>, vector<16xi1>
            %broadcast_in_dim3A_692 = arith.constant 8 : i32
            %broadcast_in_dim3A_693 = vector.broadcast %broadcast_in_dim3A_692 : i32 to vector<16xi32>
            %gather3A_694 = tpu.vector_load_idx %arg12[%broadcast_in_dim3A_693] : memref<64xf32, #tpu.memory_space<vmem>>[vector<16xi32>], vector<16xf32>,
            tpu.vector_store_idx %arg8[%add3A_669, %broadcast_in_dim3A_693], %gather3A_694 masked %eq3A_652 : memref<512x64xf32, #tpu.memory_space<vmem>>[vector<16xi32>, vector<16xi32>], vector<16xf32>, vector<16xi1>
            %broadcast_in_dim3A_695 = arith.constant 9 : i32
            %broadcast_in_dim3A_696 = vector.broadcast %broadcast_in_dim3A_695 : i32 to vector<16xi32>
            %gather3A_697 = tpu.vector_load_idx %arg12[%broadcast_in_dim3A_696] : memref<64xf32, #tpu.memory_space<vmem>>[vector<16xi32>], vector<16xf32>,
            tpu.vector_store_idx %arg8[%add3A_669, %broadcast_in_dim3A_696], %gather3A_697 masked %eq3A_652 : memref<512x64xf32, #tpu.memory_space<vmem>>[vector<16xi32>, vector<16xi32>], vector<16xf32>, vector<16xi1>
            %broadcast_in_dim3A_698 = arith.constant 10 : i32
            %broadcast_in_dim3A_699 = vector.broadcast %broadcast_in_dim3A_698 : i32 to vector<16xi32>
            %gather3A_700 = tpu.vector_load_idx %arg12[%broadcast_in_dim3A_699] : memref<64xf32, #tpu.memory_space<vmem>>[vector<16xi32>], vector<16xf32>,
            tpu.vector_store_idx %arg8[%add3A_669, %broadcast_in_dim3A_699], %gather3A_700 masked %eq3A_652 : memref<512x64xf32, #tpu.memory_space<vmem>>[vector<16xi32>, vector<16xi32>], vector<16xf32>, vector<16xi1>
            %broadcast_in_dim3A_701 = arith.constant 11 : i32
            %broadcast_in_dim3A_702 = vector.broadcast %broadcast_in_dim3A_701 : i32 to vector<16xi32>
            %gather3A_703 = tpu.vector_load_idx %arg12[%broadcast_in_dim3A_702] : memref<64xf32, #tpu.memory_space<vmem>>[vector<16xi32>], vector<16xf32>,
            tpu.vector_store_idx %arg8[%add3A_669, %broadcast_in_dim3A_702], %gather3A_703 masked %eq3A_652 : memref<512x64xf32, #tpu.memory_space<vmem>>[vector<16xi32>, vector<16xi32>], vector<16xf32>, vector<16xi1>
            %broadcast_in_dim3A_704 = arith.constant 12 : i32
            %broadcast_in_dim3A_705 = vector.broadcast %broadcast_in_dim3A_704 : i32 to vector<16xi32>
            %gather3A_706 = tpu.vector_load_idx %arg12[%broadcast_in_dim3A_705] : memref<64xf32, #tpu.memory_space<vmem>>[vector<16xi32>], vector<16xf32>,
            tpu.vector_store_idx %arg8[%add3A_669, %broadcast_in_dim3A_705], %gather3A_706 masked %eq3A_652 : memref<512x64xf32, #tpu.memory_space<vmem>>[vector<16xi32>, vector<16xi32>], vector<16xf32>, vector<16xi1>
            %broadcast_in_dim3A_707 = arith.constant 13 : i32
            %broadcast_in_dim3A_708 = vector.broadcast %broadcast_in_dim3A_707 : i32 to vector<16xi32>
            %gather3A_709 = tpu.vector_load_idx %arg12[%broadcast_in_dim3A_708] : memref<64xf32, #tpu.memory_space<vmem>>[vector<16xi32>], vector<16xf32>,
            tpu.vector_store_idx %arg8[%add3A_669, %broadcast_in_dim3A_708], %gather3A_709 masked %eq3A_652 : memref<512x64xf32, #tpu.memory_space<vmem>>[vector<16xi32>, vector<16xi32>], vector<16xf32>, vector<16xi1>
            %broadcast_in_dim3A_710 = arith.constant 14 : i32
            %broadcast_in_dim3A_711 = vector.broadcast %broadcast_in_dim3A_710 : i32 to vector<16xi32>
            %gather3A_712 = tpu.vector_load_idx %arg12[%broadcast_in_dim3A_711] : memref<64xf32, #tpu.memory_space<vmem>>[vector<16xi32>], vector<16xf32>,
            tpu.vector_store_idx %arg8[%add3A_669, %broadcast_in_dim3A_711], %gather3A_712 masked %eq3A_652 : memref<512x64xf32, #tpu.memory_space<vmem>>[vector<16xi32>, vector<16xi32>], vector<16xf32>, vector<16xi1>
            %broadcast_in_dim3A_713 = arith.constant 15 : i32
            %broadcast_in_dim3A_714 = vector.broadcast %broadcast_in_dim3A_713 : i32 to vector<16xi32>
            %gather3A_715 = tpu.vector_load_idx %arg12[%broadcast_in_dim3A_714] : memref<64xf32, #tpu.memory_space<vmem>>[vector<16xi32>], vector<16xf32>,
            tpu.vector_store_idx %arg8[%add3A_669, %broadcast_in_dim3A_714], %gather3A_715 masked %eq3A_652 : memref<512x64xf32, #tpu.memory_space<vmem>>[vector<16xi32>, vector<16xi32>], vector<16xf32>, vector<16xi1>
            %broadcast_in_dim3A_716 = arith.constant 16 : i32
            %broadcast_in_dim3A_717 = vector.broadcast %broadcast_in_dim3A_716 : i32 to vector<16xi32>
            %gather3A_718 = tpu.vector_load_idx %arg12[%broadcast_in_dim3A_717] : memref<64xf32, #tpu.memory_space<vmem>>[vector<16xi32>], vector<16xf32>,
            tpu.vector_store_idx %arg8[%add3A_669, %broadcast_in_dim3A_717], %gather3A_718 masked %eq3A_652 : memref<512x64xf32, #tpu.memory_space<vmem>>[vector<16xi32>, vector<16xi32>], vector<16xf32>, vector<16xi1>
            %broadcast_in_dim3A_719 = arith.constant 17 : i32
            %broadcast_in_dim3A_720 = vector.broadcast %broadcast_in_dim3A_719 : i32 to vector<16xi32>
            %gather3A_721 = tpu.vector_load_idx %arg12[%broadcast_in_dim3A_720] : memref<64xf32, #tpu.memory_space<vmem>>[vector<16xi32>], vector<16xf32>,
            tpu.vector_store_idx %arg8[%add3A_669, %broadcast_in_dim3A_720], %gather3A_721 masked %eq3A_652 : memref<512x64xf32, #tpu.memory_space<vmem>>[vector<16xi32>, vector<16xi32>], vector<16xf32>, vector<16xi1>
            %broadcast_in_dim3A_722 = arith.constant 18 : i32
            %broadcast_in_dim3A_723 = vector.broadcast %broadcast_in_dim3A_722 : i32 to vector<16xi32>
            %gather3A_724 = tpu.vector_load_idx %arg12[%broadcast_in_dim3A_723] : memref<64xf32, #tpu.memory_space<vmem>>[vector<16xi32>], vector<16xf32>,
            tpu.vector_store_idx %arg8[%add3A_669, %broadcast_in_dim3A_723], %gather3A_724 masked %eq3A_652 : memref<512x64xf32, #tpu.memory_space<vmem>>[vector<16xi32>, vector<16xi32>], vector<16xf32>, vector<16xi1>
            %broadcast_in_dim3A_725 = arith.constant 19 : i32
            %broadcast_in_dim3A_726 = vector.broadcast %broadcast_in_dim3A_725 : i32 to vector<16xi32>
            %gather3A_727 = tpu.vector_load_idx %arg12[%broadcast_in_dim3A_726] : memref<64xf32, #tpu.memory_space<vmem>>[vector<16xi32>], vector<16xf32>,
            tpu.vector_store_idx %arg8[%add3A_669, %broadcast_in_dim3A_726], %gather3A_727 masked %eq3A_652 : memref<512x64xf32, #tpu.memory_space<vmem>>[vector<16xi32>, vector<16xi32>], vector<16xf32>, vector<16xi1>
            %broadcast_in_dim3A_728 = arith.constant 20 : i32
            %broadcast_in_dim3A_729 = vector.broadcast %broadcast_in_dim3A_728 : i32 to vector<16xi32>
            %gather3A_730 = tpu.vector_load_idx %arg12[%broadcast_in_dim3A_729] : memref<64xf32, #tpu.memory_space<vmem>>[vector<16xi32>], vector<16xf32>,
            tpu.vector_store_idx %arg8[%add3A_669, %broadcast_in_dim3A_729], %gather3A_730 masked %eq3A_652 : memref<512x64xf32, #tpu.memory_space<vmem>>[vector<16xi32>, vector<16xi32>], vector<16xf32>, vector<16xi1>
            %broadcast_in_dim3A_731 = arith.constant 21 : i32
            %broadcast_in_dim3A_732 = vector.broadcast %broadcast_in_dim3A_731 : i32 to vector<16xi32>
            %gather3A_733 = tpu.vector_load_idx %arg12[%broadcast_in_dim3A_732] : memref<64xf32, #tpu.memory_space<vmem>>[vector<16xi32>], vector<16xf32>,
            tpu.vector_store_idx %arg8[%add3A_669, %broadcast_in_dim3A_732], %gather3A_733 masked %eq3A_652 : memref<512x64xf32, #tpu.memory_space<vmem>>[vector<16xi32>, vector<16xi32>], vector<16xf32>, vector<16xi1>
            %broadcast_in_dim3A_734 = arith.constant 22 : i32
            %broadcast_in_dim3A_735 = vector.broadcast %broadcast_in_dim3A_734 : i32 to vector<16xi32>
            %gather3A_736 = tpu.vector_load_idx %arg12[%broadcast_in_dim3A_735] : memref<64xf32, #tpu.memory_space<vmem>>[vector<16xi32>], vector<16xf32>,
            tpu.vector_store_idx %arg8[%add3A_669, %broadcast_in_dim3A_735], %gather3A_736 masked %eq3A_652 : memref<512x64xf32, #tpu.memory_space<vmem>>[vector<16xi32>, vector<16xi32>], vector<16xf32>, vector<16xi1>
            %broadcast_in_dim3A_737 = arith.constant 23 : i32
            %broadcast_in_dim3A_738 = vector.broadcast %broadcast_in_dim3A_737 : i32 to vector<16xi32>
            %gather3A_739 = tpu.vector_load_idx %arg12[%broadcast_in_dim3A_738] : memref<64xf32, #tpu.memory_space<vmem>>[vector<16xi32>], vector<16xf32>,
            tpu.vector_store_idx %arg8[%add3A_669, %broadcast_in_dim3A_738], %gather3A_739 masked %eq3A_652 : memref<512x64xf32, #tpu.memory_space<vmem>>[vector<16xi32>, vector<16xi32>], vector<16xf32>, vector<16xi1>
            %broadcast_in_dim3A_740 = arith.constant 24 : i32
            %broadcast_in_dim3A_741 = vector.broadcast %broadcast_in_dim3A_740 : i32 to vector<16xi32>
            %gather3A_742 = tpu.vector_load_idx %arg12[%broadcast_in_dim3A_741] : memref<64xf32, #tpu.memory_space<vmem>>[vector<16xi32>], vector<16xf32>,
            tpu.vector_store_idx %arg8[%add3A_669, %broadcast_in_dim3A_741], %gather3A_742 masked %eq3A_652 : memref<512x64xf32, #tpu.memory_space<vmem>>[vector<16xi32>, vector<16xi32>], vector<16xf32>, vector<16xi1>
            %broadcast_in_dim3A_743 = arith.constant 25 : i32
            %broadcast_in_dim3A_744 = vector.broadcast %broadcast_in_dim3A_743 : i32 to vector<16xi32>
            %gather3A_745 = tpu.vector_load_idx %arg12[%broadcast_in_dim3A_744] : memref<64xf32, #tpu.memory_space<vmem>>[vector<16xi32>], vector<16xf32>,
            tpu.vector_store_idx %arg8[%add3A_669, %broadcast_in_dim3A_744], %gather3A_745 masked %eq3A_652 : memref<512x64xf32, #tpu.memory_space<vmem>>[vector<16xi32>, vector<16xi32>], vector<16xf32>, vector<16xi1>
            %broadcast_in_dim3A_746 = arith.constant 26 : i32
            %broadcast_in_dim3A_747 = vector.broadcast %broadcast_in_dim3A_746 : i32 to vector<16xi32>
            %gather3A_748 = tpu.vector_load_idx %arg12[%broadcast_in_dim3A_747] : memref<64xf32, #tpu.memory_space<vmem>>[vector<16xi32>], vector<16xf32>,
            tpu.vector_store_idx %arg8[%add3A_669, %broadcast_in_dim3A_747], %gather3A_748 masked %eq3A_652 : memref<512x64xf32, #tpu.memory_space<vmem>>[vector<16xi32>, vector<16xi32>], vector<16xf32>, vector<16xi1>
            %broadcast_in_dim3A_749 = arith.constant 27 : i32
            %broadcast_in_dim3A_750 = vector.broadcast %broadcast_in_dim3A_749 : i32 to vector<16xi32>
            %gather3A_751 = tpu.vector_load_idx %arg12[%broadcast_in_dim3A_750] : memref<64xf32, #tpu.memory_space<vmem>>[vector<16xi32>], vector<16xf32>,
            tpu.vector_store_idx %arg8[%add3A_669, %broadcast_in_dim3A_750], %gather3A_751 masked %eq3A_652 : memref<512x64xf32, #tpu.memory_space<vmem>>[vector<16xi32>, vector<16xi32>], vector<16xf32>, vector<16xi1>
            %broadcast_in_dim3A_752 = arith.constant 28 : i32
            %broadcast_in_dim3A_753 = vector.broadcast %broadcast_in_dim3A_752 : i32 to vector<16xi32>
            %gather3A_754 = tpu.vector_load_idx %arg12[%broadcast_in_dim3A_753] : memref<64xf32, #tpu.memory_space<vmem>>[vector<16xi32>], vector<16xf32>,
            tpu.vector_store_idx %arg8[%add3A_669, %broadcast_in_dim3A_753], %gather3A_754 masked %eq3A_652 : memref<512x64xf32, #tpu.memory_space<vmem>>[vector<16xi32>, vector<16xi32>], vector<16xf32>, vector<16xi1>
            %broadcast_in_dim3A_755 = arith.constant 29 : i32
            %broadcast_in_dim3A_756 = vector.broadcast %broadcast_in_dim3A_755 : i32 to vector<16xi32>
            %gather3A_757 = tpu.vector_load_idx %arg12[%broadcast_in_dim3A_756] : memref<64xf32, #tpu.memory_space<vmem>>[vector<16xi32>], vector<16xf32>,
            tpu.vector_store_idx %arg8[%add3A_669, %broadcast_in_dim3A_756], %gather3A_757 masked %eq3A_652 : memref<512x64xf32, #tpu.memory_space<vmem>>[vector<16xi32>, vector<16xi32>], vector<16xf32>, vector<16xi1>
            %broadcast_in_dim3A_758 = arith.constant 30 : i32
            %broadcast_in_dim3A_759 = vector.broadcast %broadcast_in_dim3A_758 : i32 to vector<16xi32>
            %gather3A_760 = tpu.vector_load_idx %arg12[%broadcast_in_dim3A_759] : memref<64xf32, #tpu.memory_space<vmem>>[vector<16xi32>], vector<16xf32>,
            tpu.vector_store_idx %arg8[%add3A_669, %broadcast_in_dim3A_759], %gather3A_760 masked %eq3A_652 : memref<512x64xf32, #tpu.memory_space<vmem>>[vector<16xi32>, vector<16xi32>], vector<16xf32>, vector<16xi1>
            %broadcast_in_dim3A_761 = arith.constant 31 : i32
            %broadcast_in_dim3A_762 = vector.broadcast %broadcast_in_dim3A_761 : i32 to vector<16xi32>
            %gather3A_763 = tpu.vector_load_idx %arg12[%broadcast_in_dim3A_762] : memref<64xf32, #tpu.memory_space<vmem>>[vector<16xi32>], vector<16xf32>,
            tpu.vector_store_idx %arg8[%add3A_669, %broadcast_in_dim3A_762], %gather3A_763 masked %eq3A_652 : memref<512x64xf32, #tpu.memory_space<vmem>>[vector<16xi32>, vector<16xi32>], vector<16xf32>, vector<16xi1>
            %broadcast_in_dim3A_764 = arith.constant 32 : i32
            %broadcast_in_dim3A_765 = vector.broadcast %broadcast_in_dim3A_764 : i32 to vector<16xi32>
            %gather3A_766 = tpu.vector_load_idx %arg12[%broadcast_in_dim3A_765] : memref<64xf32, #tpu.memory_space<vmem>>[vector<16xi32>], vector<16xf32>,
            tpu.vector_store_idx %arg8[%add3A_669, %broadcast_in_dim3A_765], %gather3A_766 masked %eq3A_652 : memref<512x64xf32, #tpu.memory_space<vmem>>[vector<16xi32>, vector<16xi32>], vector<16xf32>, vector<16xi1>
            %broadcast_in_dim3A_767 = arith.constant 33 : i32
            %broadcast_in_dim3A_768 = vector.broadcast %broadcast_in_dim3A_767 : i32 to vector<16xi32>
            %gather3A_769 = tpu.vector_load_idx %arg12[%broadcast_in_dim3A_768] : memref<64xf32, #tpu.memory_space<vmem>>[vector<16xi32>], vector<16xf32>,
            tpu.vector_store_idx %arg8[%add3A_669, %broadcast_in_dim3A_768], %gather3A_769 masked %eq3A_652 : memref<512x64xf32, #tpu.memory_space<vmem>>[vector<16xi32>, vector<16xi32>], vector<16xf32>, vector<16xi1>
            %broadcast_in_dim3A_770 = arith.constant 34 : i32
            %broadcast_in_dim3A_771 = vector.broadcast %broadcast_in_dim3A_770 : i32 to vector<16xi32>
            %gather3A_772 = tpu.vector_load_idx %arg12[%broadcast_in_dim3A_771] : memref<64xf32, #tpu.memory_space<vmem>>[vector<16xi32>], vector<16xf32>,
            tpu.vector_store_idx %arg8[%add3A_669, %broadcast_in_dim3A_771], %gather3A_772 masked %eq3A_652 : memref<512x64xf32, #tpu.memory_space<vmem>>[vector<16xi32>, vector<16xi32>], vector<16xf32>, vector<16xi1>
            %broadcast_in_dim3A_773 = arith.constant 35 : i32
            %broadcast_in_dim3A_774 = vector.broadcast %broadcast_in_dim3A_773 : i32 to vector<16xi32>
            %gather3A_775 = tpu.vector_load_idx %arg12[%broadcast_in_dim3A_774] : memref<64xf32, #tpu.memory_space<vmem>>[vector<16xi32>], vector<16xf32>,
            tpu.vector_store_idx %arg8[%add3A_669, %broadcast_in_dim3A_774], %gather3A_775 masked %eq3A_652 : memref<512x64xf32, #tpu.memory_space<vmem>>[vector<16xi32>, vector<16xi32>], vector<16xf32>, vector<16xi1>
            %broadcast_in_dim3A_776 = arith.constant 36 : i32
            %broadcast_in_dim3A_777 = vector.broadcast %broadcast_in_dim3A_776 : i32 to vector<16xi32>
            %gather3A_778 = tpu.vector_load_idx %arg12[%broadcast_in_dim3A_777] : memref<64xf32, #tpu.memory_space<vmem>>[vector<16xi32>], vector<16xf32>,
            tpu.vector_store_idx %arg8[%add3A_669, %broadcast_in_dim3A_777], %gather3A_778 masked %eq3A_652 : memref<512x64xf32, #tpu.memory_space<vmem>>[vector<16xi32>, vector<16xi32>], vector<16xf32>, vector<16xi1>
            %broadcast_in_dim3A_779 = arith.constant 37 : i32
            %broadcast_in_dim3A_780 = vector.broadcast %broadcast_in_dim3A_779 : i32 to vector<16xi32>
            %gather3A_781 = tpu.vector_load_idx %arg12[%broadcast_in_dim3A_780] : memref<64xf32, #tpu.memory_space<vmem>>[vector<16xi32>], vector<16xf32>,
            tpu.vector_store_idx %arg8[%add3A_669, %broadcast_in_dim3A_780], %gather3A_781 masked %eq3A_652 : memref<512x64xf32, #tpu.memory_space<vmem>>[vector<16xi32>, vector<16xi32>], vector<16xf32>, vector<16xi1>
            %broadcast_in_dim3A_782 = arith.constant 38 : i32
            %broadcast_in_dim3A_783 = vector.broadcast %broadcast_in_dim3A_782 : i32 to vector<16xi32>
            %gather3A_784 = tpu.vector_load_idx %arg12[%broadcast_in_dim3A_783] : memref<64xf32, #tpu.memory_space<vmem>>[vector<16xi32>], vector<16xf32>,
            tpu.vector_store_idx %arg8[%add3A_669, %broadcast_in_dim3A_783], %gather3A_784 masked %eq3A_652 : memref<512x64xf32, #tpu.memory_space<vmem>>[vector<16xi32>, vector<16xi32>], vector<16xf32>, vector<16xi1>
            %broadcast_in_dim3A_785 = arith.constant 39 : i32
            %broadcast_in_dim3A_786 = vector.broadcast %broadcast_in_dim3A_785 : i32 to vector<16xi32>
            %gather3A_787 = tpu.vector_load_idx %arg12[%broadcast_in_dim3A_786] : memref<64xf32, #tpu.memory_space<vmem>>[vector<16xi32>], vector<16xf32>,
            tpu.vector_store_idx %arg8[%add3A_669, %broadcast_in_dim3A_786], %gather3A_787 masked %eq3A_652 : memref<512x64xf32, #tpu.memory_space<vmem>>[vector<16xi32>, vector<16xi32>], vector<16xf32>, vector<16xi1>
            %broadcast_in_dim3A_788 = arith.constant 40 : i32
            %broadcast_in_dim3A_789 = vector.broadcast %broadcast_in_dim3A_788 : i32 to vector<16xi32>
            %gather3A_790 = tpu.vector_load_idx %arg12[%broadcast_in_dim3A_789] : memref<64xf32, #tpu.memory_space<vmem>>[vector<16xi32>], vector<16xf32>,
            tpu.vector_store_idx %arg8[%add3A_669, %broadcast_in_dim3A_789], %gather3A_790 masked %eq3A_652 : memref<512x64xf32, #tpu.memory_space<vmem>>[vector<16xi32>, vector<16xi32>], vector<16xf32>, vector<16xi1>
            %broadcast_in_dim3A_791 = arith.constant 41 : i32
            %broadcast_in_dim3A_792 = vector.broadcast %broadcast_in_dim3A_791 : i32 to vector<16xi32>
            %gather3A_793 = tpu.vector_load_idx %arg12[%broadcast_in_dim3A_792] : memref<64xf32, #tpu.memory_space<vmem>>[vector<16xi32>], vector<16xf32>,
            tpu.vector_store_idx %arg8[%add3A_669, %broadcast_in_dim3A_792], %gather3A_793 masked %eq3A_652 : memref<512x64xf32, #tpu.memory_space<vmem>>[vector<16xi32>, vector<16xi32>], vector<16xf32>, vector<16xi1>
            %broadcast_in_dim3A_794 = arith.constant 42 : i32
            %broadcast_in_dim3A_795 = vector.broadcast %broadcast_in_dim3A_794 : i32 to vector<16xi32>
            %gather3A_796 = tpu.vector_load_idx %arg12[%broadcast_in_dim3A_795] : memref<64xf32, #tpu.memory_space<vmem>>[vector<16xi32>], vector<16xf32>,
            tpu.vector_store_idx %arg8[%add3A_669, %broadcast_in_dim3A_795], %gather3A_796 masked %eq3A_652 : memref<512x64xf32, #tpu.memory_space<vmem>>[vector<16xi32>, vector<16xi32>], vector<16xf32>, vector<16xi1>
            %broadcast_in_dim3A_797 = arith.constant 43 : i32
            %broadcast_in_dim3A_798 = vector.broadcast %broadcast_in_dim3A_797 : i32 to vector<16xi32>
            %gather3A_799 = tpu.vector_load_idx %arg12[%broadcast_in_dim3A_798] : memref<64xf32, #tpu.memory_space<vmem>>[vector<16xi32>], vector<16xf32>,
            tpu.vector_store_idx %arg8[%add3A_669, %broadcast_in_dim3A_798], %gather3A_799 masked %eq3A_652 : memref<512x64xf32, #tpu.memory_space<vmem>>[vector<16xi32>, vector<16xi32>], vector<16xf32>, vector<16xi1>
            %broadcast_in_dim3A_800 = arith.constant 44 : i32
            %broadcast_in_dim3A_801 = vector.broadcast %broadcast_in_dim3A_800 : i32 to vector<16xi32>
            %gather3A_802 = tpu.vector_load_idx %arg12[%broadcast_in_dim3A_801] : memref<64xf32, #tpu.memory_space<vmem>>[vector<16xi32>], vector<16xf32>,
            tpu.vector_store_idx %arg8[%add3A_669, %broadcast_in_dim3A_801], %gather3A_802 masked %eq3A_652 : memref<512x64xf32, #tpu.memory_space<vmem>>[vector<16xi32>, vector<16xi32>], vector<16xf32>, vector<16xi1>
            %broadcast_in_dim3A_803 = arith.constant 45 : i32
            %broadcast_in_dim3A_804 = vector.broadcast %broadcast_in_dim3A_803 : i32 to vector<16xi32>
            %gather3A_805 = tpu.vector_load_idx %arg12[%broadcast_in_dim3A_804] : memref<64xf32, #tpu.memory_space<vmem>>[vector<16xi32>], vector<16xf32>,
            tpu.vector_store_idx %arg8[%add3A_669, %broadcast_in_dim3A_804], %gather3A_805 masked %eq3A_652 : memref<512x64xf32, #tpu.memory_space<vmem>>[vector<16xi32>, vector<16xi32>], vector<16xf32>, vector<16xi1>
            %broadcast_in_dim3A_806 = arith.constant 46 : i32
            %broadcast_in_dim3A_807 = vector.broadcast %broadcast_in_dim3A_806 : i32 to vector<16xi32>
            %gather3A_808 = tpu.vector_load_idx %arg12[%broadcast_in_dim3A_807] : memref<64xf32, #tpu.memory_space<vmem>>[vector<16xi32>], vector<16xf32>,
            tpu.vector_store_idx %arg8[%add3A_669, %broadcast_in_dim3A_807], %gather3A_808 masked %eq3A_652 : memref<512x64xf32, #tpu.memory_space<vmem>>[vector<16xi32>, vector<16xi32>], vector<16xf32>, vector<16xi1>
            %broadcast_in_dim3A_809 = arith.constant 47 : i32
            %broadcast_in_dim3A_810 = vector.broadcast %broadcast_in_dim3A_809 : i32 to vector<16xi32>
            %gather3A_811 = tpu.vector_load_idx %arg12[%broadcast_in_dim3A_810] : memref<64xf32, #tpu.memory_space<vmem>>[vector<16xi32>], vector<16xf32>,
            tpu.vector_store_idx %arg8[%add3A_669, %broadcast_in_dim3A_810], %gather3A_811 masked %eq3A_652 : memref<512x64xf32, #tpu.memory_space<vmem>>[vector<16xi32>, vector<16xi32>], vector<16xf32>, vector<16xi1>
            %broadcast_in_dim3A_812 = arith.constant 48 : i32
            %broadcast_in_dim3A_813 = vector.broadcast %broadcast_in_dim3A_812 : i32 to vector<16xi32>
            %gather3A_814 = tpu.vector_load_idx %arg12[%broadcast_in_dim3A_813] : memref<64xf32, #tpu.memory_space<vmem>>[vector<16xi32>], vector<16xf32>,
            tpu.vector_store_idx %arg8[%add3A_669, %broadcast_in_dim3A_813], %gather3A_814 masked %eq3A_652 : memref<512x64xf32, #tpu.memory_space<vmem>>[vector<16xi32>, vector<16xi32>], vector<16xf32>, vector<16xi1>
            %broadcast_in_dim3A_815 = arith.constant 49 : i32
            %broadcast_in_dim3A_816 = vector.broadcast %broadcast_in_dim3A_815 : i32 to vector<16xi32>
            %gather3A_817 = tpu.vector_load_idx %arg12[%broadcast_in_dim3A_816] : memref<64xf32, #tpu.memory_space<vmem>>[vector<16xi32>], vector<16xf32>,
            tpu.vector_store_idx %arg8[%add3A_669, %broadcast_in_dim3A_816], %gather3A_817 masked %eq3A_652 : memref<512x64xf32, #tpu.memory_space<vmem>>[vector<16xi32>, vector<16xi32>], vector<16xf32>, vector<16xi1>
            %broadcast_in_dim3A_818 = arith.constant 50 : i32
            %broadcast_in_dim3A_819 = vector.broadcast %broadcast_in_dim3A_818 : i32 to vector<16xi32>
            %gather3A_820 = tpu.vector_load_idx %arg12[%broadcast_in_dim3A_819] : memref<64xf32, #tpu.memory_space<vmem>>[vector<16xi32>], vector<16xf32>,
            tpu.vector_store_idx %arg8[%add3A_669, %broadcast_in_dim3A_819], %gather3A_820 masked %eq3A_652 : memref<512x64xf32, #tpu.memory_space<vmem>>[vector<16xi32>, vector<16xi32>], vector<16xf32>, vector<16xi1>
            %broadcast_in_dim3A_821 = arith.constant 51 : i32
            %broadcast_in_dim3A_822 = vector.broadcast %broadcast_in_dim3A_821 : i32 to vector<16xi32>
            %gather3A_823 = tpu.vector_load_idx %arg12[%broadcast_in_dim3A_822] : memref<64xf32, #tpu.memory_space<vmem>>[vector<16xi32>], vector<16xf32>,
            tpu.vector_store_idx %arg8[%add3A_669, %broadcast_in_dim3A_822], %gather3A_823 masked %eq3A_652 : memref<512x64xf32, #tpu.memory_space<vmem>>[vector<16xi32>, vector<16xi32>], vector<16xf32>, vector<16xi1>
            %broadcast_in_dim3A_824 = arith.constant 52 : i32
            %broadcast_in_dim3A_825 = vector.broadcast %broadcast_in_dim3A_824 : i32 to vector<16xi32>
            %gather3A_826 = tpu.vector_load_idx %arg12[%broadcast_in_dim3A_825] : memref<64xf32, #tpu.memory_space<vmem>>[vector<16xi32>], vector<16xf32>,
            tpu.vector_store_idx %arg8[%add3A_669, %broadcast_in_dim3A_825], %gather3A_826 masked %eq3A_652 : memref<512x64xf32, #tpu.memory_space<vmem>>[vector<16xi32>, vector<16xi32>], vector<16xf32>, vector<16xi1>
            %broadcast_in_dim3A_827 = arith.constant 53 : i32
            %broadcast_in_dim3A_828 = vector.broadcast %broadcast_in_dim3A_827 : i32 to vector<16xi32>
            %gather3A_829 = tpu.vector_load_idx %arg12[%broadcast_in_dim3A_828] : memref<64xf32, #tpu.memory_space<vmem>>[vector<16xi32>], vector<16xf32>,
            tpu.vector_store_idx %arg8[%add3A_669, %broadcast_in_dim3A_828], %gather3A_829 masked %eq3A_652 : memref<512x64xf32, #tpu.memory_space<vmem>>[vector<16xi32>, vector<16xi32>], vector<16xf32>, vector<16xi1>
            %broadcast_in_dim3A_830 = arith.constant 54 : i32
            %broadcast_in_dim3A_831 = vector.broadcast %broadcast_in_dim3A_830 : i32 to vector<16xi32>
            %gather3A_832 = tpu.vector_load_idx %arg12[%broadcast_in_dim3A_831] : memref<64xf32, #tpu.memory_space<vmem>>[vector<16xi32>], vector<16xf32>,
            tpu.vector_store_idx %arg8[%add3A_669, %broadcast_in_dim3A_831], %gather3A_832 masked %eq3A_652 : memref<512x64xf32, #tpu.memory_space<vmem>>[vector<16xi32>, vector<16xi32>], vector<16xf32>, vector<16xi1>
            %broadcast_in_dim3A_833 = arith.constant 55 : i32
            %broadcast_in_dim3A_834 = vector.broadcast %broadcast_in_dim3A_833 : i32 to vector<16xi32>
            %gather3A_835 = tpu.vector_load_idx %arg12[%broadcast_in_dim3A_834] : memref<64xf32, #tpu.memory_space<vmem>>[vector<16xi32>], vector<16xf32>,
            tpu.vector_store_idx %arg8[%add3A_669, %broadcast_in_dim3A_834], %gather3A_835 masked %eq3A_652 : memref<512x64xf32, #tpu.memory_space<vmem>>[vector<16xi32>, vector<16xi32>], vector<16xf32>, vector<16xi1>
            %broadcast_in_dim3A_836 = arith.constant 56 : i32
            %broadcast_in_dim3A_837 = vector.broadcast %broadcast_in_dim3A_836 : i32 to vector<16xi32>
            %gather3A_838 = tpu.vector_load_idx %arg12[%broadcast_in_dim3A_837] : memref<64xf32, #tpu.memory_space<vmem>>[vector<16xi32>], vector<16xf32>,
            tpu.vector_store_idx %arg8[%add3A_669, %broadcast_in_dim3A_837], %gather3A_838 masked %eq3A_652 : memref<512x64xf32, #tpu.memory_space<vmem>>[vector<16xi32>, vector<16xi32>], vector<16xf32>, vector<16xi1>
            %broadcast_in_dim3A_839 = arith.constant 57 : i32
            %broadcast_in_dim3A_840 = vector.broadcast %broadcast_in_dim3A_839 : i32 to vector<16xi32>
            %gather3A_841 = tpu.vector_load_idx %arg12[%broadcast_in_dim3A_840] : memref<64xf32, #tpu.memory_space<vmem>>[vector<16xi32>], vector<16xf32>,
            tpu.vector_store_idx %arg8[%add3A_669, %broadcast_in_dim3A_840], %gather3A_841 masked %eq3A_652 : memref<512x64xf32, #tpu.memory_space<vmem>>[vector<16xi32>, vector<16xi32>], vector<16xf32>, vector<16xi1>
            %broadcast_in_dim3A_842 = arith.constant 58 : i32
            %broadcast_in_dim3A_843 = vector.broadcast %broadcast_in_dim3A_842 : i32 to vector<16xi32>
            %gather3A_844 = tpu.vector_load_idx %arg12[%broadcast_in_dim3A_843] : memref<64xf32, #tpu.memory_space<vmem>>[vector<16xi32>], vector<16xf32>,
            tpu.vector_store_idx %arg8[%add3A_669, %broadcast_in_dim3A_843], %gather3A_844 masked %eq3A_652 : memref<512x64xf32, #tpu.memory_space<vmem>>[vector<16xi32>, vector<16xi32>], vector<16xf32>, vector<16xi1>
            %broadcast_in_dim3A_845 = arith.constant 59 : i32
            %broadcast_in_dim3A_846 = vector.broadcast %broadcast_in_dim3A_845 : i32 to vector<16xi32>
            %gather3A_847 = tpu.vector_load_idx %arg12[%broadcast_in_dim3A_846] : memref<64xf32, #tpu.memory_space<vmem>>[vector<16xi32>], vector<16xf32>,
            tpu.vector_store_idx %arg8[%add3A_669, %broadcast_in_dim3A_846], %gather3A_847 masked %eq3A_652 : memref<512x64xf32, #tpu.memory_space<vmem>>[vector<16xi32>, vector<16xi32>], vector<16xf32>, vector<16xi1>
            %broadcast_in_dim3A_848 = arith.constant 60 : i32
            %broadcast_in_dim3A_849 = vector.broadcast %broadcast_in_dim3A_848 : i32 to vector<16xi32>
            %gather3A_850 = tpu.vector_load_idx %arg12[%broadcast_in_dim3A_849] : memref<64xf32, #tpu.memory_space<vmem>>[vector<16xi32>], vector<16xf32>,
            tpu.vector_store_idx %arg8[%add3A_669, %broadcast_in_dim3A_849], %gather3A_850 masked %eq3A_652 : memref<512x64xf32, #tpu.memory_space<vmem>>[vector<16xi32>, vector<16xi32>], vector<16xf32>, vector<16xi1>
            %broadcast_in_dim3A_851 = arith.constant 61 : i32
            %broadcast_in_dim3A_852 = vector.broadcast %broadcast_in_dim3A_851 : i32 to vector<16xi32>
            %gather3A_853 = tpu.vector_load_idx %arg12[%broadcast_in_dim3A_852] : memref<64xf32, #tpu.memory_space<vmem>>[vector<16xi32>], vector<16xf32>,
            tpu.vector_store_idx %arg8[%add3A_669, %broadcast_in_dim3A_852], %gather3A_853 masked %eq3A_652 : memref<512x64xf32, #tpu.memory_space<vmem>>[vector<16xi32>, vector<16xi32>], vector<16xf32>, vector<16xi1>
            %broadcast_in_dim3A_854 = arith.constant 62 : i32
            %broadcast_in_dim3A_855 = vector.broadcast %broadcast_in_dim3A_854 : i32 to vector<16xi32>
            %gather3A_856 = tpu.vector_load_idx %arg12[%broadcast_in_dim3A_855] : memref<64xf32, #tpu.memory_space<vmem>>[vector<16xi32>], vector<16xf32>,
            tpu.vector_store_idx %arg8[%add3A_669, %broadcast_in_dim3A_855], %gather3A_856 masked %eq3A_652 : memref<512x64xf32, #tpu.memory_space<vmem>>[vector<16xi32>, vector<16xi32>], vector<16xf32>, vector<16xi1>
            %broadcast_in_dim3A_857 = arith.constant 63 : i32
            %broadcast_in_dim3A_858 = vector.broadcast %broadcast_in_dim3A_857 : i32 to vector<16xi32>
            %gather3A_859 = tpu.vector_load_idx %arg12[%broadcast_in_dim3A_858] : memref<64xf32, #tpu.memory_space<vmem>>[vector<16xi32>], vector<16xf32>,
            tpu.vector_store_idx %arg8[%add3A_669, %broadcast_in_dim3A_858], %gather3A_859 masked %eq3A_652 : memref<512x64xf32, #tpu.memory_space<vmem>>[vector<16xi32>, vector<16xi32>], vector<16xf32>, vector<16xi1>
          } else {
          }
        }
        %scan3A_645 = arith.constant 32 : i32
      } else {
      }
      %mul3A_433 = arith.constant 512 : i32
      %mul3A_434 = arith.muli %mul3A_313, %mul3A_433 : i32
      %add3A_435 = arith.addi %mul3A_2, %mul3A_434 : i32
      %jit3A_436 = arith.constant 4096 : i32
      %div3A_437 = arith.divsi %add3A_435, %jit3A_436 : i32
      %sign3A_438 = arith.constant 0 : i32
      %sign3A_439 = arith.cmpi sgt, %add3A_435, %sign3A_438 : i32
      %sign3A_440 = arith.extui %sign3A_439 : i1 to i32
      %sign3A_441 = arith.constant 0 : i32
      %sign3A_442 = arith.cmpi slt, %add3A_435, %sign3A_441 : i32
      %sign3A_443 = arith.extui %sign3A_442 : i1 to i32
      %sign3A_444 = arith.subi %sign3A_440, %sign3A_443 : i32
      %sign3A_445 = arith.constant 0 : i32
      %sign3A_446 = arith.cmpi sgt, %jit3A_436, %sign3A_445 : i32
      %sign3A_447 = arith.extui %sign3A_446 : i1 to i32
      %sign3A_448 = arith.constant 0 : i32
      %sign3A_449 = arith.cmpi slt, %jit3A_436, %sign3A_448 : i32
      %sign3A_450 = arith.extui %sign3A_449 : i1 to i32
      %sign3A_451 = arith.subi %sign3A_447, %sign3A_450 : i32
      %ne3A_452 = arith.cmpi ne, %sign3A_444, %sign3A_451 : i32
      %rem3A_453 = arith.remsi %add3A_435, %jit3A_436 : i32
      %ne3A_454 = arith.constant 0 : i32
      %ne3A_455 = arith.cmpi ne, %rem3A_453, %ne3A_454 : i32
      %and3A_456 = arith.andi %ne3A_452, %ne3A_455 : i1
      %sub3A_457 = arith.constant 1 : i32
      %sub3A_458 = arith.subi %div3A_437, %sub3A_457 : i32
      %select_n3A_459 = arith.select %and3A_456, %sub3A_458, %div3A_437 : i32
      %jit3A_460 = arith.constant 4096 : i32
      %eq3A_461 = arith.constant 0 : i32
      %eq3A_462 = arith.cmpi eq, %jit3A_460, %eq3A_461 : i32
      %jit3A_463 = arith.constant 1 : i32
      %select_n3A_464 = arith.select %eq3A_462, %jit3A_463, %jit3A_460 : i32
      %rem3A_465 = arith.remsi %add3A_435, %select_n3A_464 : i32
      %ne3A_466 = arith.constant 0 : i32
      %ne3A_467 = arith.cmpi ne, %rem3A_465, %ne3A_466 : i32
      %lt3A_468 = arith.constant 0 : i32
      %lt3A_469 = arith.cmpi slt, %rem3A_465, %lt3A_468 : i32
      %lt3A_470 = arith.constant 0 : i32
      %lt3A_471 = arith.cmpi slt, %select_n3A_464, %lt3A_470 : i32
      %ne3A_472 = arith.xori %lt3A_469, %lt3A_471 : i1
      %and3A_473 = arith.andi %ne3A_472, %ne3A_467 : i1
      %add3A_474 = arith.addi %rem3A_465, %select_n3A_464 : i32
      %select_n3A_475 = arith.select %and3A_473, %add3A_474, %rem3A_465 : i32
      "tpu.region"() ({
        %run_scoped3A = tpu.sem_alloc : memref<!tpu.dma_semaphore, #tpu.memory_space<semaphore_mem>>
        %dma_start3A_640 = arith.constant 0 : i32
        %dma_start3A_641 = tpu.memref_slice %arg5[%select_n3A_459, %select_n3A_475, %dma_start3A_640] : memref<200x4096x64xf32, #tpu.memory_space<hbm>> -> memref<1x512x64xf32, #tpu.memory_space<hbm>>
        %dma_start3A_642 = tpu.memref_squeeze %dma_start3A_641 : memref<1x512x64xf32, #tpu.memory_space<hbm>> -> memref<512x64xf32, #tpu.memory_space<hbm>>
        %dma_start3A_643 = arith.constant 0 : i32
        %dma_start3A_644 = tpu.memref_slice %arg5[%select_n3A_459, %select_n3A_475, %dma_start3A_643] : memref<200x4096x64xf32, #tpu.memory_space<hbm>> -> memref<1x512x64xf32, #tpu.memory_space<hbm>>
        %dma_start3A_645 = tpu.memref_squeeze %dma_start3A_644 : memref<1x512x64xf32, #tpu.memory_space<hbm>> -> memref<512x64xf32, #tpu.memory_space<hbm>>
        tpu.enqueue_dma source(%arg8 : memref<512x64xf32, #tpu.memory_space<vmem>>) target(%dma_start3A_645 : memref<512x64xf32, #tpu.memory_space<hbm>>) target_semaphore(%run_scoped3A : memref<!tpu.dma_semaphore, #tpu.memory_space<semaphore_mem>>)
        %dma_wait3A_646 = arith.constant 0 : i32
        %dma_wait3A_647 = tpu.memref_slice %arg5[%select_n3A_459, %select_n3A_475, %dma_wait3A_646] : memref<200x4096x64xf32, #tpu.memory_space<hbm>> -> memref<1x512x64xf32, #tpu.memory_space<hbm>>
        %dma_wait3A_648 = tpu.memref_squeeze %dma_wait3A_647 : memref<1x512x64xf32, #tpu.memory_space<hbm>> -> memref<512x64xf32, #tpu.memory_space<hbm>>
        %dma_wait3A_649 = arith.constant 0 : i32
        %dma_wait3A_650 = tpu.memref_slice %arg5[%select_n3A_459, %select_n3A_475, %dma_wait3A_649] : memref<200x4096x64xf32, #tpu.memory_space<hbm>> -> memref<1x512x64xf32, #tpu.memory_space<hbm>>
        %dma_wait3A_651 = tpu.memref_squeeze %dma_wait3A_650 : memref<1x512x64xf32, #tpu.memory_space<hbm>> -> memref<512x64xf32, #tpu.memory_space<hbm>>
        tpu.wait_dma2 semaphore(%run_scoped3A : memref<!tpu.dma_semaphore, #tpu.memory_space<semaphore_mem>>) src(%arg8 : memref<512x64xf32, #tpu.memory_space<vmem>>) dst(%dma_wait3A_651 : memref<512x64xf32, #tpu.memory_space<hbm>>)
        tpu.yield
      }) : () -> ()
      %add3A_476 = arith.constant 2 : i32
      %add3A_477 = arith.addi %mul3A_313, %add3A_476 : i32
      %mul3A_478 = arith.constant 512 : i32
      %mul3A_479 = arith.muli %add3A_477, %mul3A_478 : i32
      %add3A_480 = arith.addi %mul3A_2, %mul3A_479 : i32
      %jit3A_481 = arith.constant 4096 : i32
      %div3A_482 = arith.divsi %add3A_480, %jit3A_481 : i32
      %sign3A_483 = arith.constant 0 : i32
      %sign3A_484 = arith.cmpi sgt, %add3A_480, %sign3A_483 : i32
      %sign3A_485 = arith.extui %sign3A_484 : i1 to i32
      %sign3A_486 = arith.constant 0 : i32
      %sign3A_487 = arith.cmpi slt, %add3A_480, %sign3A_486 : i32
      %sign3A_488 = arith.extui %sign3A_487 : i1 to i32
      %sign3A_489 = arith.subi %sign3A_485, %sign3A_488 : i32
      %sign3A_490 = arith.constant 0 : i32
      %sign3A_491 = arith.cmpi sgt, %jit3A_481, %sign3A_490 : i32
      %sign3A_492 = arith.extui %sign3A_491 : i1 to i32
      %sign3A_493 = arith.constant 0 : i32
      %sign3A_494 = arith.cmpi slt, %jit3A_481, %sign3A_493 : i32
      %sign3A_495 = arith.extui %sign3A_494 : i1 to i32
      %sign3A_496 = arith.subi %sign3A_492, %sign3A_495 : i32
      %ne3A_497 = arith.cmpi ne, %sign3A_489, %sign3A_496 : i32
      %rem3A_498 = arith.remsi %add3A_480, %jit3A_481 : i32
      %ne3A_499 = arith.constant 0 : i32
      %ne3A_500 = arith.cmpi ne, %rem3A_498, %ne3A_499 : i32
      %and3A_501 = arith.andi %ne3A_497, %ne3A_500 : i1
      %sub3A_502 = arith.constant 1 : i32
      %sub3A_503 = arith.subi %div3A_482, %sub3A_502 : i32
      %select_n3A_504 = arith.select %and3A_501, %sub3A_503, %div3A_482 : i32
      %jit3A_505 = arith.constant 4096 : i32
      %eq3A_506 = arith.constant 0 : i32
      %eq3A_507 = arith.cmpi eq, %jit3A_505, %eq3A_506 : i32
      %jit3A_508 = arith.constant 1 : i32
      %select_n3A_509 = arith.select %eq3A_507, %jit3A_508, %jit3A_505 : i32
      %rem3A_510 = arith.remsi %add3A_480, %select_n3A_509 : i32
      %ne3A_511 = arith.constant 0 : i32
      %ne3A_512 = arith.cmpi ne, %rem3A_510, %ne3A_511 : i32
      %lt3A_513 = arith.constant 0 : i32
      %lt3A_514 = arith.cmpi slt, %rem3A_510, %lt3A_513 : i32
      %lt3A_515 = arith.constant 0 : i32
      %lt3A_516 = arith.cmpi slt, %select_n3A_509, %lt3A_515 : i32
      %ne3A_517 = arith.xori %lt3A_514, %lt3A_516 : i1
      %and3A_518 = arith.andi %ne3A_517, %ne3A_512 : i1
      %add3A_519 = arith.addi %rem3A_510, %select_n3A_509 : i32
      %select_n3A_520 = arith.select %and3A_518, %add3A_519, %rem3A_510 : i32
      "tpu.region"() ({
        %run_scoped3A = tpu.sem_alloc : memref<!tpu.dma_semaphore, #tpu.memory_space<semaphore_mem>>
        %dma_start3A_640 = tpu.memref_slice %arg3[%select_n3A_504, %select_n3A_520] : memref<200x4096xi32, #tpu.memory_space<hbm>> -> memref<1x512xi32, #tpu.memory_space<hbm>>
        %dma_start3A_641 = tpu.memref_squeeze %dma_start3A_640 : memref<1x512xi32, #tpu.memory_space<hbm>> -> memref<512xi32, #tpu.memory_space<hbm>>
        %dma_start3A_642 = tpu.memref_slice %arg3[%select_n3A_504, %select_n3A_520] : memref<200x4096xi32, #tpu.memory_space<hbm>> -> memref<1x512xi32, #tpu.memory_space<hbm>>
        %dma_start3A_643 = tpu.memref_squeeze %dma_start3A_642 : memref<1x512xi32, #tpu.memory_space<hbm>> -> memref<512xi32, #tpu.memory_space<hbm>>
        tpu.enqueue_dma source(%dma_start3A_643 : memref<512xi32, #tpu.memory_space<hbm>>) target(%arg6 : memref<512xi32, #tpu.memory_space<vmem>>) target_semaphore(%run_scoped3A : memref<!tpu.dma_semaphore, #tpu.memory_space<semaphore_mem>>)
        %dma_wait3A_644 = tpu.memref_slice %arg3[%select_n3A_504, %select_n3A_520] : memref<200x4096xi32, #tpu.memory_space<hbm>> -> memref<1x512xi32, #tpu.memory_space<hbm>>
        %dma_wait3A_645 = tpu.memref_squeeze %dma_wait3A_644 : memref<1x512xi32, #tpu.memory_space<hbm>> -> memref<512xi32, #tpu.memory_space<hbm>>
        %dma_wait3A_646 = tpu.memref_slice %arg3[%select_n3A_504, %select_n3A_520] : memref<200x4096xi32, #tpu.memory_space<hbm>> -> memref<1x512xi32, #tpu.memory_space<hbm>>
        %dma_wait3A_647 = tpu.memref_squeeze %dma_wait3A_646 : memref<1x512xi32, #tpu.memory_space<hbm>> -> memref<512xi32, #tpu.memory_space<hbm>>
        tpu.wait_dma2 semaphore(%run_scoped3A : memref<!tpu.dma_semaphore, #tpu.memory_space<semaphore_mem>>) src(%dma_wait3A_647 : memref<512xi32, #tpu.memory_space<hbm>>) dst(%arg6 : memref<512xi32, #tpu.memory_space<vmem>>)
        tpu.yield
      }) : () -> ()
      %scan3A_521 = arith.constant false
      %scan3A_522 = arith.constant 0 : i32
      %scan3A_523 = arith.constant 32 : i32
      %scan3A_524 = arith.addi %scan3A_522, %scan3A_523 : i32
      %scan3A_525 = arith.constant 1 : i32
      %scan3A_526 = scf.for %scan3A_640 = %scan3A_522 to %scan3A_524 step %scan3A_525 iter_args(%scan3A_641 = %scan3A_521) -> (i1)  : i32 {
        %mul3A_642 = arith.constant 16 : i32
        %mul3A_643 = arith.muli %scan3A_640, %mul3A_642 : i32
        %get3A = arith.index_cast %mul3A_643 : i32 to index
        %get3A_644 = tpu.vector_load %arg6[%get3A] {strides = array<i32>} : memref<512xi32, #tpu.memory_space<vmem>>, vector<16xi32>,
        %eq3A_645 = arith.constant 1000000 : i32
        %eq3A_646 = vector.broadcast %eq3A_645 : i32 to vector<16xi32>
        %eq3A_647 = arith.cmpi eq, %get3A_644, %eq3A_646 : vector<16xi32>
        %jit3A_648 = arith.constant 0 : i32
        %broadcast_in_dim3A = vector.broadcast %jit3A_648 : i32 to vector<16xi32>
        %select_n3A_649 = arith.select %eq3A_647, %broadcast_in_dim3A, %get3A_644 : vector<16xi1>, vector<16xi32>
        %mul3A_650 = arith.constant 16 : i32
        %mul3A_651 = arith.muli %scan3A_640, %mul3A_650 : i32
        %swap3A = arith.index_cast %mul3A_651 : i32 to index
        %swap3A_652 = tpu.vector_load %arg7[%swap3A] {strides = array<i32>} : memref<512xi32, #tpu.memory_space<vmem>>, vector<16xi32>,
        tpu.vector_store %arg7[%swap3A], %select_n3A_649 {strides = array<i32>} : memref<512xi32, #tpu.memory_space<vmem>>, vector<16xi32>,
        %reduce_or3A = arith.constant 1.000000e+00 : f32
        %reduce_or3A_653 = arith.constant 0.000000e+00 : f32
        %reduce_or3A_654 = vector.broadcast %reduce_or3A : f32 to vector<16xf32>
        %reduce_or3A_655 = vector.broadcast %reduce_or3A_653 : f32 to vector<16xf32>
        %reduce_or3A_656 = arith.select %eq3A_647, %reduce_or3A_654, %reduce_or3A_655 : vector<16xi1>, vector<16xf32>
        %reduce_or3A_657 = arith.constant true
        %reduce_or3A_658 = vector.broadcast %reduce_or3A_657 : i1 to vector<16xi1>
        %reduce_or3A_659 = tpu.scan <max>, %reduce_or3A_656 masked %reduce_or3A_658 : vector<16xf32>, vector<16xi1> -> vector<16xf32>
        %reduce_or3A_660 = vector.extract %reduce_or3A_659[15] : f32 from vector<16xf32>
        %reduce_or3A_661 = arith.constant 0.000000e+00 : f32
        %reduce_or3A_662 = arith.cmpf ogt, %reduce_or3A_660, %reduce_or3A_661 : f32
        %or3A = arith.ori %scan3A_641, %reduce_or3A_662 : i1
        scf.yield %or3A : i1
      }
      %scan3A_527 = arith.constant 32 : i32
      %dma_start3A_528 = arith.constant 0 : i32
      %dma_start3A_529 = arith.constant 0 : i32
      %dma_start3A_530 = tpu.memref_slice %arg8[%dma_start3A_528, %dma_start3A_529] : memref<512x64xf32, #tpu.memory_space<vmem>> -> memref<128x64xf32, #tpu.memory_space<vmem>>
      %dma_start3A_531 = arith.constant 0 : i32
      %dma_start3A_532 = tpu.memref_slice %arg7[%dma_start3A_531] : memref<512xi32, #tpu.memory_space<vmem>> -> memref<128xi32, #tpu.memory_space<vmem>>
      %dma_start3A_533 = arith.constant 0 : i32
      %dma_start3A_534 = arith.constant 0 : i32
      %dma_start3A_535 = tpu.memref_slice %arg2[%dma_start3A_533, %dma_start3A_534] : memref<1000000x64xf32, #tpu.memory_space<hbm>> -> memref<1000000x64xf32, #tpu.memory_space<hbm>>
      tpu.enqueue_indirect_dma source(%dma_start3A_535 : memref<1000000x64xf32, #tpu.memory_space<hbm>>) target(%dma_start3A_530 : memref<128x64xf32, #tpu.memory_space<vmem>>) offsets(%dma_start3A_532 : memref<128xi32, #tpu.memory_space<vmem>>) semaphore(%arg13 : memref<!tpu.dma_semaphore, #tpu.memory_space<semaphore_mem>>)
      %dma_start3A_536 = arith.constant 128 : i32
      %dma_start3A_537 = arith.constant 0 : i32
      %dma_start3A_538 = tpu.memref_slice %arg8[%dma_start3A_536, %dma_start3A_537] : memref<512x64xf32, #tpu.memory_space<vmem>> -> memref<128x64xf32, #tpu.memory_space<vmem>>
      %dma_start3A_539 = arith.constant 128 : i32
      %dma_start3A_540 = tpu.memref_slice %arg7[%dma_start3A_539] : memref<512xi32, #tpu.memory_space<vmem>> -> memref<128xi32, #tpu.memory_space<vmem>>
      %dma_start3A_541 = arith.constant 0 : i32
      %dma_start3A_542 = arith.constant 0 : i32
      %dma_start3A_543 = tpu.memref_slice %arg2[%dma_start3A_541, %dma_start3A_542] : memref<1000000x64xf32, #tpu.memory_space<hbm>> -> memref<1000000x64xf32, #tpu.memory_space<hbm>>
      tpu.enqueue_indirect_dma source(%dma_start3A_543 : memref<1000000x64xf32, #tpu.memory_space<hbm>>) target(%dma_start3A_538 : memref<128x64xf32, #tpu.memory_space<vmem>>) offsets(%dma_start3A_540 : memref<128xi32, #tpu.memory_space<vmem>>) semaphore(%arg13 : memref<!tpu.dma_semaphore, #tpu.memory_space<semaphore_mem>>)
      %dma_start3A_544 = arith.constant 256 : i32
      %dma_start3A_545 = arith.constant 0 : i32
      %dma_start3A_546 = tpu.memref_slice %arg8[%dma_start3A_544, %dma_start3A_545] : memref<512x64xf32, #tpu.memory_space<vmem>> -> memref<128x64xf32, #tpu.memory_space<vmem>>
      %dma_start3A_547 = arith.constant 256 : i32
      %dma_start3A_548 = tpu.memref_slice %arg7[%dma_start3A_547] : memref<512xi32, #tpu.memory_space<vmem>> -> memref<128xi32, #tpu.memory_space<vmem>>
      %dma_start3A_549 = arith.constant 0 : i32
      %dma_start3A_550 = arith.constant 0 : i32
      %dma_start3A_551 = tpu.memref_slice %arg2[%dma_start3A_549, %dma_start3A_550] : memref<1000000x64xf32, #tpu.memory_space<hbm>> -> memref<1000000x64xf32, #tpu.memory_space<hbm>>
      tpu.enqueue_indirect_dma source(%dma_start3A_551 : memref<1000000x64xf32, #tpu.memory_space<hbm>>) target(%dma_start3A_546 : memref<128x64xf32, #tpu.memory_space<vmem>>) offsets(%dma_start3A_548 : memref<128xi32, #tpu.memory_space<vmem>>) semaphore(%arg13 : memref<!tpu.dma_semaphore, #tpu.memory_space<semaphore_mem>>)
      %dma_start3A_552 = arith.constant 384 : i32
      %dma_start3A_553 = arith.constant 0 : i32
      %dma_start3A_554 = tpu.memref_slice %arg8[%dma_start3A_552, %dma_start3A_553] : memref<512x64xf32, #tpu.memory_space<vmem>> -> memref<128x64xf32, #tpu.memory_space<vmem>>
      %dma_start3A_555 = arith.constant 384 : i32
      %dma_start3A_556 = tpu.memref_slice %arg7[%dma_start3A_555] : memref<512xi32, #tpu.memory_space<vmem>> -> memref<128xi32, #tpu.memory_space<vmem>>
      %dma_start3A_557 = arith.constant 0 : i32
      %dma_start3A_558 = arith.constant 0 : i32
      %dma_start3A_559 = tpu.memref_slice %arg2[%dma_start3A_557, %dma_start3A_558] : memref<1000000x64xf32, #tpu.memory_space<hbm>> -> memref<1000000x64xf32, #tpu.memory_space<hbm>>
      tpu.enqueue_indirect_dma source(%dma_start3A_559 : memref<1000000x64xf32, #tpu.memory_space<hbm>>) target(%dma_start3A_554 : memref<128x64xf32, #tpu.memory_space<vmem>>) offsets(%dma_start3A_556 : memref<128xi32, #tpu.memory_space<vmem>>) semaphore(%arg13 : memref<!tpu.dma_semaphore, #tpu.memory_space<semaphore_mem>>)
      %add3A_560 = arith.constant 1 : i32
      %add3A_561 = arith.addi %mul3A_313, %add3A_560 : i32
      %dma_wait3A_562 = arith.constant 0 : i32
      %dma_wait3A_563 = arith.constant 0 : i32
      %dma_wait3A_564 = tpu.memref_slice %arg11[%dma_wait3A_562, %dma_wait3A_563] : memref<512x64xf32, #tpu.memory_space<vmem>> -> memref<128x64xf32, #tpu.memory_space<vmem>>
      %dma_wait3A_565 = arith.constant 0 : i32
      %dma_wait3A_566 = tpu.memref_slice %arg10[%dma_wait3A_565] : memref<512xi32, #tpu.memory_space<vmem>> -> memref<128xi32, #tpu.memory_space<vmem>>
      %dma_wait3A_567 = arith.constant 0 : i32
      %dma_wait3A_568 = arith.constant 0 : i32
      %dma_wait3A_569 = tpu.memref_slice %arg2[%dma_wait3A_567, %dma_wait3A_568] : memref<1000000x64xf32, #tpu.memory_space<hbm>> -> memref<1000000x64xf32, #tpu.memory_space<hbm>>
      tpu.wait_indirect_dma semaphore(%arg14 : memref<!tpu.dma_semaphore, #tpu.memory_space<semaphore_mem>>) src(%dma_wait3A_569 : memref<1000000x64xf32, #tpu.memory_space<hbm>>) dst(%dma_wait3A_564 : memref<128x64xf32, #tpu.memory_space<vmem>>)
      %dma_wait3A_570 = arith.constant 128 : i32
      %dma_wait3A_571 = arith.constant 0 : i32
      %dma_wait3A_572 = tpu.memref_slice %arg11[%dma_wait3A_570, %dma_wait3A_571] : memref<512x64xf32, #tpu.memory_space<vmem>> -> memref<128x64xf32, #tpu.memory_space<vmem>>
      %dma_wait3A_573 = arith.constant 128 : i32
      %dma_wait3A_574 = tpu.memref_slice %arg10[%dma_wait3A_573] : memref<512xi32, #tpu.memory_space<vmem>> -> memref<128xi32, #tpu.memory_space<vmem>>
      %dma_wait3A_575 = arith.constant 0 : i32
      %dma_wait3A_576 = arith.constant 0 : i32
      %dma_wait3A_577 = tpu.memref_slice %arg2[%dma_wait3A_575, %dma_wait3A_576] : memref<1000000x64xf32, #tpu.memory_space<hbm>> -> memref<1000000x64xf32, #tpu.memory_space<hbm>>
      tpu.wait_indirect_dma semaphore(%arg14 : memref<!tpu.dma_semaphore, #tpu.memory_space<semaphore_mem>>) src(%dma_wait3A_577 : memref<1000000x64xf32, #tpu.memory_space<hbm>>) dst(%dma_wait3A_572 : memref<128x64xf32, #tpu.memory_space<vmem>>)
      %dma_wait3A_578 = arith.constant 256 : i32
      %dma_wait3A_579 = arith.constant 0 : i32
      %dma_wait3A_580 = tpu.memref_slice %arg11[%dma_wait3A_578, %dma_wait3A_579] : memref<512x64xf32, #tpu.memory_space<vmem>> -> memref<128x64xf32, #tpu.memory_space<vmem>>
      %dma_wait3A_581 = arith.constant 256 : i32
      %dma_wait3A_582 = tpu.memref_slice %arg10[%dma_wait3A_581] : memref<512xi32, #tpu.memory_space<vmem>> -> memref<128xi32, #tpu.memory_space<vmem>>
      %dma_wait3A_583 = arith.constant 0 : i32
      %dma_wait3A_584 = arith.constant 0 : i32
      %dma_wait3A_585 = tpu.memref_slice %arg2[%dma_wait3A_583, %dma_wait3A_584] : memref<1000000x64xf32, #tpu.memory_space<hbm>> -> memref<1000000x64xf32, #tpu.memory_space<hbm>>
      tpu.wait_indirect_dma semaphore(%arg14 : memref<!tpu.dma_semaphore, #tpu.memory_space<semaphore_mem>>) src(%dma_wait3A_585 : memref<1000000x64xf32, #tpu.memory_space<hbm>>) dst(%dma_wait3A_580 : memref<128x64xf32, #tpu.memory_space<vmem>>)
      %dma_wait3A_586 = arith.constant 384 : i32
      %dma_wait3A_587 = arith.constant 0 : i32
      %dma_wait3A_588 = tpu.memref_slice %arg11[%dma_wait3A_586, %dma_wait3A_587] : memref<512x64xf32, #tpu.memory_space<vmem>> -> memref<128x64xf32, #tpu.memory_space<vmem>>
      %dma_wait3A_589 = arith.constant 384 : i32
      %dma_wait3A_590 = tpu.memref_slice %arg10[%dma_wait3A_589] : memref<512xi32, #tpu.memory_space<vmem>> -> memref<128xi32, #tpu.memory_space<vmem>>
      %dma_wait3A_591 = arith.constant 0 : i32
      %dma_wait3A_592 = arith.constant 0 : i32
      %dma_wait3A_593 = tpu.memref_slice %arg2[%dma_wait3A_591, %dma_wait3A_592] : memref<1000000x64xf32, #tpu.memory_space<hbm>> -> memref<1000000x64xf32, #tpu.memory_space<hbm>>
      tpu.wait_indirect_dma semaphore(%arg14 : memref<!tpu.dma_semaphore, #tpu.memory_space<semaphore_mem>>) src(%dma_wait3A_593 : memref<1000000x64xf32, #tpu.memory_space<hbm>>) dst(%dma_wait3A_588 : memref<128x64xf32, #tpu.memory_space<vmem>>)
      %convert_element_type3A_594 = arith.extui %scan3A_364 : i1 to i32
      %cond3A_595 = arith.constant 0 : i32
      %cond3A_596 = arith.cmpi ne, %convert_element_type3A_594, %cond3A_595 : i32
      scf.if %cond3A_596 {
        %scan3A_640 = arith.constant 0 : i32
        %scan3A_641 = arith.constant 0 : i32
        %scan3A_642 = arith.constant 32 : i32
        %scan3A_643 = arith.addi %scan3A_641, %scan3A_642 : i32
        %scan3A_644 = arith.constant 1 : i32
        scf.for %scan3A_646 = %scan3A_641 to %scan3A_643 step %scan3A_644  : i32 {
          %mul3A_647 = arith.constant 16 : i32
          %mul3A_648 = arith.muli %scan3A_646, %mul3A_647 : i32
          %get3A = arith.index_cast %mul3A_648 : i32 to index
          %get3A_649 = tpu.vector_load %arg9[%get3A] {strides = array<i32>} : memref<512xi32, #tpu.memory_space<vmem>>, vector<16xi32>,
          %eq3A_650 = arith.constant 1000000 : i32
          %eq3A_651 = vector.broadcast %eq3A_650 : i32 to vector<16xi32>
          %eq3A_652 = arith.cmpi eq, %get3A_649, %eq3A_651 : vector<16xi32>
          %reduce_or3A = arith.constant 1.000000e+00 : f32
          %reduce_or3A_653 = arith.constant 0.000000e+00 : f32
          %reduce_or3A_654 = vector.broadcast %reduce_or3A : f32 to vector<16xf32>
          %reduce_or3A_655 = vector.broadcast %reduce_or3A_653 : f32 to vector<16xf32>
          %reduce_or3A_656 = arith.select %eq3A_652, %reduce_or3A_654, %reduce_or3A_655 : vector<16xi1>, vector<16xf32>
          %reduce_or3A_657 = arith.constant true
          %reduce_or3A_658 = vector.broadcast %reduce_or3A_657 : i1 to vector<16xi1>
          %reduce_or3A_659 = tpu.scan <max>, %reduce_or3A_656 masked %reduce_or3A_658 : vector<16xf32>, vector<16xi1> -> vector<16xf32>
          %reduce_or3A_660 = vector.extract %reduce_or3A_659[15] : f32 from vector<16xf32>
          %reduce_or3A_661 = arith.constant 0.000000e+00 : f32
          %reduce_or3A_662 = arith.cmpf ogt, %reduce_or3A_660, %reduce_or3A_661 : f32
          %convert_element_type3A_663 = arith.extui %reduce_or3A_662 : i1 to i32
          %cond3A_664 = arith.constant 0 : i32
          %cond3A_665 = arith.cmpi ne, %convert_element_type3A_663, %cond3A_664 : i32
          scf.if %cond3A_665 {
            %mul3A_666 = arith.constant 16 : i32
            %mul3A_667 = arith.muli %scan3A_646, %mul3A_666 : i32
            %iota3A = tpu.iota {dimensions = array<i32: 0>} : vector<16xi32>
            %add3A_668 = vector.broadcast %mul3A_667 : i32 to vector<16xi32>
            %add3A_669 = arith.addi %add3A_668, %iota3A : vector<16xi32>
            %broadcast_in_dim3A = arith.constant 0 : i32
            %broadcast_in_dim3A_670 = vector.broadcast %broadcast_in_dim3A : i32 to vector<16xi32>
            %gather3A = tpu.vector_load_idx %arg12[%broadcast_in_dim3A_670] : memref<64xf32, #tpu.memory_space<vmem>>[vector<16xi32>], vector<16xf32>,
            tpu.vector_store_idx %arg11[%add3A_669, %broadcast_in_dim3A_670], %gather3A masked %eq3A_652 : memref<512x64xf32, #tpu.memory_space<vmem>>[vector<16xi32>, vector<16xi32>], vector<16xf32>, vector<16xi1>
            %broadcast_in_dim3A_671 = arith.constant 1 : i32
            %broadcast_in_dim3A_672 = vector.broadcast %broadcast_in_dim3A_671 : i32 to vector<16xi32>
            %gather3A_673 = tpu.vector_load_idx %arg12[%broadcast_in_dim3A_672] : memref<64xf32, #tpu.memory_space<vmem>>[vector<16xi32>], vector<16xf32>,
            tpu.vector_store_idx %arg11[%add3A_669, %broadcast_in_dim3A_672], %gather3A_673 masked %eq3A_652 : memref<512x64xf32, #tpu.memory_space<vmem>>[vector<16xi32>, vector<16xi32>], vector<16xf32>, vector<16xi1>
            %broadcast_in_dim3A_674 = arith.constant 2 : i32
            %broadcast_in_dim3A_675 = vector.broadcast %broadcast_in_dim3A_674 : i32 to vector<16xi32>
            %gather3A_676 = tpu.vector_load_idx %arg12[%broadcast_in_dim3A_675] : memref<64xf32, #tpu.memory_space<vmem>>[vector<16xi32>], vector<16xf32>,
            tpu.vector_store_idx %arg11[%add3A_669, %broadcast_in_dim3A_675], %gather3A_676 masked %eq3A_652 : memref<512x64xf32, #tpu.memory_space<vmem>>[vector<16xi32>, vector<16xi32>], vector<16xf32>, vector<16xi1>
            %broadcast_in_dim3A_677 = arith.constant 3 : i32
            %broadcast_in_dim3A_678 = vector.broadcast %broadcast_in_dim3A_677 : i32 to vector<16xi32>
            %gather3A_679 = tpu.vector_load_idx %arg12[%broadcast_in_dim3A_678] : memref<64xf32, #tpu.memory_space<vmem>>[vector<16xi32>], vector<16xf32>,
            tpu.vector_store_idx %arg11[%add3A_669, %broadcast_in_dim3A_678], %gather3A_679 masked %eq3A_652 : memref<512x64xf32, #tpu.memory_space<vmem>>[vector<16xi32>, vector<16xi32>], vector<16xf32>, vector<16xi1>
            %broadcast_in_dim3A_680 = arith.constant 4 : i32
            %broadcast_in_dim3A_681 = vector.broadcast %broadcast_in_dim3A_680 : i32 to vector<16xi32>
            %gather3A_682 = tpu.vector_load_idx %arg12[%broadcast_in_dim3A_681] : memref<64xf32, #tpu.memory_space<vmem>>[vector<16xi32>], vector<16xf32>,
            tpu.vector_store_idx %arg11[%add3A_669, %broadcast_in_dim3A_681], %gather3A_682 masked %eq3A_652 : memref<512x64xf32, #tpu.memory_space<vmem>>[vector<16xi32>, vector<16xi32>], vector<16xf32>, vector<16xi1>
            %broadcast_in_dim3A_683 = arith.constant 5 : i32
            %broadcast_in_dim3A_684 = vector.broadcast %broadcast_in_dim3A_683 : i32 to vector<16xi32>
            %gather3A_685 = tpu.vector_load_idx %arg12[%broadcast_in_dim3A_684] : memref<64xf32, #tpu.memory_space<vmem>>[vector<16xi32>], vector<16xf32>,
            tpu.vector_store_idx %arg11[%add3A_669, %broadcast_in_dim3A_684], %gather3A_685 masked %eq3A_652 : memref<512x64xf32, #tpu.memory_space<vmem>>[vector<16xi32>, vector<16xi32>], vector<16xf32>, vector<16xi1>
            %broadcast_in_dim3A_686 = arith.constant 6 : i32
            %broadcast_in_dim3A_687 = vector.broadcast %broadcast_in_dim3A_686 : i32 to vector<16xi32>
            %gather3A_688 = tpu.vector_load_idx %arg12[%broadcast_in_dim3A_687] : memref<64xf32, #tpu.memory_space<vmem>>[vector<16xi32>], vector<16xf32>,
            tpu.vector_store_idx %arg11[%add3A_669, %broadcast_in_dim3A_687], %gather3A_688 masked %eq3A_652 : memref<512x64xf32, #tpu.memory_space<vmem>>[vector<16xi32>, vector<16xi32>], vector<16xf32>, vector<16xi1>
            %broadcast_in_dim3A_689 = arith.constant 7 : i32
            %broadcast_in_dim3A_690 = vector.broadcast %broadcast_in_dim3A_689 : i32 to vector<16xi32>
            %gather3A_691 = tpu.vector_load_idx %arg12[%broadcast_in_dim3A_690] : memref<64xf32, #tpu.memory_space<vmem>>[vector<16xi32>], vector<16xf32>,
            tpu.vector_store_idx %arg11[%add3A_669, %broadcast_in_dim3A_690], %gather3A_691 masked %eq3A_652 : memref<512x64xf32, #tpu.memory_space<vmem>>[vector<16xi32>, vector<16xi32>], vector<16xf32>, vector<16xi1>
            %broadcast_in_dim3A_692 = arith.constant 8 : i32
            %broadcast_in_dim3A_693 = vector.broadcast %broadcast_in_dim3A_692 : i32 to vector<16xi32>
            %gather3A_694 = tpu.vector_load_idx %arg12[%broadcast_in_dim3A_693] : memref<64xf32, #tpu.memory_space<vmem>>[vector<16xi32>], vector<16xf32>,
            tpu.vector_store_idx %arg11[%add3A_669, %broadcast_in_dim3A_693], %gather3A_694 masked %eq3A_652 : memref<512x64xf32, #tpu.memory_space<vmem>>[vector<16xi32>, vector<16xi32>], vector<16xf32>, vector<16xi1>
            %broadcast_in_dim3A_695 = arith.constant 9 : i32
            %broadcast_in_dim3A_696 = vector.broadcast %broadcast_in_dim3A_695 : i32 to vector<16xi32>
            %gather3A_697 = tpu.vector_load_idx %arg12[%broadcast_in_dim3A_696] : memref<64xf32, #tpu.memory_space<vmem>>[vector<16xi32>], vector<16xf32>,
            tpu.vector_store_idx %arg11[%add3A_669, %broadcast_in_dim3A_696], %gather3A_697 masked %eq3A_652 : memref<512x64xf32, #tpu.memory_space<vmem>>[vector<16xi32>, vector<16xi32>], vector<16xf32>, vector<16xi1>
            %broadcast_in_dim3A_698 = arith.constant 10 : i32
            %broadcast_in_dim3A_699 = vector.broadcast %broadcast_in_dim3A_698 : i32 to vector<16xi32>
            %gather3A_700 = tpu.vector_load_idx %arg12[%broadcast_in_dim3A_699] : memref<64xf32, #tpu.memory_space<vmem>>[vector<16xi32>], vector<16xf32>,
            tpu.vector_store_idx %arg11[%add3A_669, %broadcast_in_dim3A_699], %gather3A_700 masked %eq3A_652 : memref<512x64xf32, #tpu.memory_space<vmem>>[vector<16xi32>, vector<16xi32>], vector<16xf32>, vector<16xi1>
            %broadcast_in_dim3A_701 = arith.constant 11 : i32
            %broadcast_in_dim3A_702 = vector.broadcast %broadcast_in_dim3A_701 : i32 to vector<16xi32>
            %gather3A_703 = tpu.vector_load_idx %arg12[%broadcast_in_dim3A_702] : memref<64xf32, #tpu.memory_space<vmem>>[vector<16xi32>], vector<16xf32>,
            tpu.vector_store_idx %arg11[%add3A_669, %broadcast_in_dim3A_702], %gather3A_703 masked %eq3A_652 : memref<512x64xf32, #tpu.memory_space<vmem>>[vector<16xi32>, vector<16xi32>], vector<16xf32>, vector<16xi1>
            %broadcast_in_dim3A_704 = arith.constant 12 : i32
            %broadcast_in_dim3A_705 = vector.broadcast %broadcast_in_dim3A_704 : i32 to vector<16xi32>
            %gather3A_706 = tpu.vector_load_idx %arg12[%broadcast_in_dim3A_705] : memref<64xf32, #tpu.memory_space<vmem>>[vector<16xi32>], vector<16xf32>,
            tpu.vector_store_idx %arg11[%add3A_669, %broadcast_in_dim3A_705], %gather3A_706 masked %eq3A_652 : memref<512x64xf32, #tpu.memory_space<vmem>>[vector<16xi32>, vector<16xi32>], vector<16xf32>, vector<16xi1>
            %broadcast_in_dim3A_707 = arith.constant 13 : i32
            %broadcast_in_dim3A_708 = vector.broadcast %broadcast_in_dim3A_707 : i32 to vector<16xi32>
            %gather3A_709 = tpu.vector_load_idx %arg12[%broadcast_in_dim3A_708] : memref<64xf32, #tpu.memory_space<vmem>>[vector<16xi32>], vector<16xf32>,
            tpu.vector_store_idx %arg11[%add3A_669, %broadcast_in_dim3A_708], %gather3A_709 masked %eq3A_652 : memref<512x64xf32, #tpu.memory_space<vmem>>[vector<16xi32>, vector<16xi32>], vector<16xf32>, vector<16xi1>
            %broadcast_in_dim3A_710 = arith.constant 14 : i32
            %broadcast_in_dim3A_711 = vector.broadcast %broadcast_in_dim3A_710 : i32 to vector<16xi32>
            %gather3A_712 = tpu.vector_load_idx %arg12[%broadcast_in_dim3A_711] : memref<64xf32, #tpu.memory_space<vmem>>[vector<16xi32>], vector<16xf32>,
            tpu.vector_store_idx %arg11[%add3A_669, %broadcast_in_dim3A_711], %gather3A_712 masked %eq3A_652 : memref<512x64xf32, #tpu.memory_space<vmem>>[vector<16xi32>, vector<16xi32>], vector<16xf32>, vector<16xi1>
            %broadcast_in_dim3A_713 = arith.constant 15 : i32
            %broadcast_in_dim3A_714 = vector.broadcast %broadcast_in_dim3A_713 : i32 to vector<16xi32>
            %gather3A_715 = tpu.vector_load_idx %arg12[%broadcast_in_dim3A_714] : memref<64xf32, #tpu.memory_space<vmem>>[vector<16xi32>], vector<16xf32>,
            tpu.vector_store_idx %arg11[%add3A_669, %broadcast_in_dim3A_714], %gather3A_715 masked %eq3A_652 : memref<512x64xf32, #tpu.memory_space<vmem>>[vector<16xi32>, vector<16xi32>], vector<16xf32>, vector<16xi1>
            %broadcast_in_dim3A_716 = arith.constant 16 : i32
            %broadcast_in_dim3A_717 = vector.broadcast %broadcast_in_dim3A_716 : i32 to vector<16xi32>
            %gather3A_718 = tpu.vector_load_idx %arg12[%broadcast_in_dim3A_717] : memref<64xf32, #tpu.memory_space<vmem>>[vector<16xi32>], vector<16xf32>,
            tpu.vector_store_idx %arg11[%add3A_669, %broadcast_in_dim3A_717], %gather3A_718 masked %eq3A_652 : memref<512x64xf32, #tpu.memory_space<vmem>>[vector<16xi32>, vector<16xi32>], vector<16xf32>, vector<16xi1>
            %broadcast_in_dim3A_719 = arith.constant 17 : i32
            %broadcast_in_dim3A_720 = vector.broadcast %broadcast_in_dim3A_719 : i32 to vector<16xi32>
            %gather3A_721 = tpu.vector_load_idx %arg12[%broadcast_in_dim3A_720] : memref<64xf32, #tpu.memory_space<vmem>>[vector<16xi32>], vector<16xf32>,
            tpu.vector_store_idx %arg11[%add3A_669, %broadcast_in_dim3A_720], %gather3A_721 masked %eq3A_652 : memref<512x64xf32, #tpu.memory_space<vmem>>[vector<16xi32>, vector<16xi32>], vector<16xf32>, vector<16xi1>
            %broadcast_in_dim3A_722 = arith.constant 18 : i32
            %broadcast_in_dim3A_723 = vector.broadcast %broadcast_in_dim3A_722 : i32 to vector<16xi32>
            %gather3A_724 = tpu.vector_load_idx %arg12[%broadcast_in_dim3A_723] : memref<64xf32, #tpu.memory_space<vmem>>[vector<16xi32>], vector<16xf32>,
            tpu.vector_store_idx %arg11[%add3A_669, %broadcast_in_dim3A_723], %gather3A_724 masked %eq3A_652 : memref<512x64xf32, #tpu.memory_space<vmem>>[vector<16xi32>, vector<16xi32>], vector<16xf32>, vector<16xi1>
            %broadcast_in_dim3A_725 = arith.constant 19 : i32
            %broadcast_in_dim3A_726 = vector.broadcast %broadcast_in_dim3A_725 : i32 to vector<16xi32>
            %gather3A_727 = tpu.vector_load_idx %arg12[%broadcast_in_dim3A_726] : memref<64xf32, #tpu.memory_space<vmem>>[vector<16xi32>], vector<16xf32>,
            tpu.vector_store_idx %arg11[%add3A_669, %broadcast_in_dim3A_726], %gather3A_727 masked %eq3A_652 : memref<512x64xf32, #tpu.memory_space<vmem>>[vector<16xi32>, vector<16xi32>], vector<16xf32>, vector<16xi1>
            %broadcast_in_dim3A_728 = arith.constant 20 : i32
            %broadcast_in_dim3A_729 = vector.broadcast %broadcast_in_dim3A_728 : i32 to vector<16xi32>
            %gather3A_730 = tpu.vector_load_idx %arg12[%broadcast_in_dim3A_729] : memref<64xf32, #tpu.memory_space<vmem>>[vector<16xi32>], vector<16xf32>,
            tpu.vector_store_idx %arg11[%add3A_669, %broadcast_in_dim3A_729], %gather3A_730 masked %eq3A_652 : memref<512x64xf32, #tpu.memory_space<vmem>>[vector<16xi32>, vector<16xi32>], vector<16xf32>, vector<16xi1>
            %broadcast_in_dim3A_731 = arith.constant 21 : i32
            %broadcast_in_dim3A_732 = vector.broadcast %broadcast_in_dim3A_731 : i32 to vector<16xi32>
            %gather3A_733 = tpu.vector_load_idx %arg12[%broadcast_in_dim3A_732] : memref<64xf32, #tpu.memory_space<vmem>>[vector<16xi32>], vector<16xf32>,
            tpu.vector_store_idx %arg11[%add3A_669, %broadcast_in_dim3A_732], %gather3A_733 masked %eq3A_652 : memref<512x64xf32, #tpu.memory_space<vmem>>[vector<16xi32>, vector<16xi32>], vector<16xf32>, vector<16xi1>
            %broadcast_in_dim3A_734 = arith.constant 22 : i32
            %broadcast_in_dim3A_735 = vector.broadcast %broadcast_in_dim3A_734 : i32 to vector<16xi32>
            %gather3A_736 = tpu.vector_load_idx %arg12[%broadcast_in_dim3A_735] : memref<64xf32, #tpu.memory_space<vmem>>[vector<16xi32>], vector<16xf32>,
            tpu.vector_store_idx %arg11[%add3A_669, %broadcast_in_dim3A_735], %gather3A_736 masked %eq3A_652 : memref<512x64xf32, #tpu.memory_space<vmem>>[vector<16xi32>, vector<16xi32>], vector<16xf32>, vector<16xi1>
            %broadcast_in_dim3A_737 = arith.constant 23 : i32
            %broadcast_in_dim3A_738 = vector.broadcast %broadcast_in_dim3A_737 : i32 to vector<16xi32>
            %gather3A_739 = tpu.vector_load_idx %arg12[%broadcast_in_dim3A_738] : memref<64xf32, #tpu.memory_space<vmem>>[vector<16xi32>], vector<16xf32>,
            tpu.vector_store_idx %arg11[%add3A_669, %broadcast_in_dim3A_738], %gather3A_739 masked %eq3A_652 : memref<512x64xf32, #tpu.memory_space<vmem>>[vector<16xi32>, vector<16xi32>], vector<16xf32>, vector<16xi1>
            %broadcast_in_dim3A_740 = arith.constant 24 : i32
            %broadcast_in_dim3A_741 = vector.broadcast %broadcast_in_dim3A_740 : i32 to vector<16xi32>
            %gather3A_742 = tpu.vector_load_idx %arg12[%broadcast_in_dim3A_741] : memref<64xf32, #tpu.memory_space<vmem>>[vector<16xi32>], vector<16xf32>,
            tpu.vector_store_idx %arg11[%add3A_669, %broadcast_in_dim3A_741], %gather3A_742 masked %eq3A_652 : memref<512x64xf32, #tpu.memory_space<vmem>>[vector<16xi32>, vector<16xi32>], vector<16xf32>, vector<16xi1>
            %broadcast_in_dim3A_743 = arith.constant 25 : i32
            %broadcast_in_dim3A_744 = vector.broadcast %broadcast_in_dim3A_743 : i32 to vector<16xi32>
            %gather3A_745 = tpu.vector_load_idx %arg12[%broadcast_in_dim3A_744] : memref<64xf32, #tpu.memory_space<vmem>>[vector<16xi32>], vector<16xf32>,
            tpu.vector_store_idx %arg11[%add3A_669, %broadcast_in_dim3A_744], %gather3A_745 masked %eq3A_652 : memref<512x64xf32, #tpu.memory_space<vmem>>[vector<16xi32>, vector<16xi32>], vector<16xf32>, vector<16xi1>
            %broadcast_in_dim3A_746 = arith.constant 26 : i32
            %broadcast_in_dim3A_747 = vector.broadcast %broadcast_in_dim3A_746 : i32 to vector<16xi32>
            %gather3A_748 = tpu.vector_load_idx %arg12[%broadcast_in_dim3A_747] : memref<64xf32, #tpu.memory_space<vmem>>[vector<16xi32>], vector<16xf32>,
            tpu.vector_store_idx %arg11[%add3A_669, %broadcast_in_dim3A_747], %gather3A_748 masked %eq3A_652 : memref<512x64xf32, #tpu.memory_space<vmem>>[vector<16xi32>, vector<16xi32>], vector<16xf32>, vector<16xi1>
            %broadcast_in_dim3A_749 = arith.constant 27 : i32
            %broadcast_in_dim3A_750 = vector.broadcast %broadcast_in_dim3A_749 : i32 to vector<16xi32>
            %gather3A_751 = tpu.vector_load_idx %arg12[%broadcast_in_dim3A_750] : memref<64xf32, #tpu.memory_space<vmem>>[vector<16xi32>], vector<16xf32>,
            tpu.vector_store_idx %arg11[%add3A_669, %broadcast_in_dim3A_750], %gather3A_751 masked %eq3A_652 : memref<512x64xf32, #tpu.memory_space<vmem>>[vector<16xi32>, vector<16xi32>], vector<16xf32>, vector<16xi1>
            %broadcast_in_dim3A_752 = arith.constant 28 : i32
            %broadcast_in_dim3A_753 = vector.broadcast %broadcast_in_dim3A_752 : i32 to vector<16xi32>
            %gather3A_754 = tpu.vector_load_idx %arg12[%broadcast_in_dim3A_753] : memref<64xf32, #tpu.memory_space<vmem>>[vector<16xi32>], vector<16xf32>,
            tpu.vector_store_idx %arg11[%add3A_669, %broadcast_in_dim3A_753], %gather3A_754 masked %eq3A_652 : memref<512x64xf32, #tpu.memory_space<vmem>>[vector<16xi32>, vector<16xi32>], vector<16xf32>, vector<16xi1>
            %broadcast_in_dim3A_755 = arith.constant 29 : i32
            %broadcast_in_dim3A_756 = vector.broadcast %broadcast_in_dim3A_755 : i32 to vector<16xi32>
            %gather3A_757 = tpu.vector_load_idx %arg12[%broadcast_in_dim3A_756] : memref<64xf32, #tpu.memory_space<vmem>>[vector<16xi32>], vector<16xf32>,
            tpu.vector_store_idx %arg11[%add3A_669, %broadcast_in_dim3A_756], %gather3A_757 masked %eq3A_652 : memref<512x64xf32, #tpu.memory_space<vmem>>[vector<16xi32>, vector<16xi32>], vector<16xf32>, vector<16xi1>
            %broadcast_in_dim3A_758 = arith.constant 30 : i32
            %broadcast_in_dim3A_759 = vector.broadcast %broadcast_in_dim3A_758 : i32 to vector<16xi32>
            %gather3A_760 = tpu.vector_load_idx %arg12[%broadcast_in_dim3A_759] : memref<64xf32, #tpu.memory_space<vmem>>[vector<16xi32>], vector<16xf32>,
            tpu.vector_store_idx %arg11[%add3A_669, %broadcast_in_dim3A_759], %gather3A_760 masked %eq3A_652 : memref<512x64xf32, #tpu.memory_space<vmem>>[vector<16xi32>, vector<16xi32>], vector<16xf32>, vector<16xi1>
            %broadcast_in_dim3A_761 = arith.constant 31 : i32
            %broadcast_in_dim3A_762 = vector.broadcast %broadcast_in_dim3A_761 : i32 to vector<16xi32>
            %gather3A_763 = tpu.vector_load_idx %arg12[%broadcast_in_dim3A_762] : memref<64xf32, #tpu.memory_space<vmem>>[vector<16xi32>], vector<16xf32>,
            tpu.vector_store_idx %arg11[%add3A_669, %broadcast_in_dim3A_762], %gather3A_763 masked %eq3A_652 : memref<512x64xf32, #tpu.memory_space<vmem>>[vector<16xi32>, vector<16xi32>], vector<16xf32>, vector<16xi1>
            %broadcast_in_dim3A_764 = arith.constant 32 : i32
            %broadcast_in_dim3A_765 = vector.broadcast %broadcast_in_dim3A_764 : i32 to vector<16xi32>
            %gather3A_766 = tpu.vector_load_idx %arg12[%broadcast_in_dim3A_765] : memref<64xf32, #tpu.memory_space<vmem>>[vector<16xi32>], vector<16xf32>,
            tpu.vector_store_idx %arg11[%add3A_669, %broadcast_in_dim3A_765], %gather3A_766 masked %eq3A_652 : memref<512x64xf32, #tpu.memory_space<vmem>>[vector<16xi32>, vector<16xi32>], vector<16xf32>, vector<16xi1>
            %broadcast_in_dim3A_767 = arith.constant 33 : i32
            %broadcast_in_dim3A_768 = vector.broadcast %broadcast_in_dim3A_767 : i32 to vector<16xi32>
            %gather3A_769 = tpu.vector_load_idx %arg12[%broadcast_in_dim3A_768] : memref<64xf32, #tpu.memory_space<vmem>>[vector<16xi32>], vector<16xf32>,
            tpu.vector_store_idx %arg11[%add3A_669, %broadcast_in_dim3A_768], %gather3A_769 masked %eq3A_652 : memref<512x64xf32, #tpu.memory_space<vmem>>[vector<16xi32>, vector<16xi32>], vector<16xf32>, vector<16xi1>
            %broadcast_in_dim3A_770 = arith.constant 34 : i32
            %broadcast_in_dim3A_771 = vector.broadcast %broadcast_in_dim3A_770 : i32 to vector<16xi32>
            %gather3A_772 = tpu.vector_load_idx %arg12[%broadcast_in_dim3A_771] : memref<64xf32, #tpu.memory_space<vmem>>[vector<16xi32>], vector<16xf32>,
            tpu.vector_store_idx %arg11[%add3A_669, %broadcast_in_dim3A_771], %gather3A_772 masked %eq3A_652 : memref<512x64xf32, #tpu.memory_space<vmem>>[vector<16xi32>, vector<16xi32>], vector<16xf32>, vector<16xi1>
            %broadcast_in_dim3A_773 = arith.constant 35 : i32
            %broadcast_in_dim3A_774 = vector.broadcast %broadcast_in_dim3A_773 : i32 to vector<16xi32>
            %gather3A_775 = tpu.vector_load_idx %arg12[%broadcast_in_dim3A_774] : memref<64xf32, #tpu.memory_space<vmem>>[vector<16xi32>], vector<16xf32>,
            tpu.vector_store_idx %arg11[%add3A_669, %broadcast_in_dim3A_774], %gather3A_775 masked %eq3A_652 : memref<512x64xf32, #tpu.memory_space<vmem>>[vector<16xi32>, vector<16xi32>], vector<16xf32>, vector<16xi1>
            %broadcast_in_dim3A_776 = arith.constant 36 : i32
            %broadcast_in_dim3A_777 = vector.broadcast %broadcast_in_dim3A_776 : i32 to vector<16xi32>
            %gather3A_778 = tpu.vector_load_idx %arg12[%broadcast_in_dim3A_777] : memref<64xf32, #tpu.memory_space<vmem>>[vector<16xi32>], vector<16xf32>,
            tpu.vector_store_idx %arg11[%add3A_669, %broadcast_in_dim3A_777], %gather3A_778 masked %eq3A_652 : memref<512x64xf32, #tpu.memory_space<vmem>>[vector<16xi32>, vector<16xi32>], vector<16xf32>, vector<16xi1>
            %broadcast_in_dim3A_779 = arith.constant 37 : i32
            %broadcast_in_dim3A_780 = vector.broadcast %broadcast_in_dim3A_779 : i32 to vector<16xi32>
            %gather3A_781 = tpu.vector_load_idx %arg12[%broadcast_in_dim3A_780] : memref<64xf32, #tpu.memory_space<vmem>>[vector<16xi32>], vector<16xf32>,
            tpu.vector_store_idx %arg11[%add3A_669, %broadcast_in_dim3A_780], %gather3A_781 masked %eq3A_652 : memref<512x64xf32, #tpu.memory_space<vmem>>[vector<16xi32>, vector<16xi32>], vector<16xf32>, vector<16xi1>
            %broadcast_in_dim3A_782 = arith.constant 38 : i32
            %broadcast_in_dim3A_783 = vector.broadcast %broadcast_in_dim3A_782 : i32 to vector<16xi32>
            %gather3A_784 = tpu.vector_load_idx %arg12[%broadcast_in_dim3A_783] : memref<64xf32, #tpu.memory_space<vmem>>[vector<16xi32>], vector<16xf32>,
            tpu.vector_store_idx %arg11[%add3A_669, %broadcast_in_dim3A_783], %gather3A_784 masked %eq3A_652 : memref<512x64xf32, #tpu.memory_space<vmem>>[vector<16xi32>, vector<16xi32>], vector<16xf32>, vector<16xi1>
            %broadcast_in_dim3A_785 = arith.constant 39 : i32
            %broadcast_in_dim3A_786 = vector.broadcast %broadcast_in_dim3A_785 : i32 to vector<16xi32>
            %gather3A_787 = tpu.vector_load_idx %arg12[%broadcast_in_dim3A_786] : memref<64xf32, #tpu.memory_space<vmem>>[vector<16xi32>], vector<16xf32>,
            tpu.vector_store_idx %arg11[%add3A_669, %broadcast_in_dim3A_786], %gather3A_787 masked %eq3A_652 : memref<512x64xf32, #tpu.memory_space<vmem>>[vector<16xi32>, vector<16xi32>], vector<16xf32>, vector<16xi1>
            %broadcast_in_dim3A_788 = arith.constant 40 : i32
            %broadcast_in_dim3A_789 = vector.broadcast %broadcast_in_dim3A_788 : i32 to vector<16xi32>
            %gather3A_790 = tpu.vector_load_idx %arg12[%broadcast_in_dim3A_789] : memref<64xf32, #tpu.memory_space<vmem>>[vector<16xi32>], vector<16xf32>,
            tpu.vector_store_idx %arg11[%add3A_669, %broadcast_in_dim3A_789], %gather3A_790 masked %eq3A_652 : memref<512x64xf32, #tpu.memory_space<vmem>>[vector<16xi32>, vector<16xi32>], vector<16xf32>, vector<16xi1>
            %broadcast_in_dim3A_791 = arith.constant 41 : i32
            %broadcast_in_dim3A_792 = vector.broadcast %broadcast_in_dim3A_791 : i32 to vector<16xi32>
            %gather3A_793 = tpu.vector_load_idx %arg12[%broadcast_in_dim3A_792] : memref<64xf32, #tpu.memory_space<vmem>>[vector<16xi32>], vector<16xf32>,
            tpu.vector_store_idx %arg11[%add3A_669, %broadcast_in_dim3A_792], %gather3A_793 masked %eq3A_652 : memref<512x64xf32, #tpu.memory_space<vmem>>[vector<16xi32>, vector<16xi32>], vector<16xf32>, vector<16xi1>
            %broadcast_in_dim3A_794 = arith.constant 42 : i32
            %broadcast_in_dim3A_795 = vector.broadcast %broadcast_in_dim3A_794 : i32 to vector<16xi32>
            %gather3A_796 = tpu.vector_load_idx %arg12[%broadcast_in_dim3A_795] : memref<64xf32, #tpu.memory_space<vmem>>[vector<16xi32>], vector<16xf32>,
            tpu.vector_store_idx %arg11[%add3A_669, %broadcast_in_dim3A_795], %gather3A_796 masked %eq3A_652 : memref<512x64xf32, #tpu.memory_space<vmem>>[vector<16xi32>, vector<16xi32>], vector<16xf32>, vector<16xi1>
            %broadcast_in_dim3A_797 = arith.constant 43 : i32
            %broadcast_in_dim3A_798 = vector.broadcast %broadcast_in_dim3A_797 : i32 to vector<16xi32>
            %gather3A_799 = tpu.vector_load_idx %arg12[%broadcast_in_dim3A_798] : memref<64xf32, #tpu.memory_space<vmem>>[vector<16xi32>], vector<16xf32>,
            tpu.vector_store_idx %arg11[%add3A_669, %broadcast_in_dim3A_798], %gather3A_799 masked %eq3A_652 : memref<512x64xf32, #tpu.memory_space<vmem>>[vector<16xi32>, vector<16xi32>], vector<16xf32>, vector<16xi1>
            %broadcast_in_dim3A_800 = arith.constant 44 : i32
            %broadcast_in_dim3A_801 = vector.broadcast %broadcast_in_dim3A_800 : i32 to vector<16xi32>
            %gather3A_802 = tpu.vector_load_idx %arg12[%broadcast_in_dim3A_801] : memref<64xf32, #tpu.memory_space<vmem>>[vector<16xi32>], vector<16xf32>,
            tpu.vector_store_idx %arg11[%add3A_669, %broadcast_in_dim3A_801], %gather3A_802 masked %eq3A_652 : memref<512x64xf32, #tpu.memory_space<vmem>>[vector<16xi32>, vector<16xi32>], vector<16xf32>, vector<16xi1>
            %broadcast_in_dim3A_803 = arith.constant 45 : i32
            %broadcast_in_dim3A_804 = vector.broadcast %broadcast_in_dim3A_803 : i32 to vector<16xi32>
            %gather3A_805 = tpu.vector_load_idx %arg12[%broadcast_in_dim3A_804] : memref<64xf32, #tpu.memory_space<vmem>>[vector<16xi32>], vector<16xf32>,
            tpu.vector_store_idx %arg11[%add3A_669, %broadcast_in_dim3A_804], %gather3A_805 masked %eq3A_652 : memref<512x64xf32, #tpu.memory_space<vmem>>[vector<16xi32>, vector<16xi32>], vector<16xf32>, vector<16xi1>
            %broadcast_in_dim3A_806 = arith.constant 46 : i32
            %broadcast_in_dim3A_807 = vector.broadcast %broadcast_in_dim3A_806 : i32 to vector<16xi32>
            %gather3A_808 = tpu.vector_load_idx %arg12[%broadcast_in_dim3A_807] : memref<64xf32, #tpu.memory_space<vmem>>[vector<16xi32>], vector<16xf32>,
            tpu.vector_store_idx %arg11[%add3A_669, %broadcast_in_dim3A_807], %gather3A_808 masked %eq3A_652 : memref<512x64xf32, #tpu.memory_space<vmem>>[vector<16xi32>, vector<16xi32>], vector<16xf32>, vector<16xi1>
            %broadcast_in_dim3A_809 = arith.constant 47 : i32
            %broadcast_in_dim3A_810 = vector.broadcast %broadcast_in_dim3A_809 : i32 to vector<16xi32>
            %gather3A_811 = tpu.vector_load_idx %arg12[%broadcast_in_dim3A_810] : memref<64xf32, #tpu.memory_space<vmem>>[vector<16xi32>], vector<16xf32>,
            tpu.vector_store_idx %arg11[%add3A_669, %broadcast_in_dim3A_810], %gather3A_811 masked %eq3A_652 : memref<512x64xf32, #tpu.memory_space<vmem>>[vector<16xi32>, vector<16xi32>], vector<16xf32>, vector<16xi1>
            %broadcast_in_dim3A_812 = arith.constant 48 : i32
            %broadcast_in_dim3A_813 = vector.broadcast %broadcast_in_dim3A_812 : i32 to vector<16xi32>
            %gather3A_814 = tpu.vector_load_idx %arg12[%broadcast_in_dim3A_813] : memref<64xf32, #tpu.memory_space<vmem>>[vector<16xi32>], vector<16xf32>,
            tpu.vector_store_idx %arg11[%add3A_669, %broadcast_in_dim3A_813], %gather3A_814 masked %eq3A_652 : memref<512x64xf32, #tpu.memory_space<vmem>>[vector<16xi32>, vector<16xi32>], vector<16xf32>, vector<16xi1>
            %broadcast_in_dim3A_815 = arith.constant 49 : i32
            %broadcast_in_dim3A_816 = vector.broadcast %broadcast_in_dim3A_815 : i32 to vector<16xi32>
            %gather3A_817 = tpu.vector_load_idx %arg12[%broadcast_in_dim3A_816] : memref<64xf32, #tpu.memory_space<vmem>>[vector<16xi32>], vector<16xf32>,
            tpu.vector_store_idx %arg11[%add3A_669, %broadcast_in_dim3A_816], %gather3A_817 masked %eq3A_652 : memref<512x64xf32, #tpu.memory_space<vmem>>[vector<16xi32>, vector<16xi32>], vector<16xf32>, vector<16xi1>
            %broadcast_in_dim3A_818 = arith.constant 50 : i32
            %broadcast_in_dim3A_819 = vector.broadcast %broadcast_in_dim3A_818 : i32 to vector<16xi32>
            %gather3A_820 = tpu.vector_load_idx %arg12[%broadcast_in_dim3A_819] : memref<64xf32, #tpu.memory_space<vmem>>[vector<16xi32>], vector<16xf32>,
            tpu.vector_store_idx %arg11[%add3A_669, %broadcast_in_dim3A_819], %gather3A_820 masked %eq3A_652 : memref<512x64xf32, #tpu.memory_space<vmem>>[vector<16xi32>, vector<16xi32>], vector<16xf32>, vector<16xi1>
            %broadcast_in_dim3A_821 = arith.constant 51 : i32
            %broadcast_in_dim3A_822 = vector.broadcast %broadcast_in_dim3A_821 : i32 to vector<16xi32>
            %gather3A_823 = tpu.vector_load_idx %arg12[%broadcast_in_dim3A_822] : memref<64xf32, #tpu.memory_space<vmem>>[vector<16xi32>], vector<16xf32>,
            tpu.vector_store_idx %arg11[%add3A_669, %broadcast_in_dim3A_822], %gather3A_823 masked %eq3A_652 : memref<512x64xf32, #tpu.memory_space<vmem>>[vector<16xi32>, vector<16xi32>], vector<16xf32>, vector<16xi1>
            %broadcast_in_dim3A_824 = arith.constant 52 : i32
            %broadcast_in_dim3A_825 = vector.broadcast %broadcast_in_dim3A_824 : i32 to vector<16xi32>
            %gather3A_826 = tpu.vector_load_idx %arg12[%broadcast_in_dim3A_825] : memref<64xf32, #tpu.memory_space<vmem>>[vector<16xi32>], vector<16xf32>,
            tpu.vector_store_idx %arg11[%add3A_669, %broadcast_in_dim3A_825], %gather3A_826 masked %eq3A_652 : memref<512x64xf32, #tpu.memory_space<vmem>>[vector<16xi32>, vector<16xi32>], vector<16xf32>, vector<16xi1>
            %broadcast_in_dim3A_827 = arith.constant 53 : i32
            %broadcast_in_dim3A_828 = vector.broadcast %broadcast_in_dim3A_827 : i32 to vector<16xi32>
            %gather3A_829 = tpu.vector_load_idx %arg12[%broadcast_in_dim3A_828] : memref<64xf32, #tpu.memory_space<vmem>>[vector<16xi32>], vector<16xf32>,
            tpu.vector_store_idx %arg11[%add3A_669, %broadcast_in_dim3A_828], %gather3A_829 masked %eq3A_652 : memref<512x64xf32, #tpu.memory_space<vmem>>[vector<16xi32>, vector<16xi32>], vector<16xf32>, vector<16xi1>
            %broadcast_in_dim3A_830 = arith.constant 54 : i32
            %broadcast_in_dim3A_831 = vector.broadcast %broadcast_in_dim3A_830 : i32 to vector<16xi32>
            %gather3A_832 = tpu.vector_load_idx %arg12[%broadcast_in_dim3A_831] : memref<64xf32, #tpu.memory_space<vmem>>[vector<16xi32>], vector<16xf32>,
            tpu.vector_store_idx %arg11[%add3A_669, %broadcast_in_dim3A_831], %gather3A_832 masked %eq3A_652 : memref<512x64xf32, #tpu.memory_space<vmem>>[vector<16xi32>, vector<16xi32>], vector<16xf32>, vector<16xi1>
            %broadcast_in_dim3A_833 = arith.constant 55 : i32
            %broadcast_in_dim3A_834 = vector.broadcast %broadcast_in_dim3A_833 : i32 to vector<16xi32>
            %gather3A_835 = tpu.vector_load_idx %arg12[%broadcast_in_dim3A_834] : memref<64xf32, #tpu.memory_space<vmem>>[vector<16xi32>], vector<16xf32>,
            tpu.vector_store_idx %arg11[%add3A_669, %broadcast_in_dim3A_834], %gather3A_835 masked %eq3A_652 : memref<512x64xf32, #tpu.memory_space<vmem>>[vector<16xi32>, vector<16xi32>], vector<16xf32>, vector<16xi1>
            %broadcast_in_dim3A_836 = arith.constant 56 : i32
            %broadcast_in_dim3A_837 = vector.broadcast %broadcast_in_dim3A_836 : i32 to vector<16xi32>
            %gather3A_838 = tpu.vector_load_idx %arg12[%broadcast_in_dim3A_837] : memref<64xf32, #tpu.memory_space<vmem>>[vector<16xi32>], vector<16xf32>,
            tpu.vector_store_idx %arg11[%add3A_669, %broadcast_in_dim3A_837], %gather3A_838 masked %eq3A_652 : memref<512x64xf32, #tpu.memory_space<vmem>>[vector<16xi32>, vector<16xi32>], vector<16xf32>, vector<16xi1>
            %broadcast_in_dim3A_839 = arith.constant 57 : i32
            %broadcast_in_dim3A_840 = vector.broadcast %broadcast_in_dim3A_839 : i32 to vector<16xi32>
            %gather3A_841 = tpu.vector_load_idx %arg12[%broadcast_in_dim3A_840] : memref<64xf32, #tpu.memory_space<vmem>>[vector<16xi32>], vector<16xf32>,
            tpu.vector_store_idx %arg11[%add3A_669, %broadcast_in_dim3A_840], %gather3A_841 masked %eq3A_652 : memref<512x64xf32, #tpu.memory_space<vmem>>[vector<16xi32>, vector<16xi32>], vector<16xf32>, vector<16xi1>
            %broadcast_in_dim3A_842 = arith.constant 58 : i32
            %broadcast_in_dim3A_843 = vector.broadcast %broadcast_in_dim3A_842 : i32 to vector<16xi32>
            %gather3A_844 = tpu.vector_load_idx %arg12[%broadcast_in_dim3A_843] : memref<64xf32, #tpu.memory_space<vmem>>[vector<16xi32>], vector<16xf32>,
            tpu.vector_store_idx %arg11[%add3A_669, %broadcast_in_dim3A_843], %gather3A_844 masked %eq3A_652 : memref<512x64xf32, #tpu.memory_space<vmem>>[vector<16xi32>, vector<16xi32>], vector<16xf32>, vector<16xi1>
            %broadcast_in_dim3A_845 = arith.constant 59 : i32
            %broadcast_in_dim3A_846 = vector.broadcast %broadcast_in_dim3A_845 : i32 to vector<16xi32>
            %gather3A_847 = tpu.vector_load_idx %arg12[%broadcast_in_dim3A_846] : memref<64xf32, #tpu.memory_space<vmem>>[vector<16xi32>], vector<16xf32>,
            tpu.vector_store_idx %arg11[%add3A_669, %broadcast_in_dim3A_846], %gather3A_847 masked %eq3A_652 : memref<512x64xf32, #tpu.memory_space<vmem>>[vector<16xi32>, vector<16xi32>], vector<16xf32>, vector<16xi1>
            %broadcast_in_dim3A_848 = arith.constant 60 : i32
            %broadcast_in_dim3A_849 = vector.broadcast %broadcast_in_dim3A_848 : i32 to vector<16xi32>
            %gather3A_850 = tpu.vector_load_idx %arg12[%broadcast_in_dim3A_849] : memref<64xf32, #tpu.memory_space<vmem>>[vector<16xi32>], vector<16xf32>,
            tpu.vector_store_idx %arg11[%add3A_669, %broadcast_in_dim3A_849], %gather3A_850 masked %eq3A_652 : memref<512x64xf32, #tpu.memory_space<vmem>>[vector<16xi32>, vector<16xi32>], vector<16xf32>, vector<16xi1>
            %broadcast_in_dim3A_851 = arith.constant 61 : i32
            %broadcast_in_dim3A_852 = vector.broadcast %broadcast_in_dim3A_851 : i32 to vector<16xi32>
            %gather3A_853 = tpu.vector_load_idx %arg12[%broadcast_in_dim3A_852] : memref<64xf32, #tpu.memory_space<vmem>>[vector<16xi32>], vector<16xf32>,
            tpu.vector_store_idx %arg11[%add3A_669, %broadcast_in_dim3A_852], %gather3A_853 masked %eq3A_652 : memref<512x64xf32, #tpu.memory_space<vmem>>[vector<16xi32>, vector<16xi32>], vector<16xf32>, vector<16xi1>
            %broadcast_in_dim3A_854 = arith.constant 62 : i32
            %broadcast_in_dim3A_855 = vector.broadcast %broadcast_in_dim3A_854 : i32 to vector<16xi32>
            %gather3A_856 = tpu.vector_load_idx %arg12[%broadcast_in_dim3A_855] : memref<64xf32, #tpu.memory_space<vmem>>[vector<16xi32>], vector<16xf32>,
            tpu.vector_store_idx %arg11[%add3A_669, %broadcast_in_dim3A_855], %gather3A_856 masked %eq3A_652 : memref<512x64xf32, #tpu.memory_space<vmem>>[vector<16xi32>, vector<16xi32>], vector<16xf32>, vector<16xi1>
            %broadcast_in_dim3A_857 = arith.constant 63 : i32
            %broadcast_in_dim3A_858 = vector.broadcast %broadcast_in_dim3A_857 : i32 to vector<16xi32>
            %gather3A_859 = tpu.vector_load_idx %arg12[%broadcast_in_dim3A_858] : memref<64xf32, #tpu.memory_space<vmem>>[vector<16xi32>], vector<16xf32>,
            tpu.vector_store_idx %arg11[%add3A_669, %broadcast_in_dim3A_858], %gather3A_859 masked %eq3A_652 : memref<512x64xf32, #tpu.memory_space<vmem>>[vector<16xi32>, vector<16xi32>], vector<16xf32>, vector<16xi1>
          } else {
          }
        }
        %scan3A_645 = arith.constant 32 : i32
      } else {
      }
      %mul3A_597 = arith.constant 512 : i32
      %mul3A_598 = arith.muli %add3A_561, %mul3A_597 : i32
      %add3A_599 = arith.addi %mul3A_2, %mul3A_598 : i32
      %jit3A_600 = arith.constant 4096 : i32
      %div3A_601 = arith.divsi %add3A_599, %jit3A_600 : i32
      %sign3A_602 = arith.constant 0 : i32
      %sign3A_603 = arith.cmpi sgt, %add3A_599, %sign3A_602 : i32
      %sign3A_604 = arith.extui %sign3A_603 : i1 to i32
      %sign3A_605 = arith.constant 0 : i32
      %sign3A_606 = arith.cmpi slt, %add3A_599, %sign3A_605 : i32
      %sign3A_607 = arith.extui %sign3A_606 : i1 to i32
      %sign3A_608 = arith.subi %sign3A_604, %sign3A_607 : i32
      %sign3A_609 = arith.constant 0 : i32
      %sign3A_610 = arith.cmpi sgt, %jit3A_600, %sign3A_609 : i32
      %sign3A_611 = arith.extui %sign3A_610 : i1 to i32
      %sign3A_612 = arith.constant 0 : i32
      %sign3A_613 = arith.cmpi slt, %jit3A_600, %sign3A_612 : i32
      %sign3A_614 = arith.extui %sign3A_613 : i1 to i32
      %sign3A_615 = arith.subi %sign3A_611, %sign3A_614 : i32
      %ne3A_616 = arith.cmpi ne, %sign3A_608, %sign3A_615 : i32
      %rem3A_617 = arith.remsi %add3A_599, %jit3A_600 : i32
      %ne3A_618 = arith.constant 0 : i32
      %ne3A_619 = arith.cmpi ne, %rem3A_617, %ne3A_618 : i32
      %and3A_620 = arith.andi %ne3A_616, %ne3A_619 : i1
      %sub3A_621 = arith.constant 1 : i32
      %sub3A_622 = arith.subi %div3A_601, %sub3A_621 : i32
      %select_n3A_623 = arith.select %and3A_620, %sub3A_622, %div3A_601 : i32
      %jit3A_624 = arith.constant 4096 : i32
      %eq3A_625 = arith.constant 0 : i32
      %eq3A_626 = arith.cmpi eq, %jit3A_624, %eq3A_625 : i32
      %jit3A_627 = arith.constant 1 : i32
      %select_n3A_628 = arith.select %eq3A_626, %jit3A_627, %jit3A_624 : i32
      %rem3A_629 = arith.remsi %add3A_599, %select_n3A_628 : i32
      %ne3A_630 = arith.constant 0 : i32
      %ne3A_631 = arith.cmpi ne, %rem3A_629, %ne3A_630 : i32
      %lt3A_632 = arith.constant 0 : i32
      %lt3A_633 = arith.cmpi slt, %rem3A_629, %lt3A_632 : i32
      %lt3A_634 = arith.constant 0 : i32
      %lt3A_635 = arith.cmpi slt, %select_n3A_628, %lt3A_634 : i32
      %ne3A_636 = arith.xori %lt3A_633, %lt3A_635 : i1
      %and3A_637 = arith.andi %ne3A_636, %ne3A_631 : i1
      %add3A_638 = arith.addi %rem3A_629, %select_n3A_628 : i32
      %select_n3A_639 = arith.select %and3A_637, %add3A_638, %rem3A_629 : i32
      "tpu.region"() ({
        %run_scoped3A = tpu.sem_alloc : memref<!tpu.dma_semaphore, #tpu.memory_space<semaphore_mem>>
        %dma_start3A_640 = arith.constant 0 : i32
        %dma_start3A_641 = tpu.memref_slice %arg5[%select_n3A_623, %select_n3A_639, %dma_start3A_640] : memref<200x4096x64xf32, #tpu.memory_space<hbm>> -> memref<1x512x64xf32, #tpu.memory_space<hbm>>
        %dma_start3A_642 = tpu.memref_squeeze %dma_start3A_641 : memref<1x512x64xf32, #tpu.memory_space<hbm>> -> memref<512x64xf32, #tpu.memory_space<hbm>>
        %dma_start3A_643 = arith.constant 0 : i32
        %dma_start3A_644 = tpu.memref_slice %arg5[%select_n3A_623, %select_n3A_639, %dma_start3A_643] : memref<200x4096x64xf32, #tpu.memory_space<hbm>> -> memref<1x512x64xf32, #tpu.memory_space<hbm>>
        %dma_start3A_645 = tpu.memref_squeeze %dma_start3A_644 : memref<1x512x64xf32, #tpu.memory_space<hbm>> -> memref<512x64xf32, #tpu.memory_space<hbm>>
        tpu.enqueue_dma source(%arg11 : memref<512x64xf32, #tpu.memory_space<vmem>>) target(%dma_start3A_645 : memref<512x64xf32, #tpu.memory_space<hbm>>) target_semaphore(%run_scoped3A : memref<!tpu.dma_semaphore, #tpu.memory_space<semaphore_mem>>)
        %dma_wait3A_646 = arith.constant 0 : i32
        %dma_wait3A_647 = tpu.memref_slice %arg5[%select_n3A_623, %select_n3A_639, %dma_wait3A_646] : memref<200x4096x64xf32, #tpu.memory_space<hbm>> -> memref<1x512x64xf32, #tpu.memory_space<hbm>>
        %dma_wait3A_648 = tpu.memref_squeeze %dma_wait3A_647 : memref<1x512x64xf32, #tpu.memory_space<hbm>> -> memref<512x64xf32, #tpu.memory_space<hbm>>
        %dma_wait3A_649 = arith.constant 0 : i32
        %dma_wait3A_650 = tpu.memref_slice %arg5[%select_n3A_623, %select_n3A_639, %dma_wait3A_649] : memref<200x4096x64xf32, #tpu.memory_space<hbm>> -> memref<1x512x64xf32, #tpu.memory_space<hbm>>
        %dma_wait3A_651 = tpu.memref_squeeze %dma_wait3A_650 : memref<1x512x64xf32, #tpu.memory_space<hbm>> -> memref<512x64xf32, #tpu.memory_space<hbm>>
        tpu.wait_dma2 semaphore(%run_scoped3A : memref<!tpu.dma_semaphore, #tpu.memory_space<semaphore_mem>>) src(%arg11 : memref<512x64xf32, #tpu.memory_space<vmem>>) dst(%dma_wait3A_651 : memref<512x64xf32, #tpu.memory_space<hbm>>)
        tpu.yield
      }) : () -> ()
      scf.yield %scan3A_526 : i1
    }
    %scan3A_77 = arith.constant 24 : i32
    %add3A_78 = arith.constant 25088 : i32
    %add3A_79 = arith.addi %mul3A_2, %add3A_78 : i32
    %jit3A_80 = arith.constant 4096 : i32
    %div3A_81 = arith.divsi %add3A_79, %jit3A_80 : i32
    %sign3A_82 = arith.constant 0 : i32
    %sign3A_83 = arith.cmpi sgt, %add3A_79, %sign3A_82 : i32
    %sign3A_84 = arith.extui %sign3A_83 : i1 to i32
    %sign3A_85 = arith.constant 0 : i32
    %sign3A_86 = arith.cmpi slt, %add3A_79, %sign3A_85 : i32
    %sign3A_87 = arith.extui %sign3A_86 : i1 to i32
    %sign3A_88 = arith.subi %sign3A_84, %sign3A_87 : i32
    %sign3A_89 = arith.constant 0 : i32
    %sign3A_90 = arith.cmpi sgt, %jit3A_80, %sign3A_89 : i32
    %sign3A_91 = arith.extui %sign3A_90 : i1 to i32
    %sign3A_92 = arith.constant 0 : i32
    %sign3A_93 = arith.cmpi slt, %jit3A_80, %sign3A_92 : i32
    %sign3A_94 = arith.extui %sign3A_93 : i1 to i32
    %sign3A_95 = arith.subi %sign3A_91, %sign3A_94 : i32
    %ne3A_96 = arith.cmpi ne, %sign3A_88, %sign3A_95 : i32
    %rem3A_97 = arith.remsi %add3A_79, %jit3A_80 : i32
    %ne3A_98 = arith.constant 0 : i32
    %ne3A_99 = arith.cmpi ne, %rem3A_97, %ne3A_98 : i32
    %and3A_100 = arith.andi %ne3A_96, %ne3A_99 : i1
    %sub3A_101 = arith.constant 1 : i32
    %sub3A_102 = arith.subi %div3A_81, %sub3A_101 : i32
    %select_n3A_103 = arith.select %and3A_100, %sub3A_102, %div3A_81 : i32
    %jit3A_104 = arith.constant 4096 : i32
    %eq3A_105 = arith.constant 0 : i32
    %eq3A_106 = arith.cmpi eq, %jit3A_104, %eq3A_105 : i32
    %jit3A_107 = arith.constant 1 : i32
    %select_n3A_108 = arith.select %eq3A_106, %jit3A_107, %jit3A_104 : i32
    %rem3A_109 = arith.remsi %add3A_79, %select_n3A_108 : i32
    %ne3A_110 = arith.constant 0 : i32
    %ne3A_111 = arith.cmpi ne, %rem3A_109, %ne3A_110 : i32
    %lt3A_112 = arith.constant 0 : i32
    %lt3A_113 = arith.cmpi slt, %rem3A_109, %lt3A_112 : i32
    %lt3A_114 = arith.constant 0 : i32
    %lt3A_115 = arith.cmpi slt, %select_n3A_108, %lt3A_114 : i32
    %ne3A_116 = arith.xori %lt3A_113, %lt3A_115 : i1
    %and3A_117 = arith.andi %ne3A_116, %ne3A_111 : i1
    %add3A_118 = arith.addi %rem3A_109, %select_n3A_108 : i32
    %select_n3A_119 = arith.select %and3A_117, %add3A_118, %rem3A_109 : i32
    "tpu.region"() ({
      %run_scoped3A = tpu.sem_alloc : memref<!tpu.dma_semaphore, #tpu.memory_space<semaphore_mem>>
      %dma_start3A_310 = tpu.memref_slice %arg3[%select_n3A_103, %select_n3A_119] : memref<200x4096xi32, #tpu.memory_space<hbm>> -> memref<1x512xi32, #tpu.memory_space<hbm>>
      %dma_start3A_311 = tpu.memref_squeeze %dma_start3A_310 : memref<1x512xi32, #tpu.memory_space<hbm>> -> memref<512xi32, #tpu.memory_space<hbm>>
      %dma_start3A_312 = tpu.memref_slice %arg3[%select_n3A_103, %select_n3A_119] : memref<200x4096xi32, #tpu.memory_space<hbm>> -> memref<1x512xi32, #tpu.memory_space<hbm>>
      %dma_start3A_313 = tpu.memref_squeeze %dma_start3A_312 : memref<1x512xi32, #tpu.memory_space<hbm>> -> memref<512xi32, #tpu.memory_space<hbm>>
      tpu.enqueue_dma source(%dma_start3A_313 : memref<512xi32, #tpu.memory_space<hbm>>) target(%arg9 : memref<512xi32, #tpu.memory_space<vmem>>) target_semaphore(%run_scoped3A : memref<!tpu.dma_semaphore, #tpu.memory_space<semaphore_mem>>)
      %dma_wait3A_314 = tpu.memref_slice %arg3[%select_n3A_103, %select_n3A_119] : memref<200x4096xi32, #tpu.memory_space<hbm>> -> memref<1x512xi32, #tpu.memory_space<hbm>>
      %dma_wait3A_315 = tpu.memref_squeeze %dma_wait3A_314 : memref<1x512xi32, #tpu.memory_space<hbm>> -> memref<512xi32, #tpu.memory_space<hbm>>
      %dma_wait3A_316 = tpu.memref_slice %arg3[%select_n3A_103, %select_n3A_119] : memref<200x4096xi32, #tpu.memory_space<hbm>> -> memref<1x512xi32, #tpu.memory_space<hbm>>
      %dma_wait3A_317 = tpu.memref_squeeze %dma_wait3A_316 : memref<1x512xi32, #tpu.memory_space<hbm>> -> memref<512xi32, #tpu.memory_space<hbm>>
      tpu.wait_dma2 semaphore(%run_scoped3A : memref<!tpu.dma_semaphore, #tpu.memory_space<semaphore_mem>>) src(%dma_wait3A_317 : memref<512xi32, #tpu.memory_space<hbm>>) dst(%arg9 : memref<512xi32, #tpu.memory_space<vmem>>)
      tpu.yield
    }) : () -> ()
    %scan3A_120 = arith.constant false
    %scan3A_121 = arith.constant 0 : i32
    %scan3A_122 = arith.constant 32 : i32
    %scan3A_123 = arith.addi %scan3A_121, %scan3A_122 : i32
    %scan3A_124 = arith.constant 1 : i32
    %scan3A_125 = scf.for %scan3A_310 = %scan3A_121 to %scan3A_123 step %scan3A_124 iter_args(%scan3A_311 = %scan3A_120) -> (i1)  : i32 {
      %mul3A_312 = arith.constant 16 : i32
      %mul3A_313 = arith.muli %scan3A_310, %mul3A_312 : i32
      %get3A = arith.index_cast %mul3A_313 : i32 to index
      %get3A_314 = tpu.vector_load %arg9[%get3A] {strides = array<i32>} : memref<512xi32, #tpu.memory_space<vmem>>, vector<16xi32>,
      %eq3A_315 = arith.constant 1000000 : i32
      %eq3A_316 = vector.broadcast %eq3A_315 : i32 to vector<16xi32>
      %eq3A_317 = arith.cmpi eq, %get3A_314, %eq3A_316 : vector<16xi32>
      %jit3A_318 = arith.constant 0 : i32
      %broadcast_in_dim3A = vector.broadcast %jit3A_318 : i32 to vector<16xi32>
      %select_n3A_319 = arith.select %eq3A_317, %broadcast_in_dim3A, %get3A_314 : vector<16xi1>, vector<16xi32>
      %mul3A_320 = arith.constant 16 : i32
      %mul3A_321 = arith.muli %scan3A_310, %mul3A_320 : i32
      %swap3A = arith.index_cast %mul3A_321 : i32 to index
      %swap3A_322 = tpu.vector_load %arg10[%swap3A] {strides = array<i32>} : memref<512xi32, #tpu.memory_space<vmem>>, vector<16xi32>,
      tpu.vector_store %arg10[%swap3A], %select_n3A_319 {strides = array<i32>} : memref<512xi32, #tpu.memory_space<vmem>>, vector<16xi32>,
      %reduce_or3A = arith.constant 1.000000e+00 : f32
      %reduce_or3A_323 = arith.constant 0.000000e+00 : f32
      %reduce_or3A_324 = vector.broadcast %reduce_or3A : f32 to vector<16xf32>
      %reduce_or3A_325 = vector.broadcast %reduce_or3A_323 : f32 to vector<16xf32>
      %reduce_or3A_326 = arith.select %eq3A_317, %reduce_or3A_324, %reduce_or3A_325 : vector<16xi1>, vector<16xf32>
      %reduce_or3A_327 = arith.constant true
      %reduce_or3A_328 = vector.broadcast %reduce_or3A_327 : i1 to vector<16xi1>
      %reduce_or3A_329 = tpu.scan <max>, %reduce_or3A_326 masked %reduce_or3A_328 : vector<16xf32>, vector<16xi1> -> vector<16xf32>
      %reduce_or3A_330 = vector.extract %reduce_or3A_329[15] : f32 from vector<16xf32>
      %reduce_or3A_331 = arith.constant 0.000000e+00 : f32
      %reduce_or3A_332 = arith.cmpf ogt, %reduce_or3A_330, %reduce_or3A_331 : f32
      %or3A = arith.ori %scan3A_311, %reduce_or3A_332 : i1
      scf.yield %or3A : i1
    }
    %scan3A_126 = arith.constant 32 : i32
    %dma_start3A_127 = arith.constant 0 : i32
    %dma_start3A_128 = arith.constant 0 : i32
    %dma_start3A_129 = tpu.memref_slice %arg11[%dma_start3A_127, %dma_start3A_128] : memref<512x64xf32, #tpu.memory_space<vmem>> -> memref<128x64xf32, #tpu.memory_space<vmem>>
    %dma_start3A_130 = arith.constant 0 : i32
    %dma_start3A_131 = tpu.memref_slice %arg10[%dma_start3A_130] : memref<512xi32, #tpu.memory_space<vmem>> -> memref<128xi32, #tpu.memory_space<vmem>>
    %dma_start3A_132 = arith.constant 0 : i32
    %dma_start3A_133 = arith.constant 0 : i32
    %dma_start3A_134 = tpu.memref_slice %arg2[%dma_start3A_132, %dma_start3A_133] : memref<1000000x64xf32, #tpu.memory_space<hbm>> -> memref<1000000x64xf32, #tpu.memory_space<hbm>>
    tpu.enqueue_indirect_dma source(%dma_start3A_134 : memref<1000000x64xf32, #tpu.memory_space<hbm>>) target(%dma_start3A_129 : memref<128x64xf32, #tpu.memory_space<vmem>>) offsets(%dma_start3A_131 : memref<128xi32, #tpu.memory_space<vmem>>) semaphore(%arg14 : memref<!tpu.dma_semaphore, #tpu.memory_space<semaphore_mem>>)
    %dma_start3A_135 = arith.constant 128 : i32
    %dma_start3A_136 = arith.constant 0 : i32
    %dma_start3A_137 = tpu.memref_slice %arg11[%dma_start3A_135, %dma_start3A_136] : memref<512x64xf32, #tpu.memory_space<vmem>> -> memref<128x64xf32, #tpu.memory_space<vmem>>
    %dma_start3A_138 = arith.constant 128 : i32
    %dma_start3A_139 = tpu.memref_slice %arg10[%dma_start3A_138] : memref<512xi32, #tpu.memory_space<vmem>> -> memref<128xi32, #tpu.memory_space<vmem>>
    %dma_start3A_140 = arith.constant 0 : i32
    %dma_start3A_141 = arith.constant 0 : i32
    %dma_start3A_142 = tpu.memref_slice %arg2[%dma_start3A_140, %dma_start3A_141] : memref<1000000x64xf32, #tpu.memory_space<hbm>> -> memref<1000000x64xf32, #tpu.memory_space<hbm>>
    tpu.enqueue_indirect_dma source(%dma_start3A_142 : memref<1000000x64xf32, #tpu.memory_space<hbm>>) target(%dma_start3A_137 : memref<128x64xf32, #tpu.memory_space<vmem>>) offsets(%dma_start3A_139 : memref<128xi32, #tpu.memory_space<vmem>>) semaphore(%arg14 : memref<!tpu.dma_semaphore, #tpu.memory_space<semaphore_mem>>)
    %dma_start3A_143 = arith.constant 256 : i32
    %dma_start3A_144 = arith.constant 0 : i32
    %dma_start3A_145 = tpu.memref_slice %arg11[%dma_start3A_143, %dma_start3A_144] : memref<512x64xf32, #tpu.memory_space<vmem>> -> memref<128x64xf32, #tpu.memory_space<vmem>>
    %dma_start3A_146 = arith.constant 256 : i32
    %dma_start3A_147 = tpu.memref_slice %arg10[%dma_start3A_146] : memref<512xi32, #tpu.memory_space<vmem>> -> memref<128xi32, #tpu.memory_space<vmem>>
    %dma_start3A_148 = arith.constant 0 : i32
    %dma_start3A_149 = arith.constant 0 : i32
    %dma_start3A_150 = tpu.memref_slice %arg2[%dma_start3A_148, %dma_start3A_149] : memref<1000000x64xf32, #tpu.memory_space<hbm>> -> memref<1000000x64xf32, #tpu.memory_space<hbm>>
    tpu.enqueue_indirect_dma source(%dma_start3A_150 : memref<1000000x64xf32, #tpu.memory_space<hbm>>) target(%dma_start3A_145 : memref<128x64xf32, #tpu.memory_space<vmem>>) offsets(%dma_start3A_147 : memref<128xi32, #tpu.memory_space<vmem>>) semaphore(%arg14 : memref<!tpu.dma_semaphore, #tpu.memory_space<semaphore_mem>>)
    %dma_start3A_151 = arith.constant 384 : i32
    %dma_start3A_152 = arith.constant 0 : i32
    %dma_start3A_153 = tpu.memref_slice %arg11[%dma_start3A_151, %dma_start3A_152] : memref<512x64xf32, #tpu.memory_space<vmem>> -> memref<128x64xf32, #tpu.memory_space<vmem>>
    %dma_start3A_154 = arith.constant 384 : i32
    %dma_start3A_155 = tpu.memref_slice %arg10[%dma_start3A_154] : memref<512xi32, #tpu.memory_space<vmem>> -> memref<128xi32, #tpu.memory_space<vmem>>
    %dma_start3A_156 = arith.constant 0 : i32
    %dma_start3A_157 = arith.constant 0 : i32
    %dma_start3A_158 = tpu.memref_slice %arg2[%dma_start3A_156, %dma_start3A_157] : memref<1000000x64xf32, #tpu.memory_space<hbm>> -> memref<1000000x64xf32, #tpu.memory_space<hbm>>
    tpu.enqueue_indirect_dma source(%dma_start3A_158 : memref<1000000x64xf32, #tpu.memory_space<hbm>>) target(%dma_start3A_153 : memref<128x64xf32, #tpu.memory_space<vmem>>) offsets(%dma_start3A_155 : memref<128xi32, #tpu.memory_space<vmem>>) semaphore(%arg14 : memref<!tpu.dma_semaphore, #tpu.memory_space<semaphore_mem>>)
    %dma_wait3A = arith.constant 0 : i32
    %dma_wait3A_159 = arith.constant 0 : i32
    %dma_wait3A_160 = tpu.memref_slice %arg8[%dma_wait3A, %dma_wait3A_159] : memref<512x64xf32, #tpu.memory_space<vmem>> -> memref<128x64xf32, #tpu.memory_space<vmem>>
    %dma_wait3A_161 = arith.constant 0 : i32
    %dma_wait3A_162 = tpu.memref_slice %arg7[%dma_wait3A_161] : memref<512xi32, #tpu.memory_space<vmem>> -> memref<128xi32, #tpu.memory_space<vmem>>
    %dma_wait3A_163 = arith.constant 0 : i32
    %dma_wait3A_164 = arith.constant 0 : i32
    %dma_wait3A_165 = tpu.memref_slice %arg2[%dma_wait3A_163, %dma_wait3A_164] : memref<1000000x64xf32, #tpu.memory_space<hbm>> -> memref<1000000x64xf32, #tpu.memory_space<hbm>>
    tpu.wait_indirect_dma semaphore(%arg13 : memref<!tpu.dma_semaphore, #tpu.memory_space<semaphore_mem>>) src(%dma_wait3A_165 : memref<1000000x64xf32, #tpu.memory_space<hbm>>) dst(%dma_wait3A_160 : memref<128x64xf32, #tpu.memory_space<vmem>>)
    %dma_wait3A_166 = arith.constant 128 : i32
    %dma_wait3A_167 = arith.constant 0 : i32
    %dma_wait3A_168 = tpu.memref_slice %arg8[%dma_wait3A_166, %dma_wait3A_167] : memref<512x64xf32, #tpu.memory_space<vmem>> -> memref<128x64xf32, #tpu.memory_space<vmem>>
    %dma_wait3A_169 = arith.constant 128 : i32
    %dma_wait3A_170 = tpu.memref_slice %arg7[%dma_wait3A_169] : memref<512xi32, #tpu.memory_space<vmem>> -> memref<128xi32, #tpu.memory_space<vmem>>
    %dma_wait3A_171 = arith.constant 0 : i32
    %dma_wait3A_172 = arith.constant 0 : i32
    %dma_wait3A_173 = tpu.memref_slice %arg2[%dma_wait3A_171, %dma_wait3A_172] : memref<1000000x64xf32, #tpu.memory_space<hbm>> -> memref<1000000x64xf32, #tpu.memory_space<hbm>>
    tpu.wait_indirect_dma semaphore(%arg13 : memref<!tpu.dma_semaphore, #tpu.memory_space<semaphore_mem>>) src(%dma_wait3A_173 : memref<1000000x64xf32, #tpu.memory_space<hbm>>) dst(%dma_wait3A_168 : memref<128x64xf32, #tpu.memory_space<vmem>>)
    %dma_wait3A_174 = arith.constant 256 : i32
    %dma_wait3A_175 = arith.constant 0 : i32
    %dma_wait3A_176 = tpu.memref_slice %arg8[%dma_wait3A_174, %dma_wait3A_175] : memref<512x64xf32, #tpu.memory_space<vmem>> -> memref<128x64xf32, #tpu.memory_space<vmem>>
    %dma_wait3A_177 = arith.constant 256 : i32
    %dma_wait3A_178 = tpu.memref_slice %arg7[%dma_wait3A_177] : memref<512xi32, #tpu.memory_space<vmem>> -> memref<128xi32, #tpu.memory_space<vmem>>
    %dma_wait3A_179 = arith.constant 0 : i32
    %dma_wait3A_180 = arith.constant 0 : i32
    %dma_wait3A_181 = tpu.memref_slice %arg2[%dma_wait3A_179, %dma_wait3A_180] : memref<1000000x64xf32, #tpu.memory_space<hbm>> -> memref<1000000x64xf32, #tpu.memory_space<hbm>>
    tpu.wait_indirect_dma semaphore(%arg13 : memref<!tpu.dma_semaphore, #tpu.memory_space<semaphore_mem>>) src(%dma_wait3A_181 : memref<1000000x64xf32, #tpu.memory_space<hbm>>) dst(%dma_wait3A_176 : memref<128x64xf32, #tpu.memory_space<vmem>>)
    %dma_wait3A_182 = arith.constant 384 : i32
    %dma_wait3A_183 = arith.constant 0 : i32
    %dma_wait3A_184 = tpu.memref_slice %arg8[%dma_wait3A_182, %dma_wait3A_183] : memref<512x64xf32, #tpu.memory_space<vmem>> -> memref<128x64xf32, #tpu.memory_space<vmem>>
    %dma_wait3A_185 = arith.constant 384 : i32
    %dma_wait3A_186 = tpu.memref_slice %arg7[%dma_wait3A_185] : memref<512xi32, #tpu.memory_space<vmem>> -> memref<128xi32, #tpu.memory_space<vmem>>
    %dma_wait3A_187 = arith.constant 0 : i32
    %dma_wait3A_188 = arith.constant 0 : i32
    %dma_wait3A_189 = tpu.memref_slice %arg2[%dma_wait3A_187, %dma_wait3A_188] : memref<1000000x64xf32, #tpu.memory_space<hbm>> -> memref<1000000x64xf32, #tpu.memory_space<hbm>>
    tpu.wait_indirect_dma semaphore(%arg13 : memref<!tpu.dma_semaphore, #tpu.memory_space<semaphore_mem>>) src(%dma_wait3A_189 : memref<1000000x64xf32, #tpu.memory_space<hbm>>) dst(%dma_wait3A_184 : memref<128x64xf32, #tpu.memory_space<vmem>>)
    %convert_element_type3A = arith.extui %scan3A_76 : i1 to i32
    %cond3A = arith.constant 0 : i32
    %cond3A_190 = arith.cmpi ne, %convert_element_type3A, %cond3A : i32
    scf.if %cond3A_190 {
      %scan3A_310 = arith.constant 0 : i32
      %scan3A_311 = arith.constant 0 : i32
      %scan3A_312 = arith.constant 32 : i32
      %scan3A_313 = arith.addi %scan3A_311, %scan3A_312 : i32
      %scan3A_314 = arith.constant 1 : i32
      scf.for %scan3A_316 = %scan3A_311 to %scan3A_313 step %scan3A_314  : i32 {
        %mul3A_317 = arith.constant 16 : i32
        %mul3A_318 = arith.muli %scan3A_316, %mul3A_317 : i32
        %get3A = arith.index_cast %mul3A_318 : i32 to index
        %get3A_319 = tpu.vector_load %arg6[%get3A] {strides = array<i32>} : memref<512xi32, #tpu.memory_space<vmem>>, vector<16xi32>,
        %eq3A_320 = arith.constant 1000000 : i32
        %eq3A_321 = vector.broadcast %eq3A_320 : i32 to vector<16xi32>
        %eq3A_322 = arith.cmpi eq, %get3A_319, %eq3A_321 : vector<16xi32>
        %reduce_or3A = arith.constant 1.000000e+00 : f32
        %reduce_or3A_323 = arith.constant 0.000000e+00 : f32
        %reduce_or3A_324 = vector.broadcast %reduce_or3A : f32 to vector<16xf32>
        %reduce_or3A_325 = vector.broadcast %reduce_or3A_323 : f32 to vector<16xf32>
        %reduce_or3A_326 = arith.select %eq3A_322, %reduce_or3A_324, %reduce_or3A_325 : vector<16xi1>, vector<16xf32>
        %reduce_or3A_327 = arith.constant true
        %reduce_or3A_328 = vector.broadcast %reduce_or3A_327 : i1 to vector<16xi1>
        %reduce_or3A_329 = tpu.scan <max>, %reduce_or3A_326 masked %reduce_or3A_328 : vector<16xf32>, vector<16xi1> -> vector<16xf32>
        %reduce_or3A_330 = vector.extract %reduce_or3A_329[15] : f32 from vector<16xf32>
        %reduce_or3A_331 = arith.constant 0.000000e+00 : f32
        %reduce_or3A_332 = arith.cmpf ogt, %reduce_or3A_330, %reduce_or3A_331 : f32
        %convert_element_type3A_333 = arith.extui %reduce_or3A_332 : i1 to i32
        %cond3A_334 = arith.constant 0 : i32
        %cond3A_335 = arith.cmpi ne, %convert_element_type3A_333, %cond3A_334 : i32
        scf.if %cond3A_335 {
          %mul3A_336 = arith.constant 16 : i32
          %mul3A_337 = arith.muli %scan3A_316, %mul3A_336 : i32
          %iota3A = tpu.iota {dimensions = array<i32: 0>} : vector<16xi32>
          %add3A_338 = vector.broadcast %mul3A_337 : i32 to vector<16xi32>
          %add3A_339 = arith.addi %add3A_338, %iota3A : vector<16xi32>
          %broadcast_in_dim3A = arith.constant 0 : i32
          %broadcast_in_dim3A_340 = vector.broadcast %broadcast_in_dim3A : i32 to vector<16xi32>
          %gather3A = tpu.vector_load_idx %arg12[%broadcast_in_dim3A_340] : memref<64xf32, #tpu.memory_space<vmem>>[vector<16xi32>], vector<16xf32>,
          tpu.vector_store_idx %arg8[%add3A_339, %broadcast_in_dim3A_340], %gather3A masked %eq3A_322 : memref<512x64xf32, #tpu.memory_space<vmem>>[vector<16xi32>, vector<16xi32>], vector<16xf32>, vector<16xi1>
          %broadcast_in_dim3A_341 = arith.constant 1 : i32
          %broadcast_in_dim3A_342 = vector.broadcast %broadcast_in_dim3A_341 : i32 to vector<16xi32>
          %gather3A_343 = tpu.vector_load_idx %arg12[%broadcast_in_dim3A_342] : memref<64xf32, #tpu.memory_space<vmem>>[vector<16xi32>], vector<16xf32>,
          tpu.vector_store_idx %arg8[%add3A_339, %broadcast_in_dim3A_342], %gather3A_343 masked %eq3A_322 : memref<512x64xf32, #tpu.memory_space<vmem>>[vector<16xi32>, vector<16xi32>], vector<16xf32>, vector<16xi1>
          %broadcast_in_dim3A_344 = arith.constant 2 : i32
          %broadcast_in_dim3A_345 = vector.broadcast %broadcast_in_dim3A_344 : i32 to vector<16xi32>
          %gather3A_346 = tpu.vector_load_idx %arg12[%broadcast_in_dim3A_345] : memref<64xf32, #tpu.memory_space<vmem>>[vector<16xi32>], vector<16xf32>,
          tpu.vector_store_idx %arg8[%add3A_339, %broadcast_in_dim3A_345], %gather3A_346 masked %eq3A_322 : memref<512x64xf32, #tpu.memory_space<vmem>>[vector<16xi32>, vector<16xi32>], vector<16xf32>, vector<16xi1>
          %broadcast_in_dim3A_347 = arith.constant 3 : i32
          %broadcast_in_dim3A_348 = vector.broadcast %broadcast_in_dim3A_347 : i32 to vector<16xi32>
          %gather3A_349 = tpu.vector_load_idx %arg12[%broadcast_in_dim3A_348] : memref<64xf32, #tpu.memory_space<vmem>>[vector<16xi32>], vector<16xf32>,
          tpu.vector_store_idx %arg8[%add3A_339, %broadcast_in_dim3A_348], %gather3A_349 masked %eq3A_322 : memref<512x64xf32, #tpu.memory_space<vmem>>[vector<16xi32>, vector<16xi32>], vector<16xf32>, vector<16xi1>
          %broadcast_in_dim3A_350 = arith.constant 4 : i32
          %broadcast_in_dim3A_351 = vector.broadcast %broadcast_in_dim3A_350 : i32 to vector<16xi32>
          %gather3A_352 = tpu.vector_load_idx %arg12[%broadcast_in_dim3A_351] : memref<64xf32, #tpu.memory_space<vmem>>[vector<16xi32>], vector<16xf32>,
          tpu.vector_store_idx %arg8[%add3A_339, %broadcast_in_dim3A_351], %gather3A_352 masked %eq3A_322 : memref<512x64xf32, #tpu.memory_space<vmem>>[vector<16xi32>, vector<16xi32>], vector<16xf32>, vector<16xi1>
          %broadcast_in_dim3A_353 = arith.constant 5 : i32
          %broadcast_in_dim3A_354 = vector.broadcast %broadcast_in_dim3A_353 : i32 to vector<16xi32>
          %gather3A_355 = tpu.vector_load_idx %arg12[%broadcast_in_dim3A_354] : memref<64xf32, #tpu.memory_space<vmem>>[vector<16xi32>], vector<16xf32>,
          tpu.vector_store_idx %arg8[%add3A_339, %broadcast_in_dim3A_354], %gather3A_355 masked %eq3A_322 : memref<512x64xf32, #tpu.memory_space<vmem>>[vector<16xi32>, vector<16xi32>], vector<16xf32>, vector<16xi1>
          %broadcast_in_dim3A_356 = arith.constant 6 : i32
          %broadcast_in_dim3A_357 = vector.broadcast %broadcast_in_dim3A_356 : i32 to vector<16xi32>
          %gather3A_358 = tpu.vector_load_idx %arg12[%broadcast_in_dim3A_357] : memref<64xf32, #tpu.memory_space<vmem>>[vector<16xi32>], vector<16xf32>,
          tpu.vector_store_idx %arg8[%add3A_339, %broadcast_in_dim3A_357], %gather3A_358 masked %eq3A_322 : memref<512x64xf32, #tpu.memory_space<vmem>>[vector<16xi32>, vector<16xi32>], vector<16xf32>, vector<16xi1>
          %broadcast_in_dim3A_359 = arith.constant 7 : i32
          %broadcast_in_dim3A_360 = vector.broadcast %broadcast_in_dim3A_359 : i32 to vector<16xi32>
          %gather3A_361 = tpu.vector_load_idx %arg12[%broadcast_in_dim3A_360] : memref<64xf32, #tpu.memory_space<vmem>>[vector<16xi32>], vector<16xf32>,
          tpu.vector_store_idx %arg8[%add3A_339, %broadcast_in_dim3A_360], %gather3A_361 masked %eq3A_322 : memref<512x64xf32, #tpu.memory_space<vmem>>[vector<16xi32>, vector<16xi32>], vector<16xf32>, vector<16xi1>
          %broadcast_in_dim3A_362 = arith.constant 8 : i32
          %broadcast_in_dim3A_363 = vector.broadcast %broadcast_in_dim3A_362 : i32 to vector<16xi32>
          %gather3A_364 = tpu.vector_load_idx %arg12[%broadcast_in_dim3A_363] : memref<64xf32, #tpu.memory_space<vmem>>[vector<16xi32>], vector<16xf32>,
          tpu.vector_store_idx %arg8[%add3A_339, %broadcast_in_dim3A_363], %gather3A_364 masked %eq3A_322 : memref<512x64xf32, #tpu.memory_space<vmem>>[vector<16xi32>, vector<16xi32>], vector<16xf32>, vector<16xi1>
          %broadcast_in_dim3A_365 = arith.constant 9 : i32
          %broadcast_in_dim3A_366 = vector.broadcast %broadcast_in_dim3A_365 : i32 to vector<16xi32>
          %gather3A_367 = tpu.vector_load_idx %arg12[%broadcast_in_dim3A_366] : memref<64xf32, #tpu.memory_space<vmem>>[vector<16xi32>], vector<16xf32>,
          tpu.vector_store_idx %arg8[%add3A_339, %broadcast_in_dim3A_366], %gather3A_367 masked %eq3A_322 : memref<512x64xf32, #tpu.memory_space<vmem>>[vector<16xi32>, vector<16xi32>], vector<16xf32>, vector<16xi1>
          %broadcast_in_dim3A_368 = arith.constant 10 : i32
          %broadcast_in_dim3A_369 = vector.broadcast %broadcast_in_dim3A_368 : i32 to vector<16xi32>
          %gather3A_370 = tpu.vector_load_idx %arg12[%broadcast_in_dim3A_369] : memref<64xf32, #tpu.memory_space<vmem>>[vector<16xi32>], vector<16xf32>,
          tpu.vector_store_idx %arg8[%add3A_339, %broadcast_in_dim3A_369], %gather3A_370 masked %eq3A_322 : memref<512x64xf32, #tpu.memory_space<vmem>>[vector<16xi32>, vector<16xi32>], vector<16xf32>, vector<16xi1>
          %broadcast_in_dim3A_371 = arith.constant 11 : i32
          %broadcast_in_dim3A_372 = vector.broadcast %broadcast_in_dim3A_371 : i32 to vector<16xi32>
          %gather3A_373 = tpu.vector_load_idx %arg12[%broadcast_in_dim3A_372] : memref<64xf32, #tpu.memory_space<vmem>>[vector<16xi32>], vector<16xf32>,
          tpu.vector_store_idx %arg8[%add3A_339, %broadcast_in_dim3A_372], %gather3A_373 masked %eq3A_322 : memref<512x64xf32, #tpu.memory_space<vmem>>[vector<16xi32>, vector<16xi32>], vector<16xf32>, vector<16xi1>
          %broadcast_in_dim3A_374 = arith.constant 12 : i32
          %broadcast_in_dim3A_375 = vector.broadcast %broadcast_in_dim3A_374 : i32 to vector<16xi32>
          %gather3A_376 = tpu.vector_load_idx %arg12[%broadcast_in_dim3A_375] : memref<64xf32, #tpu.memory_space<vmem>>[vector<16xi32>], vector<16xf32>,
          tpu.vector_store_idx %arg8[%add3A_339, %broadcast_in_dim3A_375], %gather3A_376 masked %eq3A_322 : memref<512x64xf32, #tpu.memory_space<vmem>>[vector<16xi32>, vector<16xi32>], vector<16xf32>, vector<16xi1>
          %broadcast_in_dim3A_377 = arith.constant 13 : i32
          %broadcast_in_dim3A_378 = vector.broadcast %broadcast_in_dim3A_377 : i32 to vector<16xi32>
          %gather3A_379 = tpu.vector_load_idx %arg12[%broadcast_in_dim3A_378] : memref<64xf32, #tpu.memory_space<vmem>>[vector<16xi32>], vector<16xf32>,
          tpu.vector_store_idx %arg8[%add3A_339, %broadcast_in_dim3A_378], %gather3A_379 masked %eq3A_322 : memref<512x64xf32, #tpu.memory_space<vmem>>[vector<16xi32>, vector<16xi32>], vector<16xf32>, vector<16xi1>
          %broadcast_in_dim3A_380 = arith.constant 14 : i32
          %broadcast_in_dim3A_381 = vector.broadcast %broadcast_in_dim3A_380 : i32 to vector<16xi32>
          %gather3A_382 = tpu.vector_load_idx %arg12[%broadcast_in_dim3A_381] : memref<64xf32, #tpu.memory_space<vmem>>[vector<16xi32>], vector<16xf32>,
          tpu.vector_store_idx %arg8[%add3A_339, %broadcast_in_dim3A_381], %gather3A_382 masked %eq3A_322 : memref<512x64xf32, #tpu.memory_space<vmem>>[vector<16xi32>, vector<16xi32>], vector<16xf32>, vector<16xi1>
          %broadcast_in_dim3A_383 = arith.constant 15 : i32
          %broadcast_in_dim3A_384 = vector.broadcast %broadcast_in_dim3A_383 : i32 to vector<16xi32>
          %gather3A_385 = tpu.vector_load_idx %arg12[%broadcast_in_dim3A_384] : memref<64xf32, #tpu.memory_space<vmem>>[vector<16xi32>], vector<16xf32>,
          tpu.vector_store_idx %arg8[%add3A_339, %broadcast_in_dim3A_384], %gather3A_385 masked %eq3A_322 : memref<512x64xf32, #tpu.memory_space<vmem>>[vector<16xi32>, vector<16xi32>], vector<16xf32>, vector<16xi1>
          %broadcast_in_dim3A_386 = arith.constant 16 : i32
          %broadcast_in_dim3A_387 = vector.broadcast %broadcast_in_dim3A_386 : i32 to vector<16xi32>
          %gather3A_388 = tpu.vector_load_idx %arg12[%broadcast_in_dim3A_387] : memref<64xf32, #tpu.memory_space<vmem>>[vector<16xi32>], vector<16xf32>,
          tpu.vector_store_idx %arg8[%add3A_339, %broadcast_in_dim3A_387], %gather3A_388 masked %eq3A_322 : memref<512x64xf32, #tpu.memory_space<vmem>>[vector<16xi32>, vector<16xi32>], vector<16xf32>, vector<16xi1>
          %broadcast_in_dim3A_389 = arith.constant 17 : i32
          %broadcast_in_dim3A_390 = vector.broadcast %broadcast_in_dim3A_389 : i32 to vector<16xi32>
          %gather3A_391 = tpu.vector_load_idx %arg12[%broadcast_in_dim3A_390] : memref<64xf32, #tpu.memory_space<vmem>>[vector<16xi32>], vector<16xf32>,
          tpu.vector_store_idx %arg8[%add3A_339, %broadcast_in_dim3A_390], %gather3A_391 masked %eq3A_322 : memref<512x64xf32, #tpu.memory_space<vmem>>[vector<16xi32>, vector<16xi32>], vector<16xf32>, vector<16xi1>
          %broadcast_in_dim3A_392 = arith.constant 18 : i32
          %broadcast_in_dim3A_393 = vector.broadcast %broadcast_in_dim3A_392 : i32 to vector<16xi32>
          %gather3A_394 = tpu.vector_load_idx %arg12[%broadcast_in_dim3A_393] : memref<64xf32, #tpu.memory_space<vmem>>[vector<16xi32>], vector<16xf32>,
          tpu.vector_store_idx %arg8[%add3A_339, %broadcast_in_dim3A_393], %gather3A_394 masked %eq3A_322 : memref<512x64xf32, #tpu.memory_space<vmem>>[vector<16xi32>, vector<16xi32>], vector<16xf32>, vector<16xi1>
          %broadcast_in_dim3A_395 = arith.constant 19 : i32
          %broadcast_in_dim3A_396 = vector.broadcast %broadcast_in_dim3A_395 : i32 to vector<16xi32>
          %gather3A_397 = tpu.vector_load_idx %arg12[%broadcast_in_dim3A_396] : memref<64xf32, #tpu.memory_space<vmem>>[vector<16xi32>], vector<16xf32>,
          tpu.vector_store_idx %arg8[%add3A_339, %broadcast_in_dim3A_396], %gather3A_397 masked %eq3A_322 : memref<512x64xf32, #tpu.memory_space<vmem>>[vector<16xi32>, vector<16xi32>], vector<16xf32>, vector<16xi1>
          %broadcast_in_dim3A_398 = arith.constant 20 : i32
          %broadcast_in_dim3A_399 = vector.broadcast %broadcast_in_dim3A_398 : i32 to vector<16xi32>
          %gather3A_400 = tpu.vector_load_idx %arg12[%broadcast_in_dim3A_399] : memref<64xf32, #tpu.memory_space<vmem>>[vector<16xi32>], vector<16xf32>,
          tpu.vector_store_idx %arg8[%add3A_339, %broadcast_in_dim3A_399], %gather3A_400 masked %eq3A_322 : memref<512x64xf32, #tpu.memory_space<vmem>>[vector<16xi32>, vector<16xi32>], vector<16xf32>, vector<16xi1>
          %broadcast_in_dim3A_401 = arith.constant 21 : i32
          %broadcast_in_dim3A_402 = vector.broadcast %broadcast_in_dim3A_401 : i32 to vector<16xi32>
          %gather3A_403 = tpu.vector_load_idx %arg12[%broadcast_in_dim3A_402] : memref<64xf32, #tpu.memory_space<vmem>>[vector<16xi32>], vector<16xf32>,
          tpu.vector_store_idx %arg8[%add3A_339, %broadcast_in_dim3A_402], %gather3A_403 masked %eq3A_322 : memref<512x64xf32, #tpu.memory_space<vmem>>[vector<16xi32>, vector<16xi32>], vector<16xf32>, vector<16xi1>
          %broadcast_in_dim3A_404 = arith.constant 22 : i32
          %broadcast_in_dim3A_405 = vector.broadcast %broadcast_in_dim3A_404 : i32 to vector<16xi32>
          %gather3A_406 = tpu.vector_load_idx %arg12[%broadcast_in_dim3A_405] : memref<64xf32, #tpu.memory_space<vmem>>[vector<16xi32>], vector<16xf32>,
          tpu.vector_store_idx %arg8[%add3A_339, %broadcast_in_dim3A_405], %gather3A_406 masked %eq3A_322 : memref<512x64xf32, #tpu.memory_space<vmem>>[vector<16xi32>, vector<16xi32>], vector<16xf32>, vector<16xi1>
          %broadcast_in_dim3A_407 = arith.constant 23 : i32
          %broadcast_in_dim3A_408 = vector.broadcast %broadcast_in_dim3A_407 : i32 to vector<16xi32>
          %gather3A_409 = tpu.vector_load_idx %arg12[%broadcast_in_dim3A_408] : memref<64xf32, #tpu.memory_space<vmem>>[vector<16xi32>], vector<16xf32>,
          tpu.vector_store_idx %arg8[%add3A_339, %broadcast_in_dim3A_408], %gather3A_409 masked %eq3A_322 : memref<512x64xf32, #tpu.memory_space<vmem>>[vector<16xi32>, vector<16xi32>], vector<16xf32>, vector<16xi1>
          %broadcast_in_dim3A_410 = arith.constant 24 : i32
          %broadcast_in_dim3A_411 = vector.broadcast %broadcast_in_dim3A_410 : i32 to vector<16xi32>
          %gather3A_412 = tpu.vector_load_idx %arg12[%broadcast_in_dim3A_411] : memref<64xf32, #tpu.memory_space<vmem>>[vector<16xi32>], vector<16xf32>,
          tpu.vector_store_idx %arg8[%add3A_339, %broadcast_in_dim3A_411], %gather3A_412 masked %eq3A_322 : memref<512x64xf32, #tpu.memory_space<vmem>>[vector<16xi32>, vector<16xi32>], vector<16xf32>, vector<16xi1>
          %broadcast_in_dim3A_413 = arith.constant 25 : i32
          %broadcast_in_dim3A_414 = vector.broadcast %broadcast_in_dim3A_413 : i32 to vector<16xi32>
          %gather3A_415 = tpu.vector_load_idx %arg12[%broadcast_in_dim3A_414] : memref<64xf32, #tpu.memory_space<vmem>>[vector<16xi32>], vector<16xf32>,
          tpu.vector_store_idx %arg8[%add3A_339, %broadcast_in_dim3A_414], %gather3A_415 masked %eq3A_322 : memref<512x64xf32, #tpu.memory_space<vmem>>[vector<16xi32>, vector<16xi32>], vector<16xf32>, vector<16xi1>
          %broadcast_in_dim3A_416 = arith.constant 26 : i32
          %broadcast_in_dim3A_417 = vector.broadcast %broadcast_in_dim3A_416 : i32 to vector<16xi32>
          %gather3A_418 = tpu.vector_load_idx %arg12[%broadcast_in_dim3A_417] : memref<64xf32, #tpu.memory_space<vmem>>[vector<16xi32>], vector<16xf32>,
          tpu.vector_store_idx %arg8[%add3A_339, %broadcast_in_dim3A_417], %gather3A_418 masked %eq3A_322 : memref<512x64xf32, #tpu.memory_space<vmem>>[vector<16xi32>, vector<16xi32>], vector<16xf32>, vector<16xi1>
          %broadcast_in_dim3A_419 = arith.constant 27 : i32
          %broadcast_in_dim3A_420 = vector.broadcast %broadcast_in_dim3A_419 : i32 to vector<16xi32>
          %gather3A_421 = tpu.vector_load_idx %arg12[%broadcast_in_dim3A_420] : memref<64xf32, #tpu.memory_space<vmem>>[vector<16xi32>], vector<16xf32>,
          tpu.vector_store_idx %arg8[%add3A_339, %broadcast_in_dim3A_420], %gather3A_421 masked %eq3A_322 : memref<512x64xf32, #tpu.memory_space<vmem>>[vector<16xi32>, vector<16xi32>], vector<16xf32>, vector<16xi1>
          %broadcast_in_dim3A_422 = arith.constant 28 : i32
          %broadcast_in_dim3A_423 = vector.broadcast %broadcast_in_dim3A_422 : i32 to vector<16xi32>
          %gather3A_424 = tpu.vector_load_idx %arg12[%broadcast_in_dim3A_423] : memref<64xf32, #tpu.memory_space<vmem>>[vector<16xi32>], vector<16xf32>,
          tpu.vector_store_idx %arg8[%add3A_339, %broadcast_in_dim3A_423], %gather3A_424 masked %eq3A_322 : memref<512x64xf32, #tpu.memory_space<vmem>>[vector<16xi32>, vector<16xi32>], vector<16xf32>, vector<16xi1>
          %broadcast_in_dim3A_425 = arith.constant 29 : i32
          %broadcast_in_dim3A_426 = vector.broadcast %broadcast_in_dim3A_425 : i32 to vector<16xi32>
          %gather3A_427 = tpu.vector_load_idx %arg12[%broadcast_in_dim3A_426] : memref<64xf32, #tpu.memory_space<vmem>>[vector<16xi32>], vector<16xf32>,
          tpu.vector_store_idx %arg8[%add3A_339, %broadcast_in_dim3A_426], %gather3A_427 masked %eq3A_322 : memref<512x64xf32, #tpu.memory_space<vmem>>[vector<16xi32>, vector<16xi32>], vector<16xf32>, vector<16xi1>
          %broadcast_in_dim3A_428 = arith.constant 30 : i32
          %broadcast_in_dim3A_429 = vector.broadcast %broadcast_in_dim3A_428 : i32 to vector<16xi32>
          %gather3A_430 = tpu.vector_load_idx %arg12[%broadcast_in_dim3A_429] : memref<64xf32, #tpu.memory_space<vmem>>[vector<16xi32>], vector<16xf32>,
          tpu.vector_store_idx %arg8[%add3A_339, %broadcast_in_dim3A_429], %gather3A_430 masked %eq3A_322 : memref<512x64xf32, #tpu.memory_space<vmem>>[vector<16xi32>, vector<16xi32>], vector<16xf32>, vector<16xi1>
          %broadcast_in_dim3A_431 = arith.constant 31 : i32
          %broadcast_in_dim3A_432 = vector.broadcast %broadcast_in_dim3A_431 : i32 to vector<16xi32>
          %gather3A_433 = tpu.vector_load_idx %arg12[%broadcast_in_dim3A_432] : memref<64xf32, #tpu.memory_space<vmem>>[vector<16xi32>], vector<16xf32>,
          tpu.vector_store_idx %arg8[%add3A_339, %broadcast_in_dim3A_432], %gather3A_433 masked %eq3A_322 : memref<512x64xf32, #tpu.memory_space<vmem>>[vector<16xi32>, vector<16xi32>], vector<16xf32>, vector<16xi1>
          %broadcast_in_dim3A_434 = arith.constant 32 : i32
          %broadcast_in_dim3A_435 = vector.broadcast %broadcast_in_dim3A_434 : i32 to vector<16xi32>
          %gather3A_436 = tpu.vector_load_idx %arg12[%broadcast_in_dim3A_435] : memref<64xf32, #tpu.memory_space<vmem>>[vector<16xi32>], vector<16xf32>,
          tpu.vector_store_idx %arg8[%add3A_339, %broadcast_in_dim3A_435], %gather3A_436 masked %eq3A_322 : memref<512x64xf32, #tpu.memory_space<vmem>>[vector<16xi32>, vector<16xi32>], vector<16xf32>, vector<16xi1>
          %broadcast_in_dim3A_437 = arith.constant 33 : i32
          %broadcast_in_dim3A_438 = vector.broadcast %broadcast_in_dim3A_437 : i32 to vector<16xi32>
          %gather3A_439 = tpu.vector_load_idx %arg12[%broadcast_in_dim3A_438] : memref<64xf32, #tpu.memory_space<vmem>>[vector<16xi32>], vector<16xf32>,
          tpu.vector_store_idx %arg8[%add3A_339, %broadcast_in_dim3A_438], %gather3A_439 masked %eq3A_322 : memref<512x64xf32, #tpu.memory_space<vmem>>[vector<16xi32>, vector<16xi32>], vector<16xf32>, vector<16xi1>
          %broadcast_in_dim3A_440 = arith.constant 34 : i32
          %broadcast_in_dim3A_441 = vector.broadcast %broadcast_in_dim3A_440 : i32 to vector<16xi32>
          %gather3A_442 = tpu.vector_load_idx %arg12[%broadcast_in_dim3A_441] : memref<64xf32, #tpu.memory_space<vmem>>[vector<16xi32>], vector<16xf32>,
          tpu.vector_store_idx %arg8[%add3A_339, %broadcast_in_dim3A_441], %gather3A_442 masked %eq3A_322 : memref<512x64xf32, #tpu.memory_space<vmem>>[vector<16xi32>, vector<16xi32>], vector<16xf32>, vector<16xi1>
          %broadcast_in_dim3A_443 = arith.constant 35 : i32
          %broadcast_in_dim3A_444 = vector.broadcast %broadcast_in_dim3A_443 : i32 to vector<16xi32>
          %gather3A_445 = tpu.vector_load_idx %arg12[%broadcast_in_dim3A_444] : memref<64xf32, #tpu.memory_space<vmem>>[vector<16xi32>], vector<16xf32>,
          tpu.vector_store_idx %arg8[%add3A_339, %broadcast_in_dim3A_444], %gather3A_445 masked %eq3A_322 : memref<512x64xf32, #tpu.memory_space<vmem>>[vector<16xi32>, vector<16xi32>], vector<16xf32>, vector<16xi1>
          %broadcast_in_dim3A_446 = arith.constant 36 : i32
          %broadcast_in_dim3A_447 = vector.broadcast %broadcast_in_dim3A_446 : i32 to vector<16xi32>
          %gather3A_448 = tpu.vector_load_idx %arg12[%broadcast_in_dim3A_447] : memref<64xf32, #tpu.memory_space<vmem>>[vector<16xi32>], vector<16xf32>,
          tpu.vector_store_idx %arg8[%add3A_339, %broadcast_in_dim3A_447], %gather3A_448 masked %eq3A_322 : memref<512x64xf32, #tpu.memory_space<vmem>>[vector<16xi32>, vector<16xi32>], vector<16xf32>, vector<16xi1>
          %broadcast_in_dim3A_449 = arith.constant 37 : i32
          %broadcast_in_dim3A_450 = vector.broadcast %broadcast_in_dim3A_449 : i32 to vector<16xi32>
          %gather3A_451 = tpu.vector_load_idx %arg12[%broadcast_in_dim3A_450] : memref<64xf32, #tpu.memory_space<vmem>>[vector<16xi32>], vector<16xf32>,
          tpu.vector_store_idx %arg8[%add3A_339, %broadcast_in_dim3A_450], %gather3A_451 masked %eq3A_322 : memref<512x64xf32, #tpu.memory_space<vmem>>[vector<16xi32>, vector<16xi32>], vector<16xf32>, vector<16xi1>
          %broadcast_in_dim3A_452 = arith.constant 38 : i32
          %broadcast_in_dim3A_453 = vector.broadcast %broadcast_in_dim3A_452 : i32 to vector<16xi32>
          %gather3A_454 = tpu.vector_load_idx %arg12[%broadcast_in_dim3A_453] : memref<64xf32, #tpu.memory_space<vmem>>[vector<16xi32>], vector<16xf32>,
          tpu.vector_store_idx %arg8[%add3A_339, %broadcast_in_dim3A_453], %gather3A_454 masked %eq3A_322 : memref<512x64xf32, #tpu.memory_space<vmem>>[vector<16xi32>, vector<16xi32>], vector<16xf32>, vector<16xi1>
          %broadcast_in_dim3A_455 = arith.constant 39 : i32
          %broadcast_in_dim3A_456 = vector.broadcast %broadcast_in_dim3A_455 : i32 to vector<16xi32>
          %gather3A_457 = tpu.vector_load_idx %arg12[%broadcast_in_dim3A_456] : memref<64xf32, #tpu.memory_space<vmem>>[vector<16xi32>], vector<16xf32>,
          tpu.vector_store_idx %arg8[%add3A_339, %broadcast_in_dim3A_456], %gather3A_457 masked %eq3A_322 : memref<512x64xf32, #tpu.memory_space<vmem>>[vector<16xi32>, vector<16xi32>], vector<16xf32>, vector<16xi1>
          %broadcast_in_dim3A_458 = arith.constant 40 : i32
          %broadcast_in_dim3A_459 = vector.broadcast %broadcast_in_dim3A_458 : i32 to vector<16xi32>
          %gather3A_460 = tpu.vector_load_idx %arg12[%broadcast_in_dim3A_459] : memref<64xf32, #tpu.memory_space<vmem>>[vector<16xi32>], vector<16xf32>,
          tpu.vector_store_idx %arg8[%add3A_339, %broadcast_in_dim3A_459], %gather3A_460 masked %eq3A_322 : memref<512x64xf32, #tpu.memory_space<vmem>>[vector<16xi32>, vector<16xi32>], vector<16xf32>, vector<16xi1>
          %broadcast_in_dim3A_461 = arith.constant 41 : i32
          %broadcast_in_dim3A_462 = vector.broadcast %broadcast_in_dim3A_461 : i32 to vector<16xi32>
          %gather3A_463 = tpu.vector_load_idx %arg12[%broadcast_in_dim3A_462] : memref<64xf32, #tpu.memory_space<vmem>>[vector<16xi32>], vector<16xf32>,
          tpu.vector_store_idx %arg8[%add3A_339, %broadcast_in_dim3A_462], %gather3A_463 masked %eq3A_322 : memref<512x64xf32, #tpu.memory_space<vmem>>[vector<16xi32>, vector<16xi32>], vector<16xf32>, vector<16xi1>
          %broadcast_in_dim3A_464 = arith.constant 42 : i32
          %broadcast_in_dim3A_465 = vector.broadcast %broadcast_in_dim3A_464 : i32 to vector<16xi32>
          %gather3A_466 = tpu.vector_load_idx %arg12[%broadcast_in_dim3A_465] : memref<64xf32, #tpu.memory_space<vmem>>[vector<16xi32>], vector<16xf32>,
          tpu.vector_store_idx %arg8[%add3A_339, %broadcast_in_dim3A_465], %gather3A_466 masked %eq3A_322 : memref<512x64xf32, #tpu.memory_space<vmem>>[vector<16xi32>, vector<16xi32>], vector<16xf32>, vector<16xi1>
          %broadcast_in_dim3A_467 = arith.constant 43 : i32
          %broadcast_in_dim3A_468 = vector.broadcast %broadcast_in_dim3A_467 : i32 to vector<16xi32>
          %gather3A_469 = tpu.vector_load_idx %arg12[%broadcast_in_dim3A_468] : memref<64xf32, #tpu.memory_space<vmem>>[vector<16xi32>], vector<16xf32>,
          tpu.vector_store_idx %arg8[%add3A_339, %broadcast_in_dim3A_468], %gather3A_469 masked %eq3A_322 : memref<512x64xf32, #tpu.memory_space<vmem>>[vector<16xi32>, vector<16xi32>], vector<16xf32>, vector<16xi1>
          %broadcast_in_dim3A_470 = arith.constant 44 : i32
          %broadcast_in_dim3A_471 = vector.broadcast %broadcast_in_dim3A_470 : i32 to vector<16xi32>
          %gather3A_472 = tpu.vector_load_idx %arg12[%broadcast_in_dim3A_471] : memref<64xf32, #tpu.memory_space<vmem>>[vector<16xi32>], vector<16xf32>,
          tpu.vector_store_idx %arg8[%add3A_339, %broadcast_in_dim3A_471], %gather3A_472 masked %eq3A_322 : memref<512x64xf32, #tpu.memory_space<vmem>>[vector<16xi32>, vector<16xi32>], vector<16xf32>, vector<16xi1>
          %broadcast_in_dim3A_473 = arith.constant 45 : i32
          %broadcast_in_dim3A_474 = vector.broadcast %broadcast_in_dim3A_473 : i32 to vector<16xi32>
          %gather3A_475 = tpu.vector_load_idx %arg12[%broadcast_in_dim3A_474] : memref<64xf32, #tpu.memory_space<vmem>>[vector<16xi32>], vector<16xf32>,
          tpu.vector_store_idx %arg8[%add3A_339, %broadcast_in_dim3A_474], %gather3A_475 masked %eq3A_322 : memref<512x64xf32, #tpu.memory_space<vmem>>[vector<16xi32>, vector<16xi32>], vector<16xf32>, vector<16xi1>
          %broadcast_in_dim3A_476 = arith.constant 46 : i32
          %broadcast_in_dim3A_477 = vector.broadcast %broadcast_in_dim3A_476 : i32 to vector<16xi32>
          %gather3A_478 = tpu.vector_load_idx %arg12[%broadcast_in_dim3A_477] : memref<64xf32, #tpu.memory_space<vmem>>[vector<16xi32>], vector<16xf32>,
          tpu.vector_store_idx %arg8[%add3A_339, %broadcast_in_dim3A_477], %gather3A_478 masked %eq3A_322 : memref<512x64xf32, #tpu.memory_space<vmem>>[vector<16xi32>, vector<16xi32>], vector<16xf32>, vector<16xi1>
          %broadcast_in_dim3A_479 = arith.constant 47 : i32
          %broadcast_in_dim3A_480 = vector.broadcast %broadcast_in_dim3A_479 : i32 to vector<16xi32>
          %gather3A_481 = tpu.vector_load_idx %arg12[%broadcast_in_dim3A_480] : memref<64xf32, #tpu.memory_space<vmem>>[vector<16xi32>], vector<16xf32>,
          tpu.vector_store_idx %arg8[%add3A_339, %broadcast_in_dim3A_480], %gather3A_481 masked %eq3A_322 : memref<512x64xf32, #tpu.memory_space<vmem>>[vector<16xi32>, vector<16xi32>], vector<16xf32>, vector<16xi1>
          %broadcast_in_dim3A_482 = arith.constant 48 : i32
          %broadcast_in_dim3A_483 = vector.broadcast %broadcast_in_dim3A_482 : i32 to vector<16xi32>
          %gather3A_484 = tpu.vector_load_idx %arg12[%broadcast_in_dim3A_483] : memref<64xf32, #tpu.memory_space<vmem>>[vector<16xi32>], vector<16xf32>,
          tpu.vector_store_idx %arg8[%add3A_339, %broadcast_in_dim3A_483], %gather3A_484 masked %eq3A_322 : memref<512x64xf32, #tpu.memory_space<vmem>>[vector<16xi32>, vector<16xi32>], vector<16xf32>, vector<16xi1>
          %broadcast_in_dim3A_485 = arith.constant 49 : i32
          %broadcast_in_dim3A_486 = vector.broadcast %broadcast_in_dim3A_485 : i32 to vector<16xi32>
          %gather3A_487 = tpu.vector_load_idx %arg12[%broadcast_in_dim3A_486] : memref<64xf32, #tpu.memory_space<vmem>>[vector<16xi32>], vector<16xf32>,
          tpu.vector_store_idx %arg8[%add3A_339, %broadcast_in_dim3A_486], %gather3A_487 masked %eq3A_322 : memref<512x64xf32, #tpu.memory_space<vmem>>[vector<16xi32>, vector<16xi32>], vector<16xf32>, vector<16xi1>
          %broadcast_in_dim3A_488 = arith.constant 50 : i32
          %broadcast_in_dim3A_489 = vector.broadcast %broadcast_in_dim3A_488 : i32 to vector<16xi32>
          %gather3A_490 = tpu.vector_load_idx %arg12[%broadcast_in_dim3A_489] : memref<64xf32, #tpu.memory_space<vmem>>[vector<16xi32>], vector<16xf32>,
          tpu.vector_store_idx %arg8[%add3A_339, %broadcast_in_dim3A_489], %gather3A_490 masked %eq3A_322 : memref<512x64xf32, #tpu.memory_space<vmem>>[vector<16xi32>, vector<16xi32>], vector<16xf32>, vector<16xi1>
          %broadcast_in_dim3A_491 = arith.constant 51 : i32
          %broadcast_in_dim3A_492 = vector.broadcast %broadcast_in_dim3A_491 : i32 to vector<16xi32>
          %gather3A_493 = tpu.vector_load_idx %arg12[%broadcast_in_dim3A_492] : memref<64xf32, #tpu.memory_space<vmem>>[vector<16xi32>], vector<16xf32>,
          tpu.vector_store_idx %arg8[%add3A_339, %broadcast_in_dim3A_492], %gather3A_493 masked %eq3A_322 : memref<512x64xf32, #tpu.memory_space<vmem>>[vector<16xi32>, vector<16xi32>], vector<16xf32>, vector<16xi1>
          %broadcast_in_dim3A_494 = arith.constant 52 : i32
          %broadcast_in_dim3A_495 = vector.broadcast %broadcast_in_dim3A_494 : i32 to vector<16xi32>
          %gather3A_496 = tpu.vector_load_idx %arg12[%broadcast_in_dim3A_495] : memref<64xf32, #tpu.memory_space<vmem>>[vector<16xi32>], vector<16xf32>,
          tpu.vector_store_idx %arg8[%add3A_339, %broadcast_in_dim3A_495], %gather3A_496 masked %eq3A_322 : memref<512x64xf32, #tpu.memory_space<vmem>>[vector<16xi32>, vector<16xi32>], vector<16xf32>, vector<16xi1>
          %broadcast_in_dim3A_497 = arith.constant 53 : i32
          %broadcast_in_dim3A_498 = vector.broadcast %broadcast_in_dim3A_497 : i32 to vector<16xi32>
          %gather3A_499 = tpu.vector_load_idx %arg12[%broadcast_in_dim3A_498] : memref<64xf32, #tpu.memory_space<vmem>>[vector<16xi32>], vector<16xf32>,
          tpu.vector_store_idx %arg8[%add3A_339, %broadcast_in_dim3A_498], %gather3A_499 masked %eq3A_322 : memref<512x64xf32, #tpu.memory_space<vmem>>[vector<16xi32>, vector<16xi32>], vector<16xf32>, vector<16xi1>
          %broadcast_in_dim3A_500 = arith.constant 54 : i32
          %broadcast_in_dim3A_501 = vector.broadcast %broadcast_in_dim3A_500 : i32 to vector<16xi32>
          %gather3A_502 = tpu.vector_load_idx %arg12[%broadcast_in_dim3A_501] : memref<64xf32, #tpu.memory_space<vmem>>[vector<16xi32>], vector<16xf32>,
          tpu.vector_store_idx %arg8[%add3A_339, %broadcast_in_dim3A_501], %gather3A_502 masked %eq3A_322 : memref<512x64xf32, #tpu.memory_space<vmem>>[vector<16xi32>, vector<16xi32>], vector<16xf32>, vector<16xi1>
          %broadcast_in_dim3A_503 = arith.constant 55 : i32
          %broadcast_in_dim3A_504 = vector.broadcast %broadcast_in_dim3A_503 : i32 to vector<16xi32>
          %gather3A_505 = tpu.vector_load_idx %arg12[%broadcast_in_dim3A_504] : memref<64xf32, #tpu.memory_space<vmem>>[vector<16xi32>], vector<16xf32>,
          tpu.vector_store_idx %arg8[%add3A_339, %broadcast_in_dim3A_504], %gather3A_505 masked %eq3A_322 : memref<512x64xf32, #tpu.memory_space<vmem>>[vector<16xi32>, vector<16xi32>], vector<16xf32>, vector<16xi1>
          %broadcast_in_dim3A_506 = arith.constant 56 : i32
          %broadcast_in_dim3A_507 = vector.broadcast %broadcast_in_dim3A_506 : i32 to vector<16xi32>
          %gather3A_508 = tpu.vector_load_idx %arg12[%broadcast_in_dim3A_507] : memref<64xf32, #tpu.memory_space<vmem>>[vector<16xi32>], vector<16xf32>,
          tpu.vector_store_idx %arg8[%add3A_339, %broadcast_in_dim3A_507], %gather3A_508 masked %eq3A_322 : memref<512x64xf32, #tpu.memory_space<vmem>>[vector<16xi32>, vector<16xi32>], vector<16xf32>, vector<16xi1>
          %broadcast_in_dim3A_509 = arith.constant 57 : i32
          %broadcast_in_dim3A_510 = vector.broadcast %broadcast_in_dim3A_509 : i32 to vector<16xi32>
          %gather3A_511 = tpu.vector_load_idx %arg12[%broadcast_in_dim3A_510] : memref<64xf32, #tpu.memory_space<vmem>>[vector<16xi32>], vector<16xf32>,
          tpu.vector_store_idx %arg8[%add3A_339, %broadcast_in_dim3A_510], %gather3A_511 masked %eq3A_322 : memref<512x64xf32, #tpu.memory_space<vmem>>[vector<16xi32>, vector<16xi32>], vector<16xf32>, vector<16xi1>
          %broadcast_in_dim3A_512 = arith.constant 58 : i32
          %broadcast_in_dim3A_513 = vector.broadcast %broadcast_in_dim3A_512 : i32 to vector<16xi32>
          %gather3A_514 = tpu.vector_load_idx %arg12[%broadcast_in_dim3A_513] : memref<64xf32, #tpu.memory_space<vmem>>[vector<16xi32>], vector<16xf32>,
          tpu.vector_store_idx %arg8[%add3A_339, %broadcast_in_dim3A_513], %gather3A_514 masked %eq3A_322 : memref<512x64xf32, #tpu.memory_space<vmem>>[vector<16xi32>, vector<16xi32>], vector<16xf32>, vector<16xi1>
          %broadcast_in_dim3A_515 = arith.constant 59 : i32
          %broadcast_in_dim3A_516 = vector.broadcast %broadcast_in_dim3A_515 : i32 to vector<16xi32>
          %gather3A_517 = tpu.vector_load_idx %arg12[%broadcast_in_dim3A_516] : memref<64xf32, #tpu.memory_space<vmem>>[vector<16xi32>], vector<16xf32>,
          tpu.vector_store_idx %arg8[%add3A_339, %broadcast_in_dim3A_516], %gather3A_517 masked %eq3A_322 : memref<512x64xf32, #tpu.memory_space<vmem>>[vector<16xi32>, vector<16xi32>], vector<16xf32>, vector<16xi1>
          %broadcast_in_dim3A_518 = arith.constant 60 : i32
          %broadcast_in_dim3A_519 = vector.broadcast %broadcast_in_dim3A_518 : i32 to vector<16xi32>
          %gather3A_520 = tpu.vector_load_idx %arg12[%broadcast_in_dim3A_519] : memref<64xf32, #tpu.memory_space<vmem>>[vector<16xi32>], vector<16xf32>,
          tpu.vector_store_idx %arg8[%add3A_339, %broadcast_in_dim3A_519], %gather3A_520 masked %eq3A_322 : memref<512x64xf32, #tpu.memory_space<vmem>>[vector<16xi32>, vector<16xi32>], vector<16xf32>, vector<16xi1>
          %broadcast_in_dim3A_521 = arith.constant 61 : i32
          %broadcast_in_dim3A_522 = vector.broadcast %broadcast_in_dim3A_521 : i32 to vector<16xi32>
          %gather3A_523 = tpu.vector_load_idx %arg12[%broadcast_in_dim3A_522] : memref<64xf32, #tpu.memory_space<vmem>>[vector<16xi32>], vector<16xf32>,
          tpu.vector_store_idx %arg8[%add3A_339, %broadcast_in_dim3A_522], %gather3A_523 masked %eq3A_322 : memref<512x64xf32, #tpu.memory_space<vmem>>[vector<16xi32>, vector<16xi32>], vector<16xf32>, vector<16xi1>
          %broadcast_in_dim3A_524 = arith.constant 62 : i32
          %broadcast_in_dim3A_525 = vector.broadcast %broadcast_in_dim3A_524 : i32 to vector<16xi32>
          %gather3A_526 = tpu.vector_load_idx %arg12[%broadcast_in_dim3A_525] : memref<64xf32, #tpu.memory_space<vmem>>[vector<16xi32>], vector<16xf32>,
          tpu.vector_store_idx %arg8[%add3A_339, %broadcast_in_dim3A_525], %gather3A_526 masked %eq3A_322 : memref<512x64xf32, #tpu.memory_space<vmem>>[vector<16xi32>, vector<16xi32>], vector<16xf32>, vector<16xi1>
          %broadcast_in_dim3A_527 = arith.constant 63 : i32
          %broadcast_in_dim3A_528 = vector.broadcast %broadcast_in_dim3A_527 : i32 to vector<16xi32>
          %gather3A_529 = tpu.vector_load_idx %arg12[%broadcast_in_dim3A_528] : memref<64xf32, #tpu.memory_space<vmem>>[vector<16xi32>], vector<16xf32>,
          tpu.vector_store_idx %arg8[%add3A_339, %broadcast_in_dim3A_528], %gather3A_529 masked %eq3A_322 : memref<512x64xf32, #tpu.memory_space<vmem>>[vector<16xi32>, vector<16xi32>], vector<16xf32>, vector<16xi1>
        } else {
        }
      }
      %scan3A_315 = arith.constant 32 : i32
    } else {
    }
    %add3A_191 = arith.constant 24576 : i32
    %add3A_192 = arith.addi %mul3A_2, %add3A_191 : i32
    %jit3A_193 = arith.constant 4096 : i32
    %div3A_194 = arith.divsi %add3A_192, %jit3A_193 : i32
    %sign3A_195 = arith.constant 0 : i32
    %sign3A_196 = arith.cmpi sgt, %add3A_192, %sign3A_195 : i32
    %sign3A_197 = arith.extui %sign3A_196 : i1 to i32
    %sign3A_198 = arith.constant 0 : i32
    %sign3A_199 = arith.cmpi slt, %add3A_192, %sign3A_198 : i32
    %sign3A_200 = arith.extui %sign3A_199 : i1 to i32
    %sign3A_201 = arith.subi %sign3A_197, %sign3A_200 : i32
    %sign3A_202 = arith.constant 0 : i32
    %sign3A_203 = arith.cmpi sgt, %jit3A_193, %sign3A_202 : i32
    %sign3A_204 = arith.extui %sign3A_203 : i1 to i32
    %sign3A_205 = arith.constant 0 : i32
    %sign3A_206 = arith.cmpi slt, %jit3A_193, %sign3A_205 : i32
    %sign3A_207 = arith.extui %sign3A_206 : i1 to i32
    %sign3A_208 = arith.subi %sign3A_204, %sign3A_207 : i32
    %ne3A_209 = arith.cmpi ne, %sign3A_201, %sign3A_208 : i32
    %rem3A_210 = arith.remsi %add3A_192, %jit3A_193 : i32
    %ne3A_211 = arith.constant 0 : i32
    %ne3A_212 = arith.cmpi ne, %rem3A_210, %ne3A_211 : i32
    %and3A_213 = arith.andi %ne3A_209, %ne3A_212 : i1
    %sub3A_214 = arith.constant 1 : i32
    %sub3A_215 = arith.subi %div3A_194, %sub3A_214 : i32
    %select_n3A_216 = arith.select %and3A_213, %sub3A_215, %div3A_194 : i32
    %jit3A_217 = arith.constant 4096 : i32
    %eq3A_218 = arith.constant 0 : i32
    %eq3A_219 = arith.cmpi eq, %jit3A_217, %eq3A_218 : i32
    %jit3A_220 = arith.constant 1 : i32
    %select_n3A_221 = arith.select %eq3A_219, %jit3A_220, %jit3A_217 : i32
    %rem3A_222 = arith.remsi %add3A_192, %select_n3A_221 : i32
    %ne3A_223 = arith.constant 0 : i32
    %ne3A_224 = arith.cmpi ne, %rem3A_222, %ne3A_223 : i32
    %lt3A_225 = arith.constant 0 : i32
    %lt3A_226 = arith.cmpi slt, %rem3A_222, %lt3A_225 : i32
    %lt3A_227 = arith.constant 0 : i32
    %lt3A_228 = arith.cmpi slt, %select_n3A_221, %lt3A_227 : i32
    %ne3A_229 = arith.xori %lt3A_226, %lt3A_228 : i1
    %and3A_230 = arith.andi %ne3A_229, %ne3A_224 : i1
    %add3A_231 = arith.addi %rem3A_222, %select_n3A_221 : i32
    %select_n3A_232 = arith.select %and3A_230, %add3A_231, %rem3A_222 : i32
    "tpu.region"() ({
      %run_scoped3A = tpu.sem_alloc : memref<!tpu.dma_semaphore, #tpu.memory_space<semaphore_mem>>
      %dma_start3A_310 = arith.constant 0 : i32
      %dma_start3A_311 = tpu.memref_slice %arg5[%select_n3A_216, %select_n3A_232, %dma_start3A_310] : memref<200x4096x64xf32, #tpu.memory_space<hbm>> -> memref<1x512x64xf32, #tpu.memory_space<hbm>>
      %dma_start3A_312 = tpu.memref_squeeze %dma_start3A_311 : memref<1x512x64xf32, #tpu.memory_space<hbm>> -> memref<512x64xf32, #tpu.memory_space<hbm>>
      %dma_start3A_313 = arith.constant 0 : i32
      %dma_start3A_314 = tpu.memref_slice %arg5[%select_n3A_216, %select_n3A_232, %dma_start3A_313] : memref<200x4096x64xf32, #tpu.memory_space<hbm>> -> memref<1x512x64xf32, #tpu.memory_space<hbm>>
      %dma_start3A_315 = tpu.memref_squeeze %dma_start3A_314 : memref<1x512x64xf32, #tpu.memory_space<hbm>> -> memref<512x64xf32, #tpu.memory_space<hbm>>
      tpu.enqueue_dma source(%arg8 : memref<512x64xf32, #tpu.memory_space<vmem>>) target(%dma_start3A_315 : memref<512x64xf32, #tpu.memory_space<hbm>>) target_semaphore(%run_scoped3A : memref<!tpu.dma_semaphore, #tpu.memory_space<semaphore_mem>>)
      %dma_wait3A_316 = arith.constant 0 : i32
      %dma_wait3A_317 = tpu.memref_slice %arg5[%select_n3A_216, %select_n3A_232, %dma_wait3A_316] : memref<200x4096x64xf32, #tpu.memory_space<hbm>> -> memref<1x512x64xf32, #tpu.memory_space<hbm>>
      %dma_wait3A_318 = tpu.memref_squeeze %dma_wait3A_317 : memref<1x512x64xf32, #tpu.memory_space<hbm>> -> memref<512x64xf32, #tpu.memory_space<hbm>>
      %dma_wait3A_319 = arith.constant 0 : i32
      %dma_wait3A_320 = tpu.memref_slice %arg5[%select_n3A_216, %select_n3A_232, %dma_wait3A_319] : memref<200x4096x64xf32, #tpu.memory_space<hbm>> -> memref<1x512x64xf32, #tpu.memory_space<hbm>>
      %dma_wait3A_321 = tpu.memref_squeeze %dma_wait3A_320 : memref<1x512x64xf32, #tpu.memory_space<hbm>> -> memref<512x64xf32, #tpu.memory_space<hbm>>
      tpu.wait_dma2 semaphore(%run_scoped3A : memref<!tpu.dma_semaphore, #tpu.memory_space<semaphore_mem>>) src(%arg8 : memref<512x64xf32, #tpu.memory_space<vmem>>) dst(%dma_wait3A_321 : memref<512x64xf32, #tpu.memory_space<hbm>>)
      tpu.yield
    }) : () -> ()
    %dma_wait3A_233 = arith.constant 0 : i32
    %dma_wait3A_234 = arith.constant 0 : i32
    %dma_wait3A_235 = tpu.memref_slice %arg11[%dma_wait3A_233, %dma_wait3A_234] : memref<512x64xf32, #tpu.memory_space<vmem>> -> memref<128x64xf32, #tpu.memory_space<vmem>>
    %dma_wait3A_236 = arith.constant 0 : i32
    %dma_wait3A_237 = tpu.memref_slice %arg10[%dma_wait3A_236] : memref<512xi32, #tpu.memory_space<vmem>> -> memref<128xi32, #tpu.memory_space<vmem>>
    %dma_wait3A_238 = arith.constant 0 : i32
    %dma_wait3A_239 = arith.constant 0 : i32
    %dma_wait3A_240 = tpu.memref_slice %arg2[%dma_wait3A_238, %dma_wait3A_239] : memref<1000000x64xf32, #tpu.memory_space<hbm>> -> memref<1000000x64xf32, #tpu.memory_space<hbm>>
    tpu.wait_indirect_dma semaphore(%arg14 : memref<!tpu.dma_semaphore, #tpu.memory_space<semaphore_mem>>) src(%dma_wait3A_240 : memref<1000000x64xf32, #tpu.memory_space<hbm>>) dst(%dma_wait3A_235 : memref<128x64xf32, #tpu.memory_space<vmem>>)
    %dma_wait3A_241 = arith.constant 128 : i32
    %dma_wait3A_242 = arith.constant 0 : i32
    %dma_wait3A_243 = tpu.memref_slice %arg11[%dma_wait3A_241, %dma_wait3A_242] : memref<512x64xf32, #tpu.memory_space<vmem>> -> memref<128x64xf32, #tpu.memory_space<vmem>>
    %dma_wait3A_244 = arith.constant 128 : i32
    %dma_wait3A_245 = tpu.memref_slice %arg10[%dma_wait3A_244] : memref<512xi32, #tpu.memory_space<vmem>> -> memref<128xi32, #tpu.memory_space<vmem>>
    %dma_wait3A_246 = arith.constant 0 : i32
    %dma_wait3A_247 = arith.constant 0 : i32
    %dma_wait3A_248 = tpu.memref_slice %arg2[%dma_wait3A_246, %dma_wait3A_247] : memref<1000000x64xf32, #tpu.memory_space<hbm>> -> memref<1000000x64xf32, #tpu.memory_space<hbm>>
    tpu.wait_indirect_dma semaphore(%arg14 : memref<!tpu.dma_semaphore, #tpu.memory_space<semaphore_mem>>) src(%dma_wait3A_248 : memref<1000000x64xf32, #tpu.memory_space<hbm>>) dst(%dma_wait3A_243 : memref<128x64xf32, #tpu.memory_space<vmem>>)
    %dma_wait3A_249 = arith.constant 256 : i32
    %dma_wait3A_250 = arith.constant 0 : i32
    %dma_wait3A_251 = tpu.memref_slice %arg11[%dma_wait3A_249, %dma_wait3A_250] : memref<512x64xf32, #tpu.memory_space<vmem>> -> memref<128x64xf32, #tpu.memory_space<vmem>>
    %dma_wait3A_252 = arith.constant 256 : i32
    %dma_wait3A_253 = tpu.memref_slice %arg10[%dma_wait3A_252] : memref<512xi32, #tpu.memory_space<vmem>> -> memref<128xi32, #tpu.memory_space<vmem>>
    %dma_wait3A_254 = arith.constant 0 : i32
    %dma_wait3A_255 = arith.constant 0 : i32
    %dma_wait3A_256 = tpu.memref_slice %arg2[%dma_wait3A_254, %dma_wait3A_255] : memref<1000000x64xf32, #tpu.memory_space<hbm>> -> memref<1000000x64xf32, #tpu.memory_space<hbm>>
    tpu.wait_indirect_dma semaphore(%arg14 : memref<!tpu.dma_semaphore, #tpu.memory_space<semaphore_mem>>) src(%dma_wait3A_256 : memref<1000000x64xf32, #tpu.memory_space<hbm>>) dst(%dma_wait3A_251 : memref<128x64xf32, #tpu.memory_space<vmem>>)
    %dma_wait3A_257 = arith.constant 384 : i32
    %dma_wait3A_258 = arith.constant 0 : i32
    %dma_wait3A_259 = tpu.memref_slice %arg11[%dma_wait3A_257, %dma_wait3A_258] : memref<512x64xf32, #tpu.memory_space<vmem>> -> memref<128x64xf32, #tpu.memory_space<vmem>>
    %dma_wait3A_260 = arith.constant 384 : i32
    %dma_wait3A_261 = tpu.memref_slice %arg10[%dma_wait3A_260] : memref<512xi32, #tpu.memory_space<vmem>> -> memref<128xi32, #tpu.memory_space<vmem>>
    %dma_wait3A_262 = arith.constant 0 : i32
    %dma_wait3A_263 = arith.constant 0 : i32
    %dma_wait3A_264 = tpu.memref_slice %arg2[%dma_wait3A_262, %dma_wait3A_263] : memref<1000000x64xf32, #tpu.memory_space<hbm>> -> memref<1000000x64xf32, #tpu.memory_space<hbm>>
    tpu.wait_indirect_dma semaphore(%arg14 : memref<!tpu.dma_semaphore, #tpu.memory_space<semaphore_mem>>) src(%dma_wait3A_264 : memref<1000000x64xf32, #tpu.memory_space<hbm>>) dst(%dma_wait3A_259 : memref<128x64xf32, #tpu.memory_space<vmem>>)
    %convert_element_type3A_265 = arith.extui %scan3A_125 : i1 to i32
    %cond3A_266 = arith.constant 0 : i32
    %cond3A_267 = arith.cmpi ne, %convert_element_type3A_265, %cond3A_266 : i32
    scf.if %cond3A_267 {
      %scan3A_310 = arith.constant 0 : i32
      %scan3A_311 = arith.constant 0 : i32
      %scan3A_312 = arith.constant 32 : i32
      %scan3A_313 = arith.addi %scan3A_311, %scan3A_312 : i32
      %scan3A_314 = arith.constant 1 : i32
      scf.for %scan3A_316 = %scan3A_311 to %scan3A_313 step %scan3A_314  : i32 {
        %mul3A_317 = arith.constant 16 : i32
        %mul3A_318 = arith.muli %scan3A_316, %mul3A_317 : i32
        %get3A = arith.index_cast %mul3A_318 : i32 to index
        %get3A_319 = tpu.vector_load %arg9[%get3A] {strides = array<i32>} : memref<512xi32, #tpu.memory_space<vmem>>, vector<16xi32>,
        %eq3A_320 = arith.constant 1000000 : i32
        %eq3A_321 = vector.broadcast %eq3A_320 : i32 to vector<16xi32>
        %eq3A_322 = arith.cmpi eq, %get3A_319, %eq3A_321 : vector<16xi32>
        %reduce_or3A = arith.constant 1.000000e+00 : f32
        %reduce_or3A_323 = arith.constant 0.000000e+00 : f32
        %reduce_or3A_324 = vector.broadcast %reduce_or3A : f32 to vector<16xf32>
        %reduce_or3A_325 = vector.broadcast %reduce_or3A_323 : f32 to vector<16xf32>
        %reduce_or3A_326 = arith.select %eq3A_322, %reduce_or3A_324, %reduce_or3A_325 : vector<16xi1>, vector<16xf32>
        %reduce_or3A_327 = arith.constant true
        %reduce_or3A_328 = vector.broadcast %reduce_or3A_327 : i1 to vector<16xi1>
        %reduce_or3A_329 = tpu.scan <max>, %reduce_or3A_326 masked %reduce_or3A_328 : vector<16xf32>, vector<16xi1> -> vector<16xf32>
        %reduce_or3A_330 = vector.extract %reduce_or3A_329[15] : f32 from vector<16xf32>
        %reduce_or3A_331 = arith.constant 0.000000e+00 : f32
        %reduce_or3A_332 = arith.cmpf ogt, %reduce_or3A_330, %reduce_or3A_331 : f32
        %convert_element_type3A_333 = arith.extui %reduce_or3A_332 : i1 to i32
        %cond3A_334 = arith.constant 0 : i32
        %cond3A_335 = arith.cmpi ne, %convert_element_type3A_333, %cond3A_334 : i32
        scf.if %cond3A_335 {
          %mul3A_336 = arith.constant 16 : i32
          %mul3A_337 = arith.muli %scan3A_316, %mul3A_336 : i32
          %iota3A = tpu.iota {dimensions = array<i32: 0>} : vector<16xi32>
          %add3A_338 = vector.broadcast %mul3A_337 : i32 to vector<16xi32>
          %add3A_339 = arith.addi %add3A_338, %iota3A : vector<16xi32>
          %broadcast_in_dim3A = arith.constant 0 : i32
          %broadcast_in_dim3A_340 = vector.broadcast %broadcast_in_dim3A : i32 to vector<16xi32>
          %gather3A = tpu.vector_load_idx %arg12[%broadcast_in_dim3A_340] : memref<64xf32, #tpu.memory_space<vmem>>[vector<16xi32>], vector<16xf32>,
          tpu.vector_store_idx %arg11[%add3A_339, %broadcast_in_dim3A_340], %gather3A masked %eq3A_322 : memref<512x64xf32, #tpu.memory_space<vmem>>[vector<16xi32>, vector<16xi32>], vector<16xf32>, vector<16xi1>
          %broadcast_in_dim3A_341 = arith.constant 1 : i32
          %broadcast_in_dim3A_342 = vector.broadcast %broadcast_in_dim3A_341 : i32 to vector<16xi32>
          %gather3A_343 = tpu.vector_load_idx %arg12[%broadcast_in_dim3A_342] : memref<64xf32, #tpu.memory_space<vmem>>[vector<16xi32>], vector<16xf32>,
          tpu.vector_store_idx %arg11[%add3A_339, %broadcast_in_dim3A_342], %gather3A_343 masked %eq3A_322 : memref<512x64xf32, #tpu.memory_space<vmem>>[vector<16xi32>, vector<16xi32>], vector<16xf32>, vector<16xi1>
          %broadcast_in_dim3A_344 = arith.constant 2 : i32
          %broadcast_in_dim3A_345 = vector.broadcast %broadcast_in_dim3A_344 : i32 to vector<16xi32>
          %gather3A_346 = tpu.vector_load_idx %arg12[%broadcast_in_dim3A_345] : memref<64xf32, #tpu.memory_space<vmem>>[vector<16xi32>], vector<16xf32>,
          tpu.vector_store_idx %arg11[%add3A_339, %broadcast_in_dim3A_345], %gather3A_346 masked %eq3A_322 : memref<512x64xf32, #tpu.memory_space<vmem>>[vector<16xi32>, vector<16xi32>], vector<16xf32>, vector<16xi1>
          %broadcast_in_dim3A_347 = arith.constant 3 : i32
          %broadcast_in_dim3A_348 = vector.broadcast %broadcast_in_dim3A_347 : i32 to vector<16xi32>
          %gather3A_349 = tpu.vector_load_idx %arg12[%broadcast_in_dim3A_348] : memref<64xf32, #tpu.memory_space<vmem>>[vector<16xi32>], vector<16xf32>,
          tpu.vector_store_idx %arg11[%add3A_339, %broadcast_in_dim3A_348], %gather3A_349 masked %eq3A_322 : memref<512x64xf32, #tpu.memory_space<vmem>>[vector<16xi32>, vector<16xi32>], vector<16xf32>, vector<16xi1>
          %broadcast_in_dim3A_350 = arith.constant 4 : i32
          %broadcast_in_dim3A_351 = vector.broadcast %broadcast_in_dim3A_350 : i32 to vector<16xi32>
          %gather3A_352 = tpu.vector_load_idx %arg12[%broadcast_in_dim3A_351] : memref<64xf32, #tpu.memory_space<vmem>>[vector<16xi32>], vector<16xf32>,
          tpu.vector_store_idx %arg11[%add3A_339, %broadcast_in_dim3A_351], %gather3A_352 masked %eq3A_322 : memref<512x64xf32, #tpu.memory_space<vmem>>[vector<16xi32>, vector<16xi32>], vector<16xf32>, vector<16xi1>
          %broadcast_in_dim3A_353 = arith.constant 5 : i32
          %broadcast_in_dim3A_354 = vector.broadcast %broadcast_in_dim3A_353 : i32 to vector<16xi32>
          %gather3A_355 = tpu.vector_load_idx %arg12[%broadcast_in_dim3A_354] : memref<64xf32, #tpu.memory_space<vmem>>[vector<16xi32>], vector<16xf32>,
          tpu.vector_store_idx %arg11[%add3A_339, %broadcast_in_dim3A_354], %gather3A_355 masked %eq3A_322 : memref<512x64xf32, #tpu.memory_space<vmem>>[vector<16xi32>, vector<16xi32>], vector<16xf32>, vector<16xi1>
          %broadcast_in_dim3A_356 = arith.constant 6 : i32
          %broadcast_in_dim3A_357 = vector.broadcast %broadcast_in_dim3A_356 : i32 to vector<16xi32>
          %gather3A_358 = tpu.vector_load_idx %arg12[%broadcast_in_dim3A_357] : memref<64xf32, #tpu.memory_space<vmem>>[vector<16xi32>], vector<16xf32>,
          tpu.vector_store_idx %arg11[%add3A_339, %broadcast_in_dim3A_357], %gather3A_358 masked %eq3A_322 : memref<512x64xf32, #tpu.memory_space<vmem>>[vector<16xi32>, vector<16xi32>], vector<16xf32>, vector<16xi1>
          %broadcast_in_dim3A_359 = arith.constant 7 : i32
          %broadcast_in_dim3A_360 = vector.broadcast %broadcast_in_dim3A_359 : i32 to vector<16xi32>
          %gather3A_361 = tpu.vector_load_idx %arg12[%broadcast_in_dim3A_360] : memref<64xf32, #tpu.memory_space<vmem>>[vector<16xi32>], vector<16xf32>,
          tpu.vector_store_idx %arg11[%add3A_339, %broadcast_in_dim3A_360], %gather3A_361 masked %eq3A_322 : memref<512x64xf32, #tpu.memory_space<vmem>>[vector<16xi32>, vector<16xi32>], vector<16xf32>, vector<16xi1>
          %broadcast_in_dim3A_362 = arith.constant 8 : i32
          %broadcast_in_dim3A_363 = vector.broadcast %broadcast_in_dim3A_362 : i32 to vector<16xi32>
          %gather3A_364 = tpu.vector_load_idx %arg12[%broadcast_in_dim3A_363] : memref<64xf32, #tpu.memory_space<vmem>>[vector<16xi32>], vector<16xf32>,
          tpu.vector_store_idx %arg11[%add3A_339, %broadcast_in_dim3A_363], %gather3A_364 masked %eq3A_322 : memref<512x64xf32, #tpu.memory_space<vmem>>[vector<16xi32>, vector<16xi32>], vector<16xf32>, vector<16xi1>
          %broadcast_in_dim3A_365 = arith.constant 9 : i32
          %broadcast_in_dim3A_366 = vector.broadcast %broadcast_in_dim3A_365 : i32 to vector<16xi32>
          %gather3A_367 = tpu.vector_load_idx %arg12[%broadcast_in_dim3A_366] : memref<64xf32, #tpu.memory_space<vmem>>[vector<16xi32>], vector<16xf32>,
          tpu.vector_store_idx %arg11[%add3A_339, %broadcast_in_dim3A_366], %gather3A_367 masked %eq3A_322 : memref<512x64xf32, #tpu.memory_space<vmem>>[vector<16xi32>, vector<16xi32>], vector<16xf32>, vector<16xi1>
          %broadcast_in_dim3A_368 = arith.constant 10 : i32
          %broadcast_in_dim3A_369 = vector.broadcast %broadcast_in_dim3A_368 : i32 to vector<16xi32>
          %gather3A_370 = tpu.vector_load_idx %arg12[%broadcast_in_dim3A_369] : memref<64xf32, #tpu.memory_space<vmem>>[vector<16xi32>], vector<16xf32>,
          tpu.vector_store_idx %arg11[%add3A_339, %broadcast_in_dim3A_369], %gather3A_370 masked %eq3A_322 : memref<512x64xf32, #tpu.memory_space<vmem>>[vector<16xi32>, vector<16xi32>], vector<16xf32>, vector<16xi1>
          %broadcast_in_dim3A_371 = arith.constant 11 : i32
          %broadcast_in_dim3A_372 = vector.broadcast %broadcast_in_dim3A_371 : i32 to vector<16xi32>
          %gather3A_373 = tpu.vector_load_idx %arg12[%broadcast_in_dim3A_372] : memref<64xf32, #tpu.memory_space<vmem>>[vector<16xi32>], vector<16xf32>,
          tpu.vector_store_idx %arg11[%add3A_339, %broadcast_in_dim3A_372], %gather3A_373 masked %eq3A_322 : memref<512x64xf32, #tpu.memory_space<vmem>>[vector<16xi32>, vector<16xi32>], vector<16xf32>, vector<16xi1>
          %broadcast_in_dim3A_374 = arith.constant 12 : i32
          %broadcast_in_dim3A_375 = vector.broadcast %broadcast_in_dim3A_374 : i32 to vector<16xi32>
          %gather3A_376 = tpu.vector_load_idx %arg12[%broadcast_in_dim3A_375] : memref<64xf32, #tpu.memory_space<vmem>>[vector<16xi32>], vector<16xf32>,
          tpu.vector_store_idx %arg11[%add3A_339, %broadcast_in_dim3A_375], %gather3A_376 masked %eq3A_322 : memref<512x64xf32, #tpu.memory_space<vmem>>[vector<16xi32>, vector<16xi32>], vector<16xf32>, vector<16xi1>
          %broadcast_in_dim3A_377 = arith.constant 13 : i32
          %broadcast_in_dim3A_378 = vector.broadcast %broadcast_in_dim3A_377 : i32 to vector<16xi32>
          %gather3A_379 = tpu.vector_load_idx %arg12[%broadcast_in_dim3A_378] : memref<64xf32, #tpu.memory_space<vmem>>[vector<16xi32>], vector<16xf32>,
          tpu.vector_store_idx %arg11[%add3A_339, %broadcast_in_dim3A_378], %gather3A_379 masked %eq3A_322 : memref<512x64xf32, #tpu.memory_space<vmem>>[vector<16xi32>, vector<16xi32>], vector<16xf32>, vector<16xi1>
          %broadcast_in_dim3A_380 = arith.constant 14 : i32
          %broadcast_in_dim3A_381 = vector.broadcast %broadcast_in_dim3A_380 : i32 to vector<16xi32>
          %gather3A_382 = tpu.vector_load_idx %arg12[%broadcast_in_dim3A_381] : memref<64xf32, #tpu.memory_space<vmem>>[vector<16xi32>], vector<16xf32>,
          tpu.vector_store_idx %arg11[%add3A_339, %broadcast_in_dim3A_381], %gather3A_382 masked %eq3A_322 : memref<512x64xf32, #tpu.memory_space<vmem>>[vector<16xi32>, vector<16xi32>], vector<16xf32>, vector<16xi1>
          %broadcast_in_dim3A_383 = arith.constant 15 : i32
          %broadcast_in_dim3A_384 = vector.broadcast %broadcast_in_dim3A_383 : i32 to vector<16xi32>
          %gather3A_385 = tpu.vector_load_idx %arg12[%broadcast_in_dim3A_384] : memref<64xf32, #tpu.memory_space<vmem>>[vector<16xi32>], vector<16xf32>,
          tpu.vector_store_idx %arg11[%add3A_339, %broadcast_in_dim3A_384], %gather3A_385 masked %eq3A_322 : memref<512x64xf32, #tpu.memory_space<vmem>>[vector<16xi32>, vector<16xi32>], vector<16xf32>, vector<16xi1>
          %broadcast_in_dim3A_386 = arith.constant 16 : i32
          %broadcast_in_dim3A_387 = vector.broadcast %broadcast_in_dim3A_386 : i32 to vector<16xi32>
          %gather3A_388 = tpu.vector_load_idx %arg12[%broadcast_in_dim3A_387] : memref<64xf32, #tpu.memory_space<vmem>>[vector<16xi32>], vector<16xf32>,
          tpu.vector_store_idx %arg11[%add3A_339, %broadcast_in_dim3A_387], %gather3A_388 masked %eq3A_322 : memref<512x64xf32, #tpu.memory_space<vmem>>[vector<16xi32>, vector<16xi32>], vector<16xf32>, vector<16xi1>
          %broadcast_in_dim3A_389 = arith.constant 17 : i32
          %broadcast_in_dim3A_390 = vector.broadcast %broadcast_in_dim3A_389 : i32 to vector<16xi32>
          %gather3A_391 = tpu.vector_load_idx %arg12[%broadcast_in_dim3A_390] : memref<64xf32, #tpu.memory_space<vmem>>[vector<16xi32>], vector<16xf32>,
          tpu.vector_store_idx %arg11[%add3A_339, %broadcast_in_dim3A_390], %gather3A_391 masked %eq3A_322 : memref<512x64xf32, #tpu.memory_space<vmem>>[vector<16xi32>, vector<16xi32>], vector<16xf32>, vector<16xi1>
          %broadcast_in_dim3A_392 = arith.constant 18 : i32
          %broadcast_in_dim3A_393 = vector.broadcast %broadcast_in_dim3A_392 : i32 to vector<16xi32>
          %gather3A_394 = tpu.vector_load_idx %arg12[%broadcast_in_dim3A_393] : memref<64xf32, #tpu.memory_space<vmem>>[vector<16xi32>], vector<16xf32>,
          tpu.vector_store_idx %arg11[%add3A_339, %broadcast_in_dim3A_393], %gather3A_394 masked %eq3A_322 : memref<512x64xf32, #tpu.memory_space<vmem>>[vector<16xi32>, vector<16xi32>], vector<16xf32>, vector<16xi1>
          %broadcast_in_dim3A_395 = arith.constant 19 : i32
          %broadcast_in_dim3A_396 = vector.broadcast %broadcast_in_dim3A_395 : i32 to vector<16xi32>
          %gather3A_397 = tpu.vector_load_idx %arg12[%broadcast_in_dim3A_396] : memref<64xf32, #tpu.memory_space<vmem>>[vector<16xi32>], vector<16xf32>,
          tpu.vector_store_idx %arg11[%add3A_339, %broadcast_in_dim3A_396], %gather3A_397 masked %eq3A_322 : memref<512x64xf32, #tpu.memory_space<vmem>>[vector<16xi32>, vector<16xi32>], vector<16xf32>, vector<16xi1>
          %broadcast_in_dim3A_398 = arith.constant 20 : i32
          %broadcast_in_dim3A_399 = vector.broadcast %broadcast_in_dim3A_398 : i32 to vector<16xi32>
          %gather3A_400 = tpu.vector_load_idx %arg12[%broadcast_in_dim3A_399] : memref<64xf32, #tpu.memory_space<vmem>>[vector<16xi32>], vector<16xf32>,
          tpu.vector_store_idx %arg11[%add3A_339, %broadcast_in_dim3A_399], %gather3A_400 masked %eq3A_322 : memref<512x64xf32, #tpu.memory_space<vmem>>[vector<16xi32>, vector<16xi32>], vector<16xf32>, vector<16xi1>
          %broadcast_in_dim3A_401 = arith.constant 21 : i32
          %broadcast_in_dim3A_402 = vector.broadcast %broadcast_in_dim3A_401 : i32 to vector<16xi32>
          %gather3A_403 = tpu.vector_load_idx %arg12[%broadcast_in_dim3A_402] : memref<64xf32, #tpu.memory_space<vmem>>[vector<16xi32>], vector<16xf32>,
          tpu.vector_store_idx %arg11[%add3A_339, %broadcast_in_dim3A_402], %gather3A_403 masked %eq3A_322 : memref<512x64xf32, #tpu.memory_space<vmem>>[vector<16xi32>, vector<16xi32>], vector<16xf32>, vector<16xi1>
          %broadcast_in_dim3A_404 = arith.constant 22 : i32
          %broadcast_in_dim3A_405 = vector.broadcast %broadcast_in_dim3A_404 : i32 to vector<16xi32>
          %gather3A_406 = tpu.vector_load_idx %arg12[%broadcast_in_dim3A_405] : memref<64xf32, #tpu.memory_space<vmem>>[vector<16xi32>], vector<16xf32>,
          tpu.vector_store_idx %arg11[%add3A_339, %broadcast_in_dim3A_405], %gather3A_406 masked %eq3A_322 : memref<512x64xf32, #tpu.memory_space<vmem>>[vector<16xi32>, vector<16xi32>], vector<16xf32>, vector<16xi1>
          %broadcast_in_dim3A_407 = arith.constant 23 : i32
          %broadcast_in_dim3A_408 = vector.broadcast %broadcast_in_dim3A_407 : i32 to vector<16xi32>
          %gather3A_409 = tpu.vector_load_idx %arg12[%broadcast_in_dim3A_408] : memref<64xf32, #tpu.memory_space<vmem>>[vector<16xi32>], vector<16xf32>,
          tpu.vector_store_idx %arg11[%add3A_339, %broadcast_in_dim3A_408], %gather3A_409 masked %eq3A_322 : memref<512x64xf32, #tpu.memory_space<vmem>>[vector<16xi32>, vector<16xi32>], vector<16xf32>, vector<16xi1>
          %broadcast_in_dim3A_410 = arith.constant 24 : i32
          %broadcast_in_dim3A_411 = vector.broadcast %broadcast_in_dim3A_410 : i32 to vector<16xi32>
          %gather3A_412 = tpu.vector_load_idx %arg12[%broadcast_in_dim3A_411] : memref<64xf32, #tpu.memory_space<vmem>>[vector<16xi32>], vector<16xf32>,
          tpu.vector_store_idx %arg11[%add3A_339, %broadcast_in_dim3A_411], %gather3A_412 masked %eq3A_322 : memref<512x64xf32, #tpu.memory_space<vmem>>[vector<16xi32>, vector<16xi32>], vector<16xf32>, vector<16xi1>
          %broadcast_in_dim3A_413 = arith.constant 25 : i32
          %broadcast_in_dim3A_414 = vector.broadcast %broadcast_in_dim3A_413 : i32 to vector<16xi32>
          %gather3A_415 = tpu.vector_load_idx %arg12[%broadcast_in_dim3A_414] : memref<64xf32, #tpu.memory_space<vmem>>[vector<16xi32>], vector<16xf32>,
          tpu.vector_store_idx %arg11[%add3A_339, %broadcast_in_dim3A_414], %gather3A_415 masked %eq3A_322 : memref<512x64xf32, #tpu.memory_space<vmem>>[vector<16xi32>, vector<16xi32>], vector<16xf32>, vector<16xi1>
          %broadcast_in_dim3A_416 = arith.constant 26 : i32
          %broadcast_in_dim3A_417 = vector.broadcast %broadcast_in_dim3A_416 : i32 to vector<16xi32>
          %gather3A_418 = tpu.vector_load_idx %arg12[%broadcast_in_dim3A_417] : memref<64xf32, #tpu.memory_space<vmem>>[vector<16xi32>], vector<16xf32>,
          tpu.vector_store_idx %arg11[%add3A_339, %broadcast_in_dim3A_417], %gather3A_418 masked %eq3A_322 : memref<512x64xf32, #tpu.memory_space<vmem>>[vector<16xi32>, vector<16xi32>], vector<16xf32>, vector<16xi1>
          %broadcast_in_dim3A_419 = arith.constant 27 : i32
          %broadcast_in_dim3A_420 = vector.broadcast %broadcast_in_dim3A_419 : i32 to vector<16xi32>
          %gather3A_421 = tpu.vector_load_idx %arg12[%broadcast_in_dim3A_420] : memref<64xf32, #tpu.memory_space<vmem>>[vector<16xi32>], vector<16xf32>,
          tpu.vector_store_idx %arg11[%add3A_339, %broadcast_in_dim3A_420], %gather3A_421 masked %eq3A_322 : memref<512x64xf32, #tpu.memory_space<vmem>>[vector<16xi32>, vector<16xi32>], vector<16xf32>, vector<16xi1>
          %broadcast_in_dim3A_422 = arith.constant 28 : i32
          %broadcast_in_dim3A_423 = vector.broadcast %broadcast_in_dim3A_422 : i32 to vector<16xi32>
          %gather3A_424 = tpu.vector_load_idx %arg12[%broadcast_in_dim3A_423] : memref<64xf32, #tpu.memory_space<vmem>>[vector<16xi32>], vector<16xf32>,
          tpu.vector_store_idx %arg11[%add3A_339, %broadcast_in_dim3A_423], %gather3A_424 masked %eq3A_322 : memref<512x64xf32, #tpu.memory_space<vmem>>[vector<16xi32>, vector<16xi32>], vector<16xf32>, vector<16xi1>
          %broadcast_in_dim3A_425 = arith.constant 29 : i32
          %broadcast_in_dim3A_426 = vector.broadcast %broadcast_in_dim3A_425 : i32 to vector<16xi32>
          %gather3A_427 = tpu.vector_load_idx %arg12[%broadcast_in_dim3A_426] : memref<64xf32, #tpu.memory_space<vmem>>[vector<16xi32>], vector<16xf32>,
          tpu.vector_store_idx %arg11[%add3A_339, %broadcast_in_dim3A_426], %gather3A_427 masked %eq3A_322 : memref<512x64xf32, #tpu.memory_space<vmem>>[vector<16xi32>, vector<16xi32>], vector<16xf32>, vector<16xi1>
          %broadcast_in_dim3A_428 = arith.constant 30 : i32
          %broadcast_in_dim3A_429 = vector.broadcast %broadcast_in_dim3A_428 : i32 to vector<16xi32>
          %gather3A_430 = tpu.vector_load_idx %arg12[%broadcast_in_dim3A_429] : memref<64xf32, #tpu.memory_space<vmem>>[vector<16xi32>], vector<16xf32>,
          tpu.vector_store_idx %arg11[%add3A_339, %broadcast_in_dim3A_429], %gather3A_430 masked %eq3A_322 : memref<512x64xf32, #tpu.memory_space<vmem>>[vector<16xi32>, vector<16xi32>], vector<16xf32>, vector<16xi1>
          %broadcast_in_dim3A_431 = arith.constant 31 : i32
          %broadcast_in_dim3A_432 = vector.broadcast %broadcast_in_dim3A_431 : i32 to vector<16xi32>
          %gather3A_433 = tpu.vector_load_idx %arg12[%broadcast_in_dim3A_432] : memref<64xf32, #tpu.memory_space<vmem>>[vector<16xi32>], vector<16xf32>,
          tpu.vector_store_idx %arg11[%add3A_339, %broadcast_in_dim3A_432], %gather3A_433 masked %eq3A_322 : memref<512x64xf32, #tpu.memory_space<vmem>>[vector<16xi32>, vector<16xi32>], vector<16xf32>, vector<16xi1>
          %broadcast_in_dim3A_434 = arith.constant 32 : i32
          %broadcast_in_dim3A_435 = vector.broadcast %broadcast_in_dim3A_434 : i32 to vector<16xi32>
          %gather3A_436 = tpu.vector_load_idx %arg12[%broadcast_in_dim3A_435] : memref<64xf32, #tpu.memory_space<vmem>>[vector<16xi32>], vector<16xf32>,
          tpu.vector_store_idx %arg11[%add3A_339, %broadcast_in_dim3A_435], %gather3A_436 masked %eq3A_322 : memref<512x64xf32, #tpu.memory_space<vmem>>[vector<16xi32>, vector<16xi32>], vector<16xf32>, vector<16xi1>
          %broadcast_in_dim3A_437 = arith.constant 33 : i32
          %broadcast_in_dim3A_438 = vector.broadcast %broadcast_in_dim3A_437 : i32 to vector<16xi32>
          %gather3A_439 = tpu.vector_load_idx %arg12[%broadcast_in_dim3A_438] : memref<64xf32, #tpu.memory_space<vmem>>[vector<16xi32>], vector<16xf32>,
          tpu.vector_store_idx %arg11[%add3A_339, %broadcast_in_dim3A_438], %gather3A_439 masked %eq3A_322 : memref<512x64xf32, #tpu.memory_space<vmem>>[vector<16xi32>, vector<16xi32>], vector<16xf32>, vector<16xi1>
          %broadcast_in_dim3A_440 = arith.constant 34 : i32
          %broadcast_in_dim3A_441 = vector.broadcast %broadcast_in_dim3A_440 : i32 to vector<16xi32>
          %gather3A_442 = tpu.vector_load_idx %arg12[%broadcast_in_dim3A_441] : memref<64xf32, #tpu.memory_space<vmem>>[vector<16xi32>], vector<16xf32>,
          tpu.vector_store_idx %arg11[%add3A_339, %broadcast_in_dim3A_441], %gather3A_442 masked %eq3A_322 : memref<512x64xf32, #tpu.memory_space<vmem>>[vector<16xi32>, vector<16xi32>], vector<16xf32>, vector<16xi1>
          %broadcast_in_dim3A_443 = arith.constant 35 : i32
          %broadcast_in_dim3A_444 = vector.broadcast %broadcast_in_dim3A_443 : i32 to vector<16xi32>
          %gather3A_445 = tpu.vector_load_idx %arg12[%broadcast_in_dim3A_444] : memref<64xf32, #tpu.memory_space<vmem>>[vector<16xi32>], vector<16xf32>,
          tpu.vector_store_idx %arg11[%add3A_339, %broadcast_in_dim3A_444], %gather3A_445 masked %eq3A_322 : memref<512x64xf32, #tpu.memory_space<vmem>>[vector<16xi32>, vector<16xi32>], vector<16xf32>, vector<16xi1>
          %broadcast_in_dim3A_446 = arith.constant 36 : i32
          %broadcast_in_dim3A_447 = vector.broadcast %broadcast_in_dim3A_446 : i32 to vector<16xi32>
          %gather3A_448 = tpu.vector_load_idx %arg12[%broadcast_in_dim3A_447] : memref<64xf32, #tpu.memory_space<vmem>>[vector<16xi32>], vector<16xf32>,
          tpu.vector_store_idx %arg11[%add3A_339, %broadcast_in_dim3A_447], %gather3A_448 masked %eq3A_322 : memref<512x64xf32, #tpu.memory_space<vmem>>[vector<16xi32>, vector<16xi32>], vector<16xf32>, vector<16xi1>
          %broadcast_in_dim3A_449 = arith.constant 37 : i32
          %broadcast_in_dim3A_450 = vector.broadcast %broadcast_in_dim3A_449 : i32 to vector<16xi32>
          %gather3A_451 = tpu.vector_load_idx %arg12[%broadcast_in_dim3A_450] : memref<64xf32, #tpu.memory_space<vmem>>[vector<16xi32>], vector<16xf32>,
          tpu.vector_store_idx %arg11[%add3A_339, %broadcast_in_dim3A_450], %gather3A_451 masked %eq3A_322 : memref<512x64xf32, #tpu.memory_space<vmem>>[vector<16xi32>, vector<16xi32>], vector<16xf32>, vector<16xi1>
          %broadcast_in_dim3A_452 = arith.constant 38 : i32
          %broadcast_in_dim3A_453 = vector.broadcast %broadcast_in_dim3A_452 : i32 to vector<16xi32>
          %gather3A_454 = tpu.vector_load_idx %arg12[%broadcast_in_dim3A_453] : memref<64xf32, #tpu.memory_space<vmem>>[vector<16xi32>], vector<16xf32>,
          tpu.vector_store_idx %arg11[%add3A_339, %broadcast_in_dim3A_453], %gather3A_454 masked %eq3A_322 : memref<512x64xf32, #tpu.memory_space<vmem>>[vector<16xi32>, vector<16xi32>], vector<16xf32>, vector<16xi1>
          %broadcast_in_dim3A_455 = arith.constant 39 : i32
          %broadcast_in_dim3A_456 = vector.broadcast %broadcast_in_dim3A_455 : i32 to vector<16xi32>
          %gather3A_457 = tpu.vector_load_idx %arg12[%broadcast_in_dim3A_456] : memref<64xf32, #tpu.memory_space<vmem>>[vector<16xi32>], vector<16xf32>,
          tpu.vector_store_idx %arg11[%add3A_339, %broadcast_in_dim3A_456], %gather3A_457 masked %eq3A_322 : memref<512x64xf32, #tpu.memory_space<vmem>>[vector<16xi32>, vector<16xi32>], vector<16xf32>, vector<16xi1>
          %broadcast_in_dim3A_458 = arith.constant 40 : i32
          %broadcast_in_dim3A_459 = vector.broadcast %broadcast_in_dim3A_458 : i32 to vector<16xi32>
          %gather3A_460 = tpu.vector_load_idx %arg12[%broadcast_in_dim3A_459] : memref<64xf32, #tpu.memory_space<vmem>>[vector<16xi32>], vector<16xf32>,
          tpu.vector_store_idx %arg11[%add3A_339, %broadcast_in_dim3A_459], %gather3A_460 masked %eq3A_322 : memref<512x64xf32, #tpu.memory_space<vmem>>[vector<16xi32>, vector<16xi32>], vector<16xf32>, vector<16xi1>
          %broadcast_in_dim3A_461 = arith.constant 41 : i32
          %broadcast_in_dim3A_462 = vector.broadcast %broadcast_in_dim3A_461 : i32 to vector<16xi32>
          %gather3A_463 = tpu.vector_load_idx %arg12[%broadcast_in_dim3A_462] : memref<64xf32, #tpu.memory_space<vmem>>[vector<16xi32>], vector<16xf32>,
          tpu.vector_store_idx %arg11[%add3A_339, %broadcast_in_dim3A_462], %gather3A_463 masked %eq3A_322 : memref<512x64xf32, #tpu.memory_space<vmem>>[vector<16xi32>, vector<16xi32>], vector<16xf32>, vector<16xi1>
          %broadcast_in_dim3A_464 = arith.constant 42 : i32
          %broadcast_in_dim3A_465 = vector.broadcast %broadcast_in_dim3A_464 : i32 to vector<16xi32>
          %gather3A_466 = tpu.vector_load_idx %arg12[%broadcast_in_dim3A_465] : memref<64xf32, #tpu.memory_space<vmem>>[vector<16xi32>], vector<16xf32>,
          tpu.vector_store_idx %arg11[%add3A_339, %broadcast_in_dim3A_465], %gather3A_466 masked %eq3A_322 : memref<512x64xf32, #tpu.memory_space<vmem>>[vector<16xi32>, vector<16xi32>], vector<16xf32>, vector<16xi1>
          %broadcast_in_dim3A_467 = arith.constant 43 : i32
          %broadcast_in_dim3A_468 = vector.broadcast %broadcast_in_dim3A_467 : i32 to vector<16xi32>
          %gather3A_469 = tpu.vector_load_idx %arg12[%broadcast_in_dim3A_468] : memref<64xf32, #tpu.memory_space<vmem>>[vector<16xi32>], vector<16xf32>,
          tpu.vector_store_idx %arg11[%add3A_339, %broadcast_in_dim3A_468], %gather3A_469 masked %eq3A_322 : memref<512x64xf32, #tpu.memory_space<vmem>>[vector<16xi32>, vector<16xi32>], vector<16xf32>, vector<16xi1>
          %broadcast_in_dim3A_470 = arith.constant 44 : i32
          %broadcast_in_dim3A_471 = vector.broadcast %broadcast_in_dim3A_470 : i32 to vector<16xi32>
          %gather3A_472 = tpu.vector_load_idx %arg12[%broadcast_in_dim3A_471] : memref<64xf32, #tpu.memory_space<vmem>>[vector<16xi32>], vector<16xf32>,
          tpu.vector_store_idx %arg11[%add3A_339, %broadcast_in_dim3A_471], %gather3A_472 masked %eq3A_322 : memref<512x64xf32, #tpu.memory_space<vmem>>[vector<16xi32>, vector<16xi32>], vector<16xf32>, vector<16xi1>
          %broadcast_in_dim3A_473 = arith.constant 45 : i32
          %broadcast_in_dim3A_474 = vector.broadcast %broadcast_in_dim3A_473 : i32 to vector<16xi32>
          %gather3A_475 = tpu.vector_load_idx %arg12[%broadcast_in_dim3A_474] : memref<64xf32, #tpu.memory_space<vmem>>[vector<16xi32>], vector<16xf32>,
          tpu.vector_store_idx %arg11[%add3A_339, %broadcast_in_dim3A_474], %gather3A_475 masked %eq3A_322 : memref<512x64xf32, #tpu.memory_space<vmem>>[vector<16xi32>, vector<16xi32>], vector<16xf32>, vector<16xi1>
          %broadcast_in_dim3A_476 = arith.constant 46 : i32
          %broadcast_in_dim3A_477 = vector.broadcast %broadcast_in_dim3A_476 : i32 to vector<16xi32>
          %gather3A_478 = tpu.vector_load_idx %arg12[%broadcast_in_dim3A_477] : memref<64xf32, #tpu.memory_space<vmem>>[vector<16xi32>], vector<16xf32>,
          tpu.vector_store_idx %arg11[%add3A_339, %broadcast_in_dim3A_477], %gather3A_478 masked %eq3A_322 : memref<512x64xf32, #tpu.memory_space<vmem>>[vector<16xi32>, vector<16xi32>], vector<16xf32>, vector<16xi1>
          %broadcast_in_dim3A_479 = arith.constant 47 : i32
          %broadcast_in_dim3A_480 = vector.broadcast %broadcast_in_dim3A_479 : i32 to vector<16xi32>
          %gather3A_481 = tpu.vector_load_idx %arg12[%broadcast_in_dim3A_480] : memref<64xf32, #tpu.memory_space<vmem>>[vector<16xi32>], vector<16xf32>,
          tpu.vector_store_idx %arg11[%add3A_339, %broadcast_in_dim3A_480], %gather3A_481 masked %eq3A_322 : memref<512x64xf32, #tpu.memory_space<vmem>>[vector<16xi32>, vector<16xi32>], vector<16xf32>, vector<16xi1>
          %broadcast_in_dim3A_482 = arith.constant 48 : i32
          %broadcast_in_dim3A_483 = vector.broadcast %broadcast_in_dim3A_482 : i32 to vector<16xi32>
          %gather3A_484 = tpu.vector_load_idx %arg12[%broadcast_in_dim3A_483] : memref<64xf32, #tpu.memory_space<vmem>>[vector<16xi32>], vector<16xf32>,
          tpu.vector_store_idx %arg11[%add3A_339, %broadcast_in_dim3A_483], %gather3A_484 masked %eq3A_322 : memref<512x64xf32, #tpu.memory_space<vmem>>[vector<16xi32>, vector<16xi32>], vector<16xf32>, vector<16xi1>
          %broadcast_in_dim3A_485 = arith.constant 49 : i32
          %broadcast_in_dim3A_486 = vector.broadcast %broadcast_in_dim3A_485 : i32 to vector<16xi32>
          %gather3A_487 = tpu.vector_load_idx %arg12[%broadcast_in_dim3A_486] : memref<64xf32, #tpu.memory_space<vmem>>[vector<16xi32>], vector<16xf32>,
          tpu.vector_store_idx %arg11[%add3A_339, %broadcast_in_dim3A_486], %gather3A_487 masked %eq3A_322 : memref<512x64xf32, #tpu.memory_space<vmem>>[vector<16xi32>, vector<16xi32>], vector<16xf32>, vector<16xi1>
          %broadcast_in_dim3A_488 = arith.constant 50 : i32
          %broadcast_in_dim3A_489 = vector.broadcast %broadcast_in_dim3A_488 : i32 to vector<16xi32>
          %gather3A_490 = tpu.vector_load_idx %arg12[%broadcast_in_dim3A_489] : memref<64xf32, #tpu.memory_space<vmem>>[vector<16xi32>], vector<16xf32>,
          tpu.vector_store_idx %arg11[%add3A_339, %broadcast_in_dim3A_489], %gather3A_490 masked %eq3A_322 : memref<512x64xf32, #tpu.memory_space<vmem>>[vector<16xi32>, vector<16xi32>], vector<16xf32>, vector<16xi1>
          %broadcast_in_dim3A_491 = arith.constant 51 : i32
          %broadcast_in_dim3A_492 = vector.broadcast %broadcast_in_dim3A_491 : i32 to vector<16xi32>
          %gather3A_493 = tpu.vector_load_idx %arg12[%broadcast_in_dim3A_492] : memref<64xf32, #tpu.memory_space<vmem>>[vector<16xi32>], vector<16xf32>,
          tpu.vector_store_idx %arg11[%add3A_339, %broadcast_in_dim3A_492], %gather3A_493 masked %eq3A_322 : memref<512x64xf32, #tpu.memory_space<vmem>>[vector<16xi32>, vector<16xi32>], vector<16xf32>, vector<16xi1>
          %broadcast_in_dim3A_494 = arith.constant 52 : i32
          %broadcast_in_dim3A_495 = vector.broadcast %broadcast_in_dim3A_494 : i32 to vector<16xi32>
          %gather3A_496 = tpu.vector_load_idx %arg12[%broadcast_in_dim3A_495] : memref<64xf32, #tpu.memory_space<vmem>>[vector<16xi32>], vector<16xf32>,
          tpu.vector_store_idx %arg11[%add3A_339, %broadcast_in_dim3A_495], %gather3A_496 masked %eq3A_322 : memref<512x64xf32, #tpu.memory_space<vmem>>[vector<16xi32>, vector<16xi32>], vector<16xf32>, vector<16xi1>
          %broadcast_in_dim3A_497 = arith.constant 53 : i32
          %broadcast_in_dim3A_498 = vector.broadcast %broadcast_in_dim3A_497 : i32 to vector<16xi32>
          %gather3A_499 = tpu.vector_load_idx %arg12[%broadcast_in_dim3A_498] : memref<64xf32, #tpu.memory_space<vmem>>[vector<16xi32>], vector<16xf32>,
          tpu.vector_store_idx %arg11[%add3A_339, %broadcast_in_dim3A_498], %gather3A_499 masked %eq3A_322 : memref<512x64xf32, #tpu.memory_space<vmem>>[vector<16xi32>, vector<16xi32>], vector<16xf32>, vector<16xi1>
          %broadcast_in_dim3A_500 = arith.constant 54 : i32
          %broadcast_in_dim3A_501 = vector.broadcast %broadcast_in_dim3A_500 : i32 to vector<16xi32>
          %gather3A_502 = tpu.vector_load_idx %arg12[%broadcast_in_dim3A_501] : memref<64xf32, #tpu.memory_space<vmem>>[vector<16xi32>], vector<16xf32>,
          tpu.vector_store_idx %arg11[%add3A_339, %broadcast_in_dim3A_501], %gather3A_502 masked %eq3A_322 : memref<512x64xf32, #tpu.memory_space<vmem>>[vector<16xi32>, vector<16xi32>], vector<16xf32>, vector<16xi1>
          %broadcast_in_dim3A_503 = arith.constant 55 : i32
          %broadcast_in_dim3A_504 = vector.broadcast %broadcast_in_dim3A_503 : i32 to vector<16xi32>
          %gather3A_505 = tpu.vector_load_idx %arg12[%broadcast_in_dim3A_504] : memref<64xf32, #tpu.memory_space<vmem>>[vector<16xi32>], vector<16xf32>,
          tpu.vector_store_idx %arg11[%add3A_339, %broadcast_in_dim3A_504], %gather3A_505 masked %eq3A_322 : memref<512x64xf32, #tpu.memory_space<vmem>>[vector<16xi32>, vector<16xi32>], vector<16xf32>, vector<16xi1>
          %broadcast_in_dim3A_506 = arith.constant 56 : i32
          %broadcast_in_dim3A_507 = vector.broadcast %broadcast_in_dim3A_506 : i32 to vector<16xi32>
          %gather3A_508 = tpu.vector_load_idx %arg12[%broadcast_in_dim3A_507] : memref<64xf32, #tpu.memory_space<vmem>>[vector<16xi32>], vector<16xf32>,
          tpu.vector_store_idx %arg11[%add3A_339, %broadcast_in_dim3A_507], %gather3A_508 masked %eq3A_322 : memref<512x64xf32, #tpu.memory_space<vmem>>[vector<16xi32>, vector<16xi32>], vector<16xf32>, vector<16xi1>
          %broadcast_in_dim3A_509 = arith.constant 57 : i32
          %broadcast_in_dim3A_510 = vector.broadcast %broadcast_in_dim3A_509 : i32 to vector<16xi32>
          %gather3A_511 = tpu.vector_load_idx %arg12[%broadcast_in_dim3A_510] : memref<64xf32, #tpu.memory_space<vmem>>[vector<16xi32>], vector<16xf32>,
          tpu.vector_store_idx %arg11[%add3A_339, %broadcast_in_dim3A_510], %gather3A_511 masked %eq3A_322 : memref<512x64xf32, #tpu.memory_space<vmem>>[vector<16xi32>, vector<16xi32>], vector<16xf32>, vector<16xi1>
          %broadcast_in_dim3A_512 = arith.constant 58 : i32
          %broadcast_in_dim3A_513 = vector.broadcast %broadcast_in_dim3A_512 : i32 to vector<16xi32>
          %gather3A_514 = tpu.vector_load_idx %arg12[%broadcast_in_dim3A_513] : memref<64xf32, #tpu.memory_space<vmem>>[vector<16xi32>], vector<16xf32>,
          tpu.vector_store_idx %arg11[%add3A_339, %broadcast_in_dim3A_513], %gather3A_514 masked %eq3A_322 : memref<512x64xf32, #tpu.memory_space<vmem>>[vector<16xi32>, vector<16xi32>], vector<16xf32>, vector<16xi1>
          %broadcast_in_dim3A_515 = arith.constant 59 : i32
          %broadcast_in_dim3A_516 = vector.broadcast %broadcast_in_dim3A_515 : i32 to vector<16xi32>
          %gather3A_517 = tpu.vector_load_idx %arg12[%broadcast_in_dim3A_516] : memref<64xf32, #tpu.memory_space<vmem>>[vector<16xi32>], vector<16xf32>,
          tpu.vector_store_idx %arg11[%add3A_339, %broadcast_in_dim3A_516], %gather3A_517 masked %eq3A_322 : memref<512x64xf32, #tpu.memory_space<vmem>>[vector<16xi32>, vector<16xi32>], vector<16xf32>, vector<16xi1>
          %broadcast_in_dim3A_518 = arith.constant 60 : i32
          %broadcast_in_dim3A_519 = vector.broadcast %broadcast_in_dim3A_518 : i32 to vector<16xi32>
          %gather3A_520 = tpu.vector_load_idx %arg12[%broadcast_in_dim3A_519] : memref<64xf32, #tpu.memory_space<vmem>>[vector<16xi32>], vector<16xf32>,
          tpu.vector_store_idx %arg11[%add3A_339, %broadcast_in_dim3A_519], %gather3A_520 masked %eq3A_322 : memref<512x64xf32, #tpu.memory_space<vmem>>[vector<16xi32>, vector<16xi32>], vector<16xf32>, vector<16xi1>
          %broadcast_in_dim3A_521 = arith.constant 61 : i32
          %broadcast_in_dim3A_522 = vector.broadcast %broadcast_in_dim3A_521 : i32 to vector<16xi32>
          %gather3A_523 = tpu.vector_load_idx %arg12[%broadcast_in_dim3A_522] : memref<64xf32, #tpu.memory_space<vmem>>[vector<16xi32>], vector<16xf32>,
          tpu.vector_store_idx %arg11[%add3A_339, %broadcast_in_dim3A_522], %gather3A_523 masked %eq3A_322 : memref<512x64xf32, #tpu.memory_space<vmem>>[vector<16xi32>, vector<16xi32>], vector<16xf32>, vector<16xi1>
          %broadcast_in_dim3A_524 = arith.constant 62 : i32
          %broadcast_in_dim3A_525 = vector.broadcast %broadcast_in_dim3A_524 : i32 to vector<16xi32>
          %gather3A_526 = tpu.vector_load_idx %arg12[%broadcast_in_dim3A_525] : memref<64xf32, #tpu.memory_space<vmem>>[vector<16xi32>], vector<16xf32>,
          tpu.vector_store_idx %arg11[%add3A_339, %broadcast_in_dim3A_525], %gather3A_526 masked %eq3A_322 : memref<512x64xf32, #tpu.memory_space<vmem>>[vector<16xi32>, vector<16xi32>], vector<16xf32>, vector<16xi1>
          %broadcast_in_dim3A_527 = arith.constant 63 : i32
          %broadcast_in_dim3A_528 = vector.broadcast %broadcast_in_dim3A_527 : i32 to vector<16xi32>
          %gather3A_529 = tpu.vector_load_idx %arg12[%broadcast_in_dim3A_528] : memref<64xf32, #tpu.memory_space<vmem>>[vector<16xi32>], vector<16xf32>,
          tpu.vector_store_idx %arg11[%add3A_339, %broadcast_in_dim3A_528], %gather3A_529 masked %eq3A_322 : memref<512x64xf32, #tpu.memory_space<vmem>>[vector<16xi32>, vector<16xi32>], vector<16xf32>, vector<16xi1>
        } else {
        }
      }
      %scan3A_315 = arith.constant 32 : i32
    } else {
    }
    %add3A_268 = arith.constant 25088 : i32
    %add3A_269 = arith.addi %mul3A_2, %add3A_268 : i32
    %jit3A_270 = arith.constant 4096 : i32
    %div3A_271 = arith.divsi %add3A_269, %jit3A_270 : i32
    %sign3A_272 = arith.constant 0 : i32
    %sign3A_273 = arith.cmpi sgt, %add3A_269, %sign3A_272 : i32
    %sign3A_274 = arith.extui %sign3A_273 : i1 to i32
    %sign3A_275 = arith.constant 0 : i32
    %sign3A_276 = arith.cmpi slt, %add3A_269, %sign3A_275 : i32
    %sign3A_277 = arith.extui %sign3A_276 : i1 to i32
    %sign3A_278 = arith.subi %sign3A_274, %sign3A_277 : i32
    %sign3A_279 = arith.constant 0 : i32
    %sign3A_280 = arith.cmpi sgt, %jit3A_270, %sign3A_279 : i32
    %sign3A_281 = arith.extui %sign3A_280 : i1 to i32
    %sign3A_282 = arith.constant 0 : i32
    %sign3A_283 = arith.cmpi slt, %jit3A_270, %sign3A_282 : i32
    %sign3A_284 = arith.extui %sign3A_283 : i1 to i32
    %sign3A_285 = arith.subi %sign3A_281, %sign3A_284 : i32
    %ne3A_286 = arith.cmpi ne, %sign3A_278, %sign3A_285 : i32
    %rem3A_287 = arith.remsi %add3A_269, %jit3A_270 : i32
    %ne3A_288 = arith.constant 0 : i32
    %ne3A_289 = arith.cmpi ne, %rem3A_287, %ne3A_288 : i32
    %and3A_290 = arith.andi %ne3A_286, %ne3A_289 : i1
    %sub3A_291 = arith.constant 1 : i32
    %sub3A_292 = arith.subi %div3A_271, %sub3A_291 : i32
    %select_n3A_293 = arith.select %and3A_290, %sub3A_292, %div3A_271 : i32
    %jit3A_294 = arith.constant 4096 : i32
    %eq3A_295 = arith.constant 0 : i32
    %eq3A_296 = arith.cmpi eq, %jit3A_294, %eq3A_295 : i32
    %jit3A_297 = arith.constant 1 : i32
    %select_n3A_298 = arith.select %eq3A_296, %jit3A_297, %jit3A_294 : i32
    %rem3A_299 = arith.remsi %add3A_269, %select_n3A_298 : i32
    %ne3A_300 = arith.constant 0 : i32
    %ne3A_301 = arith.cmpi ne, %rem3A_299, %ne3A_300 : i32
    %lt3A_302 = arith.constant 0 : i32
    %lt3A_303 = arith.cmpi slt, %rem3A_299, %lt3A_302 : i32
    %lt3A_304 = arith.constant 0 : i32
    %lt3A_305 = arith.cmpi slt, %select_n3A_298, %lt3A_304 : i32
    %ne3A_306 = arith.xori %lt3A_303, %lt3A_305 : i1
    %and3A_307 = arith.andi %ne3A_306, %ne3A_301 : i1
    %add3A_308 = arith.addi %rem3A_299, %select_n3A_298 : i32
    %select_n3A_309 = arith.select %and3A_307, %add3A_308, %rem3A_299 : i32
    "tpu.region"() ({
      %run_scoped3A = tpu.sem_alloc : memref<!tpu.dma_semaphore, #tpu.memory_space<semaphore_mem>>
      %dma_start3A_310 = arith.constant 0 : i32
      %dma_start3A_311 = tpu.memref_slice %arg5[%select_n3A_293, %select_n3A_309, %dma_start3A_310] : memref<200x4096x64xf32, #tpu.memory_space<hbm>> -> memref<1x512x64xf32, #tpu.memory_space<hbm>>
      %dma_start3A_312 = tpu.memref_squeeze %dma_start3A_311 : memref<1x512x64xf32, #tpu.memory_space<hbm>> -> memref<512x64xf32, #tpu.memory_space<hbm>>
      %dma_start3A_313 = arith.constant 0 : i32
      %dma_start3A_314 = tpu.memref_slice %arg5[%select_n3A_293, %select_n3A_309, %dma_start3A_313] : memref<200x4096x64xf32, #tpu.memory_space<hbm>> -> memref<1x512x64xf32, #tpu.memory_space<hbm>>
      %dma_start3A_315 = tpu.memref_squeeze %dma_start3A_314 : memref<1x512x64xf32, #tpu.memory_space<hbm>> -> memref<512x64xf32, #tpu.memory_space<hbm>>
      tpu.enqueue_dma source(%arg11 : memref<512x64xf32, #tpu.memory_space<vmem>>) target(%dma_start3A_315 : memref<512x64xf32, #tpu.memory_space<hbm>>) target_semaphore(%run_scoped3A : memref<!tpu.dma_semaphore, #tpu.memory_space<semaphore_mem>>)
      %dma_wait3A_316 = arith.constant 0 : i32
      %dma_wait3A_317 = tpu.memref_slice %arg5[%select_n3A_293, %select_n3A_309, %dma_wait3A_316] : memref<200x4096x64xf32, #tpu.memory_space<hbm>> -> memref<1x512x64xf32, #tpu.memory_space<hbm>>
      %dma_wait3A_318 = tpu.memref_squeeze %dma_wait3A_317 : memref<1x512x64xf32, #tpu.memory_space<hbm>> -> memref<512x64xf32, #tpu.memory_space<hbm>>
      %dma_wait3A_319 = arith.constant 0 : i32
      %dma_wait3A_320 = tpu.memref_slice %arg5[%select_n3A_293, %select_n3A_309, %dma_wait3A_319] : memref<200x4096x64xf32, #tpu.memory_space<hbm>> -> memref<1x512x64xf32, #tpu.memory_space<hbm>>
      %dma_wait3A_321 = tpu.memref_squeeze %dma_wait3A_320 : memref<1x512x64xf32, #tpu.memory_space<hbm>> -> memref<512x64xf32, #tpu.memory_space<hbm>>
      tpu.wait_dma2 semaphore(%run_scoped3A : memref<!tpu.dma_semaphore, #tpu.memory_space<semaphore_mem>>) src(%arg11 : memref<512x64xf32, #tpu.memory_space<vmem>>) dst(%dma_wait3A_321 : memref<512x64xf32, #tpu.memory_space<hbm>>)
      tpu.yield
    }) : () -> ()
    return
  }
}

</mosaic_0001>

<sc_bundles>
// kernel: kernel.3.cloned.1.call-start
scs
__scs_entry_jumppad:
0x0: {  	(pc) =	sbr.rel $0x88, $3  }
0x1: {  	(tag) =	ssettag $0x0;
	lr =	simm.s32 $0x1  }
0x2: {  	[smem:$0x3F9E] =	sst lr;
	_ =	strace $0xD0000000  }
0x3: {  	_ = 	snop  }
0x4: {  	_ = 	snop  }
0x5: {  	_ = 	snop  }
0x6: {  	_ = 	snop  }
0x7: {  	_ = 	snop  }
__scs_overlays_trampoline_lowered:
0x8: {  	[smem:$0x3FAD] =	sst s0  }
0x9: {  	[smem:$0x3FAE] =	sst s1  }
0xa: {  	[smem:$0x3FAF] =	sst s2  }
0xb: {  	[smem:$0x3FB0] =	sst s3  }
0xc: {  	[smem:$0x3FB1] =	sst s4  }
0xd: {  	[smem:$0x3FB2] =	sst s5  }
0xe: {  	[smem:$0x3FB3] =	sst s6  }
0xf: {  	[smem:$0x3FB4] =	sst s7  }
0x10: {  	[smem:$0x3FB5] =	sst s8  }
0x11: {  	[smem:$0x3FB6] =	sst s9;
	s0 =	simm.s32 @!p0 $0x0  }
0x12: {  	s1 =	sld [smem:$0x3F9C];
	s0 =	simm.s32 @p0 $0x1  }
0x13: {  	[smem:$0x3FB7] =	sst s0;
	s0 =	simm.s32 @!p1 $0x0  }
0x14: {  	s2 =	sld [smem:$0x3F9B];
	s0 =	simm.s32 @p1 $0x1  }
0x15: {  	[smem:$0x3FB8] =	sst s0;
	s0 =	simm.s32 @!p2 $0x0  }
0x16: {  	s3 =	sld [smem:$0x3FDB];
	s0 =	simm.s32 @p2 $0x1  }
0x17: {  	s4 =	simm.s32 $0x1BF5;
	[smem:$0x3FBA] =	sst s0  }
0x18: {  	s0 =	sld [smem:$0x3F9D];
	_ =	swait.ge [sflag:s4], $0x0  }
0x19: {  	s7 =	sld [smem:$0x3F9E]  }
0x1a: {  	s8 =	sadd.s32 $0xFFFFE003, lr  }
0x1b: {  	s9 =	sadd.s32 $0xFFFFFEF7, lr;
	s5 =	simm.s32 $0xFFFFFFFF;
	p2 =	slt.u32 s8, $0xFFFFF086  }
0x1c: {  	p1 =	slt.u32 s9, $0xF7A;
	s5 =	simm.s32 @!p2 $0x0  }
0x1d: {  	s5 =	simm.s32 @p1 $0x1;
	p0 =	seq.s32 s7, s2  }
0x1e: {  	s7 =	smul.u32 @!p0 $0xF7A, s2;
	p2 =	seq.s32 @!p0 s5, $0x0  }
0x1f: {  	s9 =	smul.u32 $0xF7A, s1;
	s8 =	simm.s32 @!p0 $0x1BF5;
	p2 =	por !p2, p0  }
0x20: {  	[sflag:s8] =	ssyncset.s32 @!p0 $0xFFFFF086;
	s6 =	sadd.s32 @!p0 s3, s7;
	s7 =	simm.s32 @!p0 $0x108  }
0x21: {  	s3 =	sadd.s32 s3, s9;
	s6 =	sadd.s32 @!p0 $0x88, s6;
	s7 =	simm.s32 @p2 $0x1082  }
0x22: {  	[simem:s7], [sflag:s8] =	dma.local @!p0 [hbm:s6], $0xF7A  }
0x23: {  	s9 =	sor.u32 $0xD0000000, s2;
	s6 =	simm.s32 $0x108;
	_ =	swait.ge @!p0 [sflag:s8], $0x0  }
0x24: {  	s3 =	sadd.s32 $0x88, s3;
	s6 =	simm.s32 @!p1 $0x1082;
	[sflag:s4] =	ssyncset.s32 $0xFFFFF086  }
0x25: {  	[simem:s6], [sflag:s4] =	dma.local [hbm:s3], $0xF7A  }
0x26: {  	[smem:$0x3F9E] =	sst s1;
	(tag) =	ssettag s2;
	_ =	strace s9  }
0x27: {  	s1 =	sld [smem:$0x3FAE]  }
0x28: {  	s2 =	sld [smem:$0x3FAF]  }
0x29: {  	s4 =	sld [smem:$0x3FB1]  }
0x2a: {  	p0 =	seq.s32 s5, $0x0;
	s5 =	sld [smem:$0x3FB2]  }
0x2b: {  	s6 =	sld [smem:$0x3FB3]  }
0x2c: {  	s7 =	sld [smem:$0x3FB4]  }
0x2d: {  	s3 =	simm.s32 $0x108;
	s8 =	sld [smem:$0x3FB5]  }
0x2e: {  	s3 =	simm.s32 @!p0 $0x1082;
	s9 =	sld [smem:$0x3FB6]  }
0x2f: {  	lr =	sadd.s32 s0, s3;
	s0 =	sld [smem:$0x3FAD]  }
0x30: {  	s3 =	sld [smem:$0x3FB0]  }
0x31: {  	[smem:$0x3FB9] =	sst s10  }
0x32: {  	s10 =	sld [smem:$0x3FB7];
	_ =	sdelay $0x3  }
0x33: {  	p0 =	seq.s32 s10, $0x1;
	s10 =	sld [smem:$0x3FB9];
	_ =	sdelay $0x3  }
0x34: {  	[smem:$0x3FB9] =	sst s10  }
0x35: {  	s10 =	sld [smem:$0x3FB8];
	_ =	sdelay $0x3  }
0x36: {  	p1 =	seq.s32 s10, $0x1;
	s10 =	sld [smem:$0x3FB9];
	_ =	sdelay $0x3  }
0x37: {  	[smem:$0x3FB9] =	sst s10  }
0x38: {  	s10 =	sld [smem:$0x3FBA]  }
0x39: {  	_ = 	snop;
	(pc) =	sbr.ind lr, $3  }
0x3a: {  	_ = 	snop  }
0x3b: {  	_ = 	snop  }
0x3c: {  	p2 =	seq.s32 s10, $0x1;
	s10 =	sld [smem:$0x3FB9]  }
0x3d: {  	_ =	shalt  }
0x3e: {  	_ =	shalt  }
0x3f: {  	_ =	shalt  }
0x40: {  	_ =	shalt  }
0x41: {  	_ =	shalt  }
0x42: {  	_ =	shalt  }
0x43: {  	_ =	shalt  }
0x44: {  	_ =	shalt  }
0x45: {  	_ =	shalt  }
0x46: {  	_ =	shalt  }
0x47: {  	_ =	shalt  }
0x48: {  	_ =	shalt  }
0x49: {  	_ =	shalt  }
0x4a: {  	_ =	shalt  }
0x4b: {  	_ =	shalt  }
0x4c: {  	_ =	shalt  }
0x4d: {  	_ =	shalt  }
0x4e: {  	_ =	shalt  }
0x4f: {  	_ =	shalt  }
0x50: {  	_ =	shalt  }
0x51: {  	_ =	shalt  }
0x52: {  	_ =	shalt  }
0x53: {  	_ =	shalt  }
0x54: {  	_ =	shalt  }
0x55: {  	_ =	shalt  }
0x56: {  	_ =	shalt  }
0x57: {  	_ =	shalt  }
0x58: {  	_ =	shalt  }
0x59: {  	_ =	shalt  }
0x5a: {  	_ =	shalt  }
0x5b: {  	_ =	shalt  }
0x5c: {  	_ =	shalt  }
0x5d: {  	_ =	shalt  }
0x5e: {  	_ =	shalt  }
0x5f: {  	_ =	shalt  }
0x60: {  	_ =	shalt  }
0x61: {  	_ =	shalt  }
0x62: {  	_ =	shalt  }
0x63: {  	_ =	shalt  }
0x64: {  	_ =	shalt  }
0x65: {  	_ =	shalt  }
0x66: {  	_ =	shalt  }
0x67: {  	_ =	shalt  }
0x68: {  	_ =	shalt  }
0x69: {  	_ =	shalt  }
0x6a: {  	_ =	shalt  }
0x6b: {  	_ =	shalt  }
0x6c: {  	_ =	shalt  }
0x6d: {  	_ =	shalt  }
0x6e: {  	_ =	shalt  }
0x6f: {  	_ =	shalt  }
0x70: {  	_ =	shalt  }
0x71: {  	_ =	shalt  }
0x72: {  	_ =	shalt  }
0x73: {  	_ =	shalt  }
0x74: {  	_ =	shalt  }
0x75: {  	_ =	shalt  }
0x76: {  	_ =	shalt  }
0x77: {  	_ =	shalt  }
0x78: {  	_ =	shalt  }
0x79: {  	_ =	shalt  }
0x7a: {  	_ =	shalt  }
0x7b: {  	_ =	shalt  }
0x7c: {  	_ =	shalt  }
0x7d: {  	_ =	shalt  }
0x7e: {  	_ =	shalt  }
0x7f: {  	_ =	shalt  }
0x80: {  	_ =	shalt  }
0x81: {  	_ =	shalt  }
0x82: {  	_ =	shalt  }
0x83: {  	_ =	shalt  }
0x84: {  	_ =	shalt  }
0x85: {  	_ =	shalt  }
0x86: {  	_ =	shalt  }
0x87: {  	_ =	shalt  }
.Lfunc_end0:
.L_simem_size_0:
called_computation.1_lowered:
.L_overlay_start_0:
0x88: {  	s2 =	sld [smem:$0x3FD9]  }
0x89: {  	s3 =	sld [smem:$0x3FFE];
	_ =	sdelay $0x1  }
0x8a: {  	s1 =	srdreg.scid  }
0x8b: {  	s0 =	sand.u32 $0x1, s1  }
0x8c: {  	s17 =	sshll.u32 s0, $0xA;
	s2 =	sadd.s32 s3, s2  }
0x8d: {  	s2 =	sadd.s32 s2, s17  }
0x8e: {  	[smem:$0x3FC5] =	sst s2  }
0x8f: {  	_ = 	snop  }
0x90: {  	s2 =	sld [smem:$0x3FC7]  }
0x91: {  	s18 =	sld [smem:$0x3FD0];
	(tm) =	ssettm $0x1  }
0x92: {  	s4 =	sld [smem:$0x3FFB];
	_ =	sdelay $0x3  }
0x93: {  	_ =	strace s4  }
0x94: {  	s4 =	sld [smem:$0x3FFC];
	_ =	sdelay $0x3  }
0x95: {  	_ =	strace s4  }
0x96: {  	s4 =	sld [smem:$0x3FFD];
	_ =	sdelay $0x3  }
0x97: {  	_ =	strace s4  }
0x98: {  	_ =	strace $0x8FFFFFFF  }
0x99: {  	s19 =	sld [smem:$0x3FDB];
	_ =	sdelay $0x1  }
0x9a: {  	s5 =	simm.s32 $_scs_section_size  }
0x9b: {  	s6 =	simm.s32 $_size__tile_overlayer_lowered;
	s7 =	simm.s32 $_tile_overlayer_lowered  }
0x9c: {  	s22 =	simm.s32 $0x1BFF;
	s21 =	sshll.u32 s7, $0x1;
	s4 =	sadd.s32 s5, s19  }
0x9d: {  	s8 =	simm.s32 $0x0;
	s20 =	sshll.u32 s6, $0x1;
	s6 =	sadd.s32 s21, s4  }
0x9e: {  	[timem:s8], [sflag:s22] =	dma.local [hbm:s6], s20  }
0x9f: {  	_ =	swait.ge [sflag:s22], s20  }
0xa0: {  	s5 =	ssub.s32 $0x0, s20;
	[sflag:s22] =	ssyncset.done $0x0  }
0xa1: {  	[sflag:s22] =	ssyncadd.s32 s5;
	_ =	sdelay $0x1  }
0xa2: {  	s23 =	simm.s32 $0x1B8B  }
0xa3: {  	_ =	swait.ge [sflag:s23], $0x1  }
0xa4: {  	[sflag:s23] =	ssyncset.done $0x0  }
0xa5: {  	s25 =	simm.s32 $0x1B8E;
	s24 =	sld [smem:$0x3FFE];
	[sflag:s23] =	ssyncadd.s32 $0xFFFFFFFF  }
0xa6: {  	s26 =	simm.s32 $execute0_lowered;
	[smem:$0x3FD2] =	sst s25  }
0xa7: {  	s6 =	sshll.u32 s26, $0x1;
	_ =	strace $0x80000046;
	[dreg:$0x1] =	wrdreg $0xFFFFFFFF  }
0xa8: {  	s28 =	simm.s32 $_size_execute0_lowered;
	s4 =	sadd.s32 s4, s6;
	[dreg:$0x0] =	wrdreg $0x0  }
0xa9: {  	s6 =	sshll.u32 s28, $0x1;
	[dreg:$0x2] =	wrdreg s4  }
0xaa: {  	[dreg:$0x3] =	wrdreg s6  }
0xab: {  	[dreg:$0x4] =	wrdreg $0xC0  }
0xac: {  	_ =	task [dreg:s8], $0x5FFFF  }
0xad: {  	[dreg:$0x1] =	wrdreg $0xFFFFFFFF  }
0xae: {  	[dreg:$0x0] =	wrdreg $0x60  }
0xaf: {  	[dreg:$0x2] =	wrdreg s24  }
0xb0: {  	[dreg:$0x3] =	wrdreg s2  }
0xb1: {  	[dreg:$0x4] =	wrdreg s18  }
0xb2: {  	[dreg:$0x5] =	wrdreg $0x9  }
0xb3: {  	_ =	task.clear_ibuf [dreg:s8], $0x6FFFF;
	_ =	strace $0x90000046  }
0xb4: {  	s29 =	simm.s32 $0x9;
	_ =	strace $0x80000048  }
0xb5: {  	_ =	swait.ge [sflag:s29], $0x1  }
0xb6: {  	[sflag:s29] =	ssyncadd.s32 $0xFFFFFFFF  }
0xb7: {  	_ =	strace $0x90000048  }
0xb8: {  	_ =	sfence  }
0xb9: {  	s30 =	sld [smem:$0x0];
	_ =	sdelay $0x2  }
0xba: {  	s31 =	sshll.u32 s1, $0xD;
	s1 =	sshrl.u32 s1, $0x2  }
0xbb: {  	s3 =	sand.u32 $0x4000, s31;
	s1 =	sadd.s32 s1, s30  }
0xbc: {  	s0 =	sor.u32 s3, s0;
	s1 =	sshll.u32 s1, $0x11  }
0xbd: {  	s0 =	sor.u32 s1, s0  }
0xbe: {  	s0 =	sadd.s32 $0x8F2B, s0  }
0xbf: {  	[sflag:s0] =	ssyncadd.remote.s32 $0x1  }
0xc0: {  	_ =	sfence.sel $0xFFFF  }
0xc1: {  	[dreg:$0x0] =	wrdreg $0xFFFFFFFF;
	(pc) =	sbr.abs _section_cstart, $3  }
0xc2: {  	[dreg:$0x1] =	wrdreg $0xFFFFFFFF  }
0xc3: {  	_ =	task.clear_ibuf [dreg:s8], $0x2FFFF;
	_ =	strace $0x9FFFFFFF  }
0xc4: {  	(tm) =	ssettm $0x7FFFFFFF  }
0xc5: {  	_ =	shalt  }
tec
execute0_lowered:
.L_overlay_start_1:
0x0: {  	(tag) =	ssettag $0x1  }
0x1: {  	v1 =	vlaneseq.u32  }
0x2: {  	s0 =	rddreg [dreg:$0x0];
	v0 =	vimm.f32 $0.0e+00;
	v7 =	vimm.s32 $0x5;
	v8 =	vimm.s32 $0x7  }
0x3: {  	s2 =	rddreg [dreg:$0x2];
	v9 =	vimm.s32 $0x8;
	v10 =	vimm.s32 $0x9;
	v11 =	vimm.s32 $0xA  }
0x4: {  	s1 =	srdreg.scid;
	s3 =	stileid.u32;
	s4 =	simm.s32 $0x0;
	v12 =	vimm.s32 $0xB;
	v13 =	vimm.s32 $0xC;
	v14 =	vimm.s32 $0xD  }
0x5: {  	v15 =	vimm.s32 $0xE;
	v16 =	vimm.s32 $0xF;
	v17 =	vimm.s32 $0x10;
	s14 =	simm.s32 $0x10800;
	s15 =	simm.s32 $0x3;
	s16 =	simm.s32 $0x80  }
0x6: {  	v18 =	vimm.s32 $0x11;
	v19 =	vimm.s32 $0x12;
	v20 =	vimm.s32 $0x13;
	s18 =	simm.s32 $0x400;
	s28 =	simm.s32 $0x8800;
	s29 =	simm.s32 $0x8680  }
0x7: {  	v21 =	vimm.s32 $0x14;
	v22 =	vimm.s32 $0x15;
	v23 =	vimm.s32 $0x16;
	s30 =	simm.s32 $0xA800;
	s31 =	simm.s32 $0x8700;
	s10 =	simm.s32 $0x2  }
0x8: {  	v24 =	vimm.s32 $0x17;
	v25 =	vimm.s32 $0x18;
	v26 =	vimm.s32 $0x19;
	s12 =	simm.s32 $0x0;
	s1 =	sand.u32 $0x1, s1;
	s3 =	sshll.u32 s3, $0x1  }
0x9: {  	v27 =	vimm.s32 $0x1A;
	v28 =	vimm.s32 $0x1B;
	v29 =	vimm.s32 $0x1C;
	[smem:$0x7FF] =	sst s4;
	s6 =	sadd.s32 $0xF42E00, s0;
	s3 =	sor.u32 s1, s3  }
0xa: {  	v30 =	vimm.s32 $0x1D;
	v31 =	vimm.s32 $0x1E;
	v32 =	vimm.s32 $0x1F;
	s7 =	sadd.s32 $0xA00, s0;
	s1 =	ssub.s32 $0x2, s1;
	s5 =	smul.u32 $0x6400, s3  }
0xb: {  	v33 =	vimm.s32 $0x20;
	v34 =	vimm.s32 $0x21;
	v35 =	vimm.s32 $0x22;
	s8 =	smul.u32 $0x190000, s3;
	s21 =	sshrl.u32 s1, $0x1;
	s3 =	sshll.u32 s3, $0x10  }
0xc: {  	v36 =	vimm.s32 $0x23;
	v37 =	vimm.s32 $0x24;
	v38 =	vimm.s32 $0x25;
	_ =	strace $0x80000047;
	s3 =	sand.u32 $0x30000, s3;
	s0 =	ssub.s32 s1, s21  }
0xd: {  	v39 =	vimm.s32 $0x26;
	v40 =	vimm.s32 $0x27;
	v41 =	vimm.s32 $0x28;
	s9 =	sshrl.u32 s5, $0x3;
	s8 =	sand.u32 $0x3FC0000, s8;
	s24 =	sadd.s32 $0x6200, s5  }
0xe: {  	v42 =	vimm.s32 $0x29;
	v43 =	vimm.s32 $0x2A;
	v44 =	vimm.s32 $0x2B;
	s0 =	smax.u32 s0, $0x1;
	s22 =	sadd.s32 s7, s9;
	s23 =	sor.u32 s3, s8  }
0xf: {  	v45 =	vimm.s32 $0x2C;
	v46 =	vimm.s32 $0x2D;
	v47 =	vimm.s32 $0x2E;
	s9 =	sadd.s32 $0x400, s5;
	s25 =	sshrl.u32 s24, $0x3;
	s3 =	sshll.u32 s24, $0x3  }
0x10: {  	v48 =	vimm.s32 $0x2F;
	v49 =	vimm.s32 $0x30;
	v50 =	vimm.s32 $0x31;
	[dreg:$0x8] =	wrdreg s0;
	s24 =	simm.s32 $0x6400;
	s0 =	simm.s32 $0xE800  }
.Ltmp0:
0x11: {  	v51 =	vimm.s32 $0x32;
	v52 =	vimm.s32 $0x33;
	v53 =	vimm.s32 $0x34;
	[dreg:$0x4] =	wrdreg s22;
	s1 =	sadd.s32 $0x180000, s23;
	(pc) =	sbr.rel .LBB2_1-.Ltmp0, $4  }
0x12: {  	v54 =	vimm.s32 $0x35;
	v55 =	vimm.s32 $0x36;
	v56 =	vimm.s32 $0x37;
	s8 =	sadd.s32 s7, s25;
	s26 =	sadd.s32 s2, s3;
	s25 =	simm.s32 $0x8400  }
0x13: {  	v57 =	vimm.s32 $0x38;
	v58 =	vimm.s32 $0x39;
	v59 =	vimm.s32 $0x3A;
	s3 =	simm.s32 $0x8780;
	s1 =	sshrl.u32 s1, $0x3;
	[dreg:$0x5] =	wrdreg s8  }
0x14: {  	v60 =	vimm.s32 $0x3B;
	v61 =	vimm.s32 $0x3C;
	v62 =	vimm.s32 $0x3D;
	[dreg:$0x7] =	wrdreg s26;
	s26 =	simm.s32 $0x8600;
	s1 =	sadd.s32 s2, s1  }
0x15: {  	v63 =	vimm.s32 $0x3E;
	v2 =	vimm.s32 $0x3F;
	v1 =	vmul.u32 $0x40, v1;
	s8 =	simm.s32 $0x1;
	[dreg:$0x6] =	wrdreg s1;
	s1 =	simm.s32 $0xC800  }
.LBB2_28:
0x16: {  	s11 =	rddreg [dreg:$0x7]  }
0x17: {  	[hbm4b:s11+s4] =	stream.linear.scatter [tilespmem:s28], [sflag:$0x3], $0x8000, $0x38;
	[tilespmem:$0x10840] =	vst v63  }
0x18: {  	_ =	swait.ge [sflag:s15], $0x8000  }
0x19: {  	s12 =	rddreg [dreg:$0x9]  }
0x1a: {  	s23 =	rddreg [dreg:$0x8];
	s12 =	sadd.s32 $0x1, s12  }
0x1b: {  	p0 =	sne.s32 s12, s23  }
.Ltmp1:
0x1c: {  	_ = 	snop;
	(pc) =	sbr.rel @!p0 .LBB2_29-.Ltmp1, $3  }
0x1d: {  	_ =	sdelay $0x1  }
0x1e: {  	[sflag:s15] =	ssyncset.done $0x0  }
0x1f: {  	[sflag:s15] =	ssyncadd.s32 $0xFFFF8000  }
.LBB2_1:
0x20: {  	[dreg:$0x9] =	wrdreg s12  }
0x21: {  	s11 =	rddreg [dreg:$0x1]  }
0x22: {  	[tilespmem:s14], [sflag:$0x3] =	stream.linear.gather [hbm4b:s11+s4], $0x40, $0x38;
	[tilespmem:$0x10840] =	vst v63  }
0x23: {  	_ =	swait.ge [sflag:s15], $0x40  }
0x24: {  	[sflag:s15] =	ssyncset.done $0x0  }
0x25: {  	s19 =	rddreg [dreg:$0x4];
	[sflag:s15] =	ssyncadd.s32 $0xFFFFFFC0  }
0x26: {  	[tilespmem:s4], [sflag:$0x3] =	stream.linear.gather [hbm4b:s19+s4], $0x200, $0x38;
	[tilespmem:$0x10840] =	vst v63  }
0x27: {  	_ =	swait.ge [sflag:s15], $0x200  }
0x28: {  	[sflag:s15] =	ssyncset.done $0x0  }
0x29: {  	s20 =	simm.s32 $0x0;
	[sflag:s15] =	ssyncadd.s32 $0xFFFFFE00  }
0x2a: {  	v3 =	vld [tilespmem:s20+$0x0];
	_ =	sdelay $0x4  }
0x2b: {  	vm0 =	veq.s32 v3, $0xF4240  }
0x2c: {  	s21 =	simm.s32 $0x10;
	v3 =	vsel vm0, $0x0, v3  }
0x2d: {  	s22 =	simm.s32 $0x20;
	v4 =	vld [tilespmem:s21+$0x0];
	[tilespmem:s20+$0x200] =	vst v3  }
0x2e: {  	v3 =	vld [tilespmem:s22+$0x0];
	_ =	sdelay $0x2  }
0x2f: {  	v5 =	vsel vm0, $0x3F800000, v0  }
0x30: {  	vm13 =	veq.s32 v4, $0xF4240;
	(xrf0) =	vmax.scan.msk.f32 $0xffff, v5  }
0x31: {  	v5 =	vsel vm13, $0x3F800000, v0;
	vm14 =	veq.s32 v3, $0xF4240  }
0x32: {  	(xrf0) =	vmax.scan.msk.f32 $0xffff, v5;
	v5 =	vsel vm14, $0x3F800000, v0  }
0x33: {  	(xrf0) =	vmax.scan.msk.f32 $0xffff, v5;
	_ =	sdelay $0x1  }
0x34: {  	v3 =	vsel vm14, $0x0, v3  }
0x35: {  	v4 =	vsel vm13, $0x0, v4;
	v5, _, _ =	vpop (xrf0)  }
0x36: {  	s23 =	simm.s32 $0x30;
	[tilespmem:s21+$0x200] =	vst v4;
	(v2sf) =	vpush v5, $0xF  }
0x37: {  	v4 =	vld [tilespmem:s23+$0x0];
	[tilespmem:s22+$0x200] =	vst v3;
	v3, _, _ =	vpop (xrf0)  }
0x38: {  	(v2sf) =	vpush v3, $0xF;
	v5, _, _ =	vpop (xrf0)  }
0x39: {  	(v2sf) =	vpush v5, $0xF;
	_ =	sdelay $0x5  }
0x3a: {  	s11 =	simm.s32 $0x40;
	vm15 =	veq.s32 v4, $0xF4240  }
0x3b: {  	v6 =	vsel vm15, $0x0, v4;
	v4 =	vsel vm15, $0x3F800000, v0;
	v3 =	vld [tilespmem:s11+$0x0]  }
0x3c: {  	(xrf0) =	vmax.scan.msk.f32 $0xffff, v4  }
0x3d: {  	p0 =	por $0x0, $0x0;
	s12 =	simm.s32 $0x140;
	[tilespmem:s23+$0x200] =	vst v6  }
.LBB2_2:
0x3e: {  	p1 =	sne.s32 s12, $0x7C0  }
.Ltmp2:
0x3f: {  	s13 =	sshra.s32 s12, $0x2;
	(pc) =	sbr.rel @p1 .LBB2_2-.Ltmp2, $4  }
0x40: {  	s12 =	sadd.s32 $0x40, s12;
	s17 =	spop (v2sf);
	vm0 =	veq.s32 v3, $0xF4240  }
0x41: {  	p2 =	sgt.f32 s17, $0.0e+00;
	v6 =	vsel vm0, $0x0, v3;
	v3 =	vld [tilespmem:s13+$0x0];
	v5 =	vsel vm0, $0x3F800000, v0  }
0x42: {  	[tilespmem:s11+$0x200] =	vst v6;
	(xrf0) =	vmax.scan.msk.f32 $0xffff, v5;
	v4, _, _ =	vpop (xrf0);
	s11 =	smov.u32 s13  }
0x43: {  	p0 =	por p0, p2;
	(v2sf) =	vpush v4, $0xF  }
0x44: {  	_ =	sdelay $0x1  }
0x45: {  	vm0 =	veq.s32 v3, $0xF4240  }
0x46: {  	v4 =	vsel vm0, $0x3F800000, v0  }
0x47: {  	(xrf0) =	vmax.scan.msk.f32 $0xffff, v4;
	_ =	sdelay $0x1  }
0x48: {  	v4, _, _ =	vpop (xrf0)  }
0x49: {  	(v2sf) =	vpush v4, $0xF;
	_ =	sdelay $0x2  }
0x4a: {  	v4, _, _ =	vpop (xrf0)  }
0x4b: {  	(v2sf) =	vpush v4, $0xF;
	_ =	sdelay $0x2  }
0x4c: {  	v3 =	vsel vm0, $0x0, v3  }
0x4d: {  	s12 =	spop (v2sf);
	s22 =	simm.s32 $0x200;
	[tilespmem:s11+$0x200] =	vst v3  }
0x4e: {  	[tilespmem:s18], [sflag:$0x1] =	stream.indirect.gather [hbm4b:s6+s16], $0x40, s22, s16, $0xb8;
	[tilespmem:$0x10840] =	vst v63  }
0x4f: {  	s19 =	simm.s32 $0x280;
	s17 =	simm.s32 $0x2400;
	s13 =	spop (v2sf)  }
0x50: {  	[tilespmem:s17], [sflag:$0x1] =	stream.indirect.gather [hbm4b:s6+s16], $0x40, s19, s16, $0xb8;
	[tilespmem:$0x10840] =	vst v63  }
0x51: {  	s21 =	spop (v2sf)  }
0x52: {  	s22 =	simm.s32 $0x4400;
	p5 =	sgt.f32 s21, $0.0e+00;
	s21 =	simm.s32 $0x300  }
0x53: {  	[tilespmem:s22], [sflag:$0x1] =	stream.indirect.gather [hbm4b:s6+s16], $0x40, s21, s16, $0xb8;
	[tilespmem:$0x10840] =	vst v63  }
0x54: {  	p1 =	sgt.f32 s12, $0.0e+00;
	s23 =	spop (v2sf)  }
0x55: {  	p4 =	sgt.f32 s13, $0.0e+00;
	p6 =	sgt.f32 s23, $0.0e+00;
	s23 =	simm.s32 $0x380  }
0x56: {  	[tilespmem:s24], [sflag:$0x1] =	stream.indirect.gather [hbm4b:s6+s16], $0x40, s23, s16, $0xb8;
	[tilespmem:$0x10840] =	vst v63  }
.Ltmp3:
0x57: {  	p0 =	por p0, p1;
	(pc) =	sbr.rel .LBB2_4-.Ltmp3, $4  }
0x58: {  	p0 =	por p0, p4;
	s20 =	spop (v2sf)  }
0x59: {  	p0 =	por p0, p5;
	p2 =	sgt.f32 s20, $0.0e+00  }
0x5a: {  	p0 =	por p0, p6  }
0x5b: {  	s12 =	simm.s32 $0x0;
	s13 =	simm.s32 $0x0;
	p0 =	por p0, p2  }
.LBB2_17:
0x5c: {  	s11 =	sshll.u32 s11, $0x3;
	s13 =	sadd.s32 $0x1, s13  }
0x5d: {  	s11 =	sand.u32 $0xFFFF000, s11;
	p1 =	sne.s32 s13, $0x18  }
.Ltmp4:
0x5e: {  	s11 =	sadd.s32 s2, s11;
	(pc) =	sbr.rel @!p1 .LBB2_18-.Ltmp4, $4  }
0x5f: {  	[hbm4b:s11+s4] =	stream.linear.scatter [tilespmem:s28], [sflag:$0x3], $0x8000, $0x38;
	[tilespmem:$0x10840] =	vst v63  }
0x60: {  	_ =	swait.ge [sflag:s15], $0x8000  }
0x61: {  	[sflag:s15] =	ssyncset.done $0x0  }
0x62: {  	[sflag:s15] =	ssyncadd.s32 $0xFFFF8000  }
.LBB2_4:
0x63: {  	s17 =	sshll.u32 s13, $0xA  }
0x64: {  	s11 =	sadd.s32 s17, s5  }
0x65: {  	s11 =	sadd.s32 $0x200, s11  }
0x66: {  	s19 =	sshrl.u32 s11, $0x3  }
0x67: {  	s19 =	sadd.s32 s7, s19  }
0x68: {  	[tilespmem:s25], [sflag:$0x3] =	stream.linear.gather [hbm4b:s19+s12], $0x200, $0x38;
	[tilespmem:$0x10840] =	vst v63  }
0x69: {  	_ =	swait.ge [sflag:s15], $0x200  }
0x6a: {  	[sflag:s15] =	ssyncset.done $0x0  }
0x6b: {  	s21 =	simm.s32 $0x0;
	[sflag:s15] =	ssyncadd.s32 $0xFFFFFE00  }
0x6c: {  	v3 =	vld [tilespmem:s21+$0x8400];
	_ =	sdelay $0x4  }
0x6d: {  	vm0 =	veq.s32 v3, $0xF4240  }
0x6e: {  	s20 =	simm.s32 $0x10;
	v3 =	vsel vm0, $0x0, v3  }
0x6f: {  	s22 =	simm.s32 $0x20;
	v4 =	vld [tilespmem:s20+$0x8400];
	[tilespmem:s21+$0x8600] =	vst v3  }
0x70: {  	v3 =	vld [tilespmem:s22+$0x8400];
	_ =	sdelay $0x2  }
0x71: {  	v5 =	vsel vm0, $0x3F800000, v0  }
0x72: {  	vm13 =	veq.s32 v4, $0xF4240;
	(xrf0) =	vmax.scan.msk.f32 $0xffff, v5  }
0x73: {  	v4 =	vsel vm13, $0x0, v4;
	v5 =	vsel vm13, $0x3F800000, v0;
	vm14 =	veq.s32 v3, $0xF4240  }
0x74: {  	[tilespmem:s20+$0x8600] =	vst v4;
	(xrf0) =	vmax.scan.msk.f32 $0xffff, v5;
	v4 =	vsel vm14, $0x3F800000, v0  }
0x75: {  	(xrf0) =	vmax.scan.msk.f32 $0xffff, v4;
	_ =	sdelay $0x1  }
0x76: {  	v3 =	vsel vm14, $0x0, v3  }
0x77: {  	v4, _, _ =	vpop (xrf0)  }
0x78: {  	s23 =	simm.s32 $0x30;
	(v2sf) =	vpush v4, $0xF  }
0x79: {  	v5 =	vld [tilespmem:s23+$0x8400];
	[tilespmem:s22+$0x8600] =	vst v3;
	v3, _, _ =	vpop (xrf0)  }
0x7a: {  	(v2sf) =	vpush v3, $0xF;
	v6, _, _ =	vpop (xrf0)  }
0x7b: {  	(v2sf) =	vpush v6, $0xF;
	_ =	sdelay $0x5  }
0x7c: {  	s19 =	simm.s32 $0x40;
	vm15 =	veq.s32 v5, $0xF4240  }
0x7d: {  	v4 =	vsel vm15, $0x0, v5;
	v5 =	vsel vm15, $0x3F800000, v0;
	v3 =	vld [tilespmem:s19+$0x8400]  }
0x7e: {  	(xrf0) =	vmax.scan.msk.f32 $0xffff, v5  }
0x7f: {  	p1 =	por $0x0, $0x0;
	s20 =	simm.s32 $0x140;
	[tilespmem:s23+$0x8600] =	vst v4  }
.LBB2_5:
0x80: {  	p2 =	sne.s32 s20, $0x7C0  }
.Ltmp5:
0x81: {  	s21 =	sshra.s32 s20, $0x2;
	(pc) =	sbr.rel @p2 .LBB2_5-.Ltmp5, $4  }
0x82: {  	s20 =	sadd.s32 $0x40, s20;
	s22 =	spop (v2sf);
	vm0 =	veq.s32 v3, $0xF4240  }
0x83: {  	p3 =	sgt.f32 s22, $0.0e+00;
	v6 =	vsel vm0, $0x0, v3;
	v3 =	vld [tilespmem:s21+$0x8400];
	v5 =	vsel vm0, $0x3F800000, v0  }
0x84: {  	[tilespmem:s19+$0x8600] =	vst v6;
	(xrf0) =	vmax.scan.msk.f32 $0xffff, v5;
	v4, _, _ =	vpop (xrf0);
	s19 =	smov.u32 s21  }
0x85: {  	p1 =	por p1, p3;
	(v2sf) =	vpush v4, $0xF  }
0x86: {  	_ =	sdelay $0x1  }
0x87: {  	vm0 =	veq.s32 v3, $0xF4240  }
0x88: {  	v4 =	vsel vm0, $0x3F800000, v0  }
0x89: {  	(xrf0) =	vmax.scan.msk.f32 $0xffff, v4;
	_ =	sdelay $0x4  }
0x8a: {  	v4, _, _ =	vpop (xrf0)  }
0x8b: {  	(v2sf) =	vpush v4, $0xF;
	v4, _, _ =	vpop (xrf0)  }
0x8c: {  	(v2sf) =	vpush v4, $0xF;
	_ =	sdelay $0x3  }
0x8d: {  	v3 =	vsel vm0, $0x0, v3  }
0x8e: {  	[tilespmem:s19+$0x8600] =	vst v3  }
0x8f: {  	[tilespmem:s28], [sflag:$0x2] =	stream.indirect.gather [hbm4b:s6+s16], $0x40, s26, s16, $0xb8;
	[tilespmem:$0x10840] =	vst v63  }
0x90: {  	_ = 	snop  }
0x91: {  	[tilespmem:s30], [sflag:$0x2] =	stream.indirect.gather [hbm4b:s6+s16], $0x40, s29, s16, $0xb8;
	[tilespmem:$0x10840] =	vst v63  }
0x92: {  	s20 =	spop (v2sf)  }
0x93: {  	[tilespmem:s1], [sflag:$0x2] =	stream.indirect.gather [hbm4b:s6+s16], $0x40, s31, s16, $0xb8;
	[tilespmem:$0x10840] =	vst v63  }
0x94: {  	s21 =	spop (v2sf)  }
0x95: {  	[tilespmem:s0], [sflag:$0x2] =	stream.indirect.gather [hbm4b:s6+s16], $0x40, s3, s16, $0xb8;
	[tilespmem:$0x10840] =	vst v63  }
0x96: {  	s19 =	spop (v2sf)  }
0x97: {  	s22 =	spop (v2sf)  }
0x98: {  	s23 =	spop (v2sf)  }
0x99: {  	_ =	swait.ge [sflag:s8], $0x2000  }
0x9a: {  	[sflag:s8] =	ssyncset.done $0x0  }
0x9b: {  	[sflag:s8] =	ssyncadd.s32 $0xFFFFE000  }
0x9c: {  	_ =	swait.ge [sflag:s8], $0x2000  }
0x9d: {  	p2 =	sgt.f32 s20, $0.0e+00;
	[sflag:s8] =	ssyncset.done $0x0  }
0x9e: {  	[sflag:s8] =	ssyncadd.s32 $0xFFFFE000  }
0x9f: {  	p3 =	sgt.f32 s21, $0.0e+00;
	p1 =	por p1, p2;
	_ =	swait.ge [sflag:s8], $0x2000  }
.Ltmp6:
0xa0: {  	p4 =	sgt.f32 s19, $0.0e+00;
	[sflag:s8] =	ssyncset.done $0x0;
	(pc) =	sbr.rel @p0 .LBB2_7-.Ltmp6, $4  }
0xa1: {  	p1 =	por p1, p3;
	p5 =	sgt.f32 s22, $0.0e+00;
	[sflag:s8] =	ssyncadd.s32 $0xFFFFE000  }
0xa2: {  	p1 =	por p1, p4;
	p6 =	sgt.f32 s23, $0.0e+00;
	_ =	swait.ge [sflag:s8], $0x2000  }
0xa3: {  	s20 =	simm.s32 $0x0;
	p1 =	por p1, p5;
	[sflag:s8] =	ssyncset.done $0x0  }
0xa4: {  	v6 =	vimm.s32 $0x6;
	s19 =	simm.s32 $0x0;
	p1 =	por p1, p6;
	[sflag:s8] =	ssyncadd.s32 $0xFFFFE000  }
.LBB2_10:
0xa5: {  	s19 =	sadd.s32 s5, s17  }
0xa6: {  	s19 =	sshll.u32 s19, $0x3  }
0xa7: {  	s20 =	simm.s32 $0x0;
	s19 =	sadd.s32 s2, s19  }
0xa8: {  	[hbm4b:s19+s20] =	stream.linear.scatter [tilespmem:s18], [sflag:$0x3], $0x8000, $0x38;
	[tilespmem:$0x10840] =	vst v63  }
0xa9: {  	s19 =	sadd.s32 s17, s9;
	_ =	swait.ge [sflag:s15], $0x8000  }
0xaa: {  	s17 =	sshrl.u32 s19, $0x3;
	[sflag:s15] =	ssyncset.done $0x0  }
0xab: {  	s17 =	sadd.s32 s7, s17;
	[sflag:s15] =	ssyncadd.s32 $0xFFFF8000  }
0xac: {  	[tilespmem:s20], [sflag:$0x3] =	stream.linear.gather [hbm4b:s17+s20], $0x200, $0x38;
	[tilespmem:$0x10840] =	vst v63  }
0xad: {  	_ =	swait.ge [sflag:s15], $0x200  }
0xae: {  	[sflag:s15] =	ssyncset.done $0x0  }
0xaf: {  	s20 =	simm.s32 $0x0;
	[sflag:s15] =	ssyncadd.s32 $0xFFFFFE00  }
0xb0: {  	v3 =	vld [tilespmem:s20+$0x0];
	_ =	sdelay $0x4  }
0xb1: {  	vm0 =	veq.s32 v3, $0xF4240  }
0xb2: {  	s21 =	simm.s32 $0x10;
	v3 =	vsel vm0, $0x0, v3  }
0xb3: {  	s22 =	simm.s32 $0x20;
	v4 =	vld [tilespmem:s21+$0x0];
	[tilespmem:s20+$0x200] =	vst v3  }
0xb4: {  	v3 =	vld [tilespmem:s22+$0x0];
	_ =	sdelay $0x2  }
0xb5: {  	v5 =	vsel vm0, $0x3F800000, v0  }
0xb6: {  	vm13 =	veq.s32 v4, $0xF4240;
	(xrf0) =	vmax.scan.msk.f32 $0xffff, v5  }
0xb7: {  	v4 =	vsel vm13, $0x0, v4;
	v5 =	vsel vm13, $0x3F800000, v0;
	vm14 =	veq.s32 v3, $0xF4240  }
0xb8: {  	[tilespmem:s21+$0x200] =	vst v4;
	(xrf0) =	vmax.scan.msk.f32 $0xffff, v5;
	v4 =	vsel vm14, $0x3F800000, v0  }
0xb9: {  	(xrf0) =	vmax.scan.msk.f32 $0xffff, v4;
	_ =	sdelay $0x1  }
0xba: {  	v3 =	vsel vm14, $0x0, v3  }
0xbb: {  	v4, _, _ =	vpop (xrf0)  }
0xbc: {  	s23 =	simm.s32 $0x30;
	(v2sf) =	vpush v4, $0xF  }
0xbd: {  	v5 =	vld [tilespmem:s23+$0x0];
	[tilespmem:s22+$0x200] =	vst v3;
	v3, _, _ =	vpop (xrf0)  }
0xbe: {  	(v2sf) =	vpush v3, $0xF;
	v6, _, _ =	vpop (xrf0)  }
0xbf: {  	(v2sf) =	vpush v6, $0xF;
	_ =	sdelay $0x5  }
0xc0: {  	s17 =	simm.s32 $0x40;
	vm15 =	veq.s32 v5, $0xF4240  }
0xc1: {  	v4 =	vsel vm15, $0x0, v5;
	v5 =	vsel vm15, $0x3F800000, v0;
	v3 =	vld [tilespmem:s17+$0x0]  }
0xc2: {  	(xrf0) =	vmax.scan.msk.f32 $0xffff, v5  }
0xc3: {  	p0 =	por $0x0, $0x0;
	s19 =	simm.s32 $0x140;
	[tilespmem:s23+$0x200] =	vst v4  }
.LBB2_11:
0xc4: {  	p2 =	sne.s32 s19, $0x7C0  }
.Ltmp7:
0xc5: {  	s20 =	sshra.s32 s19, $0x2;
	(pc) =	sbr.rel @p2 .LBB2_11-.Ltmp7, $4  }
0xc6: {  	s19 =	sadd.s32 $0x40, s19;
	s21 =	spop (v2sf);
	vm0 =	veq.s32 v3, $0xF4240  }
0xc7: {  	p3 =	sgt.f32 s21, $0.0e+00;
	v6 =	vsel vm0, $0x0, v3;
	v3 =	vld [tilespmem:s20+$0x0];
	v5 =	vsel vm0, $0x3F800000, v0  }
0xc8: {  	[tilespmem:s17+$0x200] =	vst v6;
	(xrf0) =	vmax.scan.msk.f32 $0xffff, v5;
	v4, _, _ =	vpop (xrf0);
	s17 =	smov.u32 s20  }
0xc9: {  	p0 =	por p0, p3;
	(v2sf) =	vpush v4, $0xF  }
0xca: {  	_ =	sdelay $0x1  }
0xcb: {  	vm0 =	veq.s32 v3, $0xF4240  }
0xcc: {  	v4 =	vsel vm0, $0x3F800000, v0  }
0xcd: {  	(xrf0) =	vmax.scan.msk.f32 $0xffff, v4;
	_ =	sdelay $0x4  }
0xce: {  	v4, _, _ =	vpop (xrf0)  }
0xcf: {  	(v2sf) =	vpush v4, $0xF;
	v4, _, _ =	vpop (xrf0)  }
0xd0: {  	(v2sf) =	vpush v4, $0xF;
	_ =	sdelay $0x3  }
0xd1: {  	v3 =	vsel vm0, $0x0, v3  }
0xd2: {  	s23 =	simm.s32 $0x200;
	[tilespmem:s17+$0x200] =	vst v3  }
0xd3: {  	[tilespmem:s18], [sflag:$0x1] =	stream.indirect.gather [hbm4b:s6+s16], $0x40, s23, s16, $0xb8;
	[tilespmem:$0x10840] =	vst v63  }
0xd4: {  	s21 =	simm.s32 $0x280;
	s22 =	simm.s32 $0x2400  }
0xd5: {  	[tilespmem:s22], [sflag:$0x1] =	stream.indirect.gather [hbm4b:s6+s16], $0x40, s21, s16, $0xb8;
	[tilespmem:$0x10840] =	vst v63  }
0xd6: {  	s19 =	spop (v2sf);
	s23 =	simm.s32 $0x4400;
	s22 =	simm.s32 $0x300  }
0xd7: {  	[tilespmem:s23], [sflag:$0x1] =	stream.indirect.gather [hbm4b:s6+s16], $0x40, s22, s16, $0xb8;
	[tilespmem:$0x10840] =	vst v63  }
0xd8: {  	s20 =	spop (v2sf);
	s23 =	simm.s32 $0x380  }
0xd9: {  	[tilespmem:s24], [sflag:$0x1] =	stream.indirect.gather [hbm4b:s6+s16], $0x40, s23, s16, $0xb8;
	[tilespmem:$0x10840] =	vst v63  }
0xda: {  	s17 =	spop (v2sf)  }
0xdb: {  	s21 =	spop (v2sf)  }
0xdc: {  	s22 =	spop (v2sf)  }
0xdd: {  	_ =	swait.ge [sflag:s10], $0x2000  }
0xde: {  	[sflag:s10] =	ssyncset.done $0x0  }
0xdf: {  	[sflag:s10] =	ssyncadd.s32 $0xFFFFE000  }
0xe0: {  	_ =	swait.ge [sflag:s10], $0x2000  }
0xe1: {  	p2 =	sgt.f32 s19, $0.0e+00;
	[sflag:s10] =	ssyncset.done $0x0  }
0xe2: {  	[sflag:s10] =	ssyncadd.s32 $0xFFFFE000  }
0xe3: {  	p3 =	sgt.f32 s20, $0.0e+00;
	p0 =	por p0, p2;
	_ =	swait.ge [sflag:s10], $0x2000  }
.Ltmp8:
0xe4: {  	p4 =	sgt.f32 s17, $0.0e+00;
	[sflag:s10] =	ssyncset.done $0x0;
	(pc) =	sbr.rel @!p1 .LBB2_17-.Ltmp8, $4  }
0xe5: {  	p0 =	por p0, p3;
	p5 =	sgt.f32 s21, $0.0e+00;
	[sflag:s10] =	ssyncadd.s32 $0xFFFFE000  }
0xe6: {  	p0 =	por p0, p4;
	p6 =	sgt.f32 s22, $0.0e+00;
	_ =	swait.ge [sflag:s10], $0x2000  }
0xe7: {  	p0 =	por p0, p5;
	[sflag:s10] =	ssyncset.done $0x0  }
0xe8: {  	v6 =	vimm.s32 $0x6;
	p0 =	por p0, p6;
	[sflag:s10] =	ssyncadd.s32 $0xFFFFE000  }
.Ltmp9:
0xe9: {  	(pc) =	sbr.rel .LBB2_14-.Ltmp9, $2  }
0xea: {  	_ =	sdelay $0x2  }
0xeb: {  	s17 =	simm.s32 $0x0;
	s19 =	simm.s32 $0x8400  }
.LBB2_9:
0xec: {  	s20 =	sadd.s32 $0x10, s20  }
0xed: {  	p0 =	sne.s32 s20, $0x200  }
.Ltmp10:
0xee: {  	_ = 	snop;
	(pc) =	sbr.rel @!p0 .LBB2_10-.Ltmp10, $2  }
0xef: {  	_ =	sdelay $0x2  }
0xf0: {  	s19 =	sadd.s32 $0x10, s19  }
.LBB2_7:
0xf1: {  	v3 =	vld [tilespmem:s19+$0x0];
	_ =	sdelay $0x4  }
0xf2: {  	vm0 =	veq.s32 v3, $0xF4240  }
0xf3: {  	v3 =	vsel vm0, $0x3F800000, v0  }
0xf4: {  	(xrf0) =	vmax.scan.msk.f32 $0xffff, v3;
	_ =	sdelay $0x5  }
0xf5: {  	v3, _, _ =	vpop (xrf0)  }
0xf6: {  	(v2sf) =	vpush v3, $0xF;
	_ =	sdelay $0xe  }
0xf7: {  	s21 =	spop (v2sf)  }
0xf8: {  	p0 =	sgt.f32 s21, $0.0e+00  }
.Ltmp11:
0xf9: {  	_ = 	snop;
	(pc) =	sbr.rel @!p0 .LBB2_9-.Ltmp11, $1  }
0xfa: {  	_ =	sdelay $0x3  }
0xfb: {  	v3 =	vmov s20  }
0xfc: {  	v3 =	vshll.u32 v3, $0x6  }
0xfd: {  	v4 =	vld.msk [tilespmem:s14+$0x0], $0xffff;
	v3 =	vor.u32 v1, v3;
	_ =	sdelay $0x4  }
0xfe: {  	[tilespmem:v3+s18+$0x0] =	vst.idx.msk vm0, v4;
	v4 =	vimm.s32 $0x1;
	_ =	sdelay $0x4  }
0xff: {  	v5 =	vor.u32 $0x1, v3;
	v4 =	vld.idx.msk [tilespmem:v4+s14+$0x0], $0xffff;
	_ =	sdelay $0x4  }
0x100: {  	[tilespmem:v5+s18+$0x0] =	vst.idx.msk vm0, v4;
	v4 =	vimm.s32 $0x2;
	_ =	sdelay $0x4  }
0x101: {  	v5 =	vor.u32 $0x2, v3;
	v4 =	vld.idx.msk [tilespmem:v4+s14+$0x0], $0xffff;
	_ =	sdelay $0x4  }
0x102: {  	[tilespmem:v5+s18+$0x0] =	vst.idx.msk vm0, v4;
	v4 =	vimm.s32 $0x3;
	_ =	sdelay $0x4  }
0x103: {  	v5 =	vor.u32 $0x3, v3;
	v4 =	vld.idx.msk [tilespmem:v4+s14+$0x0], $0xffff;
	_ =	sdelay $0x4  }
0x104: {  	[tilespmem:v5+s18+$0x0] =	vst.idx.msk vm0, v4;
	v4 =	vimm.s32 $0x4;
	_ =	sdelay $0x4  }
0x105: {  	v5 =	vor.u32 $0x4, v3;
	v4 =	vld.idx.msk [tilespmem:v4+s14+$0x0], $0xffff;
	_ =	sdelay $0x4  }
0x106: {  	[tilespmem:v5+s18+$0x0] =	vst.idx.msk vm0, v4  }
0x107: {  	v5 =	vor.u32 $0x5, v3;
	v4 =	vld.idx.msk [tilespmem:v7+s14+$0x0], $0xffff;
	_ =	sdelay $0x4  }
0x108: {  	[tilespmem:v5+s18+$0x0] =	vst.idx.msk vm0, v4  }
0x109: {  	v5 =	vor.u32 $0x6, v3;
	v4 =	vld.idx.msk [tilespmem:v6+s14+$0x0], $0xffff;
	_ =	sdelay $0x4  }
0x10a: {  	[tilespmem:v5+s18+$0x0] =	vst.idx.msk vm0, v4  }
0x10b: {  	v5 =	vor.u32 $0x7, v3;
	v4 =	vld.idx.msk [tilespmem:v8+s14+$0x0], $0xffff;
	_ =	sdelay $0x4  }
0x10c: {  	[tilespmem:v5+s18+$0x0] =	vst.idx.msk vm0, v4  }
0x10d: {  	v5 =	vor.u32 $0x8, v3;
	v4 =	vld.idx.msk [tilespmem:v9+s14+$0x0], $0xffff;
	_ =	sdelay $0x4  }
0x10e: {  	[tilespmem:v5+s18+$0x0] =	vst.idx.msk vm0, v4  }
0x10f: {  	v5 =	vor.u32 $0x9, v3;
	v4 =	vld.idx.msk [tilespmem:v10+s14+$0x0], $0xffff;
	_ =	sdelay $0x4  }
0x110: {  	[tilespmem:v5+s18+$0x0] =	vst.idx.msk vm0, v4  }
0x111: {  	v5 =	vor.u32 $0xA, v3;
	v4 =	vld.idx.msk [tilespmem:v11+s14+$0x0], $0xffff;
	_ =	sdelay $0x4  }
0x112: {  	[tilespmem:v5+s18+$0x0] =	vst.idx.msk vm0, v4  }
0x113: {  	v5 =	vor.u32 $0xB, v3;
	v4 =	vld.idx.msk [tilespmem:v12+s14+$0x0], $0xffff;
	_ =	sdelay $0x4  }
0x114: {  	[tilespmem:v5+s18+$0x0] =	vst.idx.msk vm0, v4  }
0x115: {  	v5 =	vor.u32 $0xC, v3;
	v4 =	vld.idx.msk [tilespmem:v13+s14+$0x0], $0xffff;
	_ =	sdelay $0x4  }
0x116: {  	[tilespmem:v5+s18+$0x0] =	vst.idx.msk vm0, v4  }
0x117: {  	v5 =	vor.u32 $0xD, v3;
	v4 =	vld.idx.msk [tilespmem:v14+s14+$0x0], $0xffff;
	_ =	sdelay $0x4  }
0x118: {  	[tilespmem:v5+s18+$0x0] =	vst.idx.msk vm0, v4  }
0x119: {  	v5 =	vor.u32 $0xE, v3;
	v4 =	vld.idx.msk [tilespmem:v15+s14+$0x0], $0xffff;
	_ =	sdelay $0x4  }
0x11a: {  	[tilespmem:v5+s18+$0x0] =	vst.idx.msk vm0, v4  }
0x11b: {  	v5 =	vor.u32 $0xF, v3;
	v4 =	vld.idx.msk [tilespmem:v16+s14+$0x0], $0xffff;
	_ =	sdelay $0x4  }
0x11c: {  	[tilespmem:v5+s18+$0x0] =	vst.idx.msk vm0, v4  }
0x11d: {  	v5 =	vor.u32 $0x10, v3;
	v4 =	vld.idx.msk [tilespmem:v17+s14+$0x0], $0xffff;
	_ =	sdelay $0x4  }
0x11e: {  	[tilespmem:v5+s18+$0x0] =	vst.idx.msk vm0, v4  }
0x11f: {  	v5 =	vor.u32 $0x11, v3;
	v4 =	vld.idx.msk [tilespmem:v18+s14+$0x0], $0xffff;
	_ =	sdelay $0x4  }
0x120: {  	[tilespmem:v5+s18+$0x0] =	vst.idx.msk vm0, v4  }
0x121: {  	v5 =	vor.u32 $0x12, v3;
	v4 =	vld.idx.msk [tilespmem:v19+s14+$0x0], $0xffff;
	_ =	sdelay $0x4  }
0x122: {  	[tilespmem:v5+s18+$0x0] =	vst.idx.msk vm0, v4  }
0x123: {  	v5 =	vor.u32 $0x13, v3;
	v4 =	vld.idx.msk [tilespmem:v20+s14+$0x0], $0xffff;
	_ =	sdelay $0x4  }
0x124: {  	[tilespmem:v5+s18+$0x0] =	vst.idx.msk vm0, v4  }
0x125: {  	v5 =	vor.u32 $0x14, v3;
	v4 =	vld.idx.msk [tilespmem:v21+s14+$0x0], $0xffff;
	_ =	sdelay $0x4  }
0x126: {  	[tilespmem:v5+s18+$0x0] =	vst.idx.msk vm0, v4  }
0x127: {  	v5 =	vor.u32 $0x15, v3;
	v4 =	vld.idx.msk [tilespmem:v22+s14+$0x0], $0xffff;
	_ =	sdelay $0x4  }
0x128: {  	[tilespmem:v5+s18+$0x0] =	vst.idx.msk vm0, v4  }
0x129: {  	v5 =	vor.u32 $0x16, v3;
	v4 =	vld.idx.msk [tilespmem:v23+s14+$0x0], $0xffff;
	_ =	sdelay $0x4  }
0x12a: {  	[tilespmem:v5+s18+$0x0] =	vst.idx.msk vm0, v4  }
0x12b: {  	v5 =	vor.u32 $0x17, v3;
	v4 =	vld.idx.msk [tilespmem:v24+s14+$0x0], $0xffff;
	_ =	sdelay $0x4  }
0x12c: {  	[tilespmem:v5+s18+$0x0] =	vst.idx.msk vm0, v4  }
0x12d: {  	v5 =	vor.u32 $0x18, v3;
	v4 =	vld.idx.msk [tilespmem:v25+s14+$0x0], $0xffff;
	_ =	sdelay $0x4  }
0x12e: {  	[tilespmem:v5+s18+$0x0] =	vst.idx.msk vm0, v4  }
0x12f: {  	v5 =	vor.u32 $0x19, v3;
	v4 =	vld.idx.msk [tilespmem:v26+s14+$0x0], $0xffff;
	_ =	sdelay $0x4  }
0x130: {  	[tilespmem:v5+s18+$0x0] =	vst.idx.msk vm0, v4  }
0x131: {  	v5 =	vor.u32 $0x1A, v3;
	v4 =	vld.idx.msk [tilespmem:v27+s14+$0x0], $0xffff;
	_ =	sdelay $0x4  }
0x132: {  	[tilespmem:v5+s18+$0x0] =	vst.idx.msk vm0, v4  }
0x133: {  	v5 =	vor.u32 $0x1B, v3;
	v4 =	vld.idx.msk [tilespmem:v28+s14+$0x0], $0xffff;
	_ =	sdelay $0x4  }
0x134: {  	[tilespmem:v5+s18+$0x0] =	vst.idx.msk vm0, v4  }
0x135: {  	v5 =	vor.u32 $0x1C, v3;
	v4 =	vld.idx.msk [tilespmem:v29+s14+$0x0], $0xffff;
	_ =	sdelay $0x4  }
0x136: {  	[tilespmem:v5+s18+$0x0] =	vst.idx.msk vm0, v4  }
0x137: {  	v5 =	vor.u32 $0x1D, v3;
	v4 =	vld.idx.msk [tilespmem:v30+s14+$0x0], $0xffff;
	_ =	sdelay $0x4  }
0x138: {  	[tilespmem:v5+s18+$0x0] =	vst.idx.msk vm0, v4  }
0x139: {  	v5 =	vor.u32 $0x1E, v3;
	v4 =	vld.idx.msk [tilespmem:v31+s14+$0x0], $0xffff;
	_ =	sdelay $0x4  }
0x13a: {  	[tilespmem:v5+s18+$0x0] =	vst.idx.msk vm0, v4  }
0x13b: {  	v5 =	vor.u32 $0x1F, v3;
	v4 =	vld.idx.msk [tilespmem:v32+s14+$0x0], $0xffff;
	_ =	sdelay $0x4  }
0x13c: {  	[tilespmem:v5+s18+$0x0] =	vst.idx.msk vm0, v4  }
0x13d: {  	v5 =	vor.u32 $0x20, v3;
	v4 =	vld.idx.msk [tilespmem:v33+s14+$0x0], $0xffff;
	_ =	sdelay $0x4  }
0x13e: {  	[tilespmem:v5+s18+$0x0] =	vst.idx.msk vm0, v4  }
0x13f: {  	v5 =	vor.u32 $0x21, v3;
	v4 =	vld.idx.msk [tilespmem:v34+s14+$0x0], $0xffff;
	_ =	sdelay $0x4  }
0x140: {  	[tilespmem:v5+s18+$0x0] =	vst.idx.msk vm0, v4  }
0x141: {  	v5 =	vor.u32 $0x22, v3;
	v4 =	vld.idx.msk [tilespmem:v35+s14+$0x0], $0xffff;
	_ =	sdelay $0x4  }
0x142: {  	[tilespmem:v5+s18+$0x0] =	vst.idx.msk vm0, v4  }
0x143: {  	v5 =	vor.u32 $0x23, v3;
	v4 =	vld.idx.msk [tilespmem:v36+s14+$0x0], $0xffff;
	_ =	sdelay $0x4  }
0x144: {  	[tilespmem:v5+s18+$0x0] =	vst.idx.msk vm0, v4  }
0x145: {  	v5 =	vor.u32 $0x24, v3;
	v4 =	vld.idx.msk [tilespmem:v37+s14+$0x0], $0xffff;
	_ =	sdelay $0x4  }
0x146: {  	[tilespmem:v5+s18+$0x0] =	vst.idx.msk vm0, v4  }
0x147: {  	v5 =	vor.u32 $0x25, v3;
	v4 =	vld.idx.msk [tilespmem:v38+s14+$0x0], $0xffff;
	_ =	sdelay $0x4  }
0x148: {  	[tilespmem:v5+s18+$0x0] =	vst.idx.msk vm0, v4  }
0x149: {  	v5 =	vor.u32 $0x26, v3;
	v4 =	vld.idx.msk [tilespmem:v39+s14+$0x0], $0xffff;
	_ =	sdelay $0x4  }
0x14a: {  	[tilespmem:v5+s18+$0x0] =	vst.idx.msk vm0, v4  }
0x14b: {  	v5 =	vor.u32 $0x27, v3;
	v4 =	vld.idx.msk [tilespmem:v40+s14+$0x0], $0xffff;
	_ =	sdelay $0x4  }
0x14c: {  	[tilespmem:v5+s18+$0x0] =	vst.idx.msk vm0, v4  }
0x14d: {  	v5 =	vor.u32 $0x28, v3;
	v4 =	vld.idx.msk [tilespmem:v41+s14+$0x0], $0xffff;
	_ =	sdelay $0x4  }
0x14e: {  	[tilespmem:v5+s18+$0x0] =	vst.idx.msk vm0, v4  }
0x14f: {  	v5 =	vor.u32 $0x29, v3;
	v4 =	vld.idx.msk [tilespmem:v42+s14+$0x0], $0xffff;
	_ =	sdelay $0x4  }
0x150: {  	[tilespmem:v5+s18+$0x0] =	vst.idx.msk vm0, v4  }
0x151: {  	v5 =	vor.u32 $0x2A, v3;
	v4 =	vld.idx.msk [tilespmem:v43+s14+$0x0], $0xffff;
	_ =	sdelay $0x4  }
0x152: {  	[tilespmem:v5+s18+$0x0] =	vst.idx.msk vm0, v4  }
0x153: {  	v5 =	vor.u32 $0x2B, v3;
	v4 =	vld.idx.msk [tilespmem:v44+s14+$0x0], $0xffff;
	_ =	sdelay $0x4  }
0x154: {  	[tilespmem:v5+s18+$0x0] =	vst.idx.msk vm0, v4  }
0x155: {  	v5 =	vor.u32 $0x2C, v3;
	v4 =	vld.idx.msk [tilespmem:v45+s14+$0x0], $0xffff;
	_ =	sdelay $0x4  }
0x156: {  	[tilespmem:v5+s18+$0x0] =	vst.idx.msk vm0, v4  }
0x157: {  	v5 =	vor.u32 $0x2D, v3;
	v4 =	vld.idx.msk [tilespmem:v46+s14+$0x0], $0xffff;
	_ =	sdelay $0x4  }
0x158: {  	[tilespmem:v5+s18+$0x0] =	vst.idx.msk vm0, v4  }
0x159: {  	v5 =	vor.u32 $0x2E, v3;
	v4 =	vld.idx.msk [tilespmem:v47+s14+$0x0], $0xffff;
	_ =	sdelay $0x4  }
0x15a: {  	[tilespmem:v5+s18+$0x0] =	vst.idx.msk vm0, v4  }
0x15b: {  	v5 =	vor.u32 $0x2F, v3;
	v4 =	vld.idx.msk [tilespmem:v48+s14+$0x0], $0xffff;
	_ =	sdelay $0x4  }
0x15c: {  	[tilespmem:v5+s18+$0x0] =	vst.idx.msk vm0, v4  }
0x15d: {  	v5 =	vor.u32 $0x30, v3;
	v4 =	vld.idx.msk [tilespmem:v49+s14+$0x0], $0xffff;
	_ =	sdelay $0x4  }
0x15e: {  	[tilespmem:v5+s18+$0x0] =	vst.idx.msk vm0, v4  }
0x15f: {  	v5 =	vor.u32 $0x31, v3;
	v4 =	vld.idx.msk [tilespmem:v50+s14+$0x0], $0xffff;
	_ =	sdelay $0x4  }
0x160: {  	[tilespmem:v5+s18+$0x0] =	vst.idx.msk vm0, v4  }
0x161: {  	v5 =	vor.u32 $0x32, v3;
	v4 =	vld.idx.msk [tilespmem:v51+s14+$0x0], $0xffff;
	_ =	sdelay $0x4  }
0x162: {  	[tilespmem:v5+s18+$0x0] =	vst.idx.msk vm0, v4  }
0x163: {  	v5 =	vor.u32 $0x33, v3;
	v4 =	vld.idx.msk [tilespmem:v52+s14+$0x0], $0xffff;
	_ =	sdelay $0x4  }
0x164: {  	[tilespmem:v5+s18+$0x0] =	vst.idx.msk vm0, v4  }
0x165: {  	v5 =	vor.u32 $0x34, v3;
	v4 =	vld.idx.msk [tilespmem:v53+s14+$0x0], $0xffff;
	_ =	sdelay $0x4  }
0x166: {  	[tilespmem:v5+s18+$0x0] =	vst.idx.msk vm0, v4  }
0x167: {  	v5 =	vor.u32 $0x35, v3;
	v4 =	vld.idx.msk [tilespmem:v54+s14+$0x0], $0xffff;
	_ =	sdelay $0x4  }
0x168: {  	[tilespmem:v5+s18+$0x0] =	vst.idx.msk vm0, v4  }
0x169: {  	v5 =	vor.u32 $0x36, v3;
	v4 =	vld.idx.msk [tilespmem:v55+s14+$0x0], $0xffff;
	_ =	sdelay $0x4  }
0x16a: {  	[tilespmem:v5+s18+$0x0] =	vst.idx.msk vm0, v4  }
0x16b: {  	v5 =	vor.u32 $0x37, v3;
	v4 =	vld.idx.msk [tilespmem:v56+s14+$0x0], $0xffff;
	_ =	sdelay $0x4  }
0x16c: {  	[tilespmem:v5+s18+$0x0] =	vst.idx.msk vm0, v4  }
0x16d: {  	v5 =	vor.u32 $0x38, v3;
	v4 =	vld.idx.msk [tilespmem:v57+s14+$0x0], $0xffff;
	_ =	sdelay $0x4  }
0x16e: {  	[tilespmem:v5+s18+$0x0] =	vst.idx.msk vm0, v4  }
0x16f: {  	v5 =	vor.u32 $0x39, v3;
	v4 =	vld.idx.msk [tilespmem:v58+s14+$0x0], $0xffff;
	_ =	sdelay $0x4  }
0x170: {  	[tilespmem:v5+s18+$0x0] =	vst.idx.msk vm0, v4  }
0x171: {  	v5 =	vor.u32 $0x3A, v3;
	v4 =	vld.idx.msk [tilespmem:v59+s14+$0x0], $0xffff;
	_ =	sdelay $0x4  }
0x172: {  	[tilespmem:v5+s18+$0x0] =	vst.idx.msk vm0, v4  }
0x173: {  	v5 =	vor.u32 $0x3B, v3;
	v4 =	vld.idx.msk [tilespmem:v60+s14+$0x0], $0xffff;
	_ =	sdelay $0x4  }
0x174: {  	[tilespmem:v5+s18+$0x0] =	vst.idx.msk vm0, v4  }
0x175: {  	v5 =	vor.u32 $0x3C, v3;
	v4 =	vld.idx.msk [tilespmem:v61+s14+$0x0], $0xffff;
	_ =	sdelay $0x4  }
0x176: {  	[tilespmem:v5+s18+$0x0] =	vst.idx.msk vm0, v4  }
0x177: {  	v5 =	vor.u32 $0x3D, v3;
	v4 =	vld.idx.msk [tilespmem:v62+s14+$0x0], $0xffff;
	_ =	sdelay $0x4  }
0x178: {  	[tilespmem:v5+s18+$0x0] =	vst.idx.msk vm0, v4  }
0x179: {  	v5 =	vor.u32 $0x3E, v3;
	v4 =	vld.idx.msk [tilespmem:v63+s14+$0x0], $0xffff;
	_ =	sdelay $0x4  }
0x17a: {  	[tilespmem:v5+s18+$0x0] =	vst.idx.msk vm0, v4  }
0x17b: {  	v3 =	vor.u32 $0x3F, v3;
	v4 =	vld.idx.msk [tilespmem:v2+s14+$0x0], $0xffff  }
.Ltmp12:
0x17c: {  	_ = 	snop;
	(pc) =	sbr.rel .LBB2_9-.Ltmp12, $2  }
0x17d: {  	_ =	sdelay $0x2  }
0x17e: {  	[tilespmem:v3+s18+$0x0] =	vst.idx.msk vm0, v4  }
.LBB2_16:
0x17f: {  	s17 =	sadd.s32 $0x10, s17  }
0x180: {  	p1 =	sne.s32 s17, $0x200  }
.Ltmp13:
0x181: {  	_ = 	snop;
	(pc) =	sbr.rel @!p1 .LBB2_17-.Ltmp13, $2  }
0x182: {  	_ =	sdelay $0x2  }
0x183: {  	s19 =	sadd.s32 $0x10, s19  }
.LBB2_14:
0x184: {  	v3 =	vld [tilespmem:s19+$0x0];
	_ =	sdelay $0x4  }
0x185: {  	vm0 =	veq.s32 v3, $0xF4240  }
0x186: {  	v3 =	vsel vm0, $0x3F800000, v0  }
0x187: {  	(xrf0) =	vmax.scan.msk.f32 $0xffff, v3;
	_ =	sdelay $0x5  }
0x188: {  	v3, _, _ =	vpop (xrf0)  }
0x189: {  	(v2sf) =	vpush v3, $0xF;
	_ =	sdelay $0xe  }
0x18a: {  	s20 =	spop (v2sf)  }
0x18b: {  	p1 =	sgt.f32 s20, $0.0e+00  }
.Ltmp14:
0x18c: {  	_ = 	snop;
	(pc) =	sbr.rel @!p1 .LBB2_16-.Ltmp14, $1  }
0x18d: {  	_ =	sdelay $0x3  }
0x18e: {  	v3 =	vmov s17  }
0x18f: {  	v3 =	vshll.u32 v3, $0x6  }
0x190: {  	v4 =	vld.msk [tilespmem:s14+$0x0], $0xffff;
	v3 =	vor.u32 v1, v3;
	_ =	sdelay $0x4  }
0x191: {  	[tilespmem:v3+s28+$0x0] =	vst.idx.msk vm0, v4;
	v4 =	vimm.s32 $0x1;
	_ =	sdelay $0x4  }
0x192: {  	v5 =	vor.u32 $0x1, v3;
	v4 =	vld.idx.msk [tilespmem:v4+s14+$0x0], $0xffff;
	_ =	sdelay $0x4  }
0x193: {  	[tilespmem:v5+s28+$0x0] =	vst.idx.msk vm0, v4;
	v4 =	vimm.s32 $0x2;
	_ =	sdelay $0x4  }
0x194: {  	v5 =	vor.u32 $0x2, v3;
	v4 =	vld.idx.msk [tilespmem:v4+s14+$0x0], $0xffff;
	_ =	sdelay $0x4  }
0x195: {  	[tilespmem:v5+s28+$0x0] =	vst.idx.msk vm0, v4;
	v4 =	vimm.s32 $0x3;
	_ =	sdelay $0x4  }
0x196: {  	v5 =	vor.u32 $0x3, v3;
	v4 =	vld.idx.msk [tilespmem:v4+s14+$0x0], $0xffff;
	_ =	sdelay $0x4  }
0x197: {  	[tilespmem:v5+s28+$0x0] =	vst.idx.msk vm0, v4;
	v4 =	vimm.s32 $0x4;
	_ =	sdelay $0x4  }
0x198: {  	v5 =	vor.u32 $0x4, v3;
	v4 =	vld.idx.msk [tilespmem:v4+s14+$0x0], $0xffff;
	_ =	sdelay $0x4  }
0x199: {  	[tilespmem:v5+s28+$0x0] =	vst.idx.msk vm0, v4  }
0x19a: {  	v5 =	vor.u32 $0x5, v3;
	v4 =	vld.idx.msk [tilespmem:v7+s14+$0x0], $0xffff;
	_ =	sdelay $0x4  }
0x19b: {  	[tilespmem:v5+s28+$0x0] =	vst.idx.msk vm0, v4  }
0x19c: {  	v5 =	vor.u32 $0x6, v3;
	v4 =	vld.idx.msk [tilespmem:v6+s14+$0x0], $0xffff;
	_ =	sdelay $0x4  }
0x19d: {  	[tilespmem:v5+s28+$0x0] =	vst.idx.msk vm0, v4  }
0x19e: {  	v5 =	vor.u32 $0x7, v3;
	v4 =	vld.idx.msk [tilespmem:v8+s14+$0x0], $0xffff;
	_ =	sdelay $0x4  }
0x19f: {  	[tilespmem:v5+s28+$0x0] =	vst.idx.msk vm0, v4  }
0x1a0: {  	v5 =	vor.u32 $0x8, v3;
	v4 =	vld.idx.msk [tilespmem:v9+s14+$0x0], $0xffff;
	_ =	sdelay $0x4  }
0x1a1: {  	[tilespmem:v5+s28+$0x0] =	vst.idx.msk vm0, v4  }
0x1a2: {  	v5 =	vor.u32 $0x9, v3;
	v4 =	vld.idx.msk [tilespmem:v10+s14+$0x0], $0xffff;
	_ =	sdelay $0x4  }
0x1a3: {  	[tilespmem:v5+s28+$0x0] =	vst.idx.msk vm0, v4  }
0x1a4: {  	v5 =	vor.u32 $0xA, v3;
	v4 =	vld.idx.msk [tilespmem:v11+s14+$0x0], $0xffff;
	_ =	sdelay $0x4  }
0x1a5: {  	[tilespmem:v5+s28+$0x0] =	vst.idx.msk vm0, v4  }
0x1a6: {  	v5 =	vor.u32 $0xB, v3;
	v4 =	vld.idx.msk [tilespmem:v12+s14+$0x0], $0xffff;
	_ =	sdelay $0x4  }
0x1a7: {  	[tilespmem:v5+s28+$0x0] =	vst.idx.msk vm0, v4  }
0x1a8: {  	v5 =	vor.u32 $0xC, v3;
	v4 =	vld.idx.msk [tilespmem:v13+s14+$0x0], $0xffff;
	_ =	sdelay $0x4  }
0x1a9: {  	[tilespmem:v5+s28+$0x0] =	vst.idx.msk vm0, v4  }
0x1aa: {  	v5 =	vor.u32 $0xD, v3;
	v4 =	vld.idx.msk [tilespmem:v14+s14+$0x0], $0xffff;
	_ =	sdelay $0x4  }
0x1ab: {  	[tilespmem:v5+s28+$0x0] =	vst.idx.msk vm0, v4  }
0x1ac: {  	v5 =	vor.u32 $0xE, v3;
	v4 =	vld.idx.msk [tilespmem:v15+s14+$0x0], $0xffff;
	_ =	sdelay $0x4  }
0x1ad: {  	[tilespmem:v5+s28+$0x0] =	vst.idx.msk vm0, v4  }
0x1ae: {  	v5 =	vor.u32 $0xF, v3;
	v4 =	vld.idx.msk [tilespmem:v16+s14+$0x0], $0xffff;
	_ =	sdelay $0x4  }
0x1af: {  	[tilespmem:v5+s28+$0x0] =	vst.idx.msk vm0, v4  }
0x1b0: {  	v5 =	vor.u32 $0x10, v3;
	v4 =	vld.idx.msk [tilespmem:v17+s14+$0x0], $0xffff;
	_ =	sdelay $0x4  }
0x1b1: {  	[tilespmem:v5+s28+$0x0] =	vst.idx.msk vm0, v4  }
0x1b2: {  	v5 =	vor.u32 $0x11, v3;
	v4 =	vld.idx.msk [tilespmem:v18+s14+$0x0], $0xffff;
	_ =	sdelay $0x4  }
0x1b3: {  	[tilespmem:v5+s28+$0x0] =	vst.idx.msk vm0, v4  }
0x1b4: {  	v5 =	vor.u32 $0x12, v3;
	v4 =	vld.idx.msk [tilespmem:v19+s14+$0x0], $0xffff;
	_ =	sdelay $0x4  }
0x1b5: {  	[tilespmem:v5+s28+$0x0] =	vst.idx.msk vm0, v4  }
0x1b6: {  	v5 =	vor.u32 $0x13, v3;
	v4 =	vld.idx.msk [tilespmem:v20+s14+$0x0], $0xffff;
	_ =	sdelay $0x4  }
0x1b7: {  	[tilespmem:v5+s28+$0x0] =	vst.idx.msk vm0, v4  }
0x1b8: {  	v5 =	vor.u32 $0x14, v3;
	v4 =	vld.idx.msk [tilespmem:v21+s14+$0x0], $0xffff;
	_ =	sdelay $0x4  }
0x1b9: {  	[tilespmem:v5+s28+$0x0] =	vst.idx.msk vm0, v4  }
0x1ba: {  	v5 =	vor.u32 $0x15, v3;
	v4 =	vld.idx.msk [tilespmem:v22+s14+$0x0], $0xffff;
	_ =	sdelay $0x4  }
0x1bb: {  	[tilespmem:v5+s28+$0x0] =	vst.idx.msk vm0, v4  }
0x1bc: {  	v5 =	vor.u32 $0x16, v3;
	v4 =	vld.idx.msk [tilespmem:v23+s14+$0x0], $0xffff;
	_ =	sdelay $0x4  }
0x1bd: {  	[tilespmem:v5+s28+$0x0] =	vst.idx.msk vm0, v4  }
0x1be: {  	v5 =	vor.u32 $0x17, v3;
	v4 =	vld.idx.msk [tilespmem:v24+s14+$0x0], $0xffff;
	_ =	sdelay $0x4  }
0x1bf: {  	[tilespmem:v5+s28+$0x0] =	vst.idx.msk vm0, v4  }
0x1c0: {  	v5 =	vor.u32 $0x18, v3;
	v4 =	vld.idx.msk [tilespmem:v25+s14+$0x0], $0xffff;
	_ =	sdelay $0x4  }
0x1c1: {  	[tilespmem:v5+s28+$0x0] =	vst.idx.msk vm0, v4  }
0x1c2: {  	v5 =	vor.u32 $0x19, v3;
	v4 =	vld.idx.msk [tilespmem:v26+s14+$0x0], $0xffff;
	_ =	sdelay $0x4  }
0x1c3: {  	[tilespmem:v5+s28+$0x0] =	vst.idx.msk vm0, v4  }
0x1c4: {  	v5 =	vor.u32 $0x1A, v3;
	v4 =	vld.idx.msk [tilespmem:v27+s14+$0x0], $0xffff;
	_ =	sdelay $0x4  }
0x1c5: {  	[tilespmem:v5+s28+$0x0] =	vst.idx.msk vm0, v4  }
0x1c6: {  	v5 =	vor.u32 $0x1B, v3;
	v4 =	vld.idx.msk [tilespmem:v28+s14+$0x0], $0xffff;
	_ =	sdelay $0x4  }
0x1c7: {  	[tilespmem:v5+s28+$0x0] =	vst.idx.msk vm0, v4  }
0x1c8: {  	v5 =	vor.u32 $0x1C, v3;
	v4 =	vld.idx.msk [tilespmem:v29+s14+$0x0], $0xffff;
	_ =	sdelay $0x4  }
0x1c9: {  	[tilespmem:v5+s28+$0x0] =	vst.idx.msk vm0, v4  }
0x1ca: {  	v5 =	vor.u32 $0x1D, v3;
	v4 =	vld.idx.msk [tilespmem:v30+s14+$0x0], $0xffff;
	_ =	sdelay $0x4  }
0x1cb: {  	[tilespmem:v5+s28+$0x0] =	vst.idx.msk vm0, v4  }
0x1cc: {  	v5 =	vor.u32 $0x1E, v3;
	v4 =	vld.idx.msk [tilespmem:v31+s14+$0x0], $0xffff;
	_ =	sdelay $0x4  }
0x1cd: {  	[tilespmem:v5+s28+$0x0] =	vst.idx.msk vm0, v4  }
0x1ce: {  	v5 =	vor.u32 $0x1F, v3;
	v4 =	vld.idx.msk [tilespmem:v32+s14+$0x0], $0xffff;
	_ =	sdelay $0x4  }
0x1cf: {  	[tilespmem:v5+s28+$0x0] =	vst.idx.msk vm0, v4  }
0x1d0: {  	v5 =	vor.u32 $0x20, v3;
	v4 =	vld.idx.msk [tilespmem:v33+s14+$0x0], $0xffff;
	_ =	sdelay $0x4  }
0x1d1: {  	[tilespmem:v5+s28+$0x0] =	vst.idx.msk vm0, v4  }
0x1d2: {  	v5 =	vor.u32 $0x21, v3;
	v4 =	vld.idx.msk [tilespmem:v34+s14+$0x0], $0xffff;
	_ =	sdelay $0x4  }
0x1d3: {  	[tilespmem:v5+s28+$0x0] =	vst.idx.msk vm0, v4  }
0x1d4: {  	v5 =	vor.u32 $0x22, v3;
	v4 =	vld.idx.msk [tilespmem:v35+s14+$0x0], $0xffff;
	_ =	sdelay $0x4  }
0x1d5: {  	[tilespmem:v5+s28+$0x0] =	vst.idx.msk vm0, v4  }
0x1d6: {  	v5 =	vor.u32 $0x23, v3;
	v4 =	vld.idx.msk [tilespmem:v36+s14+$0x0], $0xffff;
	_ =	sdelay $0x4  }
0x1d7: {  	[tilespmem:v5+s28+$0x0] =	vst.idx.msk vm0, v4  }
0x1d8: {  	v5 =	vor.u32 $0x24, v3;
	v4 =	vld.idx.msk [tilespmem:v37+s14+$0x0], $0xffff;
	_ =	sdelay $0x4  }
0x1d9: {  	[tilespmem:v5+s28+$0x0] =	vst.idx.msk vm0, v4  }
0x1da: {  	v5 =	vor.u32 $0x25, v3;
	v4 =	vld.idx.msk [tilespmem:v38+s14+$0x0], $0xffff;
	_ =	sdelay $0x4  }
0x1db: {  	[tilespmem:v5+s28+$0x0] =	vst.idx.msk vm0, v4  }
0x1dc: {  	v5 =	vor.u32 $0x26, v3;
	v4 =	vld.idx.msk [tilespmem:v39+s14+$0x0], $0xffff;
	_ =	sdelay $0x4  }
0x1dd: {  	[tilespmem:v5+s28+$0x0] =	vst.idx.msk vm0, v4  }
0x1de: {  	v5 =	vor.u32 $0x27, v3;
	v4 =	vld.idx.msk [tilespmem:v40+s14+$0x0], $0xffff;
	_ =	sdelay $0x4  }
0x1df: {  	[tilespmem:v5+s28+$0x0] =	vst.idx.msk vm0, v4  }
0x1e0: {  	v5 =	vor.u32 $0x28, v3;
	v4 =	vld.idx.msk [tilespmem:v41+s14+$0x0], $0xffff;
	_ =	sdelay $0x4  }
0x1e1: {  	[tilespmem:v5+s28+$0x0] =	vst.idx.msk vm0, v4  }
0x1e2: {  	v5 =	vor.u32 $0x29, v3;
	v4 =	vld.idx.msk [tilespmem:v42+s14+$0x0], $0xffff;
	_ =	sdelay $0x4  }
0x1e3: {  	[tilespmem:v5+s28+$0x0] =	vst.idx.msk vm0, v4  }
0x1e4: {  	v5 =	vor.u32 $0x2A, v3;
	v4 =	vld.idx.msk [tilespmem:v43+s14+$0x0], $0xffff;
	_ =	sdelay $0x4  }
0x1e5: {  	[tilespmem:v5+s28+$0x0] =	vst.idx.msk vm0, v4  }
0x1e6: {  	v5 =	vor.u32 $0x2B, v3;
	v4 =	vld.idx.msk [tilespmem:v44+s14+$0x0], $0xffff;
	_ =	sdelay $0x4  }
0x1e7: {  	[tilespmem:v5+s28+$0x0] =	vst.idx.msk vm0, v4  }
0x1e8: {  	v5 =	vor.u32 $0x2C, v3;
	v4 =	vld.idx.msk [tilespmem:v45+s14+$0x0], $0xffff;
	_ =	sdelay $0x4  }
0x1e9: {  	[tilespmem:v5+s28+$0x0] =	vst.idx.msk vm0, v4  }
0x1ea: {  	v5 =	vor.u32 $0x2D, v3;
	v4 =	vld.idx.msk [tilespmem:v46+s14+$0x0], $0xffff;
	_ =	sdelay $0x4  }
0x1eb: {  	[tilespmem:v5+s28+$0x0] =	vst.idx.msk vm0, v4  }
0x1ec: {  	v5 =	vor.u32 $0x2E, v3;
	v4 =	vld.idx.msk [tilespmem:v47+s14+$0x0], $0xffff;
	_ =	sdelay $0x4  }
0x1ed: {  	[tilespmem:v5+s28+$0x0] =	vst.idx.msk vm0, v4  }
0x1ee: {  	v5 =	vor.u32 $0x2F, v3;
	v4 =	vld.idx.msk [tilespmem:v48+s14+$0x0], $0xffff;
	_ =	sdelay $0x4  }
0x1ef: {  	[tilespmem:v5+s28+$0x0] =	vst.idx.msk vm0, v4  }
0x1f0: {  	v5 =	vor.u32 $0x30, v3;
	v4 =	vld.idx.msk [tilespmem:v49+s14+$0x0], $0xffff;
	_ =	sdelay $0x4  }
0x1f1: {  	[tilespmem:v5+s28+$0x0] =	vst.idx.msk vm0, v4  }
0x1f2: {  	v5 =	vor.u32 $0x31, v3;
	v4 =	vld.idx.msk [tilespmem:v50+s14+$0x0], $0xffff;
	_ =	sdelay $0x4  }
0x1f3: {  	[tilespmem:v5+s28+$0x0] =	vst.idx.msk vm0, v4  }
0x1f4: {  	v5 =	vor.u32 $0x32, v3;
	v4 =	vld.idx.msk [tilespmem:v51+s14+$0x0], $0xffff;
	_ =	sdelay $0x4  }
0x1f5: {  	[tilespmem:v5+s28+$0x0] =	vst.idx.msk vm0, v4  }
0x1f6: {  	v5 =	vor.u32 $0x33, v3;
	v4 =	vld.idx.msk [tilespmem:v52+s14+$0x0], $0xffff;
	_ =	sdelay $0x4  }
0x1f7: {  	[tilespmem:v5+s28+$0x0] =	vst.idx.msk vm0, v4  }
0x1f8: {  	v5 =	vor.u32 $0x34, v3;
	v4 =	vld.idx.msk [tilespmem:v53+s14+$0x0], $0xffff;
	_ =	sdelay $0x4  }
0x1f9: {  	[tilespmem:v5+s28+$0x0] =	vst.idx.msk vm0, v4  }
0x1fa: {  	v5 =	vor.u32 $0x35, v3;
	v4 =	vld.idx.msk [tilespmem:v54+s14+$0x0], $0xffff;
	_ =	sdelay $0x4  }
0x1fb: {  	[tilespmem:v5+s28+$0x0] =	vst.idx.msk vm0, v4  }
0x1fc: {  	v5 =	vor.u32 $0x36, v3;
	v4 =	vld.idx.msk [tilespmem:v55+s14+$0x0], $0xffff;
	_ =	sdelay $0x4  }
0x1fd: {  	[tilespmem:v5+s28+$0x0] =	vst.idx.msk vm0, v4  }
0x1fe: {  	v5 =	vor.u32 $0x37, v3;
	v4 =	vld.idx.msk [tilespmem:v56+s14+$0x0], $0xffff;
	_ =	sdelay $0x4  }
0x1ff: {  	[tilespmem:v5+s28+$0x0] =	vst.idx.msk vm0, v4  }
0x200: {  	v5 =	vor.u32 $0x38, v3;
	v4 =	vld.idx.msk [tilespmem:v57+s14+$0x0], $0xffff;
	_ =	sdelay $0x4  }
0x201: {  	[tilespmem:v5+s28+$0x0] =	vst.idx.msk vm0, v4  }
0x202: {  	v5 =	vor.u32 $0x39, v3;
	v4 =	vld.idx.msk [tilespmem:v58+s14+$0x0], $0xffff;
	_ =	sdelay $0x4  }
0x203: {  	[tilespmem:v5+s28+$0x0] =	vst.idx.msk vm0, v4  }
0x204: {  	v5 =	vor.u32 $0x3A, v3;
	v4 =	vld.idx.msk [tilespmem:v59+s14+$0x0], $0xffff;
	_ =	sdelay $0x4  }
0x205: {  	[tilespmem:v5+s28+$0x0] =	vst.idx.msk vm0, v4  }
0x206: {  	v5 =	vor.u32 $0x3B, v3;
	v4 =	vld.idx.msk [tilespmem:v60+s14+$0x0], $0xffff;
	_ =	sdelay $0x4  }
0x207: {  	[tilespmem:v5+s28+$0x0] =	vst.idx.msk vm0, v4  }
0x208: {  	v5 =	vor.u32 $0x3C, v3;
	v4 =	vld.idx.msk [tilespmem:v61+s14+$0x0], $0xffff;
	_ =	sdelay $0x4  }
0x209: {  	[tilespmem:v5+s28+$0x0] =	vst.idx.msk vm0, v4  }
0x20a: {  	v5 =	vor.u32 $0x3D, v3;
	v4 =	vld.idx.msk [tilespmem:v62+s14+$0x0], $0xffff;
	_ =	sdelay $0x4  }
0x20b: {  	[tilespmem:v5+s28+$0x0] =	vst.idx.msk vm0, v4  }
0x20c: {  	v5 =	vor.u32 $0x3E, v3;
	v4 =	vld.idx.msk [tilespmem:v63+s14+$0x0], $0xffff;
	_ =	sdelay $0x4  }
0x20d: {  	[tilespmem:v5+s28+$0x0] =	vst.idx.msk vm0, v4  }
0x20e: {  	v3 =	vor.u32 $0x3F, v3;
	v4 =	vld.idx.msk [tilespmem:v2+s14+$0x0], $0xffff  }
.Ltmp15:
0x20f: {  	_ = 	snop;
	(pc) =	sbr.rel .LBB2_16-.Ltmp15, $2  }
0x210: {  	_ =	sdelay $0x2  }
0x211: {  	[tilespmem:v3+s28+$0x0] =	vst.idx.msk vm0, v4  }
.LBB2_18:
0x212: {  	s11 =	simm.s32 $0x0;
	s12 =	rddreg [dreg:$0x5]  }
0x213: {  	[tilespmem:s25], [sflag:$0x3] =	stream.linear.gather [hbm4b:s12+s11], $0x200, $0x38;
	[tilespmem:$0x10840] =	vst v63  }
0x214: {  	_ =	swait.ge [sflag:s15], $0x200  }
0x215: {  	[sflag:s15] =	ssyncset.done $0x0  }
0x216: {  	s20 =	simm.s32 $0x0;
	[sflag:s15] =	ssyncadd.s32 $0xFFFFFE00  }
0x217: {  	v3 =	vld [tilespmem:s20+$0x8400];
	_ =	sdelay $0x4  }
0x218: {  	vm0 =	veq.s32 v3, $0xF4240  }
0x219: {  	s21 =	simm.s32 $0x10;
	v3 =	vsel vm0, $0x0, v3  }
0x21a: {  	s22 =	simm.s32 $0x20;
	v4 =	vld [tilespmem:s21+$0x8400];
	[tilespmem:s20+$0x8600] =	vst v3  }
0x21b: {  	v3 =	vld [tilespmem:s22+$0x8400];
	_ =	sdelay $0x2  }
0x21c: {  	v5 =	vsel vm0, $0x3F800000, v0  }
0x21d: {  	vm13 =	veq.s32 v4, $0xF4240;
	(xrf0) =	vmax.scan.msk.f32 $0xffff, v5  }
0x21e: {  	v4 =	vsel vm13, $0x0, v4;
	v5 =	vsel vm13, $0x3F800000, v0;
	vm14 =	veq.s32 v3, $0xF4240  }
0x21f: {  	[tilespmem:s21+$0x8600] =	vst v4;
	(xrf0) =	vmax.scan.msk.f32 $0xffff, v5;
	v4 =	vsel vm14, $0x3F800000, v0  }
0x220: {  	(xrf0) =	vmax.scan.msk.f32 $0xffff, v4;
	_ =	sdelay $0x1  }
0x221: {  	v3 =	vsel vm14, $0x0, v3  }
0x222: {  	v4, _, _ =	vpop (xrf0)  }
0x223: {  	s23 =	simm.s32 $0x30;
	(v2sf) =	vpush v4, $0xF  }
0x224: {  	v5 =	vld [tilespmem:s23+$0x8400];
	[tilespmem:s22+$0x8600] =	vst v3;
	v3, _, _ =	vpop (xrf0)  }
0x225: {  	(v2sf) =	vpush v3, $0xF;
	v6, _, _ =	vpop (xrf0)  }
0x226: {  	(v2sf) =	vpush v6, $0xF;
	_ =	sdelay $0x5  }
0x227: {  	s11 =	simm.s32 $0x40;
	vm15 =	veq.s32 v5, $0xF4240  }
0x228: {  	v4 =	vsel vm15, $0x0, v5;
	v5 =	vsel vm15, $0x3F800000, v0;
	v3 =	vld [tilespmem:s11+$0x8400]  }
0x229: {  	(xrf0) =	vmax.scan.msk.f32 $0xffff, v5  }
0x22a: {  	p1 =	por $0x0, $0x0;
	s12 =	simm.s32 $0x140;
	[tilespmem:s23+$0x8600] =	vst v4  }
.LBB2_19:
0x22b: {  	p2 =	sne.s32 s12, $0x7C0  }
.Ltmp16:
0x22c: {  	s13 =	sshra.s32 s12, $0x2;
	(pc) =	sbr.rel @p2 .LBB2_19-.Ltmp16, $4  }
0x22d: {  	s12 =	sadd.s32 $0x40, s12;
	s17 =	spop (v2sf);
	vm0 =	veq.s32 v3, $0xF4240  }
0x22e: {  	p3 =	sgt.f32 s17, $0.0e+00;
	v6 =	vsel vm0, $0x0, v3;
	v3 =	vld [tilespmem:s13+$0x8400];
	v5 =	vsel vm0, $0x3F800000, v0  }
0x22f: {  	[tilespmem:s11+$0x8600] =	vst v6;
	(xrf0) =	vmax.scan.msk.f32 $0xffff, v5;
	v4, _, _ =	vpop (xrf0);
	s11 =	smov.u32 s13  }
0x230: {  	p1 =	por p1, p3;
	(v2sf) =	vpush v4, $0xF  }
0x231: {  	_ =	sdelay $0x1  }
0x232: {  	vm0 =	veq.s32 v3, $0xF4240  }
0x233: {  	v4 =	vsel vm0, $0x3F800000, v0  }
0x234: {  	(xrf0) =	vmax.scan.msk.f32 $0xffff, v4;
	_ =	sdelay $0x4  }
0x235: {  	v4, _, _ =	vpop (xrf0)  }
0x236: {  	(v2sf) =	vpush v4, $0xF;
	v4, _, _ =	vpop (xrf0)  }
0x237: {  	(v2sf) =	vpush v4, $0xF;
	_ =	sdelay $0x3  }
0x238: {  	v3 =	vsel vm0, $0x0, v3  }
0x239: {  	[tilespmem:s11+$0x8600] =	vst v3  }
0x23a: {  	[tilespmem:s28], [sflag:$0x2] =	stream.indirect.gather [hbm4b:s6+s16], $0x40, s26, s16, $0xb8;
	[tilespmem:$0x10840] =	vst v63  }
0x23b: {  	_ = 	snop  }
0x23c: {  	[tilespmem:s30], [sflag:$0x2] =	stream.indirect.gather [hbm4b:s6+s16], $0x40, s29, s16, $0xb8;
	[tilespmem:$0x10840] =	vst v63  }
0x23d: {  	s12 =	spop (v2sf)  }
0x23e: {  	[tilespmem:s1], [sflag:$0x2] =	stream.indirect.gather [hbm4b:s6+s16], $0x40, s31, s16, $0xb8;
	[tilespmem:$0x10840] =	vst v63  }
0x23f: {  	s13 =	spop (v2sf)  }
0x240: {  	[tilespmem:s0], [sflag:$0x2] =	stream.indirect.gather [hbm4b:s6+s16], $0x40, s3, s16, $0xb8;
	[tilespmem:$0x10840] =	vst v63  }
0x241: {  	s23 =	spop (v2sf)  }
0x242: {  	s17 =	spop (v2sf)  }
0x243: {  	s19 =	spop (v2sf)  }
0x244: {  	_ =	swait.ge [sflag:s8], $0x2000  }
0x245: {  	[sflag:s8] =	ssyncset.done $0x0  }
0x246: {  	[sflag:s8] =	ssyncadd.s32 $0xFFFFE000  }
0x247: {  	_ =	swait.ge [sflag:s8], $0x2000  }
0x248: {  	p2 =	sgt.f32 s12, $0.0e+00;
	[sflag:s8] =	ssyncset.done $0x0  }
0x249: {  	[sflag:s8] =	ssyncadd.s32 $0xFFFFE000  }
0x24a: {  	p3 =	sgt.f32 s13, $0.0e+00;
	p1 =	por p1, p2;
	_ =	swait.ge [sflag:s8], $0x2000  }
.Ltmp17:
0x24b: {  	p4 =	sgt.f32 s23, $0.0e+00;
	[sflag:s8] =	ssyncset.done $0x0;
	(pc) =	sbr.rel @p0 .LBB2_21-.Ltmp17, $4  }
0x24c: {  	p1 =	por p1, p3;
	p5 =	sgt.f32 s17, $0.0e+00;
	[sflag:s8] =	ssyncadd.s32 $0xFFFFE000  }
0x24d: {  	p1 =	por p1, p4;
	p6 =	sgt.f32 s19, $0.0e+00;
	_ =	swait.ge [sflag:s8], $0x2000  }
0x24e: {  	s12 =	simm.s32 $0x0;
	p1 =	por p1, p5;
	[sflag:s8] =	ssyncset.done $0x0  }
0x24f: {  	v6 =	vimm.s32 $0x6;
	s11 =	simm.s32 $0x0;
	p1 =	por p1, p6;
	[sflag:s8] =	ssyncadd.s32 $0xFFFFE000  }
.LBB2_24:
0x250: {  	s11 =	simm.s32 $0x0;
	s12 =	rddreg [dreg:$0x6]  }
0x251: {  	[hbm4b:s12+s11] =	stream.linear.scatter [tilespmem:s18], [sflag:$0x3], $0x8000, $0x38;
	[tilespmem:$0x10840] =	vst v63  }
0x252: {  	_ =	swait.ge [sflag:s15], $0x8000  }
0x253: {  	[sflag:s15] =	ssyncset.done $0x0  }
0x254: {  	[sflag:s15] =	ssyncadd.s32 $0xFFFF8000  }
0x255: {  	_ =	swait.ge [sflag:s10], $0x2000  }
0x256: {  	[sflag:s10] =	ssyncset.done $0x0  }
0x257: {  	[sflag:s10] =	ssyncadd.s32 $0xFFFFE000  }
0x258: {  	_ =	swait.ge [sflag:s10], $0x2000  }
0x259: {  	[sflag:s10] =	ssyncset.done $0x0  }
0x25a: {  	[sflag:s10] =	ssyncadd.s32 $0xFFFFE000  }
0x25b: {  	_ =	swait.ge [sflag:s10], $0x2000  }
.Ltmp18:
0x25c: {  	[sflag:s10] =	ssyncset.done $0x0;
	(pc) =	sbr.rel @!p1 .LBB2_28-.Ltmp18, $4  }
.Ltmp19:
0x25d: {  	[sflag:s10] =	ssyncadd.s32 $0xFFFFE000;
	(pc) =	sbr.rel @p1 .LBB2_25-.Ltmp19, $4  }
0x25e: {  	_ =	swait.ge [sflag:s10], $0x2000  }
0x25f: {  	[sflag:s10] =	ssyncset.done $0x0  }
0x260: {  	s12 =	simm.s32 $0x8400;
	[sflag:s10] =	ssyncadd.s32 $0xFFFFE000  }
0x261: {  	_ = 	snop  }
.LBB2_23:
0x262: {  	s12 =	sadd.s32 $0x10, s12  }
0x263: {  	p0 =	sne.s32 s12, $0x200  }
.Ltmp20:
0x264: {  	_ = 	snop;
	(pc) =	sbr.rel @!p0 .LBB2_24-.Ltmp20, $2  }
0x265: {  	_ =	sdelay $0x2  }
0x266: {  	s11 =	sadd.s32 $0x10, s11  }
.LBB2_21:
0x267: {  	v3 =	vld [tilespmem:s11+$0x0];
	_ =	sdelay $0x4  }
0x268: {  	vm0 =	veq.s32 v3, $0xF4240  }
0x269: {  	v3 =	vsel vm0, $0x3F800000, v0  }
0x26a: {  	(xrf0) =	vmax.scan.msk.f32 $0xffff, v3;
	_ =	sdelay $0x5  }
0x26b: {  	v3, _, _ =	vpop (xrf0)  }
0x26c: {  	(v2sf) =	vpush v3, $0xF;
	_ =	sdelay $0xe  }
0x26d: {  	s13 =	spop (v2sf)  }
0x26e: {  	p0 =	sgt.f32 s13, $0.0e+00  }
.Ltmp21:
0x26f: {  	_ = 	snop;
	(pc) =	sbr.rel @!p0 .LBB2_23-.Ltmp21, $1  }
0x270: {  	_ =	sdelay $0x3  }
0x271: {  	v3 =	vmov s12  }
0x272: {  	v3 =	vshll.u32 v3, $0x6  }
0x273: {  	v4 =	vld.msk [tilespmem:s14+$0x0], $0xffff;
	v3 =	vor.u32 v1, v3;
	_ =	sdelay $0x4  }
0x274: {  	[tilespmem:v3+s18+$0x0] =	vst.idx.msk vm0, v4;
	v4 =	vimm.s32 $0x1;
	_ =	sdelay $0x4  }
0x275: {  	v5 =	vor.u32 $0x1, v3;
	v4 =	vld.idx.msk [tilespmem:v4+s14+$0x0], $0xffff;
	_ =	sdelay $0x4  }
0x276: {  	[tilespmem:v5+s18+$0x0] =	vst.idx.msk vm0, v4;
	v4 =	vimm.s32 $0x2;
	_ =	sdelay $0x4  }
0x277: {  	v5 =	vor.u32 $0x2, v3;
	v4 =	vld.idx.msk [tilespmem:v4+s14+$0x0], $0xffff;
	_ =	sdelay $0x4  }
0x278: {  	[tilespmem:v5+s18+$0x0] =	vst.idx.msk vm0, v4;
	v4 =	vimm.s32 $0x3;
	_ =	sdelay $0x4  }
0x279: {  	v5 =	vor.u32 $0x3, v3;
	v4 =	vld.idx.msk [tilespmem:v4+s14+$0x0], $0xffff;
	_ =	sdelay $0x4  }
0x27a: {  	[tilespmem:v5+s18+$0x0] =	vst.idx.msk vm0, v4;
	v4 =	vimm.s32 $0x4;
	_ =	sdelay $0x4  }
0x27b: {  	v5 =	vor.u32 $0x4, v3;
	v4 =	vld.idx.msk [tilespmem:v4+s14+$0x0], $0xffff;
	_ =	sdelay $0x4  }
0x27c: {  	[tilespmem:v5+s18+$0x0] =	vst.idx.msk vm0, v4  }
0x27d: {  	v5 =	vor.u32 $0x5, v3;
	v4 =	vld.idx.msk [tilespmem:v7+s14+$0x0], $0xffff;
	_ =	sdelay $0x4  }
0x27e: {  	[tilespmem:v5+s18+$0x0] =	vst.idx.msk vm0, v4  }
0x27f: {  	v5 =	vor.u32 $0x6, v3;
	v4 =	vld.idx.msk [tilespmem:v6+s14+$0x0], $0xffff;
	_ =	sdelay $0x4  }
0x280: {  	[tilespmem:v5+s18+$0x0] =	vst.idx.msk vm0, v4  }
0x281: {  	v5 =	vor.u32 $0x7, v3;
	v4 =	vld.idx.msk [tilespmem:v8+s14+$0x0], $0xffff;
	_ =	sdelay $0x4  }
0x282: {  	[tilespmem:v5+s18+$0x0] =	vst.idx.msk vm0, v4  }
0x283: {  	v5 =	vor.u32 $0x8, v3;
	v4 =	vld.idx.msk [tilespmem:v9+s14+$0x0], $0xffff;
	_ =	sdelay $0x4  }
0x284: {  	[tilespmem:v5+s18+$0x0] =	vst.idx.msk vm0, v4  }
0x285: {  	v5 =	vor.u32 $0x9, v3;
	v4 =	vld.idx.msk [tilespmem:v10+s14+$0x0], $0xffff;
	_ =	sdelay $0x4  }
0x286: {  	[tilespmem:v5+s18+$0x0] =	vst.idx.msk vm0, v4  }
0x287: {  	v5 =	vor.u32 $0xA, v3;
	v4 =	vld.idx.msk [tilespmem:v11+s14+$0x0], $0xffff;
	_ =	sdelay $0x4  }
0x288: {  	[tilespmem:v5+s18+$0x0] =	vst.idx.msk vm0, v4  }
0x289: {  	v5 =	vor.u32 $0xB, v3;
	v4 =	vld.idx.msk [tilespmem:v12+s14+$0x0], $0xffff;
	_ =	sdelay $0x4  }
0x28a: {  	[tilespmem:v5+s18+$0x0] =	vst.idx.msk vm0, v4  }
0x28b: {  	v5 =	vor.u32 $0xC, v3;
	v4 =	vld.idx.msk [tilespmem:v13+s14+$0x0], $0xffff;
	_ =	sdelay $0x4  }
0x28c: {  	[tilespmem:v5+s18+$0x0] =	vst.idx.msk vm0, v4  }
0x28d: {  	v5 =	vor.u32 $0xD, v3;
	v4 =	vld.idx.msk [tilespmem:v14+s14+$0x0], $0xffff;
	_ =	sdelay $0x4  }
0x28e: {  	[tilespmem:v5+s18+$0x0] =	vst.idx.msk vm0, v4  }
0x28f: {  	v5 =	vor.u32 $0xE, v3;
	v4 =	vld.idx.msk [tilespmem:v15+s14+$0x0], $0xffff;
	_ =	sdelay $0x4  }
0x290: {  	[tilespmem:v5+s18+$0x0] =	vst.idx.msk vm0, v4  }
0x291: {  	v5 =	vor.u32 $0xF, v3;
	v4 =	vld.idx.msk [tilespmem:v16+s14+$0x0], $0xffff;
	_ =	sdelay $0x4  }
0x292: {  	[tilespmem:v5+s18+$0x0] =	vst.idx.msk vm0, v4  }
0x293: {  	v5 =	vor.u32 $0x10, v3;
	v4 =	vld.idx.msk [tilespmem:v17+s14+$0x0], $0xffff;
	_ =	sdelay $0x4  }
0x294: {  	[tilespmem:v5+s18+$0x0] =	vst.idx.msk vm0, v4  }
0x295: {  	v5 =	vor.u32 $0x11, v3;
	v4 =	vld.idx.msk [tilespmem:v18+s14+$0x0], $0xffff;
	_ =	sdelay $0x4  }
0x296: {  	[tilespmem:v5+s18+$0x0] =	vst.idx.msk vm0, v4  }
0x297: {  	v5 =	vor.u32 $0x12, v3;
	v4 =	vld.idx.msk [tilespmem:v19+s14+$0x0], $0xffff;
	_ =	sdelay $0x4  }
0x298: {  	[tilespmem:v5+s18+$0x0] =	vst.idx.msk vm0, v4  }
0x299: {  	v5 =	vor.u32 $0x13, v3;
	v4 =	vld.idx.msk [tilespmem:v20+s14+$0x0], $0xffff;
	_ =	sdelay $0x4  }
0x29a: {  	[tilespmem:v5+s18+$0x0] =	vst.idx.msk vm0, v4  }
0x29b: {  	v5 =	vor.u32 $0x14, v3;
	v4 =	vld.idx.msk [tilespmem:v21+s14+$0x0], $0xffff;
	_ =	sdelay $0x4  }
0x29c: {  	[tilespmem:v5+s18+$0x0] =	vst.idx.msk vm0, v4  }
0x29d: {  	v5 =	vor.u32 $0x15, v3;
	v4 =	vld.idx.msk [tilespmem:v22+s14+$0x0], $0xffff;
	_ =	sdelay $0x4  }
0x29e: {  	[tilespmem:v5+s18+$0x0] =	vst.idx.msk vm0, v4  }
0x29f: {  	v5 =	vor.u32 $0x16, v3;
	v4 =	vld.idx.msk [tilespmem:v23+s14+$0x0], $0xffff;
	_ =	sdelay $0x4  }
0x2a0: {  	[tilespmem:v5+s18+$0x0] =	vst.idx.msk vm0, v4  }
0x2a1: {  	v5 =	vor.u32 $0x17, v3;
	v4 =	vld.idx.msk [tilespmem:v24+s14+$0x0], $0xffff;
	_ =	sdelay $0x4  }
0x2a2: {  	[tilespmem:v5+s18+$0x0] =	vst.idx.msk vm0, v4  }
0x2a3: {  	v5 =	vor.u32 $0x18, v3;
	v4 =	vld.idx.msk [tilespmem:v25+s14+$0x0], $0xffff;
	_ =	sdelay $0x4  }
0x2a4: {  	[tilespmem:v5+s18+$0x0] =	vst.idx.msk vm0, v4  }
0x2a5: {  	v5 =	vor.u32 $0x19, v3;
	v4 =	vld.idx.msk [tilespmem:v26+s14+$0x0], $0xffff;
	_ =	sdelay $0x4  }
0x2a6: {  	[tilespmem:v5+s18+$0x0] =	vst.idx.msk vm0, v4  }
0x2a7: {  	v5 =	vor.u32 $0x1A, v3;
	v4 =	vld.idx.msk [tilespmem:v27+s14+$0x0], $0xffff;
	_ =	sdelay $0x4  }
0x2a8: {  	[tilespmem:v5+s18+$0x0] =	vst.idx.msk vm0, v4  }
0x2a9: {  	v5 =	vor.u32 $0x1B, v3;
	v4 =	vld.idx.msk [tilespmem:v28+s14+$0x0], $0xffff;
	_ =	sdelay $0x4  }
0x2aa: {  	[tilespmem:v5+s18+$0x0] =	vst.idx.msk vm0, v4  }
0x2ab: {  	v5 =	vor.u32 $0x1C, v3;
	v4 =	vld.idx.msk [tilespmem:v29+s14+$0x0], $0xffff;
	_ =	sdelay $0x4  }
0x2ac: {  	[tilespmem:v5+s18+$0x0] =	vst.idx.msk vm0, v4  }
0x2ad: {  	v5 =	vor.u32 $0x1D, v3;
	v4 =	vld.idx.msk [tilespmem:v30+s14+$0x0], $0xffff;
	_ =	sdelay $0x4  }
0x2ae: {  	[tilespmem:v5+s18+$0x0] =	vst.idx.msk vm0, v4  }
0x2af: {  	v5 =	vor.u32 $0x1E, v3;
	v4 =	vld.idx.msk [tilespmem:v31+s14+$0x0], $0xffff;
	_ =	sdelay $0x4  }
0x2b0: {  	[tilespmem:v5+s18+$0x0] =	vst.idx.msk vm0, v4  }
0x2b1: {  	v5 =	vor.u32 $0x1F, v3;
	v4 =	vld.idx.msk [tilespmem:v32+s14+$0x0], $0xffff;
	_ =	sdelay $0x4  }
0x2b2: {  	[tilespmem:v5+s18+$0x0] =	vst.idx.msk vm0, v4  }
0x2b3: {  	v5 =	vor.u32 $0x20, v3;
	v4 =	vld.idx.msk [tilespmem:v33+s14+$0x0], $0xffff;
	_ =	sdelay $0x4  }
0x2b4: {  	[tilespmem:v5+s18+$0x0] =	vst.idx.msk vm0, v4  }
0x2b5: {  	v5 =	vor.u32 $0x21, v3;
	v4 =	vld.idx.msk [tilespmem:v34+s14+$0x0], $0xffff;
	_ =	sdelay $0x4  }
0x2b6: {  	[tilespmem:v5+s18+$0x0] =	vst.idx.msk vm0, v4  }
0x2b7: {  	v5 =	vor.u32 $0x22, v3;
	v4 =	vld.idx.msk [tilespmem:v35+s14+$0x0], $0xffff;
	_ =	sdelay $0x4  }
0x2b8: {  	[tilespmem:v5+s18+$0x0] =	vst.idx.msk vm0, v4  }
0x2b9: {  	v5 =	vor.u32 $0x23, v3;
	v4 =	vld.idx.msk [tilespmem:v36+s14+$0x0], $0xffff;
	_ =	sdelay $0x4  }
0x2ba: {  	[tilespmem:v5+s18+$0x0] =	vst.idx.msk vm0, v4  }
0x2bb: {  	v5 =	vor.u32 $0x24, v3;
	v4 =	vld.idx.msk [tilespmem:v37+s14+$0x0], $0xffff;
	_ =	sdelay $0x4  }
0x2bc: {  	[tilespmem:v5+s18+$0x0] =	vst.idx.msk vm0, v4  }
0x2bd: {  	v5 =	vor.u32 $0x25, v3;
	v4 =	vld.idx.msk [tilespmem:v38+s14+$0x0], $0xffff;
	_ =	sdelay $0x4  }
0x2be: {  	[tilespmem:v5+s18+$0x0] =	vst.idx.msk vm0, v4  }
0x2bf: {  	v5 =	vor.u32 $0x26, v3;
	v4 =	vld.idx.msk [tilespmem:v39+s14+$0x0], $0xffff;
	_ =	sdelay $0x4  }
0x2c0: {  	[tilespmem:v5+s18+$0x0] =	vst.idx.msk vm0, v4  }
0x2c1: {  	v5 =	vor.u32 $0x27, v3;
	v4 =	vld.idx.msk [tilespmem:v40+s14+$0x0], $0xffff;
	_ =	sdelay $0x4  }
0x2c2: {  	[tilespmem:v5+s18+$0x0] =	vst.idx.msk vm0, v4  }
0x2c3: {  	v5 =	vor.u32 $0x28, v3;
	v4 =	vld.idx.msk [tilespmem:v41+s14+$0x0], $0xffff;
	_ =	sdelay $0x4  }
0x2c4: {  	[tilespmem:v5+s18+$0x0] =	vst.idx.msk vm0, v4  }
0x2c5: {  	v5 =	vor.u32 $0x29, v3;
	v4 =	vld.idx.msk [tilespmem:v42+s14+$0x0], $0xffff;
	_ =	sdelay $0x4  }
0x2c6: {  	[tilespmem:v5+s18+$0x0] =	vst.idx.msk vm0, v4  }
0x2c7: {  	v5 =	vor.u32 $0x2A, v3;
	v4 =	vld.idx.msk [tilespmem:v43+s14+$0x0], $0xffff;
	_ =	sdelay $0x4  }
0x2c8: {  	[tilespmem:v5+s18+$0x0] =	vst.idx.msk vm0, v4  }
0x2c9: {  	v5 =	vor.u32 $0x2B, v3;
	v4 =	vld.idx.msk [tilespmem:v44+s14+$0x0], $0xffff;
	_ =	sdelay $0x4  }
0x2ca: {  	[tilespmem:v5+s18+$0x0] =	vst.idx.msk vm0, v4  }
0x2cb: {  	v5 =	vor.u32 $0x2C, v3;
	v4 =	vld.idx.msk [tilespmem:v45+s14+$0x0], $0xffff;
	_ =	sdelay $0x4  }
0x2cc: {  	[tilespmem:v5+s18+$0x0] =	vst.idx.msk vm0, v4  }
0x2cd: {  	v5 =	vor.u32 $0x2D, v3;
	v4 =	vld.idx.msk [tilespmem:v46+s14+$0x0], $0xffff;
	_ =	sdelay $0x4  }
0x2ce: {  	[tilespmem:v5+s18+$0x0] =	vst.idx.msk vm0, v4  }
0x2cf: {  	v5 =	vor.u32 $0x2E, v3;
	v4 =	vld.idx.msk [tilespmem:v47+s14+$0x0], $0xffff;
	_ =	sdelay $0x4  }
0x2d0: {  	[tilespmem:v5+s18+$0x0] =	vst.idx.msk vm0, v4  }
0x2d1: {  	v5 =	vor.u32 $0x2F, v3;
	v4 =	vld.idx.msk [tilespmem:v48+s14+$0x0], $0xffff;
	_ =	sdelay $0x4  }
0x2d2: {  	[tilespmem:v5+s18+$0x0] =	vst.idx.msk vm0, v4  }
0x2d3: {  	v5 =	vor.u32 $0x30, v3;
	v4 =	vld.idx.msk [tilespmem:v49+s14+$0x0], $0xffff;
	_ =	sdelay $0x4  }
0x2d4: {  	[tilespmem:v5+s18+$0x0] =	vst.idx.msk vm0, v4  }
0x2d5: {  	v5 =	vor.u32 $0x31, v3;
	v4 =	vld.idx.msk [tilespmem:v50+s14+$0x0], $0xffff;
	_ =	sdelay $0x4  }
0x2d6: {  	[tilespmem:v5+s18+$0x0] =	vst.idx.msk vm0, v4  }
0x2d7: {  	v5 =	vor.u32 $0x32, v3;
	v4 =	vld.idx.msk [tilespmem:v51+s14+$0x0], $0xffff;
	_ =	sdelay $0x4  }
0x2d8: {  	[tilespmem:v5+s18+$0x0] =	vst.idx.msk vm0, v4  }
0x2d9: {  	v5 =	vor.u32 $0x33, v3;
	v4 =	vld.idx.msk [tilespmem:v52+s14+$0x0], $0xffff;
	_ =	sdelay $0x4  }
0x2da: {  	[tilespmem:v5+s18+$0x0] =	vst.idx.msk vm0, v4  }
0x2db: {  	v5 =	vor.u32 $0x34, v3;
	v4 =	vld.idx.msk [tilespmem:v53+s14+$0x0], $0xffff;
	_ =	sdelay $0x4  }
0x2dc: {  	[tilespmem:v5+s18+$0x0] =	vst.idx.msk vm0, v4  }
0x2dd: {  	v5 =	vor.u32 $0x35, v3;
	v4 =	vld.idx.msk [tilespmem:v54+s14+$0x0], $0xffff;
	_ =	sdelay $0x4  }
0x2de: {  	[tilespmem:v5+s18+$0x0] =	vst.idx.msk vm0, v4  }
0x2df: {  	v5 =	vor.u32 $0x36, v3;
	v4 =	vld.idx.msk [tilespmem:v55+s14+$0x0], $0xffff;
	_ =	sdelay $0x4  }
0x2e0: {  	[tilespmem:v5+s18+$0x0] =	vst.idx.msk vm0, v4  }
0x2e1: {  	v5 =	vor.u32 $0x37, v3;
	v4 =	vld.idx.msk [tilespmem:v56+s14+$0x0], $0xffff;
	_ =	sdelay $0x4  }
0x2e2: {  	[tilespmem:v5+s18+$0x0] =	vst.idx.msk vm0, v4  }
0x2e3: {  	v5 =	vor.u32 $0x38, v3;
	v4 =	vld.idx.msk [tilespmem:v57+s14+$0x0], $0xffff;
	_ =	sdelay $0x4  }
0x2e4: {  	[tilespmem:v5+s18+$0x0] =	vst.idx.msk vm0, v4  }
0x2e5: {  	v5 =	vor.u32 $0x39, v3;
	v4 =	vld.idx.msk [tilespmem:v58+s14+$0x0], $0xffff;
	_ =	sdelay $0x4  }
0x2e6: {  	[tilespmem:v5+s18+$0x0] =	vst.idx.msk vm0, v4  }
0x2e7: {  	v5 =	vor.u32 $0x3A, v3;
	v4 =	vld.idx.msk [tilespmem:v59+s14+$0x0], $0xffff;
	_ =	sdelay $0x4  }
0x2e8: {  	[tilespmem:v5+s18+$0x0] =	vst.idx.msk vm0, v4  }
0x2e9: {  	v5 =	vor.u32 $0x3B, v3;
	v4 =	vld.idx.msk [tilespmem:v60+s14+$0x0], $0xffff;
	_ =	sdelay $0x4  }
0x2ea: {  	[tilespmem:v5+s18+$0x0] =	vst.idx.msk vm0, v4  }
0x2eb: {  	v5 =	vor.u32 $0x3C, v3;
	v4 =	vld.idx.msk [tilespmem:v61+s14+$0x0], $0xffff;
	_ =	sdelay $0x4  }
0x2ec: {  	[tilespmem:v5+s18+$0x0] =	vst.idx.msk vm0, v4  }
0x2ed: {  	v5 =	vor.u32 $0x3D, v3;
	v4 =	vld.idx.msk [tilespmem:v62+s14+$0x0], $0xffff;
	_ =	sdelay $0x4  }
0x2ee: {  	[tilespmem:v5+s18+$0x0] =	vst.idx.msk vm0, v4  }
0x2ef: {  	v5 =	vor.u32 $0x3E, v3;
	v4 =	vld.idx.msk [tilespmem:v63+s14+$0x0], $0xffff;
	_ =	sdelay $0x4  }
0x2f0: {  	[tilespmem:v5+s18+$0x0] =	vst.idx.msk vm0, v4  }
0x2f1: {  	v3 =	vor.u32 $0x3F, v3;
	v4 =	vld.idx.msk [tilespmem:v2+s14+$0x0], $0xffff  }
.Ltmp22:
0x2f2: {  	_ = 	snop;
	(pc) =	sbr.rel .LBB2_23-.Ltmp22, $2  }
0x2f3: {  	_ =	sdelay $0x2  }
0x2f4: {  	[tilespmem:v3+s18+$0x0] =	vst.idx.msk vm0, v4  }
.LBB2_27:
0x2f5: {  	s11 =	sadd.s32 $0x10, s11  }
0x2f6: {  	p0 =	sne.s32 s11, $0x200  }
.Ltmp23:
0x2f7: {  	_ = 	snop;
	(pc) =	sbr.rel @!p0 .LBB2_28-.Ltmp23, $2  }
0x2f8: {  	_ =	sdelay $0x2  }
0x2f9: {  	s12 =	sadd.s32 $0x10, s12  }
.LBB2_25:
0x2fa: {  	v3 =	vld [tilespmem:s12+$0x0];
	_ =	sdelay $0x4  }
0x2fb: {  	vm0 =	veq.s32 v3, $0xF4240  }
0x2fc: {  	v3 =	vsel vm0, $0x3F800000, v0  }
0x2fd: {  	(xrf0) =	vmax.scan.msk.f32 $0xffff, v3;
	_ =	sdelay $0x5  }
0x2fe: {  	v3, _, _ =	vpop (xrf0)  }
0x2ff: {  	(v2sf) =	vpush v3, $0xF;
	_ =	sdelay $0xe  }
0x300: {  	s13 =	spop (v2sf)  }
0x301: {  	p0 =	sgt.f32 s13, $0.0e+00  }
.Ltmp24:
0x302: {  	_ = 	snop;
	(pc) =	sbr.rel @!p0 .LBB2_27-.Ltmp24, $1  }
0x303: {  	_ =	sdelay $0x3  }
0x304: {  	v3 =	vmov s11  }
0x305: {  	v3 =	vshll.u32 v3, $0x6  }
0x306: {  	v4 =	vld.msk [tilespmem:s14+$0x0], $0xffff;
	v3 =	vor.u32 v1, v3;
	_ =	sdelay $0x4  }
0x307: {  	[tilespmem:v3+s28+$0x0] =	vst.idx.msk vm0, v4;
	v4 =	vimm.s32 $0x1;
	_ =	sdelay $0x4  }
0x308: {  	v5 =	vor.u32 $0x1, v3;
	v4 =	vld.idx.msk [tilespmem:v4+s14+$0x0], $0xffff;
	_ =	sdelay $0x4  }
0x309: {  	[tilespmem:v5+s28+$0x0] =	vst.idx.msk vm0, v4;
	v4 =	vimm.s32 $0x2;
	_ =	sdelay $0x4  }
0x30a: {  	v5 =	vor.u32 $0x2, v3;
	v4 =	vld.idx.msk [tilespmem:v4+s14+$0x0], $0xffff;
	_ =	sdelay $0x4  }
0x30b: {  	[tilespmem:v5+s28+$0x0] =	vst.idx.msk vm0, v4;
	v4 =	vimm.s32 $0x3;
	_ =	sdelay $0x4  }
0x30c: {  	v5 =	vor.u32 $0x3, v3;
	v4 =	vld.idx.msk [tilespmem:v4+s14+$0x0], $0xffff;
	_ =	sdelay $0x4  }
0x30d: {  	[tilespmem:v5+s28+$0x0] =	vst.idx.msk vm0, v4;
	v4 =	vimm.s32 $0x4;
	_ =	sdelay $0x4  }
0x30e: {  	v5 =	vor.u32 $0x4, v3;
	v4 =	vld.idx.msk [tilespmem:v4+s14+$0x0], $0xffff;
	_ =	sdelay $0x4  }
0x30f: {  	[tilespmem:v5+s28+$0x0] =	vst.idx.msk vm0, v4  }
0x310: {  	v5 =	vor.u32 $0x5, v3;
	v4 =	vld.idx.msk [tilespmem:v7+s14+$0x0], $0xffff;
	_ =	sdelay $0x4  }
0x311: {  	[tilespmem:v5+s28+$0x0] =	vst.idx.msk vm0, v4  }
0x312: {  	v5 =	vor.u32 $0x6, v3;
	v4 =	vld.idx.msk [tilespmem:v6+s14+$0x0], $0xffff;
	_ =	sdelay $0x4  }
0x313: {  	[tilespmem:v5+s28+$0x0] =	vst.idx.msk vm0, v4  }
0x314: {  	v5 =	vor.u32 $0x7, v3;
	v4 =	vld.idx.msk [tilespmem:v8+s14+$0x0], $0xffff;
	_ =	sdelay $0x4  }
0x315: {  	[tilespmem:v5+s28+$0x0] =	vst.idx.msk vm0, v4  }
0x316: {  	v5 =	vor.u32 $0x8, v3;
	v4 =	vld.idx.msk [tilespmem:v9+s14+$0x0], $0xffff;
	_ =	sdelay $0x4  }
0x317: {  	[tilespmem:v5+s28+$0x0] =	vst.idx.msk vm0, v4  }
0x318: {  	v5 =	vor.u32 $0x9, v3;
	v4 =	vld.idx.msk [tilespmem:v10+s14+$0x0], $0xffff;
	_ =	sdelay $0x4  }
0x319: {  	[tilespmem:v5+s28+$0x0] =	vst.idx.msk vm0, v4  }
0x31a: {  	v5 =	vor.u32 $0xA, v3;
	v4 =	vld.idx.msk [tilespmem:v11+s14+$0x0], $0xffff;
	_ =	sdelay $0x4  }
0x31b: {  	[tilespmem:v5+s28+$0x0] =	vst.idx.msk vm0, v4  }
0x31c: {  	v5 =	vor.u32 $0xB, v3;
	v4 =	vld.idx.msk [tilespmem:v12+s14+$0x0], $0xffff;
	_ =	sdelay $0x4  }
0x31d: {  	[tilespmem:v5+s28+$0x0] =	vst.idx.msk vm0, v4  }
0x31e: {  	v5 =	vor.u32 $0xC, v3;
	v4 =	vld.idx.msk [tilespmem:v13+s14+$0x0], $0xffff;
	_ =	sdelay $0x4  }
0x31f: {  	[tilespmem:v5+s28+$0x0] =	vst.idx.msk vm0, v4  }
0x320: {  	v5 =	vor.u32 $0xD, v3;
	v4 =	vld.idx.msk [tilespmem:v14+s14+$0x0], $0xffff;
	_ =	sdelay $0x4  }
0x321: {  	[tilespmem:v5+s28+$0x0] =	vst.idx.msk vm0, v4  }
0x322: {  	v5 =	vor.u32 $0xE, v3;
	v4 =	vld.idx.msk [tilespmem:v15+s14+$0x0], $0xffff;
	_ =	sdelay $0x4  }
0x323: {  	[tilespmem:v5+s28+$0x0] =	vst.idx.msk vm0, v4  }
0x324: {  	v5 =	vor.u32 $0xF, v3;
	v4 =	vld.idx.msk [tilespmem:v16+s14+$0x0], $0xffff;
	_ =	sdelay $0x4  }
0x325: {  	[tilespmem:v5+s28+$0x0] =	vst.idx.msk vm0, v4  }
0x326: {  	v5 =	vor.u32 $0x10, v3;
	v4 =	vld.idx.msk [tilespmem:v17+s14+$0x0], $0xffff;
	_ =	sdelay $0x4  }
0x327: {  	[tilespmem:v5+s28+$0x0] =	vst.idx.msk vm0, v4  }
0x328: {  	v5 =	vor.u32 $0x11, v3;
	v4 =	vld.idx.msk [tilespmem:v18+s14+$0x0], $0xffff;
	_ =	sdelay $0x4  }
0x329: {  	[tilespmem:v5+s28+$0x0] =	vst.idx.msk vm0, v4  }
0x32a: {  	v5 =	vor.u32 $0x12, v3;
	v4 =	vld.idx.msk [tilespmem:v19+s14+$0x0], $0xffff;
	_ =	sdelay $0x4  }
0x32b: {  	[tilespmem:v5+s28+$0x0] =	vst.idx.msk vm0, v4  }
0x32c: {  	v5 =	vor.u32 $0x13, v3;
	v4 =	vld.idx.msk [tilespmem:v20+s14+$0x0], $0xffff;
	_ =	sdelay $0x4  }
0x32d: {  	[tilespmem:v5+s28+$0x0] =	vst.idx.msk vm0, v4  }
0x32e: {  	v5 =	vor.u32 $0x14, v3;
	v4 =	vld.idx.msk [tilespmem:v21+s14+$0x0], $0xffff;
	_ =	sdelay $0x4  }
0x32f: {  	[tilespmem:v5+s28+$0x0] =	vst.idx.msk vm0, v4  }
0x330: {  	v5 =	vor.u32 $0x15, v3;
	v4 =	vld.idx.msk [tilespmem:v22+s14+$0x0], $0xffff;
	_ =	sdelay $0x4  }
0x331: {  	[tilespmem:v5+s28+$0x0] =	vst.idx.msk vm0, v4  }
0x332: {  	v5 =	vor.u32 $0x16, v3;
	v4 =	vld.idx.msk [tilespmem:v23+s14+$0x0], $0xffff;
	_ =	sdelay $0x4  }
0x333: {  	[tilespmem:v5+s28+$0x0] =	vst.idx.msk vm0, v4  }
0x334: {  	v5 =	vor.u32 $0x17, v3;
	v4 =	vld.idx.msk [tilespmem:v24+s14+$0x0], $0xffff;
	_ =	sdelay $0x4  }
0x335: {  	[tilespmem:v5+s28+$0x0] =	vst.idx.msk vm0, v4  }
0x336: {  	v5 =	vor.u32 $0x18, v3;
	v4 =	vld.idx.msk [tilespmem:v25+s14+$0x0], $0xffff;
	_ =	sdelay $0x4  }
0x337: {  	[tilespmem:v5+s28+$0x0] =	vst.idx.msk vm0, v4  }
0x338: {  	v5 =	vor.u32 $0x19, v3;
	v4 =	vld.idx.msk [tilespmem:v26+s14+$0x0], $0xffff;
	_ =	sdelay $0x4  }
0x339: {  	[tilespmem:v5+s28+$0x0] =	vst.idx.msk vm0, v4  }
0x33a: {  	v5 =	vor.u32 $0x1A, v3;
	v4 =	vld.idx.msk [tilespmem:v27+s14+$0x0], $0xffff;
	_ =	sdelay $0x4  }
0x33b: {  	[tilespmem:v5+s28+$0x0] =	vst.idx.msk vm0, v4  }
0x33c: {  	v5 =	vor.u32 $0x1B, v3;
	v4 =	vld.idx.msk [tilespmem:v28+s14+$0x0], $0xffff;
	_ =	sdelay $0x4  }
0x33d: {  	[tilespmem:v5+s28+$0x0] =	vst.idx.msk vm0, v4  }
0x33e: {  	v5 =	vor.u32 $0x1C, v3;
	v4 =	vld.idx.msk [tilespmem:v29+s14+$0x0], $0xffff;
	_ =	sdelay $0x4  }
0x33f: {  	[tilespmem:v5+s28+$0x0] =	vst.idx.msk vm0, v4  }
0x340: {  	v5 =	vor.u32 $0x1D, v3;
	v4 =	vld.idx.msk [tilespmem:v30+s14+$0x0], $0xffff;
	_ =	sdelay $0x4  }
0x341: {  	[tilespmem:v5+s28+$0x0] =	vst.idx.msk vm0, v4  }
0x342: {  	v5 =	vor.u32 $0x1E, v3;
	v4 =	vld.idx.msk [tilespmem:v31+s14+$0x0], $0xffff;
	_ =	sdelay $0x4  }
0x343: {  	[tilespmem:v5+s28+$0x0] =	vst.idx.msk vm0, v4  }
0x344: {  	v5 =	vor.u32 $0x1F, v3;
	v4 =	vld.idx.msk [tilespmem:v32+s14+$0x0], $0xffff;
	_ =	sdelay $0x4  }
0x345: {  	[tilespmem:v5+s28+$0x0] =	vst.idx.msk vm0, v4  }
0x346: {  	v5 =	vor.u32 $0x20, v3;
	v4 =	vld.idx.msk [tilespmem:v33+s14+$0x0], $0xffff;
	_ =	sdelay $0x4  }
0x347: {  	[tilespmem:v5+s28+$0x0] =	vst.idx.msk vm0, v4  }
0x348: {  	v5 =	vor.u32 $0x21, v3;
	v4 =	vld.idx.msk [tilespmem:v34+s14+$0x0], $0xffff;
	_ =	sdelay $0x4  }
0x349: {  	[tilespmem:v5+s28+$0x0] =	vst.idx.msk vm0, v4  }
0x34a: {  	v5 =	vor.u32 $0x22, v3;
	v4 =	vld.idx.msk [tilespmem:v35+s14+$0x0], $0xffff;
	_ =	sdelay $0x4  }
0x34b: {  	[tilespmem:v5+s28+$0x0] =	vst.idx.msk vm0, v4  }
0x34c: {  	v5 =	vor.u32 $0x23, v3;
	v4 =	vld.idx.msk [tilespmem:v36+s14+$0x0], $0xffff;
	_ =	sdelay $0x4  }
0x34d: {  	[tilespmem:v5+s28+$0x0] =	vst.idx.msk vm0, v4  }
0x34e: {  	v5 =	vor.u32 $0x24, v3;
	v4 =	vld.idx.msk [tilespmem:v37+s14+$0x0], $0xffff;
	_ =	sdelay $0x4  }
0x34f: {  	[tilespmem:v5+s28+$0x0] =	vst.idx.msk vm0, v4  }
0x350: {  	v5 =	vor.u32 $0x25, v3;
	v4 =	vld.idx.msk [tilespmem:v38+s14+$0x0], $0xffff;
	_ =	sdelay $0x4  }
0x351: {  	[tilespmem:v5+s28+$0x0] =	vst.idx.msk vm0, v4  }
0x352: {  	v5 =	vor.u32 $0x26, v3;
	v4 =	vld.idx.msk [tilespmem:v39+s14+$0x0], $0xffff;
	_ =	sdelay $0x4  }
0x353: {  	[tilespmem:v5+s28+$0x0] =	vst.idx.msk vm0, v4  }
0x354: {  	v5 =	vor.u32 $0x27, v3;
	v4 =	vld.idx.msk [tilespmem:v40+s14+$0x0], $0xffff;
	_ =	sdelay $0x4  }
0x355: {  	[tilespmem:v5+s28+$0x0] =	vst.idx.msk vm0, v4  }
0x356: {  	v5 =	vor.u32 $0x28, v3;
	v4 =	vld.idx.msk [tilespmem:v41+s14+$0x0], $0xffff;
	_ =	sdelay $0x4  }
0x357: {  	[tilespmem:v5+s28+$0x0] =	vst.idx.msk vm0, v4  }
0x358: {  	v5 =	vor.u32 $0x29, v3;
	v4 =	vld.idx.msk [tilespmem:v42+s14+$0x0], $0xffff;
	_ =	sdelay $0x4  }
0x359: {  	[tilespmem:v5+s28+$0x0] =	vst.idx.msk vm0, v4  }
0x35a: {  	v5 =	vor.u32 $0x2A, v3;
	v4 =	vld.idx.msk [tilespmem:v43+s14+$0x0], $0xffff;
	_ =	sdelay $0x4  }
0x35b: {  	[tilespmem:v5+s28+$0x0] =	vst.idx.msk vm0, v4  }
0x35c: {  	v5 =	vor.u32 $0x2B, v3;
	v4 =	vld.idx.msk [tilespmem:v44+s14+$0x0], $0xffff;
	_ =	sdelay $0x4  }
0x35d: {  	[tilespmem:v5+s28+$0x0] =	vst.idx.msk vm0, v4  }
0x35e: {  	v5 =	vor.u32 $0x2C, v3;
	v4 =	vld.idx.msk [tilespmem:v45+s14+$0x0], $0xffff;
	_ =	sdelay $0x4  }
0x35f: {  	[tilespmem:v5+s28+$0x0] =	vst.idx.msk vm0, v4  }
0x360: {  	v5 =	vor.u32 $0x2D, v3;
	v4 =	vld.idx.msk [tilespmem:v46+s14+$0x0], $0xffff;
	_ =	sdelay $0x4  }
0x361: {  	[tilespmem:v5+s28+$0x0] =	vst.idx.msk vm0, v4  }
0x362: {  	v5 =	vor.u32 $0x2E, v3;
	v4 =	vld.idx.msk [tilespmem:v47+s14+$0x0], $0xffff;
	_ =	sdelay $0x4  }
0x363: {  	[tilespmem:v5+s28+$0x0] =	vst.idx.msk vm0, v4  }
0x364: {  	v5 =	vor.u32 $0x2F, v3;
	v4 =	vld.idx.msk [tilespmem:v48+s14+$0x0], $0xffff;
	_ =	sdelay $0x4  }
0x365: {  	[tilespmem:v5+s28+$0x0] =	vst.idx.msk vm0, v4  }
0x366: {  	v5 =	vor.u32 $0x30, v3;
	v4 =	vld.idx.msk [tilespmem:v49+s14+$0x0], $0xffff;
	_ =	sdelay $0x4  }
0x367: {  	[tilespmem:v5+s28+$0x0] =	vst.idx.msk vm0, v4  }
0x368: {  	v5 =	vor.u32 $0x31, v3;
	v4 =	vld.idx.msk [tilespmem:v50+s14+$0x0], $0xffff;
	_ =	sdelay $0x4  }
0x369: {  	[tilespmem:v5+s28+$0x0] =	vst.idx.msk vm0, v4  }
0x36a: {  	v5 =	vor.u32 $0x32, v3;
	v4 =	vld.idx.msk [tilespmem:v51+s14+$0x0], $0xffff;
	_ =	sdelay $0x4  }
0x36b: {  	[tilespmem:v5+s28+$0x0] =	vst.idx.msk vm0, v4  }
0x36c: {  	v5 =	vor.u32 $0x33, v3;
	v4 =	vld.idx.msk [tilespmem:v52+s14+$0x0], $0xffff;
	_ =	sdelay $0x4  }
0x36d: {  	[tilespmem:v5+s28+$0x0] =	vst.idx.msk vm0, v4  }
0x36e: {  	v5 =	vor.u32 $0x34, v3;
	v4 =	vld.idx.msk [tilespmem:v53+s14+$0x0], $0xffff;
	_ =	sdelay $0x4  }
0x36f: {  	[tilespmem:v5+s28+$0x0] =	vst.idx.msk vm0, v4  }
0x370: {  	v5 =	vor.u32 $0x35, v3;
	v4 =	vld.idx.msk [tilespmem:v54+s14+$0x0], $0xffff;
	_ =	sdelay $0x4  }
0x371: {  	[tilespmem:v5+s28+$0x0] =	vst.idx.msk vm0, v4  }
0x372: {  	v5 =	vor.u32 $0x36, v3;
	v4 =	vld.idx.msk [tilespmem:v55+s14+$0x0], $0xffff;
	_ =	sdelay $0x4  }
0x373: {  	[tilespmem:v5+s28+$0x0] =	vst.idx.msk vm0, v4  }
0x374: {  	v5 =	vor.u32 $0x37, v3;
	v4 =	vld.idx.msk [tilespmem:v56+s14+$0x0], $0xffff;
	_ =	sdelay $0x4  }
0x375: {  	[tilespmem:v5+s28+$0x0] =	vst.idx.msk vm0, v4  }
0x376: {  	v5 =	vor.u32 $0x38, v3;
	v4 =	vld.idx.msk [tilespmem:v57+s14+$0x0], $0xffff;
	_ =	sdelay $0x4  }
0x377: {  	[tilespmem:v5+s28+$0x0] =	vst.idx.msk vm0, v4  }
0x378: {  	v5 =	vor.u32 $0x39, v3;
	v4 =	vld.idx.msk [tilespmem:v58+s14+$0x0], $0xffff;
	_ =	sdelay $0x4  }
0x379: {  	[tilespmem:v5+s28+$0x0] =	vst.idx.msk vm0, v4  }
0x37a: {  	v5 =	vor.u32 $0x3A, v3;
	v4 =	vld.idx.msk [tilespmem:v59+s14+$0x0], $0xffff;
	_ =	sdelay $0x4  }
0x37b: {  	[tilespmem:v5+s28+$0x0] =	vst.idx.msk vm0, v4  }
0x37c: {  	v5 =	vor.u32 $0x3B, v3;
	v4 =	vld.idx.msk [tilespmem:v60+s14+$0x0], $0xffff;
	_ =	sdelay $0x4  }
0x37d: {  	[tilespmem:v5+s28+$0x0] =	vst.idx.msk vm0, v4  }
0x37e: {  	v5 =	vor.u32 $0x3C, v3;
	v4 =	vld.idx.msk [tilespmem:v61+s14+$0x0], $0xffff;
	_ =	sdelay $0x4  }
0x37f: {  	[tilespmem:v5+s28+$0x0] =	vst.idx.msk vm0, v4  }
0x380: {  	v5 =	vor.u32 $0x3D, v3;
	v4 =	vld.idx.msk [tilespmem:v62+s14+$0x0], $0xffff;
	_ =	sdelay $0x4  }
0x381: {  	[tilespmem:v5+s28+$0x0] =	vst.idx.msk vm0, v4  }
0x382: {  	v5 =	vor.u32 $0x3E, v3;
	v4 =	vld.idx.msk [tilespmem:v63+s14+$0x0], $0xffff;
	_ =	sdelay $0x4  }
0x383: {  	[tilespmem:v5+s28+$0x0] =	vst.idx.msk vm0, v4  }
0x384: {  	v3 =	vor.u32 $0x3F, v3;
	v4 =	vld.idx.msk [tilespmem:v2+s14+$0x0], $0xffff  }
.Ltmp25:
0x385: {  	_ = 	snop;
	(pc) =	sbr.rel .LBB2_27-.Ltmp25, $2  }
0x386: {  	_ =	sdelay $0x2  }
0x387: {  	[tilespmem:v3+s28+$0x0] =	vst.idx.msk vm0, v4  }
.LBB2_29:
0x388: {  	_ =	sfence.sel $0x180000  }
0x389: {  	[bflag:$0x0] =	sbarrier.arrive $0xFFFF  }
0x38a: {  	_ =	strace $0x90000047  }
0x38b: {  	s0 =	stileid.u32;
	[bflag:$0x2] =	sbarrier.arrive $0xFFFF  }
0x38c: {  	p0 =	sne.s32 s0, $0x0;
	s0 =	rddreg [dreg:$0x3]  }
0x38d: {  	s0 =	sadd.s32 @!p0 $0x100000, s0  }
0x38e: {  	[sflag:s0] =	ssyncadd.tile.s32 @!p0 $0x1;
	_ =	shalt  }
.Lfunc_end2:
_tile_overlayer_lowered:
.L_overlay_start_2:
0x38f: {  	(tag) =	ssettag $0x2  }
0x390: {  	s0 =	rddreg [dreg:$0x0];
	s2 =	stileid.u32  }
0x391: {  	s1 =	rddreg [dreg:$0x1];
	p0 =	sne.s32 s2, $0x0  }
0x392: {  	s3 =	rddreg [dreg:$0x2];
	[bflag:$0x3] =	sbarrier.arrive $0xFFFF;
	s2 =	simm.s32 @!p0 $0x1C03  }
0x393: {  	[timem:s3], [sflag:s2] =	dma.local @!p0 [hbm:s0], s1  }
0x394: {  	s0 =	simm.s32 @!p0 $0x3  }
0x395: {  	_ =	swait.ge @!p0 [sflag:s0], s1  }
0x396: {  	s1 =	ssub.s32 @!p0 $0x0, s1;
	[sflag:s0] =	ssyncset.done @!p0 $0x0  }
0x397: {  	[sflag:s0] =	ssyncadd.s32 @!p0 s1  }
0x398: {  	[bflag:$0x3] =	sbarrier.arrive $0xFFFF  }
0x399: {  	_ =	shalt  }

// kernel: sparse-core-data-format-call.cloned.1.call-start
scs
called_computation_lowered:
.L_overlay_start_0:
0x0: {  	s2 =	sld [smem:$0x3FD9]  }
0x1: {  	s3 =	sld [smem:$0x3FFE];
	_ =	sdelay $0x1  }
0x2: {  	s1 =	srdreg.scid  }
0x3: {  	s0 =	sand.u32 $0x1, s1  }
0x4: {  	s18 =	sshll.u32 s0, $0xA;
	s2 =	sadd.s32 s3, s2  }
0x5: {  	s2 =	sadd.s32 s2, s18  }
0x6: {  	[smem:$0x3FC5] =	sst s2  }
0x7: {  	_ = 	snop  }
0x8: {  	s2 =	sld [smem:$0x3FD0];
	(tm) =	ssettm $0x1  }
0x9: {  	s19 =	sld [smem:$0x3FFB];
	_ =	sdelay $0x3  }
0xa: {  	_ =	strace s19  }
0xb: {  	s3 =	sld [smem:$0x3FFC];
	_ =	sdelay $0x3  }
0xc: {  	_ =	strace s3  }
0xd: {  	s3 =	sld [smem:$0x3FFD];
	_ =	sdelay $0x3  }
0xe: {  	_ =	strace s3  }
0xf: {  	_ =	strace $0x8FFFFFFF  }
0x10: {  	s20 =	sld [smem:$0x3FDB];
	_ =	sdelay $0x1  }
0x11: {  	s4 =	simm.s32 $_scs_section_size  }
0x12: {  	s5 =	simm.s32 $_size__tile_overlayer_lowered;
	s6 =	simm.s32 $_tile_overlayer_lowered  }
0x13: {  	s23 =	simm.s32 $0x1BFF;
	s22 =	sshll.u32 s6, $0x1;
	s3 =	sadd.s32 s4, s20  }
0x14: {  	s7 =	simm.s32 $0x0;
	s21 =	sshll.u32 s5, $0x1;
	s5 =	sadd.s32 s22, s3  }
0x15: {  	[timem:s7], [sflag:s23] =	dma.local [hbm:s5], s21  }
0x16: {  	_ =	swait.ge [sflag:s23], s21  }
0x17: {  	s4 =	ssub.s32 $0x0, s21;
	[sflag:s23] =	ssyncset.done $0x0  }
0x18: {  	[sflag:s23] =	ssyncadd.s32 s4;
	_ =	sdelay $0x1  }
0x19: {  	s24 =	simm.s32 $0x1B8B  }
0x1a: {  	_ =	swait.ge [sflag:s24], $0x1  }
0x1b: {  	[sflag:s24] =	ssyncset.done $0x0  }
0x1c: {  	s26 =	simm.s32 $0x1B8E;
	s25 =	sld [smem:$0x3FFE];
	[sflag:s24] =	ssyncadd.s32 $0xFFFFFFFF  }
0x1d: {  	s27 =	simm.s32 $execute0_lowered;
	[smem:$0x3FD2] =	sst s26  }
0x1e: {  	s5 =	sshll.u32 s27, $0x1;
	_ =	strace $0x80000049;
	[dreg:$0x1] =	wrdreg $0xFFFFFFFF  }
0x1f: {  	s28 =	simm.s32 $_size_execute0_lowered;
	s3 =	sadd.s32 s3, s5;
	[dreg:$0x0] =	wrdreg $0x0  }
0x20: {  	s5 =	sshll.u32 s28, $0x1;
	[dreg:$0x2] =	wrdreg s3  }
0x21: {  	[dreg:$0x3] =	wrdreg s5  }
0x22: {  	[dreg:$0x4] =	wrdreg $0xC0  }
0x23: {  	_ =	task [dreg:s7], $0x5FFFF  }
0x24: {  	[dreg:$0x1] =	wrdreg $0xFFFFFFFF  }
0x25: {  	[dreg:$0x0] =	wrdreg $0x60  }
0x26: {  	[dreg:$0x2] =	wrdreg s25  }
0x27: {  	[dreg:$0x3] =	wrdreg s2  }
0x28: {  	[dreg:$0x4] =	wrdreg $0x9  }
0x29: {  	_ =	task.clear_ibuf [dreg:s7], $0x5FFFF;
	_ =	strace $0x90000049  }
0x2a: {  	s29 =	simm.s32 $0x9;
	_ =	strace $0x8000004B  }
0x2b: {  	_ =	swait.ge [sflag:s29], $0x1  }
0x2c: {  	[sflag:s29] =	ssyncadd.s32 $0xFFFFFFFF  }
0x2d: {  	_ =	strace $0x9000004B  }
0x2e: {  	_ =	sfence  }
0x2f: {  	s30 =	sld [smem:$0x0];
	_ =	sdelay $0x2  }
0x30: {  	s31 =	sshll.u32 s1, $0xD;
	s1 =	sshrl.u32 s1, $0x2  }
0x31: {  	s3 =	sand.u32 $0x4000, s31;
	s1 =	sadd.s32 s1, s30  }
0x32: {  	s0 =	sor.u32 s3, s0;
	s1 =	sshll.u32 s1, $0x11  }
0x33: {  	s0 =	sor.u32 s1, s0  }
0x34: {  	s0 =	sadd.s32 $0x8F2B, s0  }
0x35: {  	[sflag:s0] =	ssyncadd.remote.s32 $0x1  }
0x36: {  	_ =	sfence.sel $0xFFFF  }
0x37: {  	[dreg:$0x0] =	wrdreg $0xFFFFFFFF;
	(pc) =	sbr.abs _section_cstart, $3  }
0x38: {  	[dreg:$0x1] =	wrdreg $0xFFFFFFFF  }
0x39: {  	_ =	task.clear_ibuf [dreg:s7], $0x2FFFF;
	_ =	strace $0x9FFFFFFF  }
0x3a: {  	(tm) =	ssettm $0x7FFFFFFF  }
0x3b: {  	_ =	shalt  }
tec
execute0_lowered:
.L_overlay_start_1:
0x0: {  	(tag) =	ssettag $0x1  }
0x1: {  	s0 =	srdreg.scid  }
0x2: {  	s1 =	sshll.u32 s0, $0x4  }
0x3: {  	s5 =	rddreg [dreg:$0x0];
	s0 =	stileid.u32;
	s1 =	sand.u32 $0x10, s1  }
0x4: {  	s3 =	rddreg [dreg:$0x1];
	s31 =	simm.s32 $0x2;
	s4 =	sor.u32 s0, s1  }
0x5: {  	s13 =	simm.s32 $0x0;
	s9 =	simm.s32 $0x400;
	s2 =	sshll.u32 s4, $0x7  }
0x6: {  	s10 =	simm.s32 $0x8000;
	s14 =	simm.s32 $0x0;
	s6 =	ssub.s32 $0x1000, s2  }
0x7: {  	s1 =	rddreg [dreg:$0x2];
	_ =	strace $0x8000004A;
	s7 =	sand.u32 $0xF80, s6  }
0x8: {  	s4 =	sshll.u32 s4, $0xB;
	p0 =	sne.s32 s7, $0x0;
	s7 =	simm.s32 $0x1  }
.Ltmp0:
0x9: {  	s6 =	sshrl.u32 s6, $0xC;
	s7 =	simm.s32 @!p0 $0x0;
	(pc) =	sbr.rel .LBB1_1-.Ltmp0, $4  }
0xa: {  	s8 =	sadd.s32 s4, s5;
	s4 =	simm.s32 $0x1;
	s30 =	sadd.s32 s7, s6  }
0xb: {  	s11 =	simm.s32 $0x0;
	[sflag:s4] =	ssyncpa.u1 $0x0;
	s5 =	smul.u32 $0x64, s30  }
0xc: {  	s12 =	simm.s32 $0x0;
	[sflag:s31] =	ssyncpa.u1 $0x0;
	p0 =	por $0x0, $0x0  }
0xd: {  	s6 =	sadd.s32 $0xA00, s8;
	s7 =	sadd.s32 $0x10A00, s8;
	s8 =	sor.u32 $0x1, s5  }
.LBB1_7:
0xe: {  	s15 =	sadd.s32 $0x2, s11  }
0xf: {  	p2 =	sgt.s32 s15, $0xC7  }
0x10: {  	s15 =	simm.s32 @p2 $0x0;
	p2 =	sne.s32 s12, s8  }
.Ltmp1:
0x11: {  	p1 =	slt.u32 s12, $0x2;
	(pc) =	sbr.rel @!p2 .LBB1_8-.Ltmp1, $4  }
0x12: {  	s13 =	simm.s32 @!p1 $0x2  }
0x13: {  	s16 =	sadd.s32 $0x1, s12;
	s14 =	smov.u32 s11;
	_ =	swait.ge @!p1 [sflag:s13], $0x4000  }
0x14: {  	p0 =	por !p0, !p0;
	s12 =	smov.u32 s16;
	[sflag:s13] =	ssyncset.done @!p1 $0x0  }
0x15: {  	s11 =	smov.u32 s15;
	[sflag:s13] =	ssyncadd.s32 @!p1 $0xFFFFC000;
	s13 =	smov.u32 s2  }
.LBB1_1:
0x16: {  	p1 =	sge.u32 s12, s5  }
0x17: {  	s15 =	sxor.u32 @!p1 $0xFFFFFFFF, s12  }
0x18: {  	s16 =	sshll.u32 @!p1 s11, $0x10;
	s18 =	simm.s32 @!p1 $0x40;
	s15 =	sshll.u32 @!p1 s15, $0xE  }
0x19: {  	s19 =	simm.s32 @!p1 $0x80;
	s17 =	sadd.s32 @!p1 s16, s6;
	s15 =	sand.u32 @!p1 $0x4000, s15  }
0x1a: {  	[tilespmem:s15], [sflag:$0x1] =	stream.strided.gather @!p1 [hbm4b:s17+s18], $0x2000, s19, s18, $0x38;
	[tilespmem:$0x10100] =	vst v63  }
0x1b: {  	s31 =	sadd.s32 $0xFFFFFFFF, s12;
	s16 =	sadd.s32 @!p1 s16, s7;
	s15 =	sor.u32 @!p1 $0x2000, s15  }
0x1c: {  	[tilespmem:s15], [sflag:$0x1] =	stream.strided.gather @!p1 [hbm4b:s16+s18], $0x2000, s19, s18, $0x38;
	[tilespmem:$0x10100] =	vst v63  }
0x1d: {  	p1 =	sge.u32 s31, s5  }
.Ltmp2:
0x1e: {  	_ = 	snop;
	(pc) =	sbr.rel @p1 .LBB1_7-.Ltmp2, $1  }
0x1f: {  	_ =	sdelay $0x3  }
0x20: {  	s15 =	simm.s32 $0x1;
	s17 =	sand.u32 $0x1, s12  }
0x21: {  	_ =	swait.ge [sflag:s4], $0x4000;
	s15 =	simm.s32 @!p0 $0x0;
	s17 =	smul.u32 $0x10200, s17  }
0x22: {  	p2 =	por $0x1, $0x1;
	[sflag:s4] =	ssyncset.done $0x0;
	s16 =	smul.u32 $0x10200, s15  }
0x23: {  	s18 =	sshll.u32 s15, $0x10;
	[sflag:s4] =	ssyncadd.s32 $0xFFFFC000;
	s30 =	sshrl.u32 s17, $0x2  }
0x24: {  	s31 =	sshrl.u32 s18, $0x2;
	s18 =	simm.s32 $0x0;
	s16 =	sshrl.u32 s16, $0x2  }
0x25: {  	s15 =	sor.u32 $0x8000, s30;
	s17 =	sadd.s32 $0x20, s31;
	s16 =	sor.u32 $0x8000, s16  }
.LBB1_3:
0x26: {  	s19 =	sshll.u32 s18, $0xD  }
0x27: {  	s19 =	sand.u32 $0x3FFFE000, s19  }
0x28: {  	s21 =	sadd.s32 s19, s17  }
0x29: {  	s31 =	smul.u32 $0x8100, s18;
	v3 =	vld [tilespmem:s21+$0x10]  }
0x2a: {  	v1 =	vld [tilespmem:s21+$0xFFFFFFF0]  }
0x2b: {  	s18 =	sshra.s32 s31, $0x2;
	v0 =	vld [tilespmem:s21+$0x0]  }
0x2c: {  	s18 =	sadd.s32 s18, s16;
	v2 =	vld [tilespmem:s21+$0xFFFFFFE0]  }
0x2d: {  	s19 =	sadd.s32 $0x0, s18  }
0x2e: {  	p1 =	por p2, p2;
	s20 =	simm.s32 $0x4;
	s21 =	sadd.s32 $0x40, s21;
	[tilespmem:s19+$0x1830 ss:$0x81] =	vst.msk $0xffff, v3  }
.LBB1_4:
0x2f: {  	v3 =	vld [tilespmem:s21+$0x10];
	p2 =	sne.s32 s20, $0x1FC;
	[tilespmem:s19+$0x810 ss:$0x81] =	vst.msk $0xffff, v1;
	s22 =	smov.u32 s20;
	s20 =	sadd.s32 $0x4, s20  }
.Ltmp3:
0x30: {  	v1 =	vld [tilespmem:s21+$0xFFFFFFF0];
	[tilespmem:s19+$0x1020 ss:$0x81] =	vst.msk $0xffff, v0;
	(pc) =	sbr.rel @p2 .LBB1_4-.Ltmp3, $4  }
0x31: {  	v0 =	vld [tilespmem:s21+$0x0];
	[tilespmem:s19+$0x0 ss:$0x81] =	vst.msk $0xffff, v2  }
0x32: {  	s19 =	sshra.s32 s22, $0x2;
	v2 =	vld [tilespmem:s21+$0xFFFFFFE0]  }
0x33: {  	s19 =	sadd.s32 s19, s18  }
0x34: {  	s21 =	sadd.s32 $0x40, s21;
	[tilespmem:s19+$0x1830 ss:$0x81] =	vst.msk $0xffff, v3  }
.Ltmp4:
0x35: {  	(pc) =	sbr.rel @p1 .LBB1_3-.Ltmp4, $4  }
0x36: {  	_ = 	snop  }
0x37: {  	[tilespmem:s19+$0x810 ss:$0x81] =	vst.msk $0xffff, v1  }
0x38: {  	[tilespmem:s19+$0x1020 ss:$0x81] =	vst.msk $0xffff, v0  }
0x39: {  	s18 =	simm.s32 $0x1;
	p2 =	por $0x0, $0x0;
	[tilespmem:s19+$0x0 ss:$0x81] =	vst.msk $0xffff, v2  }
.Ltmp5:
0x3a: {  	(pc) =	sbr.rel .LBB1_7-.Ltmp5, $4  }
0x3b: {  	s14 =	sshll.u32 s14, $0xF  }
0x3c: {  	s14 =	sadd.s32 s3, s14  }
0x3d: {  	s13 =	sadd.s32 s13, s14  }
0x3e: {  	[hbm4b:s13+s9] =	stream.strided.scatter [tilespmem:s15], [sflag:$0x2], $0x4000, s10, s9, $0x20;
	[tilespmem:$0x10100] =	vst v63  }
.LBB1_8:
0x3f: {  	_ =	sfence.sel $0x180000  }
0x40: {  	s2 =	simm.s32 $0x1;
	[bflag:$0x0] =	sbarrier.arrive $0xFFFF  }
0x41: {  	s31 =	simm.s32 $0x2;
	[sflag:s2] =	ssyncpa.u1 $0x1  }
0x42: {  	[sflag:s31] =	ssyncpa.u1 $0x1  }
0x43: {  	p0 =	sne.s32 s0, $0x0;
	_ =	strace $0x9000004A  }
0x44: {  	s0 =	sadd.s32 @!p0 $0x100000, s1;
	[bflag:$0x2] =	sbarrier.arrive $0xFFFF  }
0x45: {  	[sflag:s0] =	ssyncadd.tile.s32 @!p0 $0x1;
	_ =	shalt  }
.Lfunc_end1:
_tile_overlayer_lowered:
.L_overlay_start_2:
0x46: {  	(tag) =	ssettag $0x2  }
0x47: {  	s0 =	rddreg [dreg:$0x0];
	s2 =	stileid.u32  }
0x48: {  	s1 =	rddreg [dreg:$0x1];
	p0 =	sne.s32 s2, $0x0  }
0x49: {  	s3 =	rddreg [dreg:$0x2];
	[bflag:$0x3] =	sbarrier.arrive $0xFFFF;
	s2 =	simm.s32 @!p0 $0x1C01  }
0x4a: {  	[timem:s3], [sflag:s2] =	dma.local @!p0 [hbm:s0], s1  }
0x4b: {  	s0 =	simm.s32 @!p0 $0x1  }
0x4c: {  	_ =	swait.ge @!p0 [sflag:s0], s1  }
0x4d: {  	s1 =	ssub.s32 @!p0 $0x0, s1;
	[sflag:s0] =	ssyncset.done @!p0 $0x0  }
0x4e: {  	[sflag:s0] =	ssyncadd.s32 @!p0 s1  }
0x4f: {  	[bflag:$0x3] =	sbarrier.arrive $0xFFFF  }
0x50: {  	_ =	shalt  }

</sc_bundles>
